<compile_context>
chip_gen: v7x
topology: tpu7x:2x2x1
jax: 0.10.2.dev20260603
libtpu: 0.0.44.dev20260713+nightly
codegen_flags: <defaults>
</compile_context>

<pallas_src>
import functools

import jax
import jax.numpy as jnp
from jax import lax
from jax.experimental import pallas as pl
from jax.experimental.pallas import tpu as pltpu
from jax.experimental.pallas import tpu_sc as plsc

NC = 2
NS = 16
NW = NC * NS
LANES = 16


def _mesh():
    return plsc.VectorSubcoreMesh(core_axis_name="c", subcore_axis_name="s")


@functools.lru_cache(maxsize=None)
def _deg_kernel(E, N):
    e_per_tile = E // NW

    @functools.partial(
        pl.kernel,
        out_type=jax.ShapeDtypeStruct((NW * N,), jnp.float32),
        mesh=_mesh(),
        scratch_types=[
            pltpu.VMEM((e_per_tile,), jnp.int32),
            pltpu.VMEM((N,), jnp.float32),
        ],
        compiler_params=pltpu.CompilerParams(needs_layout_passes=False, use_tc_tiling_on_sc=False),
    )
    def k(ei_hbm, out_hbm, idx_v, deg_v):
        c = lax.axis_index("c")
        s = lax.axis_index("s")
        wid = c * NS + s

        zeros = jnp.zeros((LANES,), jnp.float32)

        def zero_body(i, _):
            deg_v[pl.ds(i * LANES, LANES)] = zeros
            return 0

        lax.fori_loop(0, N // LANES, zero_body, 0)

        pltpu.sync_copy(ei_hbm.at[1, pl.ds(wid * e_per_tile, e_per_tile)],
                        idx_v)

        ones = jnp.ones((LANES,), jnp.float32)

        def body(i, _):
            idx = idx_v[pl.ds(i * LANES, LANES)]
            plsc.addupdate_scatter(deg_v, [idx], ones)
            return 0

        lax.fori_loop(0, e_per_tile // LANES, body, 0)
        pltpu.sync_copy(deg_v, out_hbm.at[pl.ds(wid * N, N)])

    return k


@functools.lru_cache(maxsize=None)
def _agg_kernel(E, N, D, CH, NBUF, K, M=1):
    e_per_tile = E // NW
    n_chunks = e_per_tile // CH
    n_groups = n_chunks // M
    assert n_chunks % M == 0 and n_groups % NBUF == 0 and K < NBUF
    RC = 80
    n_row_chunks = N // RC
    row_iters = -(-n_row_chunks // NS)
    out_shape = (NC, N, 128)

    @functools.partial(
        pl.kernel,
        out_type=jax.ShapeDtypeStruct(out_shape, jnp.float32),
        mesh=_mesh(),
        scratch_types=[
            pltpu.VMEM((n_chunks, CH), jnp.int32),
            pltpu.VMEM((n_chunks, CH), jnp.int32),
            pltpu.VMEM((NBUF, M, CH, D), jnp.float32),
            pltpu.VMEM_SHARED((N, D), jnp.float32),
            pltpu.SemaphoreType.DMA((NBUF,)),
            pltpu.SemaphoreType.DMA((NBUF,)),
        ],
        compiler_params=pltpu.CompilerParams(needs_layout_passes=False, use_tc_tiling_on_sc=False),
    )
    def k(u_hbm, ei_hbm, zeros_hbm, out_hbm, si_v, di_v, rows_v,
          acc_sh, gsem, ssem):
        c = lax.axis_index("c")
        s = lax.axis_index("s")
        wid = c * NS + s
        u_tab = u_hbm

        def zero_body(i, _):
            rc = i * NS + s

            @pl.when(rc < n_row_chunks)
            def _():
                pltpu.sync_copy(zeros_hbm, acc_sh.at[pl.ds(rc * RC, RC)])

            return 0

        lax.fori_loop(0, row_iters, zero_body, 0)

        row0 = wid * n_chunks
        pltpu.sync_copy(ei_hbm.at[0, pl.ds(row0, n_chunks)], si_v)
        pltpu.sync_copy(ei_hbm.at[1, pl.ds(row0, n_chunks)], di_v)
        plsc.subcore_barrier()

        def gather(g, b):
            for j in range(M):
                pltpu.async_copy(u_tab.at[si_v.at[g * M + j]],
                                 rows_v.at[b, j], gsem.at[b])

        def scatter(g, b):
            for j in range(M):
                pltpu.async_copy(rows_v.at[b, j],
                                 acc_sh.at[di_v.at[g * M + j]],
                                 ssem.at[b], add=True)

        def drain(sem):
            for j in range(M):
                pltpu.make_async_copy(u_tab.at[pl.ds(0, CH)],
                                      rows_v.at[0, j], sem).wait()

        for b in range(K):
            gather(b, b)

        def body(ib, _):
            for b in range(NBUF):
                g = ib * NBUF + b
                gg = g + K
                bg = (b + K) % NBUF

                @pl.when(gg < n_groups)
                def _():
                    @pl.when(gg >= NBUF)
                    def _():
                        drain(ssem.at[bg])

                    gather(gg, bg)

                drain(gsem.at[b])
                scatter(g, b)
            return 0

        lax.fori_loop(0, n_groups // NBUF, body, 0)

        for b in range(NBUF):
            drain(ssem.at[b])

        plsc.subcore_barrier()

        def out_body(i, _):
            rc = i * NS + s

            @pl.when(rc < n_row_chunks)
            def _():
                dst_slc = out_hbm.at[c, pl.ds(rc * RC, RC),
                                     pl.ds(0, D)]
                pltpu.sync_copy(acc_sh.at[pl.ds(rc * RC, RC)], dst_slc)

            return 0

        lax.fori_loop(0, row_iters, out_body, 0)

    return k


@functools.lru_cache(maxsize=None)
def _agg128_kernel(E, N, D, CH):
    e_per_tile = E // NW
    n_chunks = e_per_tile // CH
    NBUF = 2
    BLKC = 8
    n_blocks = n_chunks // BLKC
    assert n_chunks % BLKC == 0
    RC = 80
    n_row_chunks = N // RC
    row_iters = -(-n_row_chunks // NS)

    @functools.partial(
        pl.kernel,
        out_type=jax.ShapeDtypeStruct((NC, N, D), jnp.float32),
        mesh=_mesh(),
        scratch_types=[
            pltpu.VMEM((n_chunks, CH), jnp.int32),
            pltpu.VMEM((2, BLKC, CH), jnp.int32),
            pltpu.VMEM((NBUF, CH, D), jnp.float32),
            pltpu.VMEM_SHARED((N, D), jnp.float32),
            pltpu.SemaphoreType.DMA((NBUF,)),
            pltpu.SemaphoreType.DMA((NBUF,)),
            pltpu.SemaphoreType.DMA((2,)),
        ],
        compiler_params=pltpu.CompilerParams(needs_layout_passes=False, use_tc_tiling_on_sc=False),
    )
    def k(u_hbm, ei_hbm, zeros_hbm, out_hbm, si_v, dr_v, rows_v,
          acc_sh, gsem, ssem, isem):
        c = lax.axis_index("c")
        s = lax.axis_index("s")
        wid = c * NS + s
        row0 = wid * n_chunks

        def zero_body(i, _):
            rc = i * NS + s

            @pl.when(rc < n_row_chunks)
            def _():
                pltpu.sync_copy(zeros_hbm, acc_sh.at[pl.ds(rc * RC, RC)])

            return 0

        lax.fori_loop(0, row_iters, zero_body, 0)
        pltpu.sync_copy(ei_hbm.at[0, pl.ds(row0, n_chunks)], si_v)
        plsc.subcore_barrier()

        def fetch_di( blk, slot):
            pltpu.async_copy(
                ei_hbm.at[1, pl.ds(row0 + blk * BLKC, BLKC)],
                dr_v.at[slot], isem.at[slot])

        def gather(ch, b):
            pltpu.async_copy(u_hbm.at[si_v.at[ch]], rows_v.at[b],
                             gsem.at[b])

        def scatter(slot, j, b):
            pltpu.async_copy(rows_v.at[b], acc_sh.at[dr_v.at[slot, j]],
                             ssem.at[b], add=True)

        def drain_rows(sem):
            pltpu.make_async_copy(u_hbm.at[pl.ds(0, CH)],
                                  rows_v.at[0], sem).wait()

        def drain_di(sem):
            pltpu.make_async_copy(ei_hbm.at[1, pl.ds(0, BLKC)],
                                  dr_v.at[0], sem).wait()

        fetch_di(0, 0)
        gather(0, 0)

        def body(ib, _):
            slot = lax.rem(ib, 2)
            for b in range(BLKC):
                ch = ib * BLKC + b
                if b == 0:
                    drain_di(isem.at[slot])

                    @pl.when(ib + 1 < n_blocks)
                    def _():
                        fetch_di(ib + 1, 1 - slot)

                @pl.when(ch + 1 < n_chunks)
                def _():
                    @pl.when(ch + 1 >= NBUF)
                    def _():
                        drain_rows(ssem.at[(b + 1) % NBUF])

                    gather(ch + 1, (b + 1) % NBUF)

                drain_rows(gsem.at[b % NBUF])
                scatter(slot, b, b % NBUF)
            return 0

        lax.fori_loop(0, n_blocks, body, 0)
        for b in range(NBUF):
            drain_rows(ssem.at[b])

        plsc.subcore_barrier()

        def out_body(i, _):
            rc = i * NS + s

            @pl.when(rc < n_row_chunks)
            def _():
                pltpu.sync_copy(acc_sh.at[pl.ds(rc * RC, RC)],
                                out_hbm.at[c, pl.ds(rc * RC, RC)])

            return 0

        lax.fori_loop(0, row_iters, out_body, 0)

    return k


@functools.lru_cache(maxsize=None)
def _mm_kernel(N, F, H, C, DP, BLK):
    grid = N // BLK

    def body(sa, sb, u1, dinv, w1, b1, w2, o):
        dc = dinv[...]
        agg = (sa[0] + sb[0] + u1[...]) * dc
        h = jnp.dot(agg, w1[...], preferred_element_type=jnp.float32)
        h = jnp.maximum(h + b1[...], 0.0)
        t = jnp.dot(h, w2[...], preferred_element_type=jnp.float32)
        t = t * dc
        o[...] = jnp.pad(t, ((0, 0), (0, DP - t.shape[1])))

    return pl.pallas_call(
        body,
        grid=(grid,),
        in_specs=[
            pl.BlockSpec((1, BLK, F), lambda i: (0, i, 0)),
            pl.BlockSpec((1, BLK, F), lambda i: (1, i, 0)),
            pl.BlockSpec((BLK, F), lambda i: (i, 0)),
            pl.BlockSpec((BLK, 1), lambda i: (i, 0)),
            pl.BlockSpec((F, H), lambda i: (0, 0)),
            pl.BlockSpec((1, H), lambda i: (0, 0)),
            pl.BlockSpec((H, C), lambda i: (0, 0)),
        ],
        out_specs=pl.BlockSpec((BLK, DP), lambda i: (i, 0)),
        out_shape=jax.ShapeDtypeStruct((N, DP), jnp.float32),
    )


@functools.lru_cache(maxsize=None)
def _fin_kernel(N, C, D2, BLK):
    grid = N // BLK

    def body(sa, sb, u2, dinv, b2, o):
        t = (sa[0, :, :D2] + sb[0, :, :D2] + u2[...]) * dinv[...]
        o[...] = t[:, :C] + b2[...]

    return pl.pallas_call(
        body,
        grid=(grid,),
        in_specs=[
            pl.BlockSpec((1, BLK, 128), lambda i: (0, i, 0)),
            pl.BlockSpec((1, BLK, 128), lambda i: (1, i, 0)),
            pl.BlockSpec((BLK, D2), lambda i: (i, 0)),
            pl.BlockSpec((BLK, 1), lambda i: (i, 0)),
            pl.BlockSpec((1, C), lambda i: (0, 0)),
        ],
        out_specs=pl.BlockSpec((BLK, C), lambda i: (i, 0)),
        out_shape=jax.ShapeDtypeStruct((N, C), jnp.float32),
    )


def kernel(x, edge_index, W1, b1, W2, b2):
    N, F = x.shape
    E = edge_index.shape[1]
    H = W1.shape[1]
    C = W2.shape[1]
    D2 = 16
    DP = 128

    CH = 125
    ei3 = edge_index.reshape(2, E // CH, CH)
    degp = _deg_kernel(E, N)(edge_index).reshape(NW, N)
    deg = jnp.sum(degp, axis=0) + 1.0
    dinv = lax.rsqrt(deg)

    u1 = x * dinv[:, None]
    z1 = jnp.zeros((80, F), jnp.float32)
    S1 = _agg128_kernel(E, N, F, CH)(u1, ei3, z1)

    u2 = _mm_kernel(N, F, H, C, D2, 2000)(
        S1, S1, u1, dinv[:, None], W1, b1[None, :], W2)

    z2 = jnp.zeros((80, D2), jnp.float32)
    S2 = _agg_kernel(E, N, D2, CH, 4, 2, 5)(u2, ei3, z2)

    return _fin_kernel(N, C, D2, 2000)(S2, S2, u2, dinv[:, None], b2[None, :])

# --- scband reference (transcript-rebuilt; emitter-appended) ---
"""Pipeline reference for scband-gcn-28716151341634 (READ-ONLY COPY).

The authoritative reference and input builder live on the scoring server;
editing this copy changes nothing except your own understanding.
"""

import jax, jax.numpy as jnp
import numpy as np

N = 10000
E = 320000
F_IN = 128
HIDDEN = 256
NUM_CLASSES = 5


def _gcn_conv(x, edge_index, W, b, num_nodes):
    # PyG GCNConv: linear transform, then symmetric-normalized aggregation with self-loops
    x = x @ W
    src = edge_index[0]
    dst = edge_index[1]
    loop = jnp.arange(num_nodes, dtype=src.dtype)
    src = jnp.concatenate([src, loop])
    dst = jnp.concatenate([dst, loop])
    deg = jnp.zeros((num_nodes,), dtype=x.dtype).at[dst].add(1.0)
    dinv = jnp.where(deg > 0, 1.0 / jnp.sqrt(deg), 0.0)
    norm = dinv[src] * dinv[dst]
    msg = x[src] * norm[:, None]
    out = jax.ops.segment_sum(msg, dst, num_segments=num_nodes)
    return out + b


def setup_inputs(seed: int = 0) -> dict:
    key = jax.random.key(seed)
    k1, k2, k3, k4, k5, k6 = jax.random.split(key, 6)
    x = jax.random.normal(k1, (N, F_IN), dtype=jnp.float32)
    edge_index = jax.random.randint(k2, (2, E), 0, N, dtype=jnp.int32)
    W1 = jax.random.normal(k3, (F_IN, HIDDEN), dtype=jnp.float32) * (1.0 / np.sqrt(F_IN))
    b1 = jnp.zeros((HIDDEN,), dtype=jnp.float32)
    W2 = jax.random.normal(k4, (HIDDEN, NUM_CLASSES), dtype=jnp.float32) * (1.0 / np.sqrt(HIDDEN))
    b2 = jnp.zeros((NUM_CLASSES,), dtype=jnp.float32)
    return {"x": x, "edge_index": edge_index, "W1": W1, "b1": b1, "W2": W2, "b2": b2}


def reference(x, edge_index, W1, b1, W2, b2):
    # conv1 -> relu -> dropout(eval mode: identity) -> conv3
    h = _gcn_conv(x, edge_index, W1, b1, N)
    h = jax.nn.relu(h)
    # F.dropout with training=False (eval) is identity
    out = _gcn_conv(h, edge_index, W2, b2, N)
    return out

if __name__ == "__main__":
    import jax
    _d = setup_inputs()
    print(jax.jit(kernel)(*tuple(_d.values())))

</pallas_src>

<mosaic_0001>
#map = affine_map<(d0, d1) -> (0, 0)>
#map1 = affine_map<(d0, d1) -> (0, 0, 0)>
module attributes {stable_mosaic.version = 14 : i64} {
  func.func @k(%arg0: i32, %arg1: i32, %arg2: memref<10000x128xf32, #tpu.memory_space<hbm>>, %arg3: memref<2x2560x125xi32, #tpu.memory_space<hbm>>, %arg4: memref<80x128xf32, #tpu.memory_space<hbm>>, %arg5: memref<2x10000x128xf32, #tpu.memory_space<hbm>>, %arg6: memref<80x125xi32, #tpu.memory_space<vmem>>, %arg7: memref<2x8x125xi32, #tpu.memory_space<vmem>>, %arg8: memref<2x125x128xf32, #tpu.memory_space<vmem>>, %arg9: memref<10000x128xf32, #tpu.memory_space<vmem_shared>>, %arg10: memref<2x!tpu.dma_semaphore, #tpu.memory_space<semaphore_mem>>, %arg11: memref<2x!tpu.dma_semaphore, #tpu.memory_space<semaphore_mem>>, %arg12: memref<2x!tpu.dma_semaphore, #tpu.memory_space<semaphore_mem>>) attributes {dimension_semantics = [#tpu.dimension_semantics<core_parallel>, #tpu.dimension_semantics<subcore_parallel>], iteration_bounds = array<i64: 2, 16>, scalar_prefetch = 0 : i64, scratch_operands = 7 : i64, tpu.core_type = #tpu.core_type<sc_vector_subcore>, window_params = [{transform_indices = #map}, {transform_indices = #map1}, {transform_indices = #map}, {transform_indices = #map1}]} {
    %mul3A = arith.constant 16 : i32
    %mul3A_0 = arith.muli %arg0, %mul3A : i32
    %add3A = arith.addi %mul3A_0, %arg1 : i32
    %mul3A_1 = arith.constant 80 : i32
    %mul3A_2 = arith.muli %add3A, %mul3A_1 : i32
    %scan3A = arith.constant 0 : i32
    %scan3A_3 = arith.constant 0 : i32
    %scan3A_4 = arith.constant 8 : i32
    %scan3A_5 = arith.addi %scan3A_3, %scan3A_4 : i32
    %scan3A_6 = arith.constant 1 : i32
    %scan3A_7 = scf.for %scan3A_94 = %scan3A_3 to %scan3A_5 step %scan3A_6 iter_args(%scan3A_95 = %scan3A) -> (i32)  : i32 {
      %mul3A_96 = arith.constant 16 : i32
      %mul3A_97 = arith.muli %scan3A_94, %mul3A_96 : i32
      %add3A_98 = arith.addi %mul3A_97, %arg1 : i32
      %lt3A = arith.constant 125 : i32
      %lt3A_99 = arith.cmpi slt, %add3A_98, %lt3A : i32
      %convert_element_type3A = arith.extui %lt3A_99 : i1 to i32
      %cond3A = arith.constant 0 : i32
      %cond3A_100 = arith.cmpi ne, %convert_element_type3A, %cond3A : i32
      scf.if %cond3A_100 {
        %mul3A_102 = arith.constant 80 : i32
        %mul3A_103 = arith.muli %add3A_98, %mul3A_102 : i32
        "tpu.region"() ({
          %run_scoped3A_104 = tpu.sem_alloc : memref<!tpu.dma_semaphore, #tpu.memory_space<semaphore_mem>>
          %dma_start3A_105 = arith.constant 0 : i32
          %dma_start3A_106 = tpu.memref_slice %arg9[%mul3A_103, %dma_start3A_105] : memref<10000x128xf32, #tpu.memory_space<vmem_shared>> -> memref<80x128xf32, #tpu.memory_space<vmem_shared>>
          tpu.enqueue_dma source(%arg4 : memref<80x128xf32, #tpu.memory_space<hbm>>) target(%dma_start3A_106 : memref<80x128xf32, #tpu.memory_space<vmem_shared>>) target_semaphore(%run_scoped3A_104 : memref<!tpu.dma_semaphore, #tpu.memory_space<semaphore_mem>>)
          %dma_wait3A_107 = arith.constant 0 : i32
          %dma_wait3A_108 = tpu.memref_slice %arg9[%mul3A_103, %dma_wait3A_107] : memref<10000x128xf32, #tpu.memory_space<vmem_shared>> -> memref<80x128xf32, #tpu.memory_space<vmem_shared>>
          tpu.wait_dma2 semaphore(%run_scoped3A_104 : memref<!tpu.dma_semaphore, #tpu.memory_space<semaphore_mem>>) src(%arg4 : memref<80x128xf32, #tpu.memory_space<hbm>>) dst(%dma_wait3A_108 : memref<80x128xf32, #tpu.memory_space<vmem_shared>>)
          tpu.yield
        }) : () -> ()
      } else {
      }
      %scan3A_101 = arith.constant 0 : i32
      scf.yield %scan3A_101 : i32
    }
    %scan3A_8 = arith.constant 8 : i32
    %run_scoped3A = arith.constant 0 : i32
    "tpu.region"() ({
      %run_scoped3A_94 = tpu.sem_alloc : memref<!tpu.dma_semaphore, #tpu.memory_space<semaphore_mem>>
      %dma_start3A_95 = arith.constant 0 : i32
      %dma_start3A_96 = tpu.memref_slice %arg3[%run_scoped3A, %mul3A_2, %dma_start3A_95] : memref<2x2560x125xi32, #tpu.memory_space<hbm>> -> memref<1x80x125xi32, #tpu.memory_space<hbm>>
      %dma_start3A_97 = tpu.memref_squeeze %dma_start3A_96 : memref<1x80x125xi32, #tpu.memory_space<hbm>> -> memref<80x125xi32, #tpu.memory_space<hbm>>
      %dma_start3A_98 = arith.constant 0 : i32
      %dma_start3A_99 = tpu.memref_slice %arg3[%run_scoped3A, %mul3A_2, %dma_start3A_98] : memref<2x2560x125xi32, #tpu.memory_space<hbm>> -> memref<1x80x125xi32, #tpu.memory_space<hbm>>
      %dma_start3A_100 = tpu.memref_squeeze %dma_start3A_99 : memref<1x80x125xi32, #tpu.memory_space<hbm>> -> memref<80x125xi32, #tpu.memory_space<hbm>>
      tpu.enqueue_dma source(%dma_start3A_100 : memref<80x125xi32, #tpu.memory_space<hbm>>) target(%arg6 : memref<80x125xi32, #tpu.memory_space<vmem>>) target_semaphore(%run_scoped3A_94 : memref<!tpu.dma_semaphore, #tpu.memory_space<semaphore_mem>>)
      %dma_wait3A_101 = arith.constant 0 : i32
      %dma_wait3A_102 = tpu.memref_slice %arg3[%run_scoped3A, %mul3A_2, %dma_wait3A_101] : memref<2x2560x125xi32, #tpu.memory_space<hbm>> -> memref<1x80x125xi32, #tpu.memory_space<hbm>>
      %dma_wait3A_103 = tpu.memref_squeeze %dma_wait3A_102 : memref<1x80x125xi32, #tpu.memory_space<hbm>> -> memref<80x125xi32, #tpu.memory_space<hbm>>
      %dma_wait3A_104 = arith.constant 0 : i32
      %dma_wait3A_105 = tpu.memref_slice %arg3[%run_scoped3A, %mul3A_2, %dma_wait3A_104] : memref<2x2560x125xi32, #tpu.memory_space<hbm>> -> memref<1x80x125xi32, #tpu.memory_space<hbm>>
      %dma_wait3A_106 = tpu.memref_squeeze %dma_wait3A_105 : memref<1x80x125xi32, #tpu.memory_space<hbm>> -> memref<80x125xi32, #tpu.memory_space<hbm>>
      tpu.wait_dma2 semaphore(%run_scoped3A_94 : memref<!tpu.dma_semaphore, #tpu.memory_space<semaphore_mem>>) src(%dma_wait3A_106 : memref<80x125xi32, #tpu.memory_space<hbm>>) dst(%arg6 : memref<80x125xi32, #tpu.memory_space<vmem>>)
      tpu.yield
    }) : () -> ()
    %barrier3A = arith.constant 0 : index
    tpu.barrier barrier_id(%barrier3A)
    %add3A_9 = arith.constant 0 : i32
    %add3A_10 = arith.addi %mul3A_2, %add3A_9 : i32
    %dma_start3A = arith.constant 1 : i32
    %dma_start3A_11 = arith.constant 0 : i32
    %dma_start3A_12 = arith.constant 0 : i32
    %dma_start3A_13 = arith.constant 0 : i32
    %dma_start3A_14 = arith.constant 0 : i32
    %dma_start3A_15 = tpu.memref_slice %arg7[%dma_start3A_11, %dma_start3A_13, %dma_start3A_14] : memref<2x8x125xi32, #tpu.memory_space<vmem>> -> memref<1x8x125xi32, #tpu.memory_space<vmem>>
    %dma_start3A_16 = tpu.memref_squeeze %dma_start3A_15 : memref<1x8x125xi32, #tpu.memory_space<vmem>> -> memref<8x125xi32, #tpu.memory_space<vmem>>
    %dma_start3A_17 = arith.constant 0 : i32
    %dma_start3A_18 = tpu.memref_slice %arg3[%dma_start3A, %add3A_10, %dma_start3A_17] : memref<2x2560x125xi32, #tpu.memory_space<hbm>> -> memref<1x8x125xi32, #tpu.memory_space<hbm>>
    %dma_start3A_19 = tpu.memref_squeeze %dma_start3A_18 : memref<1x8x125xi32, #tpu.memory_space<hbm>> -> memref<8x125xi32, #tpu.memory_space<hbm>>
    %dma_start3A_20 = tpu.memref_slice %arg12[%dma_start3A_12] : memref<2x!tpu.dma_semaphore, #tpu.memory_space<semaphore_mem>> -> memref<1x!tpu.dma_semaphore, #tpu.memory_space<semaphore_mem>>
    %dma_start3A_21 = tpu.memref_squeeze %dma_start3A_20 : memref<1x!tpu.dma_semaphore, #tpu.memory_space<semaphore_mem>> -> memref<!tpu.dma_semaphore, #tpu.memory_space<semaphore_mem>>
    %dma_start3A_22 = arith.constant 0 : i32
    %dma_start3A_23 = arith.constant 0 : i32
    %dma_start3A_24 = tpu.memref_slice %arg7[%dma_start3A_11, %dma_start3A_22, %dma_start3A_23] : memref<2x8x125xi32, #tpu.memory_space<vmem>> -> memref<1x8x125xi32, #tpu.memory_space<vmem>>
    %dma_start3A_25 = tpu.memref_squeeze %dma_start3A_24 : memref<1x8x125xi32, #tpu.memory_space<vmem>> -> memref<8x125xi32, #tpu.memory_space<vmem>>
    %dma_start3A_26 = arith.constant 0 : i32
    %dma_start3A_27 = tpu.memref_slice %arg3[%dma_start3A, %add3A_10, %dma_start3A_26] : memref<2x2560x125xi32, #tpu.memory_space<hbm>> -> memref<1x8x125xi32, #tpu.memory_space<hbm>>
    %dma_start3A_28 = tpu.memref_squeeze %dma_start3A_27 : memref<1x8x125xi32, #tpu.memory_space<hbm>> -> memref<8x125xi32, #tpu.memory_space<hbm>>
    tpu.enqueue_dma source(%dma_start3A_28 : memref<8x125xi32, #tpu.memory_space<hbm>>) target(%dma_start3A_25 : memref<8x125xi32, #tpu.memory_space<vmem>>) target_semaphore(%dma_start3A_21 : memref<!tpu.dma_semaphore, #tpu.memory_space<semaphore_mem>>)
    %dma_start3A_29 = arith.constant 0 : i32
    %dma_start3A_30 = arith.constant 0 : i32
    %dma_start3A_31 = arith.constant 0 : i32
    %dma_start3A_32 = arith.constant 0 : i32
    %dma_start3A_33 = arith.constant 0 : i32
    %dma_start3A_34 = tpu.memref_slice %arg8[%dma_start3A_30, %dma_start3A_32, %dma_start3A_33] : memref<2x125x128xf32, #tpu.memory_space<vmem>> -> memref<1x125x128xf32, #tpu.memory_space<vmem>>
    %dma_start3A_35 = tpu.memref_squeeze %dma_start3A_34 : memref<1x125x128xf32, #tpu.memory_space<vmem>> -> memref<125x128xf32, #tpu.memory_space<vmem>>
    %dma_start3A_36 = arith.constant 0 : i32
    %dma_start3A_37 = tpu.memref_slice %arg6[%dma_start3A_29, %dma_start3A_36] : memref<80x125xi32, #tpu.memory_space<vmem>> -> memref<1x125xi32, #tpu.memory_space<vmem>>
    %dma_start3A_38 = tpu.memref_squeeze %dma_start3A_37 : memref<1x125xi32, #tpu.memory_space<vmem>> -> memref<125xi32, #tpu.memory_space<vmem>>
    %dma_start3A_39 = arith.constant 0 : i32
    %dma_start3A_40 = arith.constant 0 : i32
    %dma_start3A_41 = tpu.memref_slice %arg2[%dma_start3A_39, %dma_start3A_40] : memref<10000x128xf32, #tpu.memory_space<hbm>> -> memref<10000x128xf32, #tpu.memory_space<hbm>>
    %dma_start3A_42 = tpu.memref_slice %arg10[%dma_start3A_31] : memref<2x!tpu.dma_semaphore, #tpu.memory_space<semaphore_mem>> -> memref<1x!tpu.dma_semaphore, #tpu.memory_space<semaphore_mem>>
    %dma_start3A_43 = tpu.memref_squeeze %dma_start3A_42 : memref<1x!tpu.dma_semaphore, #tpu.memory_space<semaphore_mem>> -> memref<!tpu.dma_semaphore, #tpu.memory_space<semaphore_mem>>
    tpu.enqueue_indirect_dma source(%dma_start3A_41 : memref<10000x128xf32, #tpu.memory_space<hbm>>) target(%dma_start3A_35 : memref<125x128xf32, #tpu.memory_space<vmem>>) offsets(%dma_start3A_38 : memref<125xi32, #tpu.memory_space<vmem>>) semaphore(%dma_start3A_43 : memref<!tpu.dma_semaphore, #tpu.memory_space<semaphore_mem>>)
    %scan3A_44 = arith.constant 0 : i32
    %scan3A_45 = arith.constant 0 : i32
    %scan3A_46 = arith.constant 10 : i32
    %scan3A_47 = arith.addi %scan3A_45, %scan3A_46 : i32
    %scan3A_48 = arith.constant 1 : i32
    %scan3A_49 = scf.for %scan3A_94 = %scan3A_45 to %scan3A_47 step %scan3A_48 iter_args(%scan3A_95 = %scan3A_44) -> (i32)  : i32 {
      %rem3A = arith.constant 2 : i32
      %rem3A_96 = arith.remsi %scan3A_94, %rem3A : i32
      %mul3A_97 = arith.constant 8 : i32
      %mul3A_98 = arith.muli %scan3A_94, %mul3A_97 : i32
      %add3A_99 = arith.constant 0 : i32
      %add3A_100 = arith.addi %mul3A_98, %add3A_99 : i32
      %dma_wait3A_101 = arith.constant 1 : i32
      %dma_wait3A_102 = arith.constant 0 : i32
      %dma_wait3A_103 = arith.constant 0 : i32
      %dma_wait3A_104 = arith.constant 0 : i32
      %dma_wait3A_105 = tpu.memref_slice %arg7[%dma_wait3A_102, %dma_wait3A_103, %dma_wait3A_104] : memref<2x8x125xi32, #tpu.memory_space<vmem>> -> memref<1x8x125xi32, #tpu.memory_space<vmem>>
      %dma_wait3A_106 = tpu.memref_squeeze %dma_wait3A_105 : memref<1x8x125xi32, #tpu.memory_space<vmem>> -> memref<8x125xi32, #tpu.memory_space<vmem>>
      %dma_wait3A_107 = arith.constant 0 : i32
      %dma_wait3A_108 = arith.constant 0 : i32
      %dma_wait3A_109 = tpu.memref_slice %arg3[%dma_wait3A_101, %dma_wait3A_107, %dma_wait3A_108] : memref<2x2560x125xi32, #tpu.memory_space<hbm>> -> memref<1x8x125xi32, #tpu.memory_space<hbm>>
      %dma_wait3A_110 = tpu.memref_squeeze %dma_wait3A_109 : memref<1x8x125xi32, #tpu.memory_space<hbm>> -> memref<8x125xi32, #tpu.memory_space<hbm>>
      %dma_wait3A_111 = tpu.memref_slice %arg12[%rem3A_96] : memref<2x!tpu.dma_semaphore, #tpu.memory_space<semaphore_mem>> -> memref<1x!tpu.dma_semaphore, #tpu.memory_space<semaphore_mem>>
      %dma_wait3A_112 = tpu.memref_squeeze %dma_wait3A_111 : memref<1x!tpu.dma_semaphore, #tpu.memory_space<semaphore_mem>> -> memref<!tpu.dma_semaphore, #tpu.memory_space<semaphore_mem>>
      %dma_wait3A_113 = arith.constant 0 : i32
      %dma_wait3A_114 = arith.constant 0 : i32
      %dma_wait3A_115 = tpu.memref_slice %arg7[%dma_wait3A_102, %dma_wait3A_113, %dma_wait3A_114] : memref<2x8x125xi32, #tpu.memory_space<vmem>> -> memref<1x8x125xi32, #tpu.memory_space<vmem>>
      %dma_wait3A_116 = tpu.memref_squeeze %dma_wait3A_115 : memref<1x8x125xi32, #tpu.memory_space<vmem>> -> memref<8x125xi32, #tpu.memory_space<vmem>>
      %dma_wait3A_117 = arith.constant 0 : i32
      %dma_wait3A_118 = arith.constant 0 : i32
      %dma_wait3A_119 = tpu.memref_slice %arg3[%dma_wait3A_101, %dma_wait3A_117, %dma_wait3A_118] : memref<2x2560x125xi32, #tpu.memory_space<hbm>> -> memref<1x8x125xi32, #tpu.memory_space<hbm>>
      %dma_wait3A_120 = tpu.memref_squeeze %dma_wait3A_119 : memref<1x8x125xi32, #tpu.memory_space<hbm>> -> memref<8x125xi32, #tpu.memory_space<hbm>>
      tpu.wait_dma2 semaphore(%dma_wait3A_112 : memref<!tpu.dma_semaphore, #tpu.memory_space<semaphore_mem>>) src(%dma_wait3A_120 : memref<8x125xi32, #tpu.memory_space<hbm>>) dst(%dma_wait3A_116 : memref<8x125xi32, #tpu.memory_space<vmem>>)
      %add3A_121 = arith.constant 1 : i32
      %add3A_122 = arith.addi %scan3A_94, %add3A_121 : i32
      %lt3A = arith.constant 10 : i32
      %lt3A_123 = arith.cmpi slt, %add3A_122, %lt3A : i32
      %convert_element_type3A = arith.extui %lt3A_123 : i1 to i32
      %cond3A = arith.constant 0 : i32
      %cond3A_124 = arith.cmpi ne, %convert_element_type3A, %cond3A : i32
      scf.if %cond3A_124 {
        %add3A_474 = arith.constant 1 : i32
        %add3A_475 = arith.addi %scan3A_94, %add3A_474 : i32
        %sub3A = arith.constant 1 : i32
        %sub3A_476 = arith.subi %sub3A, %rem3A_96 : i32
        %mul3A_477 = arith.constant 8 : i32
        %mul3A_478 = arith.muli %add3A_475, %mul3A_477 : i32
        %add3A_479 = arith.addi %mul3A_2, %mul3A_478 : i32
        %dma_start3A_480 = arith.constant 1 : i32
        %dma_start3A_481 = arith.constant 0 : i32
        %dma_start3A_482 = arith.constant 0 : i32
        %dma_start3A_483 = tpu.memref_slice %arg7[%sub3A_476, %dma_start3A_481, %dma_start3A_482] : memref<2x8x125xi32, #tpu.memory_space<vmem>> -> memref<1x8x125xi32, #tpu.memory_space<vmem>>
        %dma_start3A_484 = tpu.memref_squeeze %dma_start3A_483 : memref<1x8x125xi32, #tpu.memory_space<vmem>> -> memref<8x125xi32, #tpu.memory_space<vmem>>
        %dma_start3A_485 = arith.constant 0 : i32
        %dma_start3A_486 = tpu.memref_slice %arg3[%dma_start3A_480, %add3A_479, %dma_start3A_485] : memref<2x2560x125xi32, #tpu.memory_space<hbm>> -> memref<1x8x125xi32, #tpu.memory_space<hbm>>
        %dma_start3A_487 = tpu.memref_squeeze %dma_start3A_486 : memref<1x8x125xi32, #tpu.memory_space<hbm>> -> memref<8x125xi32, #tpu.memory_space<hbm>>
        %dma_start3A_488 = tpu.memref_slice %arg12[%sub3A_476] : memref<2x!tpu.dma_semaphore, #tpu.memory_space<semaphore_mem>> -> memref<1x!tpu.dma_semaphore, #tpu.memory_space<semaphore_mem>>
        %dma_start3A_489 = tpu.memref_squeeze %dma_start3A_488 : memref<1x!tpu.dma_semaphore, #tpu.memory_space<semaphore_mem>> -> memref<!tpu.dma_semaphore, #tpu.memory_space<semaphore_mem>>
        %dma_start3A_490 = arith.constant 0 : i32
        %dma_start3A_491 = arith.constant 0 : i32
        %dma_start3A_492 = tpu.memref_slice %arg7[%sub3A_476, %dma_start3A_490, %dma_start3A_491] : memref<2x8x125xi32, #tpu.memory_space<vmem>> -> memref<1x8x125xi32, #tpu.memory_space<vmem>>
        %dma_start3A_493 = tpu.memref_squeeze %dma_start3A_492 : memref<1x8x125xi32, #tpu.memory_space<vmem>> -> memref<8x125xi32, #tpu.memory_space<vmem>>
        %dma_start3A_494 = arith.constant 0 : i32
        %dma_start3A_495 = tpu.memref_slice %arg3[%dma_start3A_480, %add3A_479, %dma_start3A_494] : memref<2x2560x125xi32, #tpu.memory_space<hbm>> -> memref<1x8x125xi32, #tpu.memory_space<hbm>>
        %dma_start3A_496 = tpu.memref_squeeze %dma_start3A_495 : memref<1x8x125xi32, #tpu.memory_space<hbm>> -> memref<8x125xi32, #tpu.memory_space<hbm>>
        tpu.enqueue_dma source(%dma_start3A_496 : memref<8x125xi32, #tpu.memory_space<hbm>>) target(%dma_start3A_493 : memref<8x125xi32, #tpu.memory_space<vmem>>) target_semaphore(%dma_start3A_489 : memref<!tpu.dma_semaphore, #tpu.memory_space<semaphore_mem>>)
      } else {
      }
      %add3A_125 = arith.constant 1 : i32
      %add3A_126 = arith.addi %add3A_100, %add3A_125 : i32
      %lt3A_127 = arith.constant 80 : i32
      %lt3A_128 = arith.cmpi slt, %add3A_126, %lt3A_127 : i32
      %convert_element_type3A_129 = arith.extui %lt3A_128 : i1 to i32
      %cond3A_130 = arith.constant 0 : i32
      %cond3A_131 = arith.cmpi ne, %convert_element_type3A_129, %cond3A_130 : i32
      scf.if %cond3A_131 {
        %add3A_474 = arith.constant 1 : i32
        %add3A_475 = arith.addi %add3A_100, %add3A_474 : i32
        %ge3A = arith.constant 2 : i32
        %ge3A_476 = arith.cmpi sge, %add3A_475, %ge3A : i32
        %convert_element_type3A_477 = arith.extui %ge3A_476 : i1 to i32
        %cond3A_478 = arith.constant 0 : i32
        %cond3A_479 = arith.cmpi ne, %convert_element_type3A_477, %cond3A_478 : i32
        scf.if %cond3A_479 {
          %dma_wait3A_496 = arith.constant 0 : i32
          %dma_wait3A_497 = arith.constant 1 : i32
          %dma_wait3A_498 = arith.constant 0 : i32
          %dma_wait3A_499 = arith.constant 0 : i32
          %dma_wait3A_500 = tpu.memref_slice %arg8[%dma_wait3A_496, %dma_wait3A_498, %dma_wait3A_499] : memref<2x125x128xf32, #tpu.memory_space<vmem>> -> memref<1x125x128xf32, #tpu.memory_space<vmem>>
          %dma_wait3A_501 = tpu.memref_squeeze %dma_wait3A_500 : memref<1x125x128xf32, #tpu.memory_space<vmem>> -> memref<125x128xf32, #tpu.memory_space<vmem>>
          %dma_wait3A_502 = arith.constant 0 : i32
          %dma_wait3A_503 = arith.constant 0 : i32
          %dma_wait3A_504 = tpu.memref_slice %arg2[%dma_wait3A_502, %dma_wait3A_503] : memref<10000x128xf32, #tpu.memory_space<hbm>> -> memref<125x128xf32, #tpu.memory_space<hbm>>
          %dma_wait3A_505 = tpu.memref_slice %arg11[%dma_wait3A_497] : memref<2x!tpu.dma_semaphore, #tpu.memory_space<semaphore_mem>> -> memref<1x!tpu.dma_semaphore, #tpu.memory_space<semaphore_mem>>
          %dma_wait3A_506 = tpu.memref_squeeze %dma_wait3A_505 : memref<1x!tpu.dma_semaphore, #tpu.memory_space<semaphore_mem>> -> memref<!tpu.dma_semaphore, #tpu.memory_space<semaphore_mem>>
          %dma_wait3A_507 = arith.constant 0 : i32
          %dma_wait3A_508 = arith.constant 0 : i32
          %dma_wait3A_509 = tpu.memref_slice %arg8[%dma_wait3A_496, %dma_wait3A_507, %dma_wait3A_508] : memref<2x125x128xf32, #tpu.memory_space<vmem>> -> memref<1x125x128xf32, #tpu.memory_space<vmem>>
          %dma_wait3A_510 = tpu.memref_squeeze %dma_wait3A_509 : memref<1x125x128xf32, #tpu.memory_space<vmem>> -> memref<125x128xf32, #tpu.memory_space<vmem>>
          %dma_wait3A_511 = arith.constant 0 : i32
          %dma_wait3A_512 = arith.constant 0 : i32
          %dma_wait3A_513 = tpu.memref_slice %arg2[%dma_wait3A_511, %dma_wait3A_512] : memref<10000x128xf32, #tpu.memory_space<hbm>> -> memref<125x128xf32, #tpu.memory_space<hbm>>
          tpu.wait_dma2 semaphore(%dma_wait3A_506 : memref<!tpu.dma_semaphore, #tpu.memory_space<semaphore_mem>>) src(%dma_wait3A_513 : memref<125x128xf32, #tpu.memory_space<hbm>>) dst(%dma_wait3A_510 : memref<125x128xf32, #tpu.memory_space<vmem>>)
        } else {
        }
        %add3A_480 = arith.constant 1 : i32
        %add3A_481 = arith.addi %add3A_100, %add3A_480 : i32
        %dma_start3A_482 = arith.constant 1 : i32
        %dma_start3A_483 = arith.constant 1 : i32
        %dma_start3A_484 = arith.constant 0 : i32
        %dma_start3A_485 = arith.constant 0 : i32
        %dma_start3A_486 = tpu.memref_slice %arg8[%dma_start3A_482, %dma_start3A_484, %dma_start3A_485] : memref<2x125x128xf32, #tpu.memory_space<vmem>> -> memref<1x125x128xf32, #tpu.memory_space<vmem>>
        %dma_start3A_487 = tpu.memref_squeeze %dma_start3A_486 : memref<1x125x128xf32, #tpu.memory_space<vmem>> -> memref<125x128xf32, #tpu.memory_space<vmem>>
        %dma_start3A_488 = arith.constant 0 : i32
        %dma_start3A_489 = tpu.memref_slice %arg6[%add3A_481, %dma_start3A_488] : memref<80x125xi32, #tpu.memory_space<vmem>> -> memref<1x125xi32, #tpu.memory_space<vmem>>
        %dma_start3A_490 = tpu.memref_squeeze %dma_start3A_489 : memref<1x125xi32, #tpu.memory_space<vmem>> -> memref<125xi32, #tpu.memory_space<vmem>>
        %dma_start3A_491 = arith.constant 0 : i32
        %dma_start3A_492 = arith.constant 0 : i32
        %dma_start3A_493 = tpu.memref_slice %arg2[%dma_start3A_491, %dma_start3A_492] : memref<10000x128xf32, #tpu.memory_space<hbm>> -> memref<10000x128xf32, #tpu.memory_space<hbm>>
        %dma_start3A_494 = tpu.memref_slice %arg10[%dma_start3A_483] : memref<2x!tpu.dma_semaphore, #tpu.memory_space<semaphore_mem>> -> memref<1x!tpu.dma_semaphore, #tpu.memory_space<semaphore_mem>>
        %dma_start3A_495 = tpu.memref_squeeze %dma_start3A_494 : memref<1x!tpu.dma_semaphore, #tpu.memory_space<semaphore_mem>> -> memref<!tpu.dma_semaphore, #tpu.memory_space<semaphore_mem>>
        tpu.enqueue_indirect_dma source(%dma_start3A_493 : memref<10000x128xf32, #tpu.memory_space<hbm>>) target(%dma_start3A_487 : memref<125x128xf32, #tpu.memory_space<vmem>>) offsets(%dma_start3A_490 : memref<125xi32, #tpu.memory_space<vmem>>) semaphore(%dma_start3A_495 : memref<!tpu.dma_semaphore, #tpu.memory_space<semaphore_mem>>)
      } else {
      }
      %dma_wait3A_132 = arith.constant 0 : i32
      %dma_wait3A_133 = arith.constant 0 : i32
      %dma_wait3A_134 = arith.constant 0 : i32
      %dma_wait3A_135 = arith.constant 0 : i32
      %dma_wait3A_136 = tpu.memref_slice %arg8[%dma_wait3A_132, %dma_wait3A_134, %dma_wait3A_135] : memref<2x125x128xf32, #tpu.memory_space<vmem>> -> memref<1x125x128xf32, #tpu.memory_space<vmem>>
      %dma_wait3A_137 = tpu.memref_squeeze %dma_wait3A_136 : memref<1x125x128xf32, #tpu.memory_space<vmem>> -> memref<125x128xf32, #tpu.memory_space<vmem>>
      %dma_wait3A_138 = arith.constant 0 : i32
      %dma_wait3A_139 = arith.constant 0 : i32
      %dma_wait3A_140 = tpu.memref_slice %arg2[%dma_wait3A_138, %dma_wait3A_139] : memref<10000x128xf32, #tpu.memory_space<hbm>> -> memref<125x128xf32, #tpu.memory_space<hbm>>
      %dma_wait3A_141 = tpu.memref_slice %arg10[%dma_wait3A_133] : memref<2x!tpu.dma_semaphore, #tpu.memory_space<semaphore_mem>> -> memref<1x!tpu.dma_semaphore, #tpu.memory_space<semaphore_mem>>
      %dma_wait3A_142 = tpu.memref_squeeze %dma_wait3A_141 : memref<1x!tpu.dma_semaphore, #tpu.memory_space<semaphore_mem>> -> memref<!tpu.dma_semaphore, #tpu.memory_space<semaphore_mem>>
      %dma_wait3A_143 = arith.constant 0 : i32
      %dma_wait3A_144 = arith.constant 0 : i32
      %dma_wait3A_145 = tpu.memref_slice %arg8[%dma_wait3A_132, %dma_wait3A_143, %dma_wait3A_144] : memref<2x125x128xf32, #tpu.memory_space<vmem>> -> memref<1x125x128xf32, #tpu.memory_space<vmem>>
      %dma_wait3A_146 = tpu.memref_squeeze %dma_wait3A_145 : memref<1x125x128xf32, #tpu.memory_space<vmem>> -> memref<125x128xf32, #tpu.memory_space<vmem>>
      %dma_wait3A_147 = arith.constant 0 : i32
      %dma_wait3A_148 = arith.constant 0 : i32
      %dma_wait3A_149 = tpu.memref_slice %arg2[%dma_wait3A_147, %dma_wait3A_148] : memref<10000x128xf32, #tpu.memory_space<hbm>> -> memref<125x128xf32, #tpu.memory_space<hbm>>
      tpu.wait_dma2 semaphore(%dma_wait3A_142 : memref<!tpu.dma_semaphore, #tpu.memory_space<semaphore_mem>>) src(%dma_wait3A_149 : memref<125x128xf32, #tpu.memory_space<hbm>>) dst(%dma_wait3A_146 : memref<125x128xf32, #tpu.memory_space<vmem>>)
      %dma_start3A_150 = arith.constant 0 : i32
      %dma_start3A_151 = arith.constant 0 : i32
      %dma_start3A_152 = arith.constant 0 : i32
      %dma_start3A_153 = arith.constant 0 : i32
      %dma_start3A_154 = arith.constant 0 : i32
      %dma_start3A_155 = tpu.memref_slice %arg8[%dma_start3A_150, %dma_start3A_153, %dma_start3A_154] : memref<2x125x128xf32, #tpu.memory_space<vmem>> -> memref<1x125x128xf32, #tpu.memory_space<vmem>>
      %dma_start3A_156 = tpu.memref_squeeze %dma_start3A_155 : memref<1x125x128xf32, #tpu.memory_space<vmem>> -> memref<125x128xf32, #tpu.memory_space<vmem>>
      %dma_start3A_157 = arith.constant 0 : i32
      %dma_start3A_158 = tpu.memref_slice %arg7[%rem3A_96, %dma_start3A_151, %dma_start3A_157] : memref<2x8x125xi32, #tpu.memory_space<vmem>> -> memref<1x1x125xi32, #tpu.memory_space<vmem>>
      %dma_start3A_159 = tpu.memref_squeeze %dma_start3A_158 : memref<1x1x125xi32, #tpu.memory_space<vmem>> -> memref<125xi32, #tpu.memory_space<vmem>>
      %dma_start3A_160 = arith.constant 0 : i32
      %dma_start3A_161 = arith.constant 0 : i32
      %dma_start3A_162 = tpu.memref_slice %arg9[%dma_start3A_160, %dma_start3A_161] : memref<10000x128xf32, #tpu.memory_space<vmem_shared>> -> memref<10000x128xf32, #tpu.memory_space<vmem_shared>>
      %dma_start3A_163 = tpu.memref_slice %arg11[%dma_start3A_152] : memref<2x!tpu.dma_semaphore, #tpu.memory_space<semaphore_mem>> -> memref<1x!tpu.dma_semaphore, #tpu.memory_space<semaphore_mem>>
      %dma_start3A_164 = tpu.memref_squeeze %dma_start3A_163 : memref<1x!tpu.dma_semaphore, #tpu.memory_space<semaphore_mem>> -> memref<!tpu.dma_semaphore, #tpu.memory_space<semaphore_mem>>
      tpu.enqueue_indirect_dma source(%dma_start3A_156 : memref<125x128xf32, #tpu.memory_space<vmem>>) target(%dma_start3A_162 : memref<10000x128xf32, #tpu.memory_space<vmem_shared>>) offsets(%dma_start3A_159 : memref<125xi32, #tpu.memory_space<vmem>>) semaphore(%dma_start3A_164 : memref<!tpu.dma_semaphore, #tpu.memory_space<semaphore_mem>>) {add = true}
      %mul3A_165 = arith.constant 8 : i32
      %mul3A_166 = arith.muli %scan3A_94, %mul3A_165 : i32
      %add3A_167 = arith.constant 1 : i32
      %add3A_168 = arith.addi %mul3A_166, %add3A_167 : i32
      %add3A_169 = arith.constant 1 : i32
      %add3A_170 = arith.addi %add3A_168, %add3A_169 : i32
      %lt3A_171 = arith.constant 80 : i32
      %lt3A_172 = arith.cmpi slt, %add3A_170, %lt3A_171 : i32
      %convert_element_type3A_173 = arith.extui %lt3A_172 : i1 to i32
      %cond3A_174 = arith.constant 0 : i32
      %cond3A_175 = arith.cmpi ne, %convert_element_type3A_173, %cond3A_174 : i32
      scf.if %cond3A_175 {
        %add3A_474 = arith.constant 1 : i32
        %add3A_475 = arith.addi %add3A_168, %add3A_474 : i32
        %ge3A = arith.constant 2 : i32
        %ge3A_476 = arith.cmpi sge, %add3A_475, %ge3A : i32
        %convert_element_type3A_477 = arith.extui %ge3A_476 : i1 to i32
        %cond3A_478 = arith.constant 0 : i32
        %cond3A_479 = arith.cmpi ne, %convert_element_type3A_477, %cond3A_478 : i32
        scf.if %cond3A_479 {
          %dma_wait3A_496 = arith.constant 0 : i32
          %dma_wait3A_497 = arith.constant 0 : i32
          %dma_wait3A_498 = arith.constant 0 : i32
          %dma_wait3A_499 = arith.constant 0 : i32
          %dma_wait3A_500 = tpu.memref_slice %arg8[%dma_wait3A_496, %dma_wait3A_498, %dma_wait3A_499] : memref<2x125x128xf32, #tpu.memory_space<vmem>> -> memref<1x125x128xf32, #tpu.memory_space<vmem>>
          %dma_wait3A_501 = tpu.memref_squeeze %dma_wait3A_500 : memref<1x125x128xf32, #tpu.memory_space<vmem>> -> memref<125x128xf32, #tpu.memory_space<vmem>>
          %dma_wait3A_502 = arith.constant 0 : i32
          %dma_wait3A_503 = arith.constant 0 : i32
          %dma_wait3A_504 = tpu.memref_slice %arg2[%dma_wait3A_502, %dma_wait3A_503] : memref<10000x128xf32, #tpu.memory_space<hbm>> -> memref<125x128xf32, #tpu.memory_space<hbm>>
          %dma_wait3A_505 = tpu.memref_slice %arg11[%dma_wait3A_497] : memref<2x!tpu.dma_semaphore, #tpu.memory_space<semaphore_mem>> -> memref<1x!tpu.dma_semaphore, #tpu.memory_space<semaphore_mem>>
          %dma_wait3A_506 = tpu.memref_squeeze %dma_wait3A_505 : memref<1x!tpu.dma_semaphore, #tpu.memory_space<semaphore_mem>> -> memref<!tpu.dma_semaphore, #tpu.memory_space<semaphore_mem>>
          %dma_wait3A_507 = arith.constant 0 : i32
          %dma_wait3A_508 = arith.constant 0 : i32
          %dma_wait3A_509 = tpu.memref_slice %arg8[%dma_wait3A_496, %dma_wait3A_507, %dma_wait3A_508] : memref<2x125x128xf32, #tpu.memory_space<vmem>> -> memref<1x125x128xf32, #tpu.memory_space<vmem>>
          %dma_wait3A_510 = tpu.memref_squeeze %dma_wait3A_509 : memref<1x125x128xf32, #tpu.memory_space<vmem>> -> memref<125x128xf32, #tpu.memory_space<vmem>>
          %dma_wait3A_511 = arith.constant 0 : i32
          %dma_wait3A_512 = arith.constant 0 : i32
          %dma_wait3A_513 = tpu.memref_slice %arg2[%dma_wait3A_511, %dma_wait3A_512] : memref<10000x128xf32, #tpu.memory_space<hbm>> -> memref<125x128xf32, #tpu.memory_space<hbm>>
          tpu.wait_dma2 semaphore(%dma_wait3A_506 : memref<!tpu.dma_semaphore, #tpu.memory_space<semaphore_mem>>) src(%dma_wait3A_513 : memref<125x128xf32, #tpu.memory_space<hbm>>) dst(%dma_wait3A_510 : memref<125x128xf32, #tpu.memory_space<vmem>>)
        } else {
        }
        %add3A_480 = arith.constant 1 : i32
        %add3A_481 = arith.addi %add3A_168, %add3A_480 : i32
        %dma_start3A_482 = arith.constant 0 : i32
        %dma_start3A_483 = arith.constant 0 : i32
        %dma_start3A_484 = arith.constant 0 : i32
        %dma_start3A_485 = arith.constant 0 : i32
        %dma_start3A_486 = tpu.memref_slice %arg8[%dma_start3A_482, %dma_start3A_484, %dma_start3A_485] : memref<2x125x128xf32, #tpu.memory_space<vmem>> -> memref<1x125x128xf32, #tpu.memory_space<vmem>>
        %dma_start3A_487 = tpu.memref_squeeze %dma_start3A_486 : memref<1x125x128xf32, #tpu.memory_space<vmem>> -> memref<125x128xf32, #tpu.memory_space<vmem>>
        %dma_start3A_488 = arith.constant 0 : i32
        %dma_start3A_489 = tpu.memref_slice %arg6[%add3A_481, %dma_start3A_488] : memref<80x125xi32, #tpu.memory_space<vmem>> -> memref<1x125xi32, #tpu.memory_space<vmem>>
        %dma_start3A_490 = tpu.memref_squeeze %dma_start3A_489 : memref<1x125xi32, #tpu.memory_space<vmem>> -> memref<125xi32, #tpu.memory_space<vmem>>
        %dma_start3A_491 = arith.constant 0 : i32
        %dma_start3A_492 = arith.constant 0 : i32
        %dma_start3A_493 = tpu.memref_slice %arg2[%dma_start3A_491, %dma_start3A_492] : memref<10000x128xf32, #tpu.memory_space<hbm>> -> memref<10000x128xf32, #tpu.memory_space<hbm>>
        %dma_start3A_494 = tpu.memref_slice %arg10[%dma_start3A_483] : memref<2x!tpu.dma_semaphore, #tpu.memory_space<semaphore_mem>> -> memref<1x!tpu.dma_semaphore, #tpu.memory_space<semaphore_mem>>
        %dma_start3A_495 = tpu.memref_squeeze %dma_start3A_494 : memref<1x!tpu.dma_semaphore, #tpu.memory_space<semaphore_mem>> -> memref<!tpu.dma_semaphore, #tpu.memory_space<semaphore_mem>>
        tpu.enqueue_indirect_dma source(%dma_start3A_493 : memref<10000x128xf32, #tpu.memory_space<hbm>>) target(%dma_start3A_487 : memref<125x128xf32, #tpu.memory_space<vmem>>) offsets(%dma_start3A_490 : memref<125xi32, #tpu.memory_space<vmem>>) semaphore(%dma_start3A_495 : memref<!tpu.dma_semaphore, #tpu.memory_space<semaphore_mem>>)
      } else {
      }
      %dma_wait3A_176 = arith.constant 0 : i32
      %dma_wait3A_177 = arith.constant 1 : i32
      %dma_wait3A_178 = arith.constant 0 : i32
      %dma_wait3A_179 = arith.constant 0 : i32
      %dma_wait3A_180 = tpu.memref_slice %arg8[%dma_wait3A_176, %dma_wait3A_178, %dma_wait3A_179] : memref<2x125x128xf32, #tpu.memory_space<vmem>> -> memref<1x125x128xf32, #tpu.memory_space<vmem>>
      %dma_wait3A_181 = tpu.memref_squeeze %dma_wait3A_180 : memref<1x125x128xf32, #tpu.memory_space<vmem>> -> memref<125x128xf32, #tpu.memory_space<vmem>>
      %dma_wait3A_182 = arith.constant 0 : i32
      %dma_wait3A_183 = arith.constant 0 : i32
      %dma_wait3A_184 = tpu.memref_slice %arg2[%dma_wait3A_182, %dma_wait3A_183] : memref<10000x128xf32, #tpu.memory_space<hbm>> -> memref<125x128xf32, #tpu.memory_space<hbm>>
      %dma_wait3A_185 = tpu.memref_slice %arg10[%dma_wait3A_177] : memref<2x!tpu.dma_semaphore, #tpu.memory_space<semaphore_mem>> -> memref<1x!tpu.dma_semaphore, #tpu.memory_space<semaphore_mem>>
      %dma_wait3A_186 = tpu.memref_squeeze %dma_wait3A_185 : memref<1x!tpu.dma_semaphore, #tpu.memory_space<semaphore_mem>> -> memref<!tpu.dma_semaphore, #tpu.memory_space<semaphore_mem>>
      %dma_wait3A_187 = arith.constant 0 : i32
      %dma_wait3A_188 = arith.constant 0 : i32
      %dma_wait3A_189 = tpu.memref_slice %arg8[%dma_wait3A_176, %dma_wait3A_187, %dma_wait3A_188] : memref<2x125x128xf32, #tpu.memory_space<vmem>> -> memref<1x125x128xf32, #tpu.memory_space<vmem>>
      %dma_wait3A_190 = tpu.memref_squeeze %dma_wait3A_189 : memref<1x125x128xf32, #tpu.memory_space<vmem>> -> memref<125x128xf32, #tpu.memory_space<vmem>>
      %dma_wait3A_191 = arith.constant 0 : i32
      %dma_wait3A_192 = arith.constant 0 : i32
      %dma_wait3A_193 = tpu.memref_slice %arg2[%dma_wait3A_191, %dma_wait3A_192] : memref<10000x128xf32, #tpu.memory_space<hbm>> -> memref<125x128xf32, #tpu.memory_space<hbm>>
      tpu.wait_dma2 semaphore(%dma_wait3A_186 : memref<!tpu.dma_semaphore, #tpu.memory_space<semaphore_mem>>) src(%dma_wait3A_193 : memref<125x128xf32, #tpu.memory_space<hbm>>) dst(%dma_wait3A_190 : memref<125x128xf32, #tpu.memory_space<vmem>>)
      %dma_start3A_194 = arith.constant 1 : i32
      %dma_start3A_195 = arith.constant 1 : i32
      %dma_start3A_196 = arith.constant 1 : i32
      %dma_start3A_197 = arith.constant 0 : i32
      %dma_start3A_198 = arith.constant 0 : i32
      %dma_start3A_199 = tpu.memref_slice %arg8[%dma_start3A_194, %dma_start3A_197, %dma_start3A_198] : memref<2x125x128xf32, #tpu.memory_space<vmem>> -> memref<1x125x128xf32, #tpu.memory_space<vmem>>
      %dma_start3A_200 = tpu.memref_squeeze %dma_start3A_199 : memref<1x125x128xf32, #tpu.memory_space<vmem>> -> memref<125x128xf32, #tpu.memory_space<vmem>>
      %dma_start3A_201 = arith.constant 0 : i32
      %dma_start3A_202 = tpu.memref_slice %arg7[%rem3A_96, %dma_start3A_195, %dma_start3A_201] : memref<2x8x125xi32, #tpu.memory_space<vmem>> -> memref<1x1x125xi32, #tpu.memory_space<vmem>>
      %dma_start3A_203 = tpu.memref_squeeze %dma_start3A_202 : memref<1x1x125xi32, #tpu.memory_space<vmem>> -> memref<125xi32, #tpu.memory_space<vmem>>
      %dma_start3A_204 = arith.constant 0 : i32
      %dma_start3A_205 = arith.constant 0 : i32
      %dma_start3A_206 = tpu.memref_slice %arg9[%dma_start3A_204, %dma_start3A_205] : memref<10000x128xf32, #tpu.memory_space<vmem_shared>> -> memref<10000x128xf32, #tpu.memory_space<vmem_shared>>
      %dma_start3A_207 = tpu.memref_slice %arg11[%dma_start3A_196] : memref<2x!tpu.dma_semaphore, #tpu.memory_space<semaphore_mem>> -> memref<1x!tpu.dma_semaphore, #tpu.memory_space<semaphore_mem>>
      %dma_start3A_208 = tpu.memref_squeeze %dma_start3A_207 : memref<1x!tpu.dma_semaphore, #tpu.memory_space<semaphore_mem>> -> memref<!tpu.dma_semaphore, #tpu.memory_space<semaphore_mem>>
      tpu.enqueue_indirect_dma source(%dma_start3A_200 : memref<125x128xf32, #tpu.memory_space<vmem>>) target(%dma_start3A_206 : memref<10000x128xf32, #tpu.memory_space<vmem_shared>>) offsets(%dma_start3A_203 : memref<125xi32, #tpu.memory_space<vmem>>) semaphore(%dma_start3A_208 : memref<!tpu.dma_semaphore, #tpu.memory_space<semaphore_mem>>) {add = true}
      %mul3A_209 = arith.constant 8 : i32
      %mul3A_210 = arith.muli %scan3A_94, %mul3A_209 : i32
      %add3A_211 = arith.constant 2 : i32
      %add3A_212 = arith.addi %mul3A_210, %add3A_211 : i32
      %add3A_213 = arith.constant 1 : i32
      %add3A_214 = arith.addi %add3A_212, %add3A_213 : i32
      %lt3A_215 = arith.constant 80 : i32
      %lt3A_216 = arith.cmpi slt, %add3A_214, %lt3A_215 : i32
      %convert_element_type3A_217 = arith.extui %lt3A_216 : i1 to i32
      %cond3A_218 = arith.constant 0 : i32
      %cond3A_219 = arith.cmpi ne, %convert_element_type3A_217, %cond3A_218 : i32
      scf.if %cond3A_219 {
        %add3A_474 = arith.constant 1 : i32
        %add3A_475 = arith.addi %add3A_212, %add3A_474 : i32
        %ge3A = arith.constant 2 : i32
        %ge3A_476 = arith.cmpi sge, %add3A_475, %ge3A : i32
        %convert_element_type3A_477 = arith.extui %ge3A_476 : i1 to i32
        %cond3A_478 = arith.constant 0 : i32
        %cond3A_479 = arith.cmpi ne, %convert_element_type3A_477, %cond3A_478 : i32
        scf.if %cond3A_479 {
          %dma_wait3A_496 = arith.constant 0 : i32
          %dma_wait3A_497 = arith.constant 1 : i32
          %dma_wait3A_498 = arith.constant 0 : i32
          %dma_wait3A_499 = arith.constant 0 : i32
          %dma_wait3A_500 = tpu.memref_slice %arg8[%dma_wait3A_496, %dma_wait3A_498, %dma_wait3A_499] : memref<2x125x128xf32, #tpu.memory_space<vmem>> -> memref<1x125x128xf32, #tpu.memory_space<vmem>>
          %dma_wait3A_501 = tpu.memref_squeeze %dma_wait3A_500 : memref<1x125x128xf32, #tpu.memory_space<vmem>> -> memref<125x128xf32, #tpu.memory_space<vmem>>
          %dma_wait3A_502 = arith.constant 0 : i32
          %dma_wait3A_503 = arith.constant 0 : i32
          %dma_wait3A_504 = tpu.memref_slice %arg2[%dma_wait3A_502, %dma_wait3A_503] : memref<10000x128xf32, #tpu.memory_space<hbm>> -> memref<125x128xf32, #tpu.memory_space<hbm>>
          %dma_wait3A_505 = tpu.memref_slice %arg11[%dma_wait3A_497] : memref<2x!tpu.dma_semaphore, #tpu.memory_space<semaphore_mem>> -> memref<1x!tpu.dma_semaphore, #tpu.memory_space<semaphore_mem>>
          %dma_wait3A_506 = tpu.memref_squeeze %dma_wait3A_505 : memref<1x!tpu.dma_semaphore, #tpu.memory_space<semaphore_mem>> -> memref<!tpu.dma_semaphore, #tpu.memory_space<semaphore_mem>>
          %dma_wait3A_507 = arith.constant 0 : i32
          %dma_wait3A_508 = arith.constant 0 : i32
          %dma_wait3A_509 = tpu.memref_slice %arg8[%dma_wait3A_496, %dma_wait3A_507, %dma_wait3A_508] : memref<2x125x128xf32, #tpu.memory_space<vmem>> -> memref<1x125x128xf32, #tpu.memory_space<vmem>>
          %dma_wait3A_510 = tpu.memref_squeeze %dma_wait3A_509 : memref<1x125x128xf32, #tpu.memory_space<vmem>> -> memref<125x128xf32, #tpu.memory_space<vmem>>
          %dma_wait3A_511 = arith.constant 0 : i32
          %dma_wait3A_512 = arith.constant 0 : i32
          %dma_wait3A_513 = tpu.memref_slice %arg2[%dma_wait3A_511, %dma_wait3A_512] : memref<10000x128xf32, #tpu.memory_space<hbm>> -> memref<125x128xf32, #tpu.memory_space<hbm>>
          tpu.wait_dma2 semaphore(%dma_wait3A_506 : memref<!tpu.dma_semaphore, #tpu.memory_space<semaphore_mem>>) src(%dma_wait3A_513 : memref<125x128xf32, #tpu.memory_space<hbm>>) dst(%dma_wait3A_510 : memref<125x128xf32, #tpu.memory_space<vmem>>)
        } else {
        }
        %add3A_480 = arith.constant 1 : i32
        %add3A_481 = arith.addi %add3A_212, %add3A_480 : i32
        %dma_start3A_482 = arith.constant 1 : i32
        %dma_start3A_483 = arith.constant 1 : i32
        %dma_start3A_484 = arith.constant 0 : i32
        %dma_start3A_485 = arith.constant 0 : i32
        %dma_start3A_486 = tpu.memref_slice %arg8[%dma_start3A_482, %dma_start3A_484, %dma_start3A_485] : memref<2x125x128xf32, #tpu.memory_space<vmem>> -> memref<1x125x128xf32, #tpu.memory_space<vmem>>
        %dma_start3A_487 = tpu.memref_squeeze %dma_start3A_486 : memref<1x125x128xf32, #tpu.memory_space<vmem>> -> memref<125x128xf32, #tpu.memory_space<vmem>>
        %dma_start3A_488 = arith.constant 0 : i32
        %dma_start3A_489 = tpu.memref_slice %arg6[%add3A_481, %dma_start3A_488] : memref<80x125xi32, #tpu.memory_space<vmem>> -> memref<1x125xi32, #tpu.memory_space<vmem>>
        %dma_start3A_490 = tpu.memref_squeeze %dma_start3A_489 : memref<1x125xi32, #tpu.memory_space<vmem>> -> memref<125xi32, #tpu.memory_space<vmem>>
        %dma_start3A_491 = arith.constant 0 : i32
        %dma_start3A_492 = arith.constant 0 : i32
        %dma_start3A_493 = tpu.memref_slice %arg2[%dma_start3A_491, %dma_start3A_492] : memref<10000x128xf32, #tpu.memory_space<hbm>> -> memref<10000x128xf32, #tpu.memory_space<hbm>>
        %dma_start3A_494 = tpu.memref_slice %arg10[%dma_start3A_483] : memref<2x!tpu.dma_semaphore, #tpu.memory_space<semaphore_mem>> -> memref<1x!tpu.dma_semaphore, #tpu.memory_space<semaphore_mem>>
        %dma_start3A_495 = tpu.memref_squeeze %dma_start3A_494 : memref<1x!tpu.dma_semaphore, #tpu.memory_space<semaphore_mem>> -> memref<!tpu.dma_semaphore, #tpu.memory_space<semaphore_mem>>
        tpu.enqueue_indirect_dma source(%dma_start3A_493 : memref<10000x128xf32, #tpu.memory_space<hbm>>) target(%dma_start3A_487 : memref<125x128xf32, #tpu.memory_space<vmem>>) offsets(%dma_start3A_490 : memref<125xi32, #tpu.memory_space<vmem>>) semaphore(%dma_start3A_495 : memref<!tpu.dma_semaphore, #tpu.memory_space<semaphore_mem>>)
      } else {
      }
      %dma_wait3A_220 = arith.constant 0 : i32
      %dma_wait3A_221 = arith.constant 0 : i32
      %dma_wait3A_222 = arith.constant 0 : i32
      %dma_wait3A_223 = arith.constant 0 : i32
      %dma_wait3A_224 = tpu.memref_slice %arg8[%dma_wait3A_220, %dma_wait3A_222, %dma_wait3A_223] : memref<2x125x128xf32, #tpu.memory_space<vmem>> -> memref<1x125x128xf32, #tpu.memory_space<vmem>>
      %dma_wait3A_225 = tpu.memref_squeeze %dma_wait3A_224 : memref<1x125x128xf32, #tpu.memory_space<vmem>> -> memref<125x128xf32, #tpu.memory_space<vmem>>
      %dma_wait3A_226 = arith.constant 0 : i32
      %dma_wait3A_227 = arith.constant 0 : i32
      %dma_wait3A_228 = tpu.memref_slice %arg2[%dma_wait3A_226, %dma_wait3A_227] : memref<10000x128xf32, #tpu.memory_space<hbm>> -> memref<125x128xf32, #tpu.memory_space<hbm>>
      %dma_wait3A_229 = tpu.memref_slice %arg10[%dma_wait3A_221] : memref<2x!tpu.dma_semaphore, #tpu.memory_space<semaphore_mem>> -> memref<1x!tpu.dma_semaphore, #tpu.memory_space<semaphore_mem>>
      %dma_wait3A_230 = tpu.memref_squeeze %dma_wait3A_229 : memref<1x!tpu.dma_semaphore, #tpu.memory_space<semaphore_mem>> -> memref<!tpu.dma_semaphore, #tpu.memory_space<semaphore_mem>>
      %dma_wait3A_231 = arith.constant 0 : i32
      %dma_wait3A_232 = arith.constant 0 : i32
      %dma_wait3A_233 = tpu.memref_slice %arg8[%dma_wait3A_220, %dma_wait3A_231, %dma_wait3A_232] : memref<2x125x128xf32, #tpu.memory_space<vmem>> -> memref<1x125x128xf32, #tpu.memory_space<vmem>>
      %dma_wait3A_234 = tpu.memref_squeeze %dma_wait3A_233 : memref<1x125x128xf32, #tpu.memory_space<vmem>> -> memref<125x128xf32, #tpu.memory_space<vmem>>
      %dma_wait3A_235 = arith.constant 0 : i32
      %dma_wait3A_236 = arith.constant 0 : i32
      %dma_wait3A_237 = tpu.memref_slice %arg2[%dma_wait3A_235, %dma_wait3A_236] : memref<10000x128xf32, #tpu.memory_space<hbm>> -> memref<125x128xf32, #tpu.memory_space<hbm>>
      tpu.wait_dma2 semaphore(%dma_wait3A_230 : memref<!tpu.dma_semaphore, #tpu.memory_space<semaphore_mem>>) src(%dma_wait3A_237 : memref<125x128xf32, #tpu.memory_space<hbm>>) dst(%dma_wait3A_234 : memref<125x128xf32, #tpu.memory_space<vmem>>)
      %dma_start3A_238 = arith.constant 0 : i32
      %dma_start3A_239 = arith.constant 2 : i32
      %dma_start3A_240 = arith.constant 0 : i32
      %dma_start3A_241 = arith.constant 0 : i32
      %dma_start3A_242 = arith.constant 0 : i32
      %dma_start3A_243 = tpu.memref_slice %arg8[%dma_start3A_238, %dma_start3A_241, %dma_start3A_242] : memref<2x125x128xf32, #tpu.memory_space<vmem>> -> memref<1x125x128xf32, #tpu.memory_space<vmem>>
      %dma_start3A_244 = tpu.memref_squeeze %dma_start3A_243 : memref<1x125x128xf32, #tpu.memory_space<vmem>> -> memref<125x128xf32, #tpu.memory_space<vmem>>
      %dma_start3A_245 = arith.constant 0 : i32
      %dma_start3A_246 = tpu.memref_slice %arg7[%rem3A_96, %dma_start3A_239, %dma_start3A_245] : memref<2x8x125xi32, #tpu.memory_space<vmem>> -> memref<1x1x125xi32, #tpu.memory_space<vmem>>
      %dma_start3A_247 = tpu.memref_squeeze %dma_start3A_246 : memref<1x1x125xi32, #tpu.memory_space<vmem>> -> memref<125xi32, #tpu.memory_space<vmem>>
      %dma_start3A_248 = arith.constant 0 : i32
      %dma_start3A_249 = arith.constant 0 : i32
      %dma_start3A_250 = tpu.memref_slice %arg9[%dma_start3A_248, %dma_start3A_249] : memref<10000x128xf32, #tpu.memory_space<vmem_shared>> -> memref<10000x128xf32, #tpu.memory_space<vmem_shared>>
      %dma_start3A_251 = tpu.memref_slice %arg11[%dma_start3A_240] : memref<2x!tpu.dma_semaphore, #tpu.memory_space<semaphore_mem>> -> memref<1x!tpu.dma_semaphore, #tpu.memory_space<semaphore_mem>>
      %dma_start3A_252 = tpu.memref_squeeze %dma_start3A_251 : memref<1x!tpu.dma_semaphore, #tpu.memory_space<semaphore_mem>> -> memref<!tpu.dma_semaphore, #tpu.memory_space<semaphore_mem>>
      tpu.enqueue_indirect_dma source(%dma_start3A_244 : memref<125x128xf32, #tpu.memory_space<vmem>>) target(%dma_start3A_250 : memref<10000x128xf32, #tpu.memory_space<vmem_shared>>) offsets(%dma_start3A_247 : memref<125xi32, #tpu.memory_space<vmem>>) semaphore(%dma_start3A_252 : memref<!tpu.dma_semaphore, #tpu.memory_space<semaphore_mem>>) {add = true}
      %mul3A_253 = arith.constant 8 : i32
      %mul3A_254 = arith.muli %scan3A_94, %mul3A_253 : i32
      %add3A_255 = arith.constant 3 : i32
      %add3A_256 = arith.addi %mul3A_254, %add3A_255 : i32
      %add3A_257 = arith.constant 1 : i32
      %add3A_258 = arith.addi %add3A_256, %add3A_257 : i32
      %lt3A_259 = arith.constant 80 : i32
      %lt3A_260 = arith.cmpi slt, %add3A_258, %lt3A_259 : i32
      %convert_element_type3A_261 = arith.extui %lt3A_260 : i1 to i32
      %cond3A_262 = arith.constant 0 : i32
      %cond3A_263 = arith.cmpi ne, %convert_element_type3A_261, %cond3A_262 : i32
      scf.if %cond3A_263 {
        %add3A_474 = arith.constant 1 : i32
        %add3A_475 = arith.addi %add3A_256, %add3A_474 : i32
        %ge3A = arith.constant 2 : i32
        %ge3A_476 = arith.cmpi sge, %add3A_475, %ge3A : i32
        %convert_element_type3A_477 = arith.extui %ge3A_476 : i1 to i32
        %cond3A_478 = arith.constant 0 : i32
        %cond3A_479 = arith.cmpi ne, %convert_element_type3A_477, %cond3A_478 : i32
        scf.if %cond3A_479 {
          %dma_wait3A_496 = arith.constant 0 : i32
          %dma_wait3A_497 = arith.constant 0 : i32
          %dma_wait3A_498 = arith.constant 0 : i32
          %dma_wait3A_499 = arith.constant 0 : i32
          %dma_wait3A_500 = tpu.memref_slice %arg8[%dma_wait3A_496, %dma_wait3A_498, %dma_wait3A_499] : memref<2x125x128xf32, #tpu.memory_space<vmem>> -> memref<1x125x128xf32, #tpu.memory_space<vmem>>
          %dma_wait3A_501 = tpu.memref_squeeze %dma_wait3A_500 : memref<1x125x128xf32, #tpu.memory_space<vmem>> -> memref<125x128xf32, #tpu.memory_space<vmem>>
          %dma_wait3A_502 = arith.constant 0 : i32
          %dma_wait3A_503 = arith.constant 0 : i32
          %dma_wait3A_504 = tpu.memref_slice %arg2[%dma_wait3A_502, %dma_wait3A_503] : memref<10000x128xf32, #tpu.memory_space<hbm>> -> memref<125x128xf32, #tpu.memory_space<hbm>>
          %dma_wait3A_505 = tpu.memref_slice %arg11[%dma_wait3A_497] : memref<2x!tpu.dma_semaphore, #tpu.memory_space<semaphore_mem>> -> memref<1x!tpu.dma_semaphore, #tpu.memory_space<semaphore_mem>>
          %dma_wait3A_506 = tpu.memref_squeeze %dma_wait3A_505 : memref<1x!tpu.dma_semaphore, #tpu.memory_space<semaphore_mem>> -> memref<!tpu.dma_semaphore, #tpu.memory_space<semaphore_mem>>
          %dma_wait3A_507 = arith.constant 0 : i32
          %dma_wait3A_508 = arith.constant 0 : i32
          %dma_wait3A_509 = tpu.memref_slice %arg8[%dma_wait3A_496, %dma_wait3A_507, %dma_wait3A_508] : memref<2x125x128xf32, #tpu.memory_space<vmem>> -> memref<1x125x128xf32, #tpu.memory_space<vmem>>
          %dma_wait3A_510 = tpu.memref_squeeze %dma_wait3A_509 : memref<1x125x128xf32, #tpu.memory_space<vmem>> -> memref<125x128xf32, #tpu.memory_space<vmem>>
          %dma_wait3A_511 = arith.constant 0 : i32
          %dma_wait3A_512 = arith.constant 0 : i32
          %dma_wait3A_513 = tpu.memref_slice %arg2[%dma_wait3A_511, %dma_wait3A_512] : memref<10000x128xf32, #tpu.memory_space<hbm>> -> memref<125x128xf32, #tpu.memory_space<hbm>>
          tpu.wait_dma2 semaphore(%dma_wait3A_506 : memref<!tpu.dma_semaphore, #tpu.memory_space<semaphore_mem>>) src(%dma_wait3A_513 : memref<125x128xf32, #tpu.memory_space<hbm>>) dst(%dma_wait3A_510 : memref<125x128xf32, #tpu.memory_space<vmem>>)
        } else {
        }
        %add3A_480 = arith.constant 1 : i32
        %add3A_481 = arith.addi %add3A_256, %add3A_480 : i32
        %dma_start3A_482 = arith.constant 0 : i32
        %dma_start3A_483 = arith.constant 0 : i32
        %dma_start3A_484 = arith.constant 0 : i32
        %dma_start3A_485 = arith.constant 0 : i32
        %dma_start3A_486 = tpu.memref_slice %arg8[%dma_start3A_482, %dma_start3A_484, %dma_start3A_485] : memref<2x125x128xf32, #tpu.memory_space<vmem>> -> memref<1x125x128xf32, #tpu.memory_space<vmem>>
        %dma_start3A_487 = tpu.memref_squeeze %dma_start3A_486 : memref<1x125x128xf32, #tpu.memory_space<vmem>> -> memref<125x128xf32, #tpu.memory_space<vmem>>
        %dma_start3A_488 = arith.constant 0 : i32
        %dma_start3A_489 = tpu.memref_slice %arg6[%add3A_481, %dma_start3A_488] : memref<80x125xi32, #tpu.memory_space<vmem>> -> memref<1x125xi32, #tpu.memory_space<vmem>>
        %dma_start3A_490 = tpu.memref_squeeze %dma_start3A_489 : memref<1x125xi32, #tpu.memory_space<vmem>> -> memref<125xi32, #tpu.memory_space<vmem>>
        %dma_start3A_491 = arith.constant 0 : i32
        %dma_start3A_492 = arith.constant 0 : i32
        %dma_start3A_493 = tpu.memref_slice %arg2[%dma_start3A_491, %dma_start3A_492] : memref<10000x128xf32, #tpu.memory_space<hbm>> -> memref<10000x128xf32, #tpu.memory_space<hbm>>
        %dma_start3A_494 = tpu.memref_slice %arg10[%dma_start3A_483] : memref<2x!tpu.dma_semaphore, #tpu.memory_space<semaphore_mem>> -> memref<1x!tpu.dma_semaphore, #tpu.memory_space<semaphore_mem>>
        %dma_start3A_495 = tpu.memref_squeeze %dma_start3A_494 : memref<1x!tpu.dma_semaphore, #tpu.memory_space<semaphore_mem>> -> memref<!tpu.dma_semaphore, #tpu.memory_space<semaphore_mem>>
        tpu.enqueue_indirect_dma source(%dma_start3A_493 : memref<10000x128xf32, #tpu.memory_space<hbm>>) target(%dma_start3A_487 : memref<125x128xf32, #tpu.memory_space<vmem>>) offsets(%dma_start3A_490 : memref<125xi32, #tpu.memory_space<vmem>>) semaphore(%dma_start3A_495 : memref<!tpu.dma_semaphore, #tpu.memory_space<semaphore_mem>>)
      } else {
      }
      %dma_wait3A_264 = arith.constant 0 : i32
      %dma_wait3A_265 = arith.constant 1 : i32
      %dma_wait3A_266 = arith.constant 0 : i32
      %dma_wait3A_267 = arith.constant 0 : i32
      %dma_wait3A_268 = tpu.memref_slice %arg8[%dma_wait3A_264, %dma_wait3A_266, %dma_wait3A_267] : memref<2x125x128xf32, #tpu.memory_space<vmem>> -> memref<1x125x128xf32, #tpu.memory_space<vmem>>
      %dma_wait3A_269 = tpu.memref_squeeze %dma_wait3A_268 : memref<1x125x128xf32, #tpu.memory_space<vmem>> -> memref<125x128xf32, #tpu.memory_space<vmem>>
      %dma_wait3A_270 = arith.constant 0 : i32
      %dma_wait3A_271 = arith.constant 0 : i32
      %dma_wait3A_272 = tpu.memref_slice %arg2[%dma_wait3A_270, %dma_wait3A_271] : memref<10000x128xf32, #tpu.memory_space<hbm>> -> memref<125x128xf32, #tpu.memory_space<hbm>>
      %dma_wait3A_273 = tpu.memref_slice %arg10[%dma_wait3A_265] : memref<2x!tpu.dma_semaphore, #tpu.memory_space<semaphore_mem>> -> memref<1x!tpu.dma_semaphore, #tpu.memory_space<semaphore_mem>>
      %dma_wait3A_274 = tpu.memref_squeeze %dma_wait3A_273 : memref<1x!tpu.dma_semaphore, #tpu.memory_space<semaphore_mem>> -> memref<!tpu.dma_semaphore, #tpu.memory_space<semaphore_mem>>
      %dma_wait3A_275 = arith.constant 0 : i32
      %dma_wait3A_276 = arith.constant 0 : i32
      %dma_wait3A_277 = tpu.memref_slice %arg8[%dma_wait3A_264, %dma_wait3A_275, %dma_wait3A_276] : memref<2x125x128xf32, #tpu.memory_space<vmem>> -> memref<1x125x128xf32, #tpu.memory_space<vmem>>
      %dma_wait3A_278 = tpu.memref_squeeze %dma_wait3A_277 : memref<1x125x128xf32, #tpu.memory_space<vmem>> -> memref<125x128xf32, #tpu.memory_space<vmem>>
      %dma_wait3A_279 = arith.constant 0 : i32
      %dma_wait3A_280 = arith.constant 0 : i32
      %dma_wait3A_281 = tpu.memref_slice %arg2[%dma_wait3A_279, %dma_wait3A_280] : memref<10000x128xf32, #tpu.memory_space<hbm>> -> memref<125x128xf32, #tpu.memory_space<hbm>>
      tpu.wait_dma2 semaphore(%dma_wait3A_274 : memref<!tpu.dma_semaphore, #tpu.memory_space<semaphore_mem>>) src(%dma_wait3A_281 : memref<125x128xf32, #tpu.memory_space<hbm>>) dst(%dma_wait3A_278 : memref<125x128xf32, #tpu.memory_space<vmem>>)
      %dma_start3A_282 = arith.constant 1 : i32
      %dma_start3A_283 = arith.constant 3 : i32
      %dma_start3A_284 = arith.constant 1 : i32
      %dma_start3A_285 = arith.constant 0 : i32
      %dma_start3A_286 = arith.constant 0 : i32
      %dma_start3A_287 = tpu.memref_slice %arg8[%dma_start3A_282, %dma_start3A_285, %dma_start3A_286] : memref<2x125x128xf32, #tpu.memory_space<vmem>> -> memref<1x125x128xf32, #tpu.memory_space<vmem>>
      %dma_start3A_288 = tpu.memref_squeeze %dma_start3A_287 : memref<1x125x128xf32, #tpu.memory_space<vmem>> -> memref<125x128xf32, #tpu.memory_space<vmem>>
      %dma_start3A_289 = arith.constant 0 : i32
      %dma_start3A_290 = tpu.memref_slice %arg7[%rem3A_96, %dma_start3A_283, %dma_start3A_289] : memref<2x8x125xi32, #tpu.memory_space<vmem>> -> memref<1x1x125xi32, #tpu.memory_space<vmem>>
      %dma_start3A_291 = tpu.memref_squeeze %dma_start3A_290 : memref<1x1x125xi32, #tpu.memory_space<vmem>> -> memref<125xi32, #tpu.memory_space<vmem>>
      %dma_start3A_292 = arith.constant 0 : i32
      %dma_start3A_293 = arith.constant 0 : i32
      %dma_start3A_294 = tpu.memref_slice %arg9[%dma_start3A_292, %dma_start3A_293] : memref<10000x128xf32, #tpu.memory_space<vmem_shared>> -> memref<10000x128xf32, #tpu.memory_space<vmem_shared>>
      %dma_start3A_295 = tpu.memref_slice %arg11[%dma_start3A_284] : memref<2x!tpu.dma_semaphore, #tpu.memory_space<semaphore_mem>> -> memref<1x!tpu.dma_semaphore, #tpu.memory_space<semaphore_mem>>
      %dma_start3A_296 = tpu.memref_squeeze %dma_start3A_295 : memref<1x!tpu.dma_semaphore, #tpu.memory_space<semaphore_mem>> -> memref<!tpu.dma_semaphore, #tpu.memory_space<semaphore_mem>>
      tpu.enqueue_indirect_dma source(%dma_start3A_288 : memref<125x128xf32, #tpu.memory_space<vmem>>) target(%dma_start3A_294 : memref<10000x128xf32, #tpu.memory_space<vmem_shared>>) offsets(%dma_start3A_291 : memref<125xi32, #tpu.memory_space<vmem>>) semaphore(%dma_start3A_296 : memref<!tpu.dma_semaphore, #tpu.memory_space<semaphore_mem>>) {add = true}
      %mul3A_297 = arith.constant 8 : i32
      %mul3A_298 = arith.muli %scan3A_94, %mul3A_297 : i32
      %add3A_299 = arith.constant 4 : i32
      %add3A_300 = arith.addi %mul3A_298, %add3A_299 : i32
      %add3A_301 = arith.constant 1 : i32
      %add3A_302 = arith.addi %add3A_300, %add3A_301 : i32
      %lt3A_303 = arith.constant 80 : i32
      %lt3A_304 = arith.cmpi slt, %add3A_302, %lt3A_303 : i32
      %convert_element_type3A_305 = arith.extui %lt3A_304 : i1 to i32
      %cond3A_306 = arith.constant 0 : i32
      %cond3A_307 = arith.cmpi ne, %convert_element_type3A_305, %cond3A_306 : i32
      scf.if %cond3A_307 {
        %add3A_474 = arith.constant 1 : i32
        %add3A_475 = arith.addi %add3A_300, %add3A_474 : i32
        %ge3A = arith.constant 2 : i32
        %ge3A_476 = arith.cmpi sge, %add3A_475, %ge3A : i32
        %convert_element_type3A_477 = arith.extui %ge3A_476 : i1 to i32
        %cond3A_478 = arith.constant 0 : i32
        %cond3A_479 = arith.cmpi ne, %convert_element_type3A_477, %cond3A_478 : i32
        scf.if %cond3A_479 {
          %dma_wait3A_496 = arith.constant 0 : i32
          %dma_wait3A_497 = arith.constant 1 : i32
          %dma_wait3A_498 = arith.constant 0 : i32
          %dma_wait3A_499 = arith.constant 0 : i32
          %dma_wait3A_500 = tpu.memref_slice %arg8[%dma_wait3A_496, %dma_wait3A_498, %dma_wait3A_499] : memref<2x125x128xf32, #tpu.memory_space<vmem>> -> memref<1x125x128xf32, #tpu.memory_space<vmem>>
          %dma_wait3A_501 = tpu.memref_squeeze %dma_wait3A_500 : memref<1x125x128xf32, #tpu.memory_space<vmem>> -> memref<125x128xf32, #tpu.memory_space<vmem>>
          %dma_wait3A_502 = arith.constant 0 : i32
          %dma_wait3A_503 = arith.constant 0 : i32
          %dma_wait3A_504 = tpu.memref_slice %arg2[%dma_wait3A_502, %dma_wait3A_503] : memref<10000x128xf32, #tpu.memory_space<hbm>> -> memref<125x128xf32, #tpu.memory_space<hbm>>
          %dma_wait3A_505 = tpu.memref_slice %arg11[%dma_wait3A_497] : memref<2x!tpu.dma_semaphore, #tpu.memory_space<semaphore_mem>> -> memref<1x!tpu.dma_semaphore, #tpu.memory_space<semaphore_mem>>
          %dma_wait3A_506 = tpu.memref_squeeze %dma_wait3A_505 : memref<1x!tpu.dma_semaphore, #tpu.memory_space<semaphore_mem>> -> memref<!tpu.dma_semaphore, #tpu.memory_space<semaphore_mem>>
          %dma_wait3A_507 = arith.constant 0 : i32
          %dma_wait3A_508 = arith.constant 0 : i32
          %dma_wait3A_509 = tpu.memref_slice %arg8[%dma_wait3A_496, %dma_wait3A_507, %dma_wait3A_508] : memref<2x125x128xf32, #tpu.memory_space<vmem>> -> memref<1x125x128xf32, #tpu.memory_space<vmem>>
          %dma_wait3A_510 = tpu.memref_squeeze %dma_wait3A_509 : memref<1x125x128xf32, #tpu.memory_space<vmem>> -> memref<125x128xf32, #tpu.memory_space<vmem>>
          %dma_wait3A_511 = arith.constant 0 : i32
          %dma_wait3A_512 = arith.constant 0 : i32
          %dma_wait3A_513 = tpu.memref_slice %arg2[%dma_wait3A_511, %dma_wait3A_512] : memref<10000x128xf32, #tpu.memory_space<hbm>> -> memref<125x128xf32, #tpu.memory_space<hbm>>
          tpu.wait_dma2 semaphore(%dma_wait3A_506 : memref<!tpu.dma_semaphore, #tpu.memory_space<semaphore_mem>>) src(%dma_wait3A_513 : memref<125x128xf32, #tpu.memory_space<hbm>>) dst(%dma_wait3A_510 : memref<125x128xf32, #tpu.memory_space<vmem>>)
        } else {
        }
        %add3A_480 = arith.constant 1 : i32
        %add3A_481 = arith.addi %add3A_300, %add3A_480 : i32
        %dma_start3A_482 = arith.constant 1 : i32
        %dma_start3A_483 = arith.constant 1 : i32
        %dma_start3A_484 = arith.constant 0 : i32
        %dma_start3A_485 = arith.constant 0 : i32
        %dma_start3A_486 = tpu.memref_slice %arg8[%dma_start3A_482, %dma_start3A_484, %dma_start3A_485] : memref<2x125x128xf32, #tpu.memory_space<vmem>> -> memref<1x125x128xf32, #tpu.memory_space<vmem>>
        %dma_start3A_487 = tpu.memref_squeeze %dma_start3A_486 : memref<1x125x128xf32, #tpu.memory_space<vmem>> -> memref<125x128xf32, #tpu.memory_space<vmem>>
        %dma_start3A_488 = arith.constant 0 : i32
        %dma_start3A_489 = tpu.memref_slice %arg6[%add3A_481, %dma_start3A_488] : memref<80x125xi32, #tpu.memory_space<vmem>> -> memref<1x125xi32, #tpu.memory_space<vmem>>
        %dma_start3A_490 = tpu.memref_squeeze %dma_start3A_489 : memref<1x125xi32, #tpu.memory_space<vmem>> -> memref<125xi32, #tpu.memory_space<vmem>>
        %dma_start3A_491 = arith.constant 0 : i32
        %dma_start3A_492 = arith.constant 0 : i32
        %dma_start3A_493 = tpu.memref_slice %arg2[%dma_start3A_491, %dma_start3A_492] : memref<10000x128xf32, #tpu.memory_space<hbm>> -> memref<10000x128xf32, #tpu.memory_space<hbm>>
        %dma_start3A_494 = tpu.memref_slice %arg10[%dma_start3A_483] : memref<2x!tpu.dma_semaphore, #tpu.memory_space<semaphore_mem>> -> memref<1x!tpu.dma_semaphore, #tpu.memory_space<semaphore_mem>>
        %dma_start3A_495 = tpu.memref_squeeze %dma_start3A_494 : memref<1x!tpu.dma_semaphore, #tpu.memory_space<semaphore_mem>> -> memref<!tpu.dma_semaphore, #tpu.memory_space<semaphore_mem>>
        tpu.enqueue_indirect_dma source(%dma_start3A_493 : memref<10000x128xf32, #tpu.memory_space<hbm>>) target(%dma_start3A_487 : memref<125x128xf32, #tpu.memory_space<vmem>>) offsets(%dma_start3A_490 : memref<125xi32, #tpu.memory_space<vmem>>) semaphore(%dma_start3A_495 : memref<!tpu.dma_semaphore, #tpu.memory_space<semaphore_mem>>)
      } else {
      }
      %dma_wait3A_308 = arith.constant 0 : i32
      %dma_wait3A_309 = arith.constant 0 : i32
      %dma_wait3A_310 = arith.constant 0 : i32
      %dma_wait3A_311 = arith.constant 0 : i32
      %dma_wait3A_312 = tpu.memref_slice %arg8[%dma_wait3A_308, %dma_wait3A_310, %dma_wait3A_311] : memref<2x125x128xf32, #tpu.memory_space<vmem>> -> memref<1x125x128xf32, #tpu.memory_space<vmem>>
      %dma_wait3A_313 = tpu.memref_squeeze %dma_wait3A_312 : memref<1x125x128xf32, #tpu.memory_space<vmem>> -> memref<125x128xf32, #tpu.memory_space<vmem>>
      %dma_wait3A_314 = arith.constant 0 : i32
      %dma_wait3A_315 = arith.constant 0 : i32
      %dma_wait3A_316 = tpu.memref_slice %arg2[%dma_wait3A_314, %dma_wait3A_315] : memref<10000x128xf32, #tpu.memory_space<hbm>> -> memref<125x128xf32, #tpu.memory_space<hbm>>
      %dma_wait3A_317 = tpu.memref_slice %arg10[%dma_wait3A_309] : memref<2x!tpu.dma_semaphore, #tpu.memory_space<semaphore_mem>> -> memref<1x!tpu.dma_semaphore, #tpu.memory_space<semaphore_mem>>
      %dma_wait3A_318 = tpu.memref_squeeze %dma_wait3A_317 : memref<1x!tpu.dma_semaphore, #tpu.memory_space<semaphore_mem>> -> memref<!tpu.dma_semaphore, #tpu.memory_space<semaphore_mem>>
      %dma_wait3A_319 = arith.constant 0 : i32
      %dma_wait3A_320 = arith.constant 0 : i32
      %dma_wait3A_321 = tpu.memref_slice %arg8[%dma_wait3A_308, %dma_wait3A_319, %dma_wait3A_320] : memref<2x125x128xf32, #tpu.memory_space<vmem>> -> memref<1x125x128xf32, #tpu.memory_space<vmem>>
      %dma_wait3A_322 = tpu.memref_squeeze %dma_wait3A_321 : memref<1x125x128xf32, #tpu.memory_space<vmem>> -> memref<125x128xf32, #tpu.memory_space<vmem>>
      %dma_wait3A_323 = arith.constant 0 : i32
      %dma_wait3A_324 = arith.constant 0 : i32
      %dma_wait3A_325 = tpu.memref_slice %arg2[%dma_wait3A_323, %dma_wait3A_324] : memref<10000x128xf32, #tpu.memory_space<hbm>> -> memref<125x128xf32, #tpu.memory_space<hbm>>
      tpu.wait_dma2 semaphore(%dma_wait3A_318 : memref<!tpu.dma_semaphore, #tpu.memory_space<semaphore_mem>>) src(%dma_wait3A_325 : memref<125x128xf32, #tpu.memory_space<hbm>>) dst(%dma_wait3A_322 : memref<125x128xf32, #tpu.memory_space<vmem>>)
      %dma_start3A_326 = arith.constant 0 : i32
      %dma_start3A_327 = arith.constant 4 : i32
      %dma_start3A_328 = arith.constant 0 : i32
      %dma_start3A_329 = arith.constant 0 : i32
      %dma_start3A_330 = arith.constant 0 : i32
      %dma_start3A_331 = tpu.memref_slice %arg8[%dma_start3A_326, %dma_start3A_329, %dma_start3A_330] : memref<2x125x128xf32, #tpu.memory_space<vmem>> -> memref<1x125x128xf32, #tpu.memory_space<vmem>>
      %dma_start3A_332 = tpu.memref_squeeze %dma_start3A_331 : memref<1x125x128xf32, #tpu.memory_space<vmem>> -> memref<125x128xf32, #tpu.memory_space<vmem>>
      %dma_start3A_333 = arith.constant 0 : i32
      %dma_start3A_334 = tpu.memref_slice %arg7[%rem3A_96, %dma_start3A_327, %dma_start3A_333] : memref<2x8x125xi32, #tpu.memory_space<vmem>> -> memref<1x1x125xi32, #tpu.memory_space<vmem>>
      %dma_start3A_335 = tpu.memref_squeeze %dma_start3A_334 : memref<1x1x125xi32, #tpu.memory_space<vmem>> -> memref<125xi32, #tpu.memory_space<vmem>>
      %dma_start3A_336 = arith.constant 0 : i32
      %dma_start3A_337 = arith.constant 0 : i32
      %dma_start3A_338 = tpu.memref_slice %arg9[%dma_start3A_336, %dma_start3A_337] : memref<10000x128xf32, #tpu.memory_space<vmem_shared>> -> memref<10000x128xf32, #tpu.memory_space<vmem_shared>>
      %dma_start3A_339 = tpu.memref_slice %arg11[%dma_start3A_328] : memref<2x!tpu.dma_semaphore, #tpu.memory_space<semaphore_mem>> -> memref<1x!tpu.dma_semaphore, #tpu.memory_space<semaphore_mem>>
      %dma_start3A_340 = tpu.memref_squeeze %dma_start3A_339 : memref<1x!tpu.dma_semaphore, #tpu.memory_space<semaphore_mem>> -> memref<!tpu.dma_semaphore, #tpu.memory_space<semaphore_mem>>
      tpu.enqueue_indirect_dma source(%dma_start3A_332 : memref<125x128xf32, #tpu.memory_space<vmem>>) target(%dma_start3A_338 : memref<10000x128xf32, #tpu.memory_space<vmem_shared>>) offsets(%dma_start3A_335 : memref<125xi32, #tpu.memory_space<vmem>>) semaphore(%dma_start3A_340 : memref<!tpu.dma_semaphore, #tpu.memory_space<semaphore_mem>>) {add = true}
      %mul3A_341 = arith.constant 8 : i32
      %mul3A_342 = arith.muli %scan3A_94, %mul3A_341 : i32
      %add3A_343 = arith.constant 5 : i32
      %add3A_344 = arith.addi %mul3A_342, %add3A_343 : i32
      %add3A_345 = arith.constant 1 : i32
      %add3A_346 = arith.addi %add3A_344, %add3A_345 : i32
      %lt3A_347 = arith.constant 80 : i32
      %lt3A_348 = arith.cmpi slt, %add3A_346, %lt3A_347 : i32
      %convert_element_type3A_349 = arith.extui %lt3A_348 : i1 to i32
      %cond3A_350 = arith.constant 0 : i32
      %cond3A_351 = arith.cmpi ne, %convert_element_type3A_349, %cond3A_350 : i32
      scf.if %cond3A_351 {
        %add3A_474 = arith.constant 1 : i32
        %add3A_475 = arith.addi %add3A_344, %add3A_474 : i32
        %ge3A = arith.constant 2 : i32
        %ge3A_476 = arith.cmpi sge, %add3A_475, %ge3A : i32
        %convert_element_type3A_477 = arith.extui %ge3A_476 : i1 to i32
        %cond3A_478 = arith.constant 0 : i32
        %cond3A_479 = arith.cmpi ne, %convert_element_type3A_477, %cond3A_478 : i32
        scf.if %cond3A_479 {
          %dma_wait3A_496 = arith.constant 0 : i32
          %dma_wait3A_497 = arith.constant 0 : i32
          %dma_wait3A_498 = arith.constant 0 : i32
          %dma_wait3A_499 = arith.constant 0 : i32
          %dma_wait3A_500 = tpu.memref_slice %arg8[%dma_wait3A_496, %dma_wait3A_498, %dma_wait3A_499] : memref<2x125x128xf32, #tpu.memory_space<vmem>> -> memref<1x125x128xf32, #tpu.memory_space<vmem>>
          %dma_wait3A_501 = tpu.memref_squeeze %dma_wait3A_500 : memref<1x125x128xf32, #tpu.memory_space<vmem>> -> memref<125x128xf32, #tpu.memory_space<vmem>>
          %dma_wait3A_502 = arith.constant 0 : i32
          %dma_wait3A_503 = arith.constant 0 : i32
          %dma_wait3A_504 = tpu.memref_slice %arg2[%dma_wait3A_502, %dma_wait3A_503] : memref<10000x128xf32, #tpu.memory_space<hbm>> -> memref<125x128xf32, #tpu.memory_space<hbm>>
          %dma_wait3A_505 = tpu.memref_slice %arg11[%dma_wait3A_497] : memref<2x!tpu.dma_semaphore, #tpu.memory_space<semaphore_mem>> -> memref<1x!tpu.dma_semaphore, #tpu.memory_space<semaphore_mem>>
          %dma_wait3A_506 = tpu.memref_squeeze %dma_wait3A_505 : memref<1x!tpu.dma_semaphore, #tpu.memory_space<semaphore_mem>> -> memref<!tpu.dma_semaphore, #tpu.memory_space<semaphore_mem>>
          %dma_wait3A_507 = arith.constant 0 : i32
          %dma_wait3A_508 = arith.constant 0 : i32
          %dma_wait3A_509 = tpu.memref_slice %arg8[%dma_wait3A_496, %dma_wait3A_507, %dma_wait3A_508] : memref<2x125x128xf32, #tpu.memory_space<vmem>> -> memref<1x125x128xf32, #tpu.memory_space<vmem>>
          %dma_wait3A_510 = tpu.memref_squeeze %dma_wait3A_509 : memref<1x125x128xf32, #tpu.memory_space<vmem>> -> memref<125x128xf32, #tpu.memory_space<vmem>>
          %dma_wait3A_511 = arith.constant 0 : i32
          %dma_wait3A_512 = arith.constant 0 : i32
          %dma_wait3A_513 = tpu.memref_slice %arg2[%dma_wait3A_511, %dma_wait3A_512] : memref<10000x128xf32, #tpu.memory_space<hbm>> -> memref<125x128xf32, #tpu.memory_space<hbm>>
          tpu.wait_dma2 semaphore(%dma_wait3A_506 : memref<!tpu.dma_semaphore, #tpu.memory_space<semaphore_mem>>) src(%dma_wait3A_513 : memref<125x128xf32, #tpu.memory_space<hbm>>) dst(%dma_wait3A_510 : memref<125x128xf32, #tpu.memory_space<vmem>>)
        } else {
        }
        %add3A_480 = arith.constant 1 : i32
        %add3A_481 = arith.addi %add3A_344, %add3A_480 : i32
        %dma_start3A_482 = arith.constant 0 : i32
        %dma_start3A_483 = arith.constant 0 : i32
        %dma_start3A_484 = arith.constant 0 : i32
        %dma_start3A_485 = arith.constant 0 : i32
        %dma_start3A_486 = tpu.memref_slice %arg8[%dma_start3A_482, %dma_start3A_484, %dma_start3A_485] : memref<2x125x128xf32, #tpu.memory_space<vmem>> -> memref<1x125x128xf32, #tpu.memory_space<vmem>>
        %dma_start3A_487 = tpu.memref_squeeze %dma_start3A_486 : memref<1x125x128xf32, #tpu.memory_space<vmem>> -> memref<125x128xf32, #tpu.memory_space<vmem>>
        %dma_start3A_488 = arith.constant 0 : i32
        %dma_start3A_489 = tpu.memref_slice %arg6[%add3A_481, %dma_start3A_488] : memref<80x125xi32, #tpu.memory_space<vmem>> -> memref<1x125xi32, #tpu.memory_space<vmem>>
        %dma_start3A_490 = tpu.memref_squeeze %dma_start3A_489 : memref<1x125xi32, #tpu.memory_space<vmem>> -> memref<125xi32, #tpu.memory_space<vmem>>
        %dma_start3A_491 = arith.constant 0 : i32
        %dma_start3A_492 = arith.constant 0 : i32
        %dma_start3A_493 = tpu.memref_slice %arg2[%dma_start3A_491, %dma_start3A_492] : memref<10000x128xf32, #tpu.memory_space<hbm>> -> memref<10000x128xf32, #tpu.memory_space<hbm>>
        %dma_start3A_494 = tpu.memref_slice %arg10[%dma_start3A_483] : memref<2x!tpu.dma_semaphore, #tpu.memory_space<semaphore_mem>> -> memref<1x!tpu.dma_semaphore, #tpu.memory_space<semaphore_mem>>
        %dma_start3A_495 = tpu.memref_squeeze %dma_start3A_494 : memref<1x!tpu.dma_semaphore, #tpu.memory_space<semaphore_mem>> -> memref<!tpu.dma_semaphore, #tpu.memory_space<semaphore_mem>>
        tpu.enqueue_indirect_dma source(%dma_start3A_493 : memref<10000x128xf32, #tpu.memory_space<hbm>>) target(%dma_start3A_487 : memref<125x128xf32, #tpu.memory_space<vmem>>) offsets(%dma_start3A_490 : memref<125xi32, #tpu.memory_space<vmem>>) semaphore(%dma_start3A_495 : memref<!tpu.dma_semaphore, #tpu.memory_space<semaphore_mem>>)
      } else {
      }
      %dma_wait3A_352 = arith.constant 0 : i32
      %dma_wait3A_353 = arith.constant 1 : i32
      %dma_wait3A_354 = arith.constant 0 : i32
      %dma_wait3A_355 = arith.constant 0 : i32
      %dma_wait3A_356 = tpu.memref_slice %arg8[%dma_wait3A_352, %dma_wait3A_354, %dma_wait3A_355] : memref<2x125x128xf32, #tpu.memory_space<vmem>> -> memref<1x125x128xf32, #tpu.memory_space<vmem>>
      %dma_wait3A_357 = tpu.memref_squeeze %dma_wait3A_356 : memref<1x125x128xf32, #tpu.memory_space<vmem>> -> memref<125x128xf32, #tpu.memory_space<vmem>>
      %dma_wait3A_358 = arith.constant 0 : i32
      %dma_wait3A_359 = arith.constant 0 : i32
      %dma_wait3A_360 = tpu.memref_slice %arg2[%dma_wait3A_358, %dma_wait3A_359] : memref<10000x128xf32, #tpu.memory_space<hbm>> -> memref<125x128xf32, #tpu.memory_space<hbm>>
      %dma_wait3A_361 = tpu.memref_slice %arg10[%dma_wait3A_353] : memref<2x!tpu.dma_semaphore, #tpu.memory_space<semaphore_mem>> -> memref<1x!tpu.dma_semaphore, #tpu.memory_space<semaphore_mem>>
      %dma_wait3A_362 = tpu.memref_squeeze %dma_wait3A_361 : memref<1x!tpu.dma_semaphore, #tpu.memory_space<semaphore_mem>> -> memref<!tpu.dma_semaphore, #tpu.memory_space<semaphore_mem>>
      %dma_wait3A_363 = arith.constant 0 : i32
      %dma_wait3A_364 = arith.constant 0 : i32
      %dma_wait3A_365 = tpu.memref_slice %arg8[%dma_wait3A_352, %dma_wait3A_363, %dma_wait3A_364] : memref<2x125x128xf32, #tpu.memory_space<vmem>> -> memref<1x125x128xf32, #tpu.memory_space<vmem>>
      %dma_wait3A_366 = tpu.memref_squeeze %dma_wait3A_365 : memref<1x125x128xf32, #tpu.memory_space<vmem>> -> memref<125x128xf32, #tpu.memory_space<vmem>>
      %dma_wait3A_367 = arith.constant 0 : i32
      %dma_wait3A_368 = arith.constant 0 : i32
      %dma_wait3A_369 = tpu.memref_slice %arg2[%dma_wait3A_367, %dma_wait3A_368] : memref<10000x128xf32, #tpu.memory_space<hbm>> -> memref<125x128xf32, #tpu.memory_space<hbm>>
      tpu.wait_dma2 semaphore(%dma_wait3A_362 : memref<!tpu.dma_semaphore, #tpu.memory_space<semaphore_mem>>) src(%dma_wait3A_369 : memref<125x128xf32, #tpu.memory_space<hbm>>) dst(%dma_wait3A_366 : memref<125x128xf32, #tpu.memory_space<vmem>>)
      %dma_start3A_370 = arith.constant 1 : i32
      %dma_start3A_371 = arith.constant 5 : i32
      %dma_start3A_372 = arith.constant 1 : i32
      %dma_start3A_373 = arith.constant 0 : i32
      %dma_start3A_374 = arith.constant 0 : i32
      %dma_start3A_375 = tpu.memref_slice %arg8[%dma_start3A_370, %dma_start3A_373, %dma_start3A_374] : memref<2x125x128xf32, #tpu.memory_space<vmem>> -> memref<1x125x128xf32, #tpu.memory_space<vmem>>
      %dma_start3A_376 = tpu.memref_squeeze %dma_start3A_375 : memref<1x125x128xf32, #tpu.memory_space<vmem>> -> memref<125x128xf32, #tpu.memory_space<vmem>>
      %dma_start3A_377 = arith.constant 0 : i32
      %dma_start3A_378 = tpu.memref_slice %arg7[%rem3A_96, %dma_start3A_371, %dma_start3A_377] : memref<2x8x125xi32, #tpu.memory_space<vmem>> -> memref<1x1x125xi32, #tpu.memory_space<vmem>>
      %dma_start3A_379 = tpu.memref_squeeze %dma_start3A_378 : memref<1x1x125xi32, #tpu.memory_space<vmem>> -> memref<125xi32, #tpu.memory_space<vmem>>
      %dma_start3A_380 = arith.constant 0 : i32
      %dma_start3A_381 = arith.constant 0 : i32
      %dma_start3A_382 = tpu.memref_slice %arg9[%dma_start3A_380, %dma_start3A_381] : memref<10000x128xf32, #tpu.memory_space<vmem_shared>> -> memref<10000x128xf32, #tpu.memory_space<vmem_shared>>
      %dma_start3A_383 = tpu.memref_slice %arg11[%dma_start3A_372] : memref<2x!tpu.dma_semaphore, #tpu.memory_space<semaphore_mem>> -> memref<1x!tpu.dma_semaphore, #tpu.memory_space<semaphore_mem>>
      %dma_start3A_384 = tpu.memref_squeeze %dma_start3A_383 : memref<1x!tpu.dma_semaphore, #tpu.memory_space<semaphore_mem>> -> memref<!tpu.dma_semaphore, #tpu.memory_space<semaphore_mem>>
      tpu.enqueue_indirect_dma source(%dma_start3A_376 : memref<125x128xf32, #tpu.memory_space<vmem>>) target(%dma_start3A_382 : memref<10000x128xf32, #tpu.memory_space<vmem_shared>>) offsets(%dma_start3A_379 : memref<125xi32, #tpu.memory_space<vmem>>) semaphore(%dma_start3A_384 : memref<!tpu.dma_semaphore, #tpu.memory_space<semaphore_mem>>) {add = true}
      %mul3A_385 = arith.constant 8 : i32
      %mul3A_386 = arith.muli %scan3A_94, %mul3A_385 : i32
      %add3A_387 = arith.constant 6 : i32
      %add3A_388 = arith.addi %mul3A_386, %add3A_387 : i32
      %add3A_389 = arith.constant 1 : i32
      %add3A_390 = arith.addi %add3A_388, %add3A_389 : i32
      %lt3A_391 = arith.constant 80 : i32
      %lt3A_392 = arith.cmpi slt, %add3A_390, %lt3A_391 : i32
      %convert_element_type3A_393 = arith.extui %lt3A_392 : i1 to i32
      %cond3A_394 = arith.constant 0 : i32
      %cond3A_395 = arith.cmpi ne, %convert_element_type3A_393, %cond3A_394 : i32
      scf.if %cond3A_395 {
        %add3A_474 = arith.constant 1 : i32
        %add3A_475 = arith.addi %add3A_388, %add3A_474 : i32
        %ge3A = arith.constant 2 : i32
        %ge3A_476 = arith.cmpi sge, %add3A_475, %ge3A : i32
        %convert_element_type3A_477 = arith.extui %ge3A_476 : i1 to i32
        %cond3A_478 = arith.constant 0 : i32
        %cond3A_479 = arith.cmpi ne, %convert_element_type3A_477, %cond3A_478 : i32
        scf.if %cond3A_479 {
          %dma_wait3A_496 = arith.constant 0 : i32
          %dma_wait3A_497 = arith.constant 1 : i32
          %dma_wait3A_498 = arith.constant 0 : i32
          %dma_wait3A_499 = arith.constant 0 : i32
          %dma_wait3A_500 = tpu.memref_slice %arg8[%dma_wait3A_496, %dma_wait3A_498, %dma_wait3A_499] : memref<2x125x128xf32, #tpu.memory_space<vmem>> -> memref<1x125x128xf32, #tpu.memory_space<vmem>>
          %dma_wait3A_501 = tpu.memref_squeeze %dma_wait3A_500 : memref<1x125x128xf32, #tpu.memory_space<vmem>> -> memref<125x128xf32, #tpu.memory_space<vmem>>
          %dma_wait3A_502 = arith.constant 0 : i32
          %dma_wait3A_503 = arith.constant 0 : i32
          %dma_wait3A_504 = tpu.memref_slice %arg2[%dma_wait3A_502, %dma_wait3A_503] : memref<10000x128xf32, #tpu.memory_space<hbm>> -> memref<125x128xf32, #tpu.memory_space<hbm>>
          %dma_wait3A_505 = tpu.memref_slice %arg11[%dma_wait3A_497] : memref<2x!tpu.dma_semaphore, #tpu.memory_space<semaphore_mem>> -> memref<1x!tpu.dma_semaphore, #tpu.memory_space<semaphore_mem>>
          %dma_wait3A_506 = tpu.memref_squeeze %dma_wait3A_505 : memref<1x!tpu.dma_semaphore, #tpu.memory_space<semaphore_mem>> -> memref<!tpu.dma_semaphore, #tpu.memory_space<semaphore_mem>>
          %dma_wait3A_507 = arith.constant 0 : i32
          %dma_wait3A_508 = arith.constant 0 : i32
          %dma_wait3A_509 = tpu.memref_slice %arg8[%dma_wait3A_496, %dma_wait3A_507, %dma_wait3A_508] : memref<2x125x128xf32, #tpu.memory_space<vmem>> -> memref<1x125x128xf32, #tpu.memory_space<vmem>>
          %dma_wait3A_510 = tpu.memref_squeeze %dma_wait3A_509 : memref<1x125x128xf32, #tpu.memory_space<vmem>> -> memref<125x128xf32, #tpu.memory_space<vmem>>
          %dma_wait3A_511 = arith.constant 0 : i32
          %dma_wait3A_512 = arith.constant 0 : i32
          %dma_wait3A_513 = tpu.memref_slice %arg2[%dma_wait3A_511, %dma_wait3A_512] : memref<10000x128xf32, #tpu.memory_space<hbm>> -> memref<125x128xf32, #tpu.memory_space<hbm>>
          tpu.wait_dma2 semaphore(%dma_wait3A_506 : memref<!tpu.dma_semaphore, #tpu.memory_space<semaphore_mem>>) src(%dma_wait3A_513 : memref<125x128xf32, #tpu.memory_space<hbm>>) dst(%dma_wait3A_510 : memref<125x128xf32, #tpu.memory_space<vmem>>)
        } else {
        }
        %add3A_480 = arith.constant 1 : i32
        %add3A_481 = arith.addi %add3A_388, %add3A_480 : i32
        %dma_start3A_482 = arith.constant 1 : i32
        %dma_start3A_483 = arith.constant 1 : i32
        %dma_start3A_484 = arith.constant 0 : i32
        %dma_start3A_485 = arith.constant 0 : i32
        %dma_start3A_486 = tpu.memref_slice %arg8[%dma_start3A_482, %dma_start3A_484, %dma_start3A_485] : memref<2x125x128xf32, #tpu.memory_space<vmem>> -> memref<1x125x128xf32, #tpu.memory_space<vmem>>
        %dma_start3A_487 = tpu.memref_squeeze %dma_start3A_486 : memref<1x125x128xf32, #tpu.memory_space<vmem>> -> memref<125x128xf32, #tpu.memory_space<vmem>>
        %dma_start3A_488 = arith.constant 0 : i32
        %dma_start3A_489 = tpu.memref_slice %arg6[%add3A_481, %dma_start3A_488] : memref<80x125xi32, #tpu.memory_space<vmem>> -> memref<1x125xi32, #tpu.memory_space<vmem>>
        %dma_start3A_490 = tpu.memref_squeeze %dma_start3A_489 : memref<1x125xi32, #tpu.memory_space<vmem>> -> memref<125xi32, #tpu.memory_space<vmem>>
        %dma_start3A_491 = arith.constant 0 : i32
        %dma_start3A_492 = arith.constant 0 : i32
        %dma_start3A_493 = tpu.memref_slice %arg2[%dma_start3A_491, %dma_start3A_492] : memref<10000x128xf32, #tpu.memory_space<hbm>> -> memref<10000x128xf32, #tpu.memory_space<hbm>>
        %dma_start3A_494 = tpu.memref_slice %arg10[%dma_start3A_483] : memref<2x!tpu.dma_semaphore, #tpu.memory_space<semaphore_mem>> -> memref<1x!tpu.dma_semaphore, #tpu.memory_space<semaphore_mem>>
        %dma_start3A_495 = tpu.memref_squeeze %dma_start3A_494 : memref<1x!tpu.dma_semaphore, #tpu.memory_space<semaphore_mem>> -> memref<!tpu.dma_semaphore, #tpu.memory_space<semaphore_mem>>
        tpu.enqueue_indirect_dma source(%dma_start3A_493 : memref<10000x128xf32, #tpu.memory_space<hbm>>) target(%dma_start3A_487 : memref<125x128xf32, #tpu.memory_space<vmem>>) offsets(%dma_start3A_490 : memref<125xi32, #tpu.memory_space<vmem>>) semaphore(%dma_start3A_495 : memref<!tpu.dma_semaphore, #tpu.memory_space<semaphore_mem>>)
      } else {
      }
      %dma_wait3A_396 = arith.constant 0 : i32
      %dma_wait3A_397 = arith.constant 0 : i32
      %dma_wait3A_398 = arith.constant 0 : i32
      %dma_wait3A_399 = arith.constant 0 : i32
      %dma_wait3A_400 = tpu.memref_slice %arg8[%dma_wait3A_396, %dma_wait3A_398, %dma_wait3A_399] : memref<2x125x128xf32, #tpu.memory_space<vmem>> -> memref<1x125x128xf32, #tpu.memory_space<vmem>>
      %dma_wait3A_401 = tpu.memref_squeeze %dma_wait3A_400 : memref<1x125x128xf32, #tpu.memory_space<vmem>> -> memref<125x128xf32, #tpu.memory_space<vmem>>
      %dma_wait3A_402 = arith.constant 0 : i32
      %dma_wait3A_403 = arith.constant 0 : i32
      %dma_wait3A_404 = tpu.memref_slice %arg2[%dma_wait3A_402, %dma_wait3A_403] : memref<10000x128xf32, #tpu.memory_space<hbm>> -> memref<125x128xf32, #tpu.memory_space<hbm>>
      %dma_wait3A_405 = tpu.memref_slice %arg10[%dma_wait3A_397] : memref<2x!tpu.dma_semaphore, #tpu.memory_space<semaphore_mem>> -> memref<1x!tpu.dma_semaphore, #tpu.memory_space<semaphore_mem>>
      %dma_wait3A_406 = tpu.memref_squeeze %dma_wait3A_405 : memref<1x!tpu.dma_semaphore, #tpu.memory_space<semaphore_mem>> -> memref<!tpu.dma_semaphore, #tpu.memory_space<semaphore_mem>>
      %dma_wait3A_407 = arith.constant 0 : i32
      %dma_wait3A_408 = arith.constant 0 : i32
      %dma_wait3A_409 = tpu.memref_slice %arg8[%dma_wait3A_396, %dma_wait3A_407, %dma_wait3A_408] : memref<2x125x128xf32, #tpu.memory_space<vmem>> -> memref<1x125x128xf32, #tpu.memory_space<vmem>>
      %dma_wait3A_410 = tpu.memref_squeeze %dma_wait3A_409 : memref<1x125x128xf32, #tpu.memory_space<vmem>> -> memref<125x128xf32, #tpu.memory_space<vmem>>
      %dma_wait3A_411 = arith.constant 0 : i32
      %dma_wait3A_412 = arith.constant 0 : i32
      %dma_wait3A_413 = tpu.memref_slice %arg2[%dma_wait3A_411, %dma_wait3A_412] : memref<10000x128xf32, #tpu.memory_space<hbm>> -> memref<125x128xf32, #tpu.memory_space<hbm>>
      tpu.wait_dma2 semaphore(%dma_wait3A_406 : memref<!tpu.dma_semaphore, #tpu.memory_space<semaphore_mem>>) src(%dma_wait3A_413 : memref<125x128xf32, #tpu.memory_space<hbm>>) dst(%dma_wait3A_410 : memref<125x128xf32, #tpu.memory_space<vmem>>)
      %dma_start3A_414 = arith.constant 0 : i32
      %dma_start3A_415 = arith.constant 6 : i32
      %dma_start3A_416 = arith.constant 0 : i32
      %dma_start3A_417 = arith.constant 0 : i32
      %dma_start3A_418 = arith.constant 0 : i32
      %dma_start3A_419 = tpu.memref_slice %arg8[%dma_start3A_414, %dma_start3A_417, %dma_start3A_418] : memref<2x125x128xf32, #tpu.memory_space<vmem>> -> memref<1x125x128xf32, #tpu.memory_space<vmem>>
      %dma_start3A_420 = tpu.memref_squeeze %dma_start3A_419 : memref<1x125x128xf32, #tpu.memory_space<vmem>> -> memref<125x128xf32, #tpu.memory_space<vmem>>
      %dma_start3A_421 = arith.constant 0 : i32
      %dma_start3A_422 = tpu.memref_slice %arg7[%rem3A_96, %dma_start3A_415, %dma_start3A_421] : memref<2x8x125xi32, #tpu.memory_space<vmem>> -> memref<1x1x125xi32, #tpu.memory_space<vmem>>
      %dma_start3A_423 = tpu.memref_squeeze %dma_start3A_422 : memref<1x1x125xi32, #tpu.memory_space<vmem>> -> memref<125xi32, #tpu.memory_space<vmem>>
      %dma_start3A_424 = arith.constant 0 : i32
      %dma_start3A_425 = arith.constant 0 : i32
      %dma_start3A_426 = tpu.memref_slice %arg9[%dma_start3A_424, %dma_start3A_425] : memref<10000x128xf32, #tpu.memory_space<vmem_shared>> -> memref<10000x128xf32, #tpu.memory_space<vmem_shared>>
      %dma_start3A_427 = tpu.memref_slice %arg11[%dma_start3A_416] : memref<2x!tpu.dma_semaphore, #tpu.memory_space<semaphore_mem>> -> memref<1x!tpu.dma_semaphore, #tpu.memory_space<semaphore_mem>>
      %dma_start3A_428 = tpu.memref_squeeze %dma_start3A_427 : memref<1x!tpu.dma_semaphore, #tpu.memory_space<semaphore_mem>> -> memref<!tpu.dma_semaphore, #tpu.memory_space<semaphore_mem>>
      tpu.enqueue_indirect_dma source(%dma_start3A_420 : memref<125x128xf32, #tpu.memory_space<vmem>>) target(%dma_start3A_426 : memref<10000x128xf32, #tpu.memory_space<vmem_shared>>) offsets(%dma_start3A_423 : memref<125xi32, #tpu.memory_space<vmem>>) semaphore(%dma_start3A_428 : memref<!tpu.dma_semaphore, #tpu.memory_space<semaphore_mem>>) {add = true}
      %mul3A_429 = arith.constant 8 : i32
      %mul3A_430 = arith.muli %scan3A_94, %mul3A_429 : i32
      %add3A_431 = arith.constant 7 : i32
      %add3A_432 = arith.addi %mul3A_430, %add3A_431 : i32
      %add3A_433 = arith.constant 1 : i32
      %add3A_434 = arith.addi %add3A_432, %add3A_433 : i32
      %lt3A_435 = arith.constant 80 : i32
      %lt3A_436 = arith.cmpi slt, %add3A_434, %lt3A_435 : i32
      %convert_element_type3A_437 = arith.extui %lt3A_436 : i1 to i32
      %cond3A_438 = arith.constant 0 : i32
      %cond3A_439 = arith.cmpi ne, %convert_element_type3A_437, %cond3A_438 : i32
      scf.if %cond3A_439 {
        %add3A_474 = arith.constant 1 : i32
        %add3A_475 = arith.addi %add3A_432, %add3A_474 : i32
        %ge3A = arith.constant 2 : i32
        %ge3A_476 = arith.cmpi sge, %add3A_475, %ge3A : i32
        %convert_element_type3A_477 = arith.extui %ge3A_476 : i1 to i32
        %cond3A_478 = arith.constant 0 : i32
        %cond3A_479 = arith.cmpi ne, %convert_element_type3A_477, %cond3A_478 : i32
        scf.if %cond3A_479 {
          %dma_wait3A_496 = arith.constant 0 : i32
          %dma_wait3A_497 = arith.constant 0 : i32
          %dma_wait3A_498 = arith.constant 0 : i32
          %dma_wait3A_499 = arith.constant 0 : i32
          %dma_wait3A_500 = tpu.memref_slice %arg8[%dma_wait3A_496, %dma_wait3A_498, %dma_wait3A_499] : memref<2x125x128xf32, #tpu.memory_space<vmem>> -> memref<1x125x128xf32, #tpu.memory_space<vmem>>
          %dma_wait3A_501 = tpu.memref_squeeze %dma_wait3A_500 : memref<1x125x128xf32, #tpu.memory_space<vmem>> -> memref<125x128xf32, #tpu.memory_space<vmem>>
          %dma_wait3A_502 = arith.constant 0 : i32
          %dma_wait3A_503 = arith.constant 0 : i32
          %dma_wait3A_504 = tpu.memref_slice %arg2[%dma_wait3A_502, %dma_wait3A_503] : memref<10000x128xf32, #tpu.memory_space<hbm>> -> memref<125x128xf32, #tpu.memory_space<hbm>>
          %dma_wait3A_505 = tpu.memref_slice %arg11[%dma_wait3A_497] : memref<2x!tpu.dma_semaphore, #tpu.memory_space<semaphore_mem>> -> memref<1x!tpu.dma_semaphore, #tpu.memory_space<semaphore_mem>>
          %dma_wait3A_506 = tpu.memref_squeeze %dma_wait3A_505 : memref<1x!tpu.dma_semaphore, #tpu.memory_space<semaphore_mem>> -> memref<!tpu.dma_semaphore, #tpu.memory_space<semaphore_mem>>
          %dma_wait3A_507 = arith.constant 0 : i32
          %dma_wait3A_508 = arith.constant 0 : i32
          %dma_wait3A_509 = tpu.memref_slice %arg8[%dma_wait3A_496, %dma_wait3A_507, %dma_wait3A_508] : memref<2x125x128xf32, #tpu.memory_space<vmem>> -> memref<1x125x128xf32, #tpu.memory_space<vmem>>
          %dma_wait3A_510 = tpu.memref_squeeze %dma_wait3A_509 : memref<1x125x128xf32, #tpu.memory_space<vmem>> -> memref<125x128xf32, #tpu.memory_space<vmem>>
          %dma_wait3A_511 = arith.constant 0 : i32
          %dma_wait3A_512 = arith.constant 0 : i32
          %dma_wait3A_513 = tpu.memref_slice %arg2[%dma_wait3A_511, %dma_wait3A_512] : memref<10000x128xf32, #tpu.memory_space<hbm>> -> memref<125x128xf32, #tpu.memory_space<hbm>>
          tpu.wait_dma2 semaphore(%dma_wait3A_506 : memref<!tpu.dma_semaphore, #tpu.memory_space<semaphore_mem>>) src(%dma_wait3A_513 : memref<125x128xf32, #tpu.memory_space<hbm>>) dst(%dma_wait3A_510 : memref<125x128xf32, #tpu.memory_space<vmem>>)
        } else {
        }
        %add3A_480 = arith.constant 1 : i32
        %add3A_481 = arith.addi %add3A_432, %add3A_480 : i32
        %dma_start3A_482 = arith.constant 0 : i32
        %dma_start3A_483 = arith.constant 0 : i32
        %dma_start3A_484 = arith.constant 0 : i32
        %dma_start3A_485 = arith.constant 0 : i32
        %dma_start3A_486 = tpu.memref_slice %arg8[%dma_start3A_482, %dma_start3A_484, %dma_start3A_485] : memref<2x125x128xf32, #tpu.memory_space<vmem>> -> memref<1x125x128xf32, #tpu.memory_space<vmem>>
        %dma_start3A_487 = tpu.memref_squeeze %dma_start3A_486 : memref<1x125x128xf32, #tpu.memory_space<vmem>> -> memref<125x128xf32, #tpu.memory_space<vmem>>
        %dma_start3A_488 = arith.constant 0 : i32
        %dma_start3A_489 = tpu.memref_slice %arg6[%add3A_481, %dma_start3A_488] : memref<80x125xi32, #tpu.memory_space<vmem>> -> memref<1x125xi32, #tpu.memory_space<vmem>>
        %dma_start3A_490 = tpu.memref_squeeze %dma_start3A_489 : memref<1x125xi32, #tpu.memory_space<vmem>> -> memref<125xi32, #tpu.memory_space<vmem>>
        %dma_start3A_491 = arith.constant 0 : i32
        %dma_start3A_492 = arith.constant 0 : i32
        %dma_start3A_493 = tpu.memref_slice %arg2[%dma_start3A_491, %dma_start3A_492] : memref<10000x128xf32, #tpu.memory_space<hbm>> -> memref<10000x128xf32, #tpu.memory_space<hbm>>
        %dma_start3A_494 = tpu.memref_slice %arg10[%dma_start3A_483] : memref<2x!tpu.dma_semaphore, #tpu.memory_space<semaphore_mem>> -> memref<1x!tpu.dma_semaphore, #tpu.memory_space<semaphore_mem>>
        %dma_start3A_495 = tpu.memref_squeeze %dma_start3A_494 : memref<1x!tpu.dma_semaphore, #tpu.memory_space<semaphore_mem>> -> memref<!tpu.dma_semaphore, #tpu.memory_space<semaphore_mem>>
        tpu.enqueue_indirect_dma source(%dma_start3A_493 : memref<10000x128xf32, #tpu.memory_space<hbm>>) target(%dma_start3A_487 : memref<125x128xf32, #tpu.memory_space<vmem>>) offsets(%dma_start3A_490 : memref<125xi32, #tpu.memory_space<vmem>>) semaphore(%dma_start3A_495 : memref<!tpu.dma_semaphore, #tpu.memory_space<semaphore_mem>>)
      } else {
      }
      %dma_wait3A_440 = arith.constant 0 : i32
      %dma_wait3A_441 = arith.constant 1 : i32
      %dma_wait3A_442 = arith.constant 0 : i32
      %dma_wait3A_443 = arith.constant 0 : i32
      %dma_wait3A_444 = tpu.memref_slice %arg8[%dma_wait3A_440, %dma_wait3A_442, %dma_wait3A_443] : memref<2x125x128xf32, #tpu.memory_space<vmem>> -> memref<1x125x128xf32, #tpu.memory_space<vmem>>
      %dma_wait3A_445 = tpu.memref_squeeze %dma_wait3A_444 : memref<1x125x128xf32, #tpu.memory_space<vmem>> -> memref<125x128xf32, #tpu.memory_space<vmem>>
      %dma_wait3A_446 = arith.constant 0 : i32
      %dma_wait3A_447 = arith.constant 0 : i32
      %dma_wait3A_448 = tpu.memref_slice %arg2[%dma_wait3A_446, %dma_wait3A_447] : memref<10000x128xf32, #tpu.memory_space<hbm>> -> memref<125x128xf32, #tpu.memory_space<hbm>>
      %dma_wait3A_449 = tpu.memref_slice %arg10[%dma_wait3A_441] : memref<2x!tpu.dma_semaphore, #tpu.memory_space<semaphore_mem>> -> memref<1x!tpu.dma_semaphore, #tpu.memory_space<semaphore_mem>>
      %dma_wait3A_450 = tpu.memref_squeeze %dma_wait3A_449 : memref<1x!tpu.dma_semaphore, #tpu.memory_space<semaphore_mem>> -> memref<!tpu.dma_semaphore, #tpu.memory_space<semaphore_mem>>
      %dma_wait3A_451 = arith.constant 0 : i32
      %dma_wait3A_452 = arith.constant 0 : i32
      %dma_wait3A_453 = tpu.memref_slice %arg8[%dma_wait3A_440, %dma_wait3A_451, %dma_wait3A_452] : memref<2x125x128xf32, #tpu.memory_space<vmem>> -> memref<1x125x128xf32, #tpu.memory_space<vmem>>
      %dma_wait3A_454 = tpu.memref_squeeze %dma_wait3A_453 : memref<1x125x128xf32, #tpu.memory_space<vmem>> -> memref<125x128xf32, #tpu.memory_space<vmem>>
      %dma_wait3A_455 = arith.constant 0 : i32
      %dma_wait3A_456 = arith.constant 0 : i32
      %dma_wait3A_457 = tpu.memref_slice %arg2[%dma_wait3A_455, %dma_wait3A_456] : memref<10000x128xf32, #tpu.memory_space<hbm>> -> memref<125x128xf32, #tpu.memory_space<hbm>>
      tpu.wait_dma2 semaphore(%dma_wait3A_450 : memref<!tpu.dma_semaphore, #tpu.memory_space<semaphore_mem>>) src(%dma_wait3A_457 : memref<125x128xf32, #tpu.memory_space<hbm>>) dst(%dma_wait3A_454 : memref<125x128xf32, #tpu.memory_space<vmem>>)
      %dma_start3A_458 = arith.constant 1 : i32
      %dma_start3A_459 = arith.constant 7 : i32
      %dma_start3A_460 = arith.constant 1 : i32
      %dma_start3A_461 = arith.constant 0 : i32
      %dma_start3A_462 = arith.constant 0 : i32
      %dma_start3A_463 = tpu.memref_slice %arg8[%dma_start3A_458, %dma_start3A_461, %dma_start3A_462] : memref<2x125x128xf32, #tpu.memory_space<vmem>> -> memref<1x125x128xf32, #tpu.memory_space<vmem>>
      %dma_start3A_464 = tpu.memref_squeeze %dma_start3A_463 : memref<1x125x128xf32, #tpu.memory_space<vmem>> -> memref<125x128xf32, #tpu.memory_space<vmem>>
      %dma_start3A_465 = arith.constant 0 : i32
      %dma_start3A_466 = tpu.memref_slice %arg7[%rem3A_96, %dma_start3A_459, %dma_start3A_465] : memref<2x8x125xi32, #tpu.memory_space<vmem>> -> memref<1x1x125xi32, #tpu.memory_space<vmem>>
      %dma_start3A_467 = tpu.memref_squeeze %dma_start3A_466 : memref<1x1x125xi32, #tpu.memory_space<vmem>> -> memref<125xi32, #tpu.memory_space<vmem>>
      %dma_start3A_468 = arith.constant 0 : i32
      %dma_start3A_469 = arith.constant 0 : i32
      %dma_start3A_470 = tpu.memref_slice %arg9[%dma_start3A_468, %dma_start3A_469] : memref<10000x128xf32, #tpu.memory_space<vmem_shared>> -> memref<10000x128xf32, #tpu.memory_space<vmem_shared>>
      %dma_start3A_471 = tpu.memref_slice %arg11[%dma_start3A_460] : memref<2x!tpu.dma_semaphore, #tpu.memory_space<semaphore_mem>> -> memref<1x!tpu.dma_semaphore, #tpu.memory_space<semaphore_mem>>
      %dma_start3A_472 = tpu.memref_squeeze %dma_start3A_471 : memref<1x!tpu.dma_semaphore, #tpu.memory_space<semaphore_mem>> -> memref<!tpu.dma_semaphore, #tpu.memory_space<semaphore_mem>>
      tpu.enqueue_indirect_dma source(%dma_start3A_464 : memref<125x128xf32, #tpu.memory_space<vmem>>) target(%dma_start3A_470 : memref<10000x128xf32, #tpu.memory_space<vmem_shared>>) offsets(%dma_start3A_467 : memref<125xi32, #tpu.memory_space<vmem>>) semaphore(%dma_start3A_472 : memref<!tpu.dma_semaphore, #tpu.memory_space<semaphore_mem>>) {add = true}
      %scan3A_473 = arith.constant 0 : i32
      scf.yield %scan3A_473 : i32
    }
    %scan3A_50 = arith.constant 10 : i32
    %dma_wait3A = arith.constant 0 : i32
    %dma_wait3A_51 = arith.constant 0 : i32
    %dma_wait3A_52 = arith.constant 0 : i32
    %dma_wait3A_53 = arith.constant 0 : i32
    %dma_wait3A_54 = tpu.memref_slice %arg8[%dma_wait3A, %dma_wait3A_52, %dma_wait3A_53] : memref<2x125x128xf32, #tpu.memory_space<vmem>> -> memref<1x125x128xf32, #tpu.memory_space<vmem>>
    %dma_wait3A_55 = tpu.memref_squeeze %dma_wait3A_54 : memref<1x125x128xf32, #tpu.memory_space<vmem>> -> memref<125x128xf32, #tpu.memory_space<vmem>>
    %dma_wait3A_56 = arith.constant 0 : i32
    %dma_wait3A_57 = arith.constant 0 : i32
    %dma_wait3A_58 = tpu.memref_slice %arg2[%dma_wait3A_56, %dma_wait3A_57] : memref<10000x128xf32, #tpu.memory_space<hbm>> -> memref<125x128xf32, #tpu.memory_space<hbm>>
    %dma_wait3A_59 = tpu.memref_slice %arg11[%dma_wait3A_51] : memref<2x!tpu.dma_semaphore, #tpu.memory_space<semaphore_mem>> -> memref<1x!tpu.dma_semaphore, #tpu.memory_space<semaphore_mem>>
    %dma_wait3A_60 = tpu.memref_squeeze %dma_wait3A_59 : memref<1x!tpu.dma_semaphore, #tpu.memory_space<semaphore_mem>> -> memref<!tpu.dma_semaphore, #tpu.memory_space<semaphore_mem>>
    %dma_wait3A_61 = arith.constant 0 : i32
    %dma_wait3A_62 = arith.constant 0 : i32
    %dma_wait3A_63 = tpu.memref_slice %arg8[%dma_wait3A, %dma_wait3A_61, %dma_wait3A_62] : memref<2x125x128xf32, #tpu.memory_space<vmem>> -> memref<1x125x128xf32, #tpu.memory_space<vmem>>
    %dma_wait3A_64 = tpu.memref_squeeze %dma_wait3A_63 : memref<1x125x128xf32, #tpu.memory_space<vmem>> -> memref<125x128xf32, #tpu.memory_space<vmem>>
    %dma_wait3A_65 = arith.constant 0 : i32
    %dma_wait3A_66 = arith.constant 0 : i32
    %dma_wait3A_67 = tpu.memref_slice %arg2[%dma_wait3A_65, %dma_wait3A_66] : memref<10000x128xf32, #tpu.memory_space<hbm>> -> memref<125x128xf32, #tpu.memory_space<hbm>>
    tpu.wait_dma2 semaphore(%dma_wait3A_60 : memref<!tpu.dma_semaphore, #tpu.memory_space<semaphore_mem>>) src(%dma_wait3A_67 : memref<125x128xf32, #tpu.memory_space<hbm>>) dst(%dma_wait3A_64 : memref<125x128xf32, #tpu.memory_space<vmem>>)
    %dma_wait3A_68 = arith.constant 0 : i32
    %dma_wait3A_69 = arith.constant 1 : i32
    %dma_wait3A_70 = arith.constant 0 : i32
    %dma_wait3A_71 = arith.constant 0 : i32
    %dma_wait3A_72 = tpu.memref_slice %arg8[%dma_wait3A_68, %dma_wait3A_70, %dma_wait3A_71] : memref<2x125x128xf32, #tpu.memory_space<vmem>> -> memref<1x125x128xf32, #tpu.memory_space<vmem>>
    %dma_wait3A_73 = tpu.memref_squeeze %dma_wait3A_72 : memref<1x125x128xf32, #tpu.memory_space<vmem>> -> memref<125x128xf32, #tpu.memory_space<vmem>>
    %dma_wait3A_74 = arith.constant 0 : i32
    %dma_wait3A_75 = arith.constant 0 : i32
    %dma_wait3A_76 = tpu.memref_slice %arg2[%dma_wait3A_74, %dma_wait3A_75] : memref<10000x128xf32, #tpu.memory_space<hbm>> -> memref<125x128xf32, #tpu.memory_space<hbm>>
    %dma_wait3A_77 = tpu.memref_slice %arg11[%dma_wait3A_69] : memref<2x!tpu.dma_semaphore, #tpu.memory_space<semaphore_mem>> -> memref<1x!tpu.dma_semaphore, #tpu.memory_space<semaphore_mem>>
    %dma_wait3A_78 = tpu.memref_squeeze %dma_wait3A_77 : memref<1x!tpu.dma_semaphore, #tpu.memory_space<semaphore_mem>> -> memref<!tpu.dma_semaphore, #tpu.memory_space<semaphore_mem>>
    %dma_wait3A_79 = arith.constant 0 : i32
    %dma_wait3A_80 = arith.constant 0 : i32
    %dma_wait3A_81 = tpu.memref_slice %arg8[%dma_wait3A_68, %dma_wait3A_79, %dma_wait3A_80] : memref<2x125x128xf32, #tpu.memory_space<vmem>> -> memref<1x125x128xf32, #tpu.memory_space<vmem>>
    %dma_wait3A_82 = tpu.memref_squeeze %dma_wait3A_81 : memref<1x125x128xf32, #tpu.memory_space<vmem>> -> memref<125x128xf32, #tpu.memory_space<vmem>>
    %dma_wait3A_83 = arith.constant 0 : i32
    %dma_wait3A_84 = arith.constant 0 : i32
    %dma_wait3A_85 = tpu.memref_slice %arg2[%dma_wait3A_83, %dma_wait3A_84] : memref<10000x128xf32, #tpu.memory_space<hbm>> -> memref<125x128xf32, #tpu.memory_space<hbm>>
    tpu.wait_dma2 semaphore(%dma_wait3A_78 : memref<!tpu.dma_semaphore, #tpu.memory_space<semaphore_mem>>) src(%dma_wait3A_85 : memref<125x128xf32, #tpu.memory_space<hbm>>) dst(%dma_wait3A_82 : memref<125x128xf32, #tpu.memory_space<vmem>>)
    %barrier3A_86 = arith.constant 0 : index
    tpu.barrier barrier_id(%barrier3A_86)
    %scan3A_87 = arith.constant 0 : i32
    %scan3A_88 = arith.constant 0 : i32
    %scan3A_89 = arith.constant 8 : i32
    %scan3A_90 = arith.addi %scan3A_88, %scan3A_89 : i32
    %scan3A_91 = arith.constant 1 : i32
    %scan3A_92 = scf.for %scan3A_94 = %scan3A_88 to %scan3A_90 step %scan3A_91 iter_args(%scan3A_95 = %scan3A_87) -> (i32)  : i32 {
      %mul3A_96 = arith.constant 16 : i32
      %mul3A_97 = arith.muli %scan3A_94, %mul3A_96 : i32
      %add3A_98 = arith.addi %mul3A_97, %arg1 : i32
      %lt3A = arith.constant 125 : i32
      %lt3A_99 = arith.cmpi slt, %add3A_98, %lt3A : i32
      %convert_element_type3A = arith.extui %lt3A_99 : i1 to i32
      %cond3A = arith.constant 0 : i32
      %cond3A_100 = arith.cmpi ne, %convert_element_type3A, %cond3A : i32
      scf.if %cond3A_100 {
        %mul3A_102 = arith.constant 80 : i32
        %mul3A_103 = arith.muli %add3A_98, %mul3A_102 : i32
        %mul3A_104 = arith.constant 80 : i32
        %mul3A_105 = arith.muli %add3A_98, %mul3A_104 : i32
        "tpu.region"() ({
          %run_scoped3A_106 = tpu.sem_alloc : memref<!tpu.dma_semaphore, #tpu.memory_space<semaphore_mem>>
          %dma_start3A_107 = arith.constant 0 : i32
          %dma_start3A_108 = tpu.memref_slice %arg5[%arg0, %mul3A_105, %dma_start3A_107] : memref<2x10000x128xf32, #tpu.memory_space<hbm>> -> memref<1x80x128xf32, #tpu.memory_space<hbm>>
          %dma_start3A_109 = tpu.memref_squeeze %dma_start3A_108 : memref<1x80x128xf32, #tpu.memory_space<hbm>> -> memref<80x128xf32, #tpu.memory_space<hbm>>
          %dma_start3A_110 = arith.constant 0 : i32
          %dma_start3A_111 = tpu.memref_slice %arg9[%mul3A_103, %dma_start3A_110] : memref<10000x128xf32, #tpu.memory_space<vmem_shared>> -> memref<80x128xf32, #tpu.memory_space<vmem_shared>>
          tpu.enqueue_dma source(%dma_start3A_111 : memref<80x128xf32, #tpu.memory_space<vmem_shared>>) target(%dma_start3A_109 : memref<80x128xf32, #tpu.memory_space<hbm>>) target_semaphore(%run_scoped3A_106 : memref<!tpu.dma_semaphore, #tpu.memory_space<semaphore_mem>>)
          %dma_wait3A_112 = arith.constant 0 : i32
          %dma_wait3A_113 = tpu.memref_slice %arg5[%arg0, %mul3A_105, %dma_wait3A_112] : memref<2x10000x128xf32, #tpu.memory_space<hbm>> -> memref<1x80x128xf32, #tpu.memory_space<hbm>>
          %dma_wait3A_114 = tpu.memref_squeeze %dma_wait3A_113 : memref<1x80x128xf32, #tpu.memory_space<hbm>> -> memref<80x128xf32, #tpu.memory_space<hbm>>
          %dma_wait3A_115 = arith.constant 0 : i32
          %dma_wait3A_116 = tpu.memref_slice %arg9[%mul3A_103, %dma_wait3A_115] : memref<10000x128xf32, #tpu.memory_space<vmem_shared>> -> memref<80x128xf32, #tpu.memory_space<vmem_shared>>
          tpu.wait_dma2 semaphore(%run_scoped3A_106 : memref<!tpu.dma_semaphore, #tpu.memory_space<semaphore_mem>>) src(%dma_wait3A_116 : memref<80x128xf32, #tpu.memory_space<vmem_shared>>) dst(%dma_wait3A_114 : memref<80x128xf32, #tpu.memory_space<hbm>>)
          tpu.yield
        }) : () -> ()
      } else {
      }
      %scan3A_101 = arith.constant 0 : i32
      scf.yield %scan3A_101 : i32
    }
    %scan3A_93 = arith.constant 8 : i32
    return
  }
}

#map = affine_map<(d0, d1) -> (0, 0)>
#map1 = affine_map<(d0, d1) -> (0)>
module attributes {stable_mosaic.version = 14 : i64} {
  func.func @k(%arg0: i32, %arg1: i32, %arg2: memref<2x320000xi32, #tpu.memory_space<hbm>>, %arg3: memref<320000xf32, #tpu.memory_space<hbm>>, %arg4: memref<10000xi32, #tpu.memory_space<vmem>>, %arg5: memref<10000xf32, #tpu.memory_space<vmem>>) attributes {dimension_semantics = [#tpu.dimension_semantics<core_parallel>, #tpu.dimension_semantics<subcore_parallel>], iteration_bounds = array<i64: 2, 16>, scalar_prefetch = 0 : i64, scratch_operands = 2 : i64, tpu.core_type = #tpu.core_type<sc_vector_subcore>, window_params = [{transform_indices = #map}, {transform_indices = #map1}]} {
    %mul3A = arith.constant 16 : i32
    %mul3A_0 = arith.muli %arg0, %mul3A : i32
    %add3A = arith.addi %mul3A_0, %arg1 : i32
    %broadcast_in_dim3A = arith.constant 0.000000e+00 : f32
    %broadcast_in_dim3A_1 = vector.broadcast %broadcast_in_dim3A : f32 to vector<16xf32>
    %scan3A = arith.constant 0 : i32
    %scan3A_2 = arith.constant 0 : i32
    %scan3A_3 = arith.constant 625 : i32
    %scan3A_4 = arith.addi %scan3A_2, %scan3A_3 : i32
    %scan3A_5 = arith.constant 1 : i32
    %scan3A_6 = scf.for %scan3A_21 = %scan3A_2 to %scan3A_4 step %scan3A_5 iter_args(%scan3A_22 = %scan3A) -> (i32)  : i32 {
      %mul3A_23 = arith.constant 16 : i32
      %mul3A_24 = arith.muli %scan3A_21, %mul3A_23 : i32
      %swap3A = arith.index_cast %mul3A_24 : i32 to index
      %swap3A_25 = tpu.vector_load %arg5[%swap3A] {strides = array<i32>} : memref<10000xf32, #tpu.memory_space<vmem>>, vector<16xf32>,
      tpu.vector_store %arg5[%swap3A], %broadcast_in_dim3A_1 {strides = array<i32>} : memref<10000xf32, #tpu.memory_space<vmem>>, vector<16xf32>,
      %scan3A_26 = arith.constant 0 : i32
      scf.yield %scan3A_26 : i32
    }
    %scan3A_7 = arith.constant 625 : i32
    %mul3A_8 = arith.constant 10000 : i32
    %mul3A_9 = arith.muli %add3A, %mul3A_8 : i32
    %run_scoped3A = arith.constant 1 : i32
    "tpu.region"() ({
      %run_scoped3A_21 = tpu.sem_alloc : memref<!tpu.dma_semaphore, #tpu.memory_space<semaphore_mem>>
      %dma_start3A = tpu.memref_slice %arg2[%run_scoped3A, %mul3A_9] : memref<2x320000xi32, #tpu.memory_space<hbm>> -> memref<1x10000xi32, #tpu.memory_space<hbm>>
      %dma_start3A_22 = tpu.memref_squeeze %dma_start3A : memref<1x10000xi32, #tpu.memory_space<hbm>> -> memref<10000xi32, #tpu.memory_space<hbm>>
      %dma_start3A_23 = tpu.memref_slice %arg2[%run_scoped3A, %mul3A_9] : memref<2x320000xi32, #tpu.memory_space<hbm>> -> memref<1x10000xi32, #tpu.memory_space<hbm>>
      %dma_start3A_24 = tpu.memref_squeeze %dma_start3A_23 : memref<1x10000xi32, #tpu.memory_space<hbm>> -> memref<10000xi32, #tpu.memory_space<hbm>>
      tpu.enqueue_dma source(%dma_start3A_24 : memref<10000xi32, #tpu.memory_space<hbm>>) target(%arg4 : memref<10000xi32, #tpu.memory_space<vmem>>) target_semaphore(%run_scoped3A_21 : memref<!tpu.dma_semaphore, #tpu.memory_space<semaphore_mem>>)
      %dma_wait3A = tpu.memref_slice %arg2[%run_scoped3A, %mul3A_9] : memref<2x320000xi32, #tpu.memory_space<hbm>> -> memref<1x10000xi32, #tpu.memory_space<hbm>>
      %dma_wait3A_25 = tpu.memref_squeeze %dma_wait3A : memref<1x10000xi32, #tpu.memory_space<hbm>> -> memref<10000xi32, #tpu.memory_space<hbm>>
      %dma_wait3A_26 = tpu.memref_slice %arg2[%run_scoped3A, %mul3A_9] : memref<2x320000xi32, #tpu.memory_space<hbm>> -> memref<1x10000xi32, #tpu.memory_space<hbm>>
      %dma_wait3A_27 = tpu.memref_squeeze %dma_wait3A_26 : memref<1x10000xi32, #tpu.memory_space<hbm>> -> memref<10000xi32, #tpu.memory_space<hbm>>
      tpu.wait_dma2 semaphore(%run_scoped3A_21 : memref<!tpu.dma_semaphore, #tpu.memory_space<semaphore_mem>>) src(%dma_wait3A_27 : memref<10000xi32, #tpu.memory_space<hbm>>) dst(%arg4 : memref<10000xi32, #tpu.memory_space<vmem>>)
      tpu.yield
    }) : () -> ()
    %broadcast_in_dim3A_10 = arith.constant 1.000000e+00 : f32
    %broadcast_in_dim3A_11 = vector.broadcast %broadcast_in_dim3A_10 : f32 to vector<16xf32>
    %scan3A_12 = arith.constant 0 : i32
    %scan3A_13 = arith.constant 0 : i32
    %scan3A_14 = arith.constant 625 : i32
    %scan3A_15 = arith.addi %scan3A_13, %scan3A_14 : i32
    %scan3A_16 = arith.constant 1 : i32
    %scan3A_17 = scf.for %scan3A_21 = %scan3A_13 to %scan3A_15 step %scan3A_16 iter_args(%scan3A_22 = %scan3A_12) -> (i32)  : i32 {
      %mul3A_23 = arith.constant 16 : i32
      %mul3A_24 = arith.muli %scan3A_21, %mul3A_23 : i32
      %get3A = arith.index_cast %mul3A_24 : i32 to index
      %get3A_25 = tpu.vector_load %arg4[%get3A] {strides = array<i32>} : memref<10000xi32, #tpu.memory_space<vmem>>, vector<16xi32>,
      tpu.vector_store_idx %arg5[%get3A_25], %broadcast_in_dim3A_11 {add = true} : memref<10000xf32, #tpu.memory_space<vmem>>[vector<16xi32>], vector<16xf32>,
      %scan3A_26 = arith.constant 0 : i32
      scf.yield %scan3A_26 : i32
    }
    %scan3A_18 = arith.constant 625 : i32
    %mul3A_19 = arith.constant 10000 : i32
    %mul3A_20 = arith.muli %add3A, %mul3A_19 : i32
    "tpu.region"() ({
      %run_scoped3A_21 = tpu.sem_alloc : memref<!tpu.dma_semaphore, #tpu.memory_space<semaphore_mem>>
      %dma_start3A = tpu.memref_slice %arg3[%mul3A_20] : memref<320000xf32, #tpu.memory_space<hbm>> -> memref<10000xf32, #tpu.memory_space<hbm>>
      %dma_start3A_22 = tpu.memref_slice %arg3[%mul3A_20] : memref<320000xf32, #tpu.memory_space<hbm>> -> memref<10000xf32, #tpu.memory_space<hbm>>
      tpu.enqueue_dma source(%arg5 : memref<10000xf32, #tpu.memory_space<vmem>>) target(%dma_start3A_22 : memref<10000xf32, #tpu.memory_space<hbm>>) target_semaphore(%run_scoped3A_21 : memref<!tpu.dma_semaphore, #tpu.memory_space<semaphore_mem>>)
      %dma_wait3A = tpu.memref_slice %arg3[%mul3A_20] : memref<320000xf32, #tpu.memory_space<hbm>> -> memref<10000xf32, #tpu.memory_space<hbm>>
      %dma_wait3A_23 = tpu.memref_slice %arg3[%mul3A_20] : memref<320000xf32, #tpu.memory_space<hbm>> -> memref<10000xf32, #tpu.memory_space<hbm>>
      tpu.wait_dma2 semaphore(%run_scoped3A_21 : memref<!tpu.dma_semaphore, #tpu.memory_space<semaphore_mem>>) src(%arg5 : memref<10000xf32, #tpu.memory_space<vmem>>) dst(%dma_wait3A_23 : memref<10000xf32, #tpu.memory_space<hbm>>)
      tpu.yield
    }) : () -> ()
    return
  }
}

#map = affine_map<(d0, d1) -> (0, 0)>
#map1 = affine_map<(d0, d1) -> (0, 0, 0)>
module attributes {stable_mosaic.version = 14 : i64} {
  func.func @k(%arg0: i32, %arg1: i32, %arg2: memref<10000x16xf32, #tpu.memory_space<hbm>>, %arg3: memref<2x2560x125xi32, #tpu.memory_space<hbm>>, %arg4: memref<80x16xf32, #tpu.memory_space<hbm>>, %arg5: memref<2x10000x128xf32, #tpu.memory_space<hbm>>, %arg6: memref<80x125xi32, #tpu.memory_space<vmem>>, %arg7: memref<80x125xi32, #tpu.memory_space<vmem>>, %arg8: memref<4x5x125x16xf32, #tpu.memory_space<vmem>>, %arg9: memref<10000x16xf32, #tpu.memory_space<vmem_shared>>, %arg10: memref<4x!tpu.dma_semaphore, #tpu.memory_space<semaphore_mem>>, %arg11: memref<4x!tpu.dma_semaphore, #tpu.memory_space<semaphore_mem>>) attributes {dimension_semantics = [#tpu.dimension_semantics<core_parallel>, #tpu.dimension_semantics<subcore_parallel>], iteration_bounds = array<i64: 2, 16>, scalar_prefetch = 0 : i64, scratch_operands = 6 : i64, tpu.core_type = #tpu.core_type<sc_vector_subcore>, window_params = [{transform_indices = #map}, {transform_indices = #map1}, {transform_indices = #map}, {transform_indices = #map1}]} {
    %mul3A = arith.constant 16 : i32
    %mul3A_0 = arith.muli %arg0, %mul3A : i32
    %add3A = arith.addi %mul3A_0, %arg1 : i32
    %scan3A = arith.constant 0 : i32
    %scan3A_1 = arith.constant 0 : i32
    %scan3A_2 = arith.constant 8 : i32
    %scan3A_3 = arith.addi %scan3A_1, %scan3A_2 : i32
    %scan3A_4 = arith.constant 1 : i32
    %scan3A_5 = scf.for %scan3A_563 = %scan3A_1 to %scan3A_3 step %scan3A_4 iter_args(%scan3A_564 = %scan3A) -> (i32)  : i32 {
      %mul3A_565 = arith.constant 16 : i32
      %mul3A_566 = arith.muli %scan3A_563, %mul3A_565 : i32
      %add3A_567 = arith.addi %mul3A_566, %arg1 : i32
      %lt3A = arith.constant 125 : i32
      %lt3A_568 = arith.cmpi slt, %add3A_567, %lt3A : i32
      %convert_element_type3A = arith.extui %lt3A_568 : i1 to i32
      %cond3A = arith.constant 0 : i32
      %cond3A_569 = arith.cmpi ne, %convert_element_type3A, %cond3A : i32
      scf.if %cond3A_569 {
        %mul3A_571 = arith.constant 80 : i32
        %mul3A_572 = arith.muli %add3A_567, %mul3A_571 : i32
        "tpu.region"() ({
          %run_scoped3A_573 = tpu.sem_alloc : memref<!tpu.dma_semaphore, #tpu.memory_space<semaphore_mem>>
          %dma_start3A_574 = arith.constant 0 : i32
          %dma_start3A_575 = tpu.memref_slice %arg9[%mul3A_572, %dma_start3A_574] : memref<10000x16xf32, #tpu.memory_space<vmem_shared>> -> memref<80x16xf32, #tpu.memory_space<vmem_shared>>
          tpu.enqueue_dma source(%arg4 : memref<80x16xf32, #tpu.memory_space<hbm>>) target(%dma_start3A_575 : memref<80x16xf32, #tpu.memory_space<vmem_shared>>) target_semaphore(%run_scoped3A_573 : memref<!tpu.dma_semaphore, #tpu.memory_space<semaphore_mem>>)
          %dma_wait3A_576 = arith.constant 0 : i32
          %dma_wait3A_577 = tpu.memref_slice %arg9[%mul3A_572, %dma_wait3A_576] : memref<10000x16xf32, #tpu.memory_space<vmem_shared>> -> memref<80x16xf32, #tpu.memory_space<vmem_shared>>
          tpu.wait_dma2 semaphore(%run_scoped3A_573 : memref<!tpu.dma_semaphore, #tpu.memory_space<semaphore_mem>>) src(%arg4 : memref<80x16xf32, #tpu.memory_space<hbm>>) dst(%dma_wait3A_577 : memref<80x16xf32, #tpu.memory_space<vmem_shared>>)
          tpu.yield
        }) : () -> ()
      } else {
      }
      %scan3A_570 = arith.constant 0 : i32
      scf.yield %scan3A_570 : i32
    }
    %scan3A_6 = arith.constant 8 : i32
    %mul3A_7 = arith.constant 80 : i32
    %mul3A_8 = arith.muli %add3A, %mul3A_7 : i32
    %run_scoped3A = arith.constant 0 : i32
    "tpu.region"() ({
      %run_scoped3A_563 = tpu.sem_alloc : memref<!tpu.dma_semaphore, #tpu.memory_space<semaphore_mem>>
      %dma_start3A_564 = arith.constant 0 : i32
      %dma_start3A_565 = tpu.memref_slice %arg3[%run_scoped3A, %mul3A_8, %dma_start3A_564] : memref<2x2560x125xi32, #tpu.memory_space<hbm>> -> memref<1x80x125xi32, #tpu.memory_space<hbm>>
      %dma_start3A_566 = tpu.memref_squeeze %dma_start3A_565 : memref<1x80x125xi32, #tpu.memory_space<hbm>> -> memref<80x125xi32, #tpu.memory_space<hbm>>
      %dma_start3A_567 = arith.constant 0 : i32
      %dma_start3A_568 = tpu.memref_slice %arg3[%run_scoped3A, %mul3A_8, %dma_start3A_567] : memref<2x2560x125xi32, #tpu.memory_space<hbm>> -> memref<1x80x125xi32, #tpu.memory_space<hbm>>
      %dma_start3A_569 = tpu.memref_squeeze %dma_start3A_568 : memref<1x80x125xi32, #tpu.memory_space<hbm>> -> memref<80x125xi32, #tpu.memory_space<hbm>>
      tpu.enqueue_dma source(%dma_start3A_569 : memref<80x125xi32, #tpu.memory_space<hbm>>) target(%arg6 : memref<80x125xi32, #tpu.memory_space<vmem>>) target_semaphore(%run_scoped3A_563 : memref<!tpu.dma_semaphore, #tpu.memory_space<semaphore_mem>>)
      %dma_wait3A_570 = arith.constant 0 : i32
      %dma_wait3A_571 = tpu.memref_slice %arg3[%run_scoped3A, %mul3A_8, %dma_wait3A_570] : memref<2x2560x125xi32, #tpu.memory_space<hbm>> -> memref<1x80x125xi32, #tpu.memory_space<hbm>>
      %dma_wait3A_572 = tpu.memref_squeeze %dma_wait3A_571 : memref<1x80x125xi32, #tpu.memory_space<hbm>> -> memref<80x125xi32, #tpu.memory_space<hbm>>
      %dma_wait3A_573 = arith.constant 0 : i32
      %dma_wait3A_574 = tpu.memref_slice %arg3[%run_scoped3A, %mul3A_8, %dma_wait3A_573] : memref<2x2560x125xi32, #tpu.memory_space<hbm>> -> memref<1x80x125xi32, #tpu.memory_space<hbm>>
      %dma_wait3A_575 = tpu.memref_squeeze %dma_wait3A_574 : memref<1x80x125xi32, #tpu.memory_space<hbm>> -> memref<80x125xi32, #tpu.memory_space<hbm>>
      tpu.wait_dma2 semaphore(%run_scoped3A_563 : memref<!tpu.dma_semaphore, #tpu.memory_space<semaphore_mem>>) src(%dma_wait3A_575 : memref<80x125xi32, #tpu.memory_space<hbm>>) dst(%arg6 : memref<80x125xi32, #tpu.memory_space<vmem>>)
      tpu.yield
    }) : () -> ()
    %run_scoped3A_9 = arith.constant 1 : i32
    "tpu.region"() ({
      %run_scoped3A_563 = tpu.sem_alloc : memref<!tpu.dma_semaphore, #tpu.memory_space<semaphore_mem>>
      %dma_start3A_564 = arith.constant 0 : i32
      %dma_start3A_565 = tpu.memref_slice %arg3[%run_scoped3A_9, %mul3A_8, %dma_start3A_564] : memref<2x2560x125xi32, #tpu.memory_space<hbm>> -> memref<1x80x125xi32, #tpu.memory_space<hbm>>
      %dma_start3A_566 = tpu.memref_squeeze %dma_start3A_565 : memref<1x80x125xi32, #tpu.memory_space<hbm>> -> memref<80x125xi32, #tpu.memory_space<hbm>>
      %dma_start3A_567 = arith.constant 0 : i32
      %dma_start3A_568 = tpu.memref_slice %arg3[%run_scoped3A_9, %mul3A_8, %dma_start3A_567] : memref<2x2560x125xi32, #tpu.memory_space<hbm>> -> memref<1x80x125xi32, #tpu.memory_space<hbm>>
      %dma_start3A_569 = tpu.memref_squeeze %dma_start3A_568 : memref<1x80x125xi32, #tpu.memory_space<hbm>> -> memref<80x125xi32, #tpu.memory_space<hbm>>
      tpu.enqueue_dma source(%dma_start3A_569 : memref<80x125xi32, #tpu.memory_space<hbm>>) target(%arg7 : memref<80x125xi32, #tpu.memory_space<vmem>>) target_semaphore(%run_scoped3A_563 : memref<!tpu.dma_semaphore, #tpu.memory_space<semaphore_mem>>)
      %dma_wait3A_570 = arith.constant 0 : i32
      %dma_wait3A_571 = tpu.memref_slice %arg3[%run_scoped3A_9, %mul3A_8, %dma_wait3A_570] : memref<2x2560x125xi32, #tpu.memory_space<hbm>> -> memref<1x80x125xi32, #tpu.memory_space<hbm>>
      %dma_wait3A_572 = tpu.memref_squeeze %dma_wait3A_571 : memref<1x80x125xi32, #tpu.memory_space<hbm>> -> memref<80x125xi32, #tpu.memory_space<hbm>>
      %dma_wait3A_573 = arith.constant 0 : i32
      %dma_wait3A_574 = tpu.memref_slice %arg3[%run_scoped3A_9, %mul3A_8, %dma_wait3A_573] : memref<2x2560x125xi32, #tpu.memory_space<hbm>> -> memref<1x80x125xi32, #tpu.memory_space<hbm>>
      %dma_wait3A_575 = tpu.memref_squeeze %dma_wait3A_574 : memref<1x80x125xi32, #tpu.memory_space<hbm>> -> memref<80x125xi32, #tpu.memory_space<hbm>>
      tpu.wait_dma2 semaphore(%run_scoped3A_563 : memref<!tpu.dma_semaphore, #tpu.memory_space<semaphore_mem>>) src(%dma_wait3A_575 : memref<80x125xi32, #tpu.memory_space<hbm>>) dst(%arg7 : memref<80x125xi32, #tpu.memory_space<vmem>>)
      tpu.yield
    }) : () -> ()
    %barrier3A = arith.constant 0 : index
    tpu.barrier barrier_id(%barrier3A)
    %dma_start3A = arith.constant 0 : i32
    %dma_start3A_10 = arith.constant 0 : i32
    %dma_start3A_11 = arith.constant 0 : i32
    %dma_start3A_12 = arith.constant 0 : i32
    %dma_start3A_13 = arith.constant 0 : i32
    %dma_start3A_14 = arith.constant 0 : i32
    %dma_start3A_15 = tpu.memref_slice %arg8[%dma_start3A_10, %dma_start3A_11, %dma_start3A_13, %dma_start3A_14] : memref<4x5x125x16xf32, #tpu.memory_space<vmem>> -> memref<1x1x125x16xf32, #tpu.memory_space<vmem>>
    %dma_start3A_16 = tpu.memref_squeeze %dma_start3A_15 : memref<1x1x125x16xf32, #tpu.memory_space<vmem>> -> memref<125x16xf32, #tpu.memory_space<vmem>>
    %dma_start3A_17 = arith.constant 0 : i32
    %dma_start3A_18 = tpu.memref_slice %arg6[%dma_start3A, %dma_start3A_17] : memref<80x125xi32, #tpu.memory_space<vmem>> -> memref<1x125xi32, #tpu.memory_space<vmem>>
    %dma_start3A_19 = tpu.memref_squeeze %dma_start3A_18 : memref<1x125xi32, #tpu.memory_space<vmem>> -> memref<125xi32, #tpu.memory_space<vmem>>
    %dma_start3A_20 = arith.constant 0 : i32
    %dma_start3A_21 = arith.constant 0 : i32
    %dma_start3A_22 = tpu.memref_slice %arg2[%dma_start3A_20, %dma_start3A_21] : memref<10000x16xf32, #tpu.memory_space<hbm>> -> memref<10000x16xf32, #tpu.memory_space<hbm>>
    %dma_start3A_23 = tpu.memref_slice %arg10[%dma_start3A_12] : memref<4x!tpu.dma_semaphore, #tpu.memory_space<semaphore_mem>> -> memref<1x!tpu.dma_semaphore, #tpu.memory_space<semaphore_mem>>
    %dma_start3A_24 = tpu.memref_squeeze %dma_start3A_23 : memref<1x!tpu.dma_semaphore, #tpu.memory_space<semaphore_mem>> -> memref<!tpu.dma_semaphore, #tpu.memory_space<semaphore_mem>>
    tpu.enqueue_indirect_dma source(%dma_start3A_22 : memref<10000x16xf32, #tpu.memory_space<hbm>>) target(%dma_start3A_16 : memref<125x16xf32, #tpu.memory_space<vmem>>) offsets(%dma_start3A_19 : memref<125xi32, #tpu.memory_space<vmem>>) semaphore(%dma_start3A_24 : memref<!tpu.dma_semaphore, #tpu.memory_space<semaphore_mem>>)
    %dma_start3A_25 = arith.constant 1 : i32
    %dma_start3A_26 = arith.constant 0 : i32
    %dma_start3A_27 = arith.constant 1 : i32
    %dma_start3A_28 = arith.constant 0 : i32
    %dma_start3A_29 = arith.constant 0 : i32
    %dma_start3A_30 = arith.constant 0 : i32
    %dma_start3A_31 = tpu.memref_slice %arg8[%dma_start3A_26, %dma_start3A_27, %dma_start3A_29, %dma_start3A_30] : memref<4x5x125x16xf32, #tpu.memory_space<vmem>> -> memref<1x1x125x16xf32, #tpu.memory_space<vmem>>
    %dma_start3A_32 = tpu.memref_squeeze %dma_start3A_31 : memref<1x1x125x16xf32, #tpu.memory_space<vmem>> -> memref<125x16xf32, #tpu.memory_space<vmem>>
    %dma_start3A_33 = arith.constant 0 : i32
    %dma_start3A_34 = tpu.memref_slice %arg6[%dma_start3A_25, %dma_start3A_33] : memref<80x125xi32, #tpu.memory_space<vmem>> -> memref<1x125xi32, #tpu.memory_space<vmem>>
    %dma_start3A_35 = tpu.memref_squeeze %dma_start3A_34 : memref<1x125xi32, #tpu.memory_space<vmem>> -> memref<125xi32, #tpu.memory_space<vmem>>
    %dma_start3A_36 = arith.constant 0 : i32
    %dma_start3A_37 = arith.constant 0 : i32
    %dma_start3A_38 = tpu.memref_slice %arg2[%dma_start3A_36, %dma_start3A_37] : memref<10000x16xf32, #tpu.memory_space<hbm>> -> memref<10000x16xf32, #tpu.memory_space<hbm>>
    %dma_start3A_39 = tpu.memref_slice %arg10[%dma_start3A_28] : memref<4x!tpu.dma_semaphore, #tpu.memory_space<semaphore_mem>> -> memref<1x!tpu.dma_semaphore, #tpu.memory_space<semaphore_mem>>
    %dma_start3A_40 = tpu.memref_squeeze %dma_start3A_39 : memref<1x!tpu.dma_semaphore, #tpu.memory_space<semaphore_mem>> -> memref<!tpu.dma_semaphore, #tpu.memory_space<semaphore_mem>>
    tpu.enqueue_indirect_dma source(%dma_start3A_38 : memref<10000x16xf32, #tpu.memory_space<hbm>>) target(%dma_start3A_32 : memref<125x16xf32, #tpu.memory_space<vmem>>) offsets(%dma_start3A_35 : memref<125xi32, #tpu.memory_space<vmem>>) semaphore(%dma_start3A_40 : memref<!tpu.dma_semaphore, #tpu.memory_space<semaphore_mem>>)
    %dma_start3A_41 = arith.constant 2 : i32
    %dma_start3A_42 = arith.constant 0 : i32
    %dma_start3A_43 = arith.constant 2 : i32
    %dma_start3A_44 = arith.constant 0 : i32
    %dma_start3A_45 = arith.constant 0 : i32
    %dma_start3A_46 = arith.constant 0 : i32
    %dma_start3A_47 = tpu.memref_slice %arg8[%dma_start3A_42, %dma_start3A_43, %dma_start3A_45, %dma_start3A_46] : memref<4x5x125x16xf32, #tpu.memory_space<vmem>> -> memref<1x1x125x16xf32, #tpu.memory_space<vmem>>
    %dma_start3A_48 = tpu.memref_squeeze %dma_start3A_47 : memref<1x1x125x16xf32, #tpu.memory_space<vmem>> -> memref<125x16xf32, #tpu.memory_space<vmem>>
    %dma_start3A_49 = arith.constant 0 : i32
    %dma_start3A_50 = tpu.memref_slice %arg6[%dma_start3A_41, %dma_start3A_49] : memref<80x125xi32, #tpu.memory_space<vmem>> -> memref<1x125xi32, #tpu.memory_space<vmem>>
    %dma_start3A_51 = tpu.memref_squeeze %dma_start3A_50 : memref<1x125xi32, #tpu.memory_space<vmem>> -> memref<125xi32, #tpu.memory_space<vmem>>
    %dma_start3A_52 = arith.constant 0 : i32
    %dma_start3A_53 = arith.constant 0 : i32
    %dma_start3A_54 = tpu.memref_slice %arg2[%dma_start3A_52, %dma_start3A_53] : memref<10000x16xf32, #tpu.memory_space<hbm>> -> memref<10000x16xf32, #tpu.memory_space<hbm>>
    %dma_start3A_55 = tpu.memref_slice %arg10[%dma_start3A_44] : memref<4x!tpu.dma_semaphore, #tpu.memory_space<semaphore_mem>> -> memref<1x!tpu.dma_semaphore, #tpu.memory_space<semaphore_mem>>
    %dma_start3A_56 = tpu.memref_squeeze %dma_start3A_55 : memref<1x!tpu.dma_semaphore, #tpu.memory_space<semaphore_mem>> -> memref<!tpu.dma_semaphore, #tpu.memory_space<semaphore_mem>>
    tpu.enqueue_indirect_dma source(%dma_start3A_54 : memref<10000x16xf32, #tpu.memory_space<hbm>>) target(%dma_start3A_48 : memref<125x16xf32, #tpu.memory_space<vmem>>) offsets(%dma_start3A_51 : memref<125xi32, #tpu.memory_space<vmem>>) semaphore(%dma_start3A_56 : memref<!tpu.dma_semaphore, #tpu.memory_space<semaphore_mem>>)
    %dma_start3A_57 = arith.constant 3 : i32
    %dma_start3A_58 = arith.constant 0 : i32
    %dma_start3A_59 = arith.constant 3 : i32
    %dma_start3A_60 = arith.constant 0 : i32
    %dma_start3A_61 = arith.constant 0 : i32
    %dma_start3A_62 = arith.constant 0 : i32
    %dma_start3A_63 = tpu.memref_slice %arg8[%dma_start3A_58, %dma_start3A_59, %dma_start3A_61, %dma_start3A_62] : memref<4x5x125x16xf32, #tpu.memory_space<vmem>> -> memref<1x1x125x16xf32, #tpu.memory_space<vmem>>
    %dma_start3A_64 = tpu.memref_squeeze %dma_start3A_63 : memref<1x1x125x16xf32, #tpu.memory_space<vmem>> -> memref<125x16xf32, #tpu.memory_space<vmem>>
    %dma_start3A_65 = arith.constant 0 : i32
    %dma_start3A_66 = tpu.memref_slice %arg6[%dma_start3A_57, %dma_start3A_65] : memref<80x125xi32, #tpu.memory_space<vmem>> -> memref<1x125xi32, #tpu.memory_space<vmem>>
    %dma_start3A_67 = tpu.memref_squeeze %dma_start3A_66 : memref<1x125xi32, #tpu.memory_space<vmem>> -> memref<125xi32, #tpu.memory_space<vmem>>
    %dma_start3A_68 = arith.constant 0 : i32
    %dma_start3A_69 = arith.constant 0 : i32
    %dma_start3A_70 = tpu.memref_slice %arg2[%dma_start3A_68, %dma_start3A_69] : memref<10000x16xf32, #tpu.memory_space<hbm>> -> memref<10000x16xf32, #tpu.memory_space<hbm>>
    %dma_start3A_71 = tpu.memref_slice %arg10[%dma_start3A_60] : memref<4x!tpu.dma_semaphore, #tpu.memory_space<semaphore_mem>> -> memref<1x!tpu.dma_semaphore, #tpu.memory_space<semaphore_mem>>
    %dma_start3A_72 = tpu.memref_squeeze %dma_start3A_71 : memref<1x!tpu.dma_semaphore, #tpu.memory_space<semaphore_mem>> -> memref<!tpu.dma_semaphore, #tpu.memory_space<semaphore_mem>>
    tpu.enqueue_indirect_dma source(%dma_start3A_70 : memref<10000x16xf32, #tpu.memory_space<hbm>>) target(%dma_start3A_64 : memref<125x16xf32, #tpu.memory_space<vmem>>) offsets(%dma_start3A_67 : memref<125xi32, #tpu.memory_space<vmem>>) semaphore(%dma_start3A_72 : memref<!tpu.dma_semaphore, #tpu.memory_space<semaphore_mem>>)
    %dma_start3A_73 = arith.constant 4 : i32
    %dma_start3A_74 = arith.constant 0 : i32
    %dma_start3A_75 = arith.constant 4 : i32
    %dma_start3A_76 = arith.constant 0 : i32
    %dma_start3A_77 = arith.constant 0 : i32
    %dma_start3A_78 = arith.constant 0 : i32
    %dma_start3A_79 = tpu.memref_slice %arg8[%dma_start3A_74, %dma_start3A_75, %dma_start3A_77, %dma_start3A_78] : memref<4x5x125x16xf32, #tpu.memory_space<vmem>> -> memref<1x1x125x16xf32, #tpu.memory_space<vmem>>
    %dma_start3A_80 = tpu.memref_squeeze %dma_start3A_79 : memref<1x1x125x16xf32, #tpu.memory_space<vmem>> -> memref<125x16xf32, #tpu.memory_space<vmem>>
    %dma_start3A_81 = arith.constant 0 : i32
    %dma_start3A_82 = tpu.memref_slice %arg6[%dma_start3A_73, %dma_start3A_81] : memref<80x125xi32, #tpu.memory_space<vmem>> -> memref<1x125xi32, #tpu.memory_space<vmem>>
    %dma_start3A_83 = tpu.memref_squeeze %dma_start3A_82 : memref<1x125xi32, #tpu.memory_space<vmem>> -> memref<125xi32, #tpu.memory_space<vmem>>
    %dma_start3A_84 = arith.constant 0 : i32
    %dma_start3A_85 = arith.constant 0 : i32
    %dma_start3A_86 = tpu.memref_slice %arg2[%dma_start3A_84, %dma_start3A_85] : memref<10000x16xf32, #tpu.memory_space<hbm>> -> memref<10000x16xf32, #tpu.memory_space<hbm>>
    %dma_start3A_87 = tpu.memref_slice %arg10[%dma_start3A_76] : memref<4x!tpu.dma_semaphore, #tpu.memory_space<semaphore_mem>> -> memref<1x!tpu.dma_semaphore, #tpu.memory_space<semaphore_mem>>
    %dma_start3A_88 = tpu.memref_squeeze %dma_start3A_87 : memref<1x!tpu.dma_semaphore, #tpu.memory_space<semaphore_mem>> -> memref<!tpu.dma_semaphore, #tpu.memory_space<semaphore_mem>>
    tpu.enqueue_indirect_dma source(%dma_start3A_86 : memref<10000x16xf32, #tpu.memory_space<hbm>>) target(%dma_start3A_80 : memref<125x16xf32, #tpu.memory_space<vmem>>) offsets(%dma_start3A_83 : memref<125xi32, #tpu.memory_space<vmem>>) semaphore(%dma_start3A_88 : memref<!tpu.dma_semaphore, #tpu.memory_space<semaphore_mem>>)
    %dma_start3A_89 = arith.constant 5 : i32
    %dma_start3A_90 = arith.constant 1 : i32
    %dma_start3A_91 = arith.constant 0 : i32
    %dma_start3A_92 = arith.constant 1 : i32
    %dma_start3A_93 = arith.constant 0 : i32
    %dma_start3A_94 = arith.constant 0 : i32
    %dma_start3A_95 = tpu.memref_slice %arg8[%dma_start3A_90, %dma_start3A_91, %dma_start3A_93, %dma_start3A_94] : memref<4x5x125x16xf32, #tpu.memory_space<vmem>> -> memref<1x1x125x16xf32, #tpu.memory_space<vmem>>
    %dma_start3A_96 = tpu.memref_squeeze %dma_start3A_95 : memref<1x1x125x16xf32, #tpu.memory_space<vmem>> -> memref<125x16xf32, #tpu.memory_space<vmem>>
    %dma_start3A_97 = arith.constant 0 : i32
    %dma_start3A_98 = tpu.memref_slice %arg6[%dma_start3A_89, %dma_start3A_97] : memref<80x125xi32, #tpu.memory_space<vmem>> -> memref<1x125xi32, #tpu.memory_space<vmem>>
    %dma_start3A_99 = tpu.memref_squeeze %dma_start3A_98 : memref<1x125xi32, #tpu.memory_space<vmem>> -> memref<125xi32, #tpu.memory_space<vmem>>
    %dma_start3A_100 = arith.constant 0 : i32
    %dma_start3A_101 = arith.constant 0 : i32
    %dma_start3A_102 = tpu.memref_slice %arg2[%dma_start3A_100, %dma_start3A_101] : memref<10000x16xf32, #tpu.memory_space<hbm>> -> memref<10000x16xf32, #tpu.memory_space<hbm>>
    %dma_start3A_103 = tpu.memref_slice %arg10[%dma_start3A_92] : memref<4x!tpu.dma_semaphore, #tpu.memory_space<semaphore_mem>> -> memref<1x!tpu.dma_semaphore, #tpu.memory_space<semaphore_mem>>
    %dma_start3A_104 = tpu.memref_squeeze %dma_start3A_103 : memref<1x!tpu.dma_semaphore, #tpu.memory_space<semaphore_mem>> -> memref<!tpu.dma_semaphore, #tpu.memory_space<semaphore_mem>>
    tpu.enqueue_indirect_dma source(%dma_start3A_102 : memref<10000x16xf32, #tpu.memory_space<hbm>>) target(%dma_start3A_96 : memref<125x16xf32, #tpu.memory_space<vmem>>) offsets(%dma_start3A_99 : memref<125xi32, #tpu.memory_space<vmem>>) semaphore(%dma_start3A_104 : memref<!tpu.dma_semaphore, #tpu.memory_space<semaphore_mem>>)
    %dma_start3A_105 = arith.constant 6 : i32
    %dma_start3A_106 = arith.constant 1 : i32
    %dma_start3A_107 = arith.constant 1 : i32
    %dma_start3A_108 = arith.constant 1 : i32
    %dma_start3A_109 = arith.constant 0 : i32
    %dma_start3A_110 = arith.constant 0 : i32
    %dma_start3A_111 = tpu.memref_slice %arg8[%dma_start3A_106, %dma_start3A_107, %dma_start3A_109, %dma_start3A_110] : memref<4x5x125x16xf32, #tpu.memory_space<vmem>> -> memref<1x1x125x16xf32, #tpu.memory_space<vmem>>
    %dma_start3A_112 = tpu.memref_squeeze %dma_start3A_111 : memref<1x1x125x16xf32, #tpu.memory_space<vmem>> -> memref<125x16xf32, #tpu.memory_space<vmem>>
    %dma_start3A_113 = arith.constant 0 : i32
    %dma_start3A_114 = tpu.memref_slice %arg6[%dma_start3A_105, %dma_start3A_113] : memref<80x125xi32, #tpu.memory_space<vmem>> -> memref<1x125xi32, #tpu.memory_space<vmem>>
    %dma_start3A_115 = tpu.memref_squeeze %dma_start3A_114 : memref<1x125xi32, #tpu.memory_space<vmem>> -> memref<125xi32, #tpu.memory_space<vmem>>
    %dma_start3A_116 = arith.constant 0 : i32
    %dma_start3A_117 = arith.constant 0 : i32
    %dma_start3A_118 = tpu.memref_slice %arg2[%dma_start3A_116, %dma_start3A_117] : memref<10000x16xf32, #tpu.memory_space<hbm>> -> memref<10000x16xf32, #tpu.memory_space<hbm>>
    %dma_start3A_119 = tpu.memref_slice %arg10[%dma_start3A_108] : memref<4x!tpu.dma_semaphore, #tpu.memory_space<semaphore_mem>> -> memref<1x!tpu.dma_semaphore, #tpu.memory_space<semaphore_mem>>
    %dma_start3A_120 = tpu.memref_squeeze %dma_start3A_119 : memref<1x!tpu.dma_semaphore, #tpu.memory_space<semaphore_mem>> -> memref<!tpu.dma_semaphore, #tpu.memory_space<semaphore_mem>>
    tpu.enqueue_indirect_dma source(%dma_start3A_118 : memref<10000x16xf32, #tpu.memory_space<hbm>>) target(%dma_start3A_112 : memref<125x16xf32, #tpu.memory_space<vmem>>) offsets(%dma_start3A_115 : memref<125xi32, #tpu.memory_space<vmem>>) semaphore(%dma_start3A_120 : memref<!tpu.dma_semaphore, #tpu.memory_space<semaphore_mem>>)
    %dma_start3A_121 = arith.constant 7 : i32
    %dma_start3A_122 = arith.constant 1 : i32
    %dma_start3A_123 = arith.constant 2 : i32
    %dma_start3A_124 = arith.constant 1 : i32
    %dma_start3A_125 = arith.constant 0 : i32
    %dma_start3A_126 = arith.constant 0 : i32
    %dma_start3A_127 = tpu.memref_slice %arg8[%dma_start3A_122, %dma_start3A_123, %dma_start3A_125, %dma_start3A_126] : memref<4x5x125x16xf32, #tpu.memory_space<vmem>> -> memref<1x1x125x16xf32, #tpu.memory_space<vmem>>
    %dma_start3A_128 = tpu.memref_squeeze %dma_start3A_127 : memref<1x1x125x16xf32, #tpu.memory_space<vmem>> -> memref<125x16xf32, #tpu.memory_space<vmem>>
    %dma_start3A_129 = arith.constant 0 : i32
    %dma_start3A_130 = tpu.memref_slice %arg6[%dma_start3A_121, %dma_start3A_129] : memref<80x125xi32, #tpu.memory_space<vmem>> -> memref<1x125xi32, #tpu.memory_space<vmem>>
    %dma_start3A_131 = tpu.memref_squeeze %dma_start3A_130 : memref<1x125xi32, #tpu.memory_space<vmem>> -> memref<125xi32, #tpu.memory_space<vmem>>
    %dma_start3A_132 = arith.constant 0 : i32
    %dma_start3A_133 = arith.constant 0 : i32
    %dma_start3A_134 = tpu.memref_slice %arg2[%dma_start3A_132, %dma_start3A_133] : memref<10000x16xf32, #tpu.memory_space<hbm>> -> memref<10000x16xf32, #tpu.memory_space<hbm>>
    %dma_start3A_135 = tpu.memref_slice %arg10[%dma_start3A_124] : memref<4x!tpu.dma_semaphore, #tpu.memory_space<semaphore_mem>> -> memref<1x!tpu.dma_semaphore, #tpu.memory_space<semaphore_mem>>
    %dma_start3A_136 = tpu.memref_squeeze %dma_start3A_135 : memref<1x!tpu.dma_semaphore, #tpu.memory_space<semaphore_mem>> -> memref<!tpu.dma_semaphore, #tpu.memory_space<semaphore_mem>>
    tpu.enqueue_indirect_dma source(%dma_start3A_134 : memref<10000x16xf32, #tpu.memory_space<hbm>>) target(%dma_start3A_128 : memref<125x16xf32, #tpu.memory_space<vmem>>) offsets(%dma_start3A_131 : memref<125xi32, #tpu.memory_space<vmem>>) semaphore(%dma_start3A_136 : memref<!tpu.dma_semaphore, #tpu.memory_space<semaphore_mem>>)
    %dma_start3A_137 = arith.constant 8 : i32
    %dma_start3A_138 = arith.constant 1 : i32
    %dma_start3A_139 = arith.constant 3 : i32
    %dma_start3A_140 = arith.constant 1 : i32
    %dma_start3A_141 = arith.constant 0 : i32
    %dma_start3A_142 = arith.constant 0 : i32
    %dma_start3A_143 = tpu.memref_slice %arg8[%dma_start3A_138, %dma_start3A_139, %dma_start3A_141, %dma_start3A_142] : memref<4x5x125x16xf32, #tpu.memory_space<vmem>> -> memref<1x1x125x16xf32, #tpu.memory_space<vmem>>
    %dma_start3A_144 = tpu.memref_squeeze %dma_start3A_143 : memref<1x1x125x16xf32, #tpu.memory_space<vmem>> -> memref<125x16xf32, #tpu.memory_space<vmem>>
    %dma_start3A_145 = arith.constant 0 : i32
    %dma_start3A_146 = tpu.memref_slice %arg6[%dma_start3A_137, %dma_start3A_145] : memref<80x125xi32, #tpu.memory_space<vmem>> -> memref<1x125xi32, #tpu.memory_space<vmem>>
    %dma_start3A_147 = tpu.memref_squeeze %dma_start3A_146 : memref<1x125xi32, #tpu.memory_space<vmem>> -> memref<125xi32, #tpu.memory_space<vmem>>
    %dma_start3A_148 = arith.constant 0 : i32
    %dma_start3A_149 = arith.constant 0 : i32
    %dma_start3A_150 = tpu.memref_slice %arg2[%dma_start3A_148, %dma_start3A_149] : memref<10000x16xf32, #tpu.memory_space<hbm>> -> memref<10000x16xf32, #tpu.memory_space<hbm>>
    %dma_start3A_151 = tpu.memref_slice %arg10[%dma_start3A_140] : memref<4x!tpu.dma_semaphore, #tpu.memory_space<semaphore_mem>> -> memref<1x!tpu.dma_semaphore, #tpu.memory_space<semaphore_mem>>
    %dma_start3A_152 = tpu.memref_squeeze %dma_start3A_151 : memref<1x!tpu.dma_semaphore, #tpu.memory_space<semaphore_mem>> -> memref<!tpu.dma_semaphore, #tpu.memory_space<semaphore_mem>>
    tpu.enqueue_indirect_dma source(%dma_start3A_150 : memref<10000x16xf32, #tpu.memory_space<hbm>>) target(%dma_start3A_144 : memref<125x16xf32, #tpu.memory_space<vmem>>) offsets(%dma_start3A_147 : memref<125xi32, #tpu.memory_space<vmem>>) semaphore(%dma_start3A_152 : memref<!tpu.dma_semaphore, #tpu.memory_space<semaphore_mem>>)
    %dma_start3A_153 = arith.constant 9 : i32
    %dma_start3A_154 = arith.constant 1 : i32
    %dma_start3A_155 = arith.constant 4 : i32
    %dma_start3A_156 = arith.constant 1 : i32
    %dma_start3A_157 = arith.constant 0 : i32
    %dma_start3A_158 = arith.constant 0 : i32
    %dma_start3A_159 = tpu.memref_slice %arg8[%dma_start3A_154, %dma_start3A_155, %dma_start3A_157, %dma_start3A_158] : memref<4x5x125x16xf32, #tpu.memory_space<vmem>> -> memref<1x1x125x16xf32, #tpu.memory_space<vmem>>
    %dma_start3A_160 = tpu.memref_squeeze %dma_start3A_159 : memref<1x1x125x16xf32, #tpu.memory_space<vmem>> -> memref<125x16xf32, #tpu.memory_space<vmem>>
    %dma_start3A_161 = arith.constant 0 : i32
    %dma_start3A_162 = tpu.memref_slice %arg6[%dma_start3A_153, %dma_start3A_161] : memref<80x125xi32, #tpu.memory_space<vmem>> -> memref<1x125xi32, #tpu.memory_space<vmem>>
    %dma_start3A_163 = tpu.memref_squeeze %dma_start3A_162 : memref<1x125xi32, #tpu.memory_space<vmem>> -> memref<125xi32, #tpu.memory_space<vmem>>
    %dma_start3A_164 = arith.constant 0 : i32
    %dma_start3A_165 = arith.constant 0 : i32
    %dma_start3A_166 = tpu.memref_slice %arg2[%dma_start3A_164, %dma_start3A_165] : memref<10000x16xf32, #tpu.memory_space<hbm>> -> memref<10000x16xf32, #tpu.memory_space<hbm>>
    %dma_start3A_167 = tpu.memref_slice %arg10[%dma_start3A_156] : memref<4x!tpu.dma_semaphore, #tpu.memory_space<semaphore_mem>> -> memref<1x!tpu.dma_semaphore, #tpu.memory_space<semaphore_mem>>
    %dma_start3A_168 = tpu.memref_squeeze %dma_start3A_167 : memref<1x!tpu.dma_semaphore, #tpu.memory_space<semaphore_mem>> -> memref<!tpu.dma_semaphore, #tpu.memory_space<semaphore_mem>>
    tpu.enqueue_indirect_dma source(%dma_start3A_166 : memref<10000x16xf32, #tpu.memory_space<hbm>>) target(%dma_start3A_160 : memref<125x16xf32, #tpu.memory_space<vmem>>) offsets(%dma_start3A_163 : memref<125xi32, #tpu.memory_space<vmem>>) semaphore(%dma_start3A_168 : memref<!tpu.dma_semaphore, #tpu.memory_space<semaphore_mem>>)
    %scan3A_169 = arith.constant 0 : i32
    %scan3A_170 = arith.constant 0 : i32
    %scan3A_171 = arith.constant 4 : i32
    %scan3A_172 = arith.addi %scan3A_170, %scan3A_171 : i32
    %scan3A_173 = arith.constant 1 : i32
    %scan3A_174 = scf.for %scan3A_563 = %scan3A_170 to %scan3A_172 step %scan3A_173 iter_args(%scan3A_564 = %scan3A_169) -> (i32)  : i32 {
      %mul3A_565 = arith.constant 4 : i32
      %mul3A_566 = arith.muli %scan3A_563, %mul3A_565 : i32
      %add3A_567 = arith.constant 0 : i32
      %add3A_568 = arith.addi %mul3A_566, %add3A_567 : i32
      %add3A_569 = arith.constant 2 : i32
      %add3A_570 = arith.addi %add3A_568, %add3A_569 : i32
      %lt3A = arith.constant 16 : i32
      %lt3A_571 = arith.cmpi slt, %add3A_570, %lt3A : i32
      %convert_element_type3A = arith.extui %lt3A_571 : i1 to i32
      %cond3A = arith.constant 0 : i32
      %cond3A_572 = arith.cmpi ne, %convert_element_type3A, %cond3A : i32
      scf.if %cond3A_572 {
        %ge3A = arith.constant 4 : i32
        %ge3A_1367 = arith.cmpi sge, %add3A_570, %ge3A : i32
        %convert_element_type3A_1368 = arith.extui %ge3A_1367 : i1 to i32
        %cond3A_1369 = arith.constant 0 : i32
        %cond3A_1370 = arith.cmpi ne, %convert_element_type3A_1368, %cond3A_1369 : i32
        scf.if %cond3A_1370 {
          %dma_wait3A_1466 = arith.constant 0 : i32
          %dma_wait3A_1467 = arith.constant 0 : i32
          %dma_wait3A_1468 = arith.constant 2 : i32
          %dma_wait3A_1469 = arith.constant 0 : i32
          %dma_wait3A_1470 = arith.constant 0 : i32
          %dma_wait3A_1471 = tpu.memref_slice %arg8[%dma_wait3A_1466, %dma_wait3A_1467, %dma_wait3A_1469, %dma_wait3A_1470] : memref<4x5x125x16xf32, #tpu.memory_space<vmem>> -> memref<1x1x125x16xf32, #tpu.memory_space<vmem>>
          %dma_wait3A_1472 = tpu.memref_squeeze %dma_wait3A_1471 : memref<1x1x125x16xf32, #tpu.memory_space<vmem>> -> memref<125x16xf32, #tpu.memory_space<vmem>>
          %dma_wait3A_1473 = arith.constant 0 : i32
          %dma_wait3A_1474 = arith.constant 0 : i32
          %dma_wait3A_1475 = tpu.memref_slice %arg2[%dma_wait3A_1473, %dma_wait3A_1474] : memref<10000x16xf32, #tpu.memory_space<hbm>> -> memref<125x16xf32, #tpu.memory_space<hbm>>
          %dma_wait3A_1476 = tpu.memref_slice %arg11[%dma_wait3A_1468] : memref<4x!tpu.dma_semaphore, #tpu.memory_space<semaphore_mem>> -> memref<1x!tpu.dma_semaphore, #tpu.memory_space<semaphore_mem>>
          %dma_wait3A_1477 = tpu.memref_squeeze %dma_wait3A_1476 : memref<1x!tpu.dma_semaphore, #tpu.memory_space<semaphore_mem>> -> memref<!tpu.dma_semaphore, #tpu.memory_space<semaphore_mem>>
          %dma_wait3A_1478 = arith.constant 0 : i32
          %dma_wait3A_1479 = arith.constant 0 : i32
          %dma_wait3A_1480 = tpu.memref_slice %arg8[%dma_wait3A_1466, %dma_wait3A_1467, %dma_wait3A_1478, %dma_wait3A_1479] : memref<4x5x125x16xf32, #tpu.memory_space<vmem>> -> memref<1x1x125x16xf32, #tpu.memory_space<vmem>>
          %dma_wait3A_1481 = tpu.memref_squeeze %dma_wait3A_1480 : memref<1x1x125x16xf32, #tpu.memory_space<vmem>> -> memref<125x16xf32, #tpu.memory_space<vmem>>
          %dma_wait3A_1482 = arith.constant 0 : i32
          %dma_wait3A_1483 = arith.constant 0 : i32
          %dma_wait3A_1484 = tpu.memref_slice %arg2[%dma_wait3A_1482, %dma_wait3A_1483] : memref<10000x16xf32, #tpu.memory_space<hbm>> -> memref<125x16xf32, #tpu.memory_space<hbm>>
          tpu.wait_dma2 semaphore(%dma_wait3A_1477 : memref<!tpu.dma_semaphore, #tpu.memory_space<semaphore_mem>>) src(%dma_wait3A_1484 : memref<125x16xf32, #tpu.memory_space<hbm>>) dst(%dma_wait3A_1481 : memref<125x16xf32, #tpu.memory_space<vmem>>)
          %dma_wait3A_1485 = arith.constant 0 : i32
          %dma_wait3A_1486 = arith.constant 1 : i32
          %dma_wait3A_1487 = arith.constant 2 : i32
          %dma_wait3A_1488 = arith.constant 0 : i32
          %dma_wait3A_1489 = arith.constant 0 : i32
          %dma_wait3A_1490 = tpu.memref_slice %arg8[%dma_wait3A_1485, %dma_wait3A_1486, %dma_wait3A_1488, %dma_wait3A_1489] : memref<4x5x125x16xf32, #tpu.memory_space<vmem>> -> memref<1x1x125x16xf32, #tpu.memory_space<vmem>>
          %dma_wait3A_1491 = tpu.memref_squeeze %dma_wait3A_1490 : memref<1x1x125x16xf32, #tpu.memory_space<vmem>> -> memref<125x16xf32, #tpu.memory_space<vmem>>
          %dma_wait3A_1492 = arith.constant 0 : i32
          %dma_wait3A_1493 = arith.constant 0 : i32
          %dma_wait3A_1494 = tpu.memref_slice %arg2[%dma_wait3A_1492, %dma_wait3A_1493] : memref<10000x16xf32, #tpu.memory_space<hbm>> -> memref<125x16xf32, #tpu.memory_space<hbm>>
          %dma_wait3A_1495 = tpu.memref_slice %arg11[%dma_wait3A_1487] : memref<4x!tpu.dma_semaphore, #tpu.memory_space<semaphore_mem>> -> memref<1x!tpu.dma_semaphore, #tpu.memory_space<semaphore_mem>>
          %dma_wait3A_1496 = tpu.memref_squeeze %dma_wait3A_1495 : memref<1x!tpu.dma_semaphore, #tpu.memory_space<semaphore_mem>> -> memref<!tpu.dma_semaphore, #tpu.memory_space<semaphore_mem>>
          %dma_wait3A_1497 = arith.constant 0 : i32
          %dma_wait3A_1498 = arith.constant 0 : i32
          %dma_wait3A_1499 = tpu.memref_slice %arg8[%dma_wait3A_1485, %dma_wait3A_1486, %dma_wait3A_1497, %dma_wait3A_1498] : memref<4x5x125x16xf32, #tpu.memory_space<vmem>> -> memref<1x1x125x16xf32, #tpu.memory_space<vmem>>
          %dma_wait3A_1500 = tpu.memref_squeeze %dma_wait3A_1499 : memref<1x1x125x16xf32, #tpu.memory_space<vmem>> -> memref<125x16xf32, #tpu.memory_space<vmem>>
          %dma_wait3A_1501 = arith.constant 0 : i32
          %dma_wait3A_1502 = arith.constant 0 : i32
          %dma_wait3A_1503 = tpu.memref_slice %arg2[%dma_wait3A_1501, %dma_wait3A_1502] : memref<10000x16xf32, #tpu.memory_space<hbm>> -> memref<125x16xf32, #tpu.memory_space<hbm>>
          tpu.wait_dma2 semaphore(%dma_wait3A_1496 : memref<!tpu.dma_semaphore, #tpu.memory_space<semaphore_mem>>) src(%dma_wait3A_1503 : memref<125x16xf32, #tpu.memory_space<hbm>>) dst(%dma_wait3A_1500 : memref<125x16xf32, #tpu.memory_space<vmem>>)
          %dma_wait3A_1504 = arith.constant 0 : i32
          %dma_wait3A_1505 = arith.constant 2 : i32
          %dma_wait3A_1506 = arith.constant 2 : i32
          %dma_wait3A_1507 = arith.constant 0 : i32
          %dma_wait3A_1508 = arith.constant 0 : i32
          %dma_wait3A_1509 = tpu.memref_slice %arg8[%dma_wait3A_1504, %dma_wait3A_1505, %dma_wait3A_1507, %dma_wait3A_1508] : memref<4x5x125x16xf32, #tpu.memory_space<vmem>> -> memref<1x1x125x16xf32, #tpu.memory_space<vmem>>
          %dma_wait3A_1510 = tpu.memref_squeeze %dma_wait3A_1509 : memref<1x1x125x16xf32, #tpu.memory_space<vmem>> -> memref<125x16xf32, #tpu.memory_space<vmem>>
          %dma_wait3A_1511 = arith.constant 0 : i32
          %dma_wait3A_1512 = arith.constant 0 : i32
          %dma_wait3A_1513 = tpu.memref_slice %arg2[%dma_wait3A_1511, %dma_wait3A_1512] : memref<10000x16xf32, #tpu.memory_space<hbm>> -> memref<125x16xf32, #tpu.memory_space<hbm>>
          %dma_wait3A_1514 = tpu.memref_slice %arg11[%dma_wait3A_1506] : memref<4x!tpu.dma_semaphore, #tpu.memory_space<semaphore_mem>> -> memref<1x!tpu.dma_semaphore, #tpu.memory_space<semaphore_mem>>
          %dma_wait3A_1515 = tpu.memref_squeeze %dma_wait3A_1514 : memref<1x!tpu.dma_semaphore, #tpu.memory_space<semaphore_mem>> -> memref<!tpu.dma_semaphore, #tpu.memory_space<semaphore_mem>>
          %dma_wait3A_1516 = arith.constant 0 : i32
          %dma_wait3A_1517 = arith.constant 0 : i32
          %dma_wait3A_1518 = tpu.memref_slice %arg8[%dma_wait3A_1504, %dma_wait3A_1505, %dma_wait3A_1516, %dma_wait3A_1517] : memref<4x5x125x16xf32, #tpu.memory_space<vmem>> -> memref<1x1x125x16xf32, #tpu.memory_space<vmem>>
          %dma_wait3A_1519 = tpu.memref_squeeze %dma_wait3A_1518 : memref<1x1x125x16xf32, #tpu.memory_space<vmem>> -> memref<125x16xf32, #tpu.memory_space<vmem>>
          %dma_wait3A_1520 = arith.constant 0 : i32
          %dma_wait3A_1521 = arith.constant 0 : i32
          %dma_wait3A_1522 = tpu.memref_slice %arg2[%dma_wait3A_1520, %dma_wait3A_1521] : memref<10000x16xf32, #tpu.memory_space<hbm>> -> memref<125x16xf32, #tpu.memory_space<hbm>>
          tpu.wait_dma2 semaphore(%dma_wait3A_1515 : memref<!tpu.dma_semaphore, #tpu.memory_space<semaphore_mem>>) src(%dma_wait3A_1522 : memref<125x16xf32, #tpu.memory_space<hbm>>) dst(%dma_wait3A_1519 : memref<125x16xf32, #tpu.memory_space<vmem>>)
          %dma_wait3A_1523 = arith.constant 0 : i32
          %dma_wait3A_1524 = arith.constant 3 : i32
          %dma_wait3A_1525 = arith.constant 2 : i32
          %dma_wait3A_1526 = arith.constant 0 : i32
          %dma_wait3A_1527 = arith.constant 0 : i32
          %dma_wait3A_1528 = tpu.memref_slice %arg8[%dma_wait3A_1523, %dma_wait3A_1524, %dma_wait3A_1526, %dma_wait3A_1527] : memref<4x5x125x16xf32, #tpu.memory_space<vmem>> -> memref<1x1x125x16xf32, #tpu.memory_space<vmem>>
          %dma_wait3A_1529 = tpu.memref_squeeze %dma_wait3A_1528 : memref<1x1x125x16xf32, #tpu.memory_space<vmem>> -> memref<125x16xf32, #tpu.memory_space<vmem>>
          %dma_wait3A_1530 = arith.constant 0 : i32
          %dma_wait3A_1531 = arith.constant 0 : i32
          %dma_wait3A_1532 = tpu.memref_slice %arg2[%dma_wait3A_1530, %dma_wait3A_1531] : memref<10000x16xf32, #tpu.memory_space<hbm>> -> memref<125x16xf32, #tpu.memory_space<hbm>>
          %dma_wait3A_1533 = tpu.memref_slice %arg11[%dma_wait3A_1525] : memref<4x!tpu.dma_semaphore, #tpu.memory_space<semaphore_mem>> -> memref<1x!tpu.dma_semaphore, #tpu.memory_space<semaphore_mem>>
          %dma_wait3A_1534 = tpu.memref_squeeze %dma_wait3A_1533 : memref<1x!tpu.dma_semaphore, #tpu.memory_space<semaphore_mem>> -> memref<!tpu.dma_semaphore, #tpu.memory_space<semaphore_mem>>
          %dma_wait3A_1535 = arith.constant 0 : i32
          %dma_wait3A_1536 = arith.constant 0 : i32
          %dma_wait3A_1537 = tpu.memref_slice %arg8[%dma_wait3A_1523, %dma_wait3A_1524, %dma_wait3A_1535, %dma_wait3A_1536] : memref<4x5x125x16xf32, #tpu.memory_space<vmem>> -> memref<1x1x125x16xf32, #tpu.memory_space<vmem>>
          %dma_wait3A_1538 = tpu.memref_squeeze %dma_wait3A_1537 : memref<1x1x125x16xf32, #tpu.memory_space<vmem>> -> memref<125x16xf32, #tpu.memory_space<vmem>>
          %dma_wait3A_1539 = arith.constant 0 : i32
          %dma_wait3A_1540 = arith.constant 0 : i32
          %dma_wait3A_1541 = tpu.memref_slice %arg2[%dma_wait3A_1539, %dma_wait3A_1540] : memref<10000x16xf32, #tpu.memory_space<hbm>> -> memref<125x16xf32, #tpu.memory_space<hbm>>
          tpu.wait_dma2 semaphore(%dma_wait3A_1534 : memref<!tpu.dma_semaphore, #tpu.memory_space<semaphore_mem>>) src(%dma_wait3A_1541 : memref<125x16xf32, #tpu.memory_space<hbm>>) dst(%dma_wait3A_1538 : memref<125x16xf32, #tpu.memory_space<vmem>>)
          %dma_wait3A_1542 = arith.constant 0 : i32
          %dma_wait3A_1543 = arith.constant 4 : i32
          %dma_wait3A_1544 = arith.constant 2 : i32
          %dma_wait3A_1545 = arith.constant 0 : i32
          %dma_wait3A_1546 = arith.constant 0 : i32
          %dma_wait3A_1547 = tpu.memref_slice %arg8[%dma_wait3A_1542, %dma_wait3A_1543, %dma_wait3A_1545, %dma_wait3A_1546] : memref<4x5x125x16xf32, #tpu.memory_space<vmem>> -> memref<1x1x125x16xf32, #tpu.memory_space<vmem>>
          %dma_wait3A_1548 = tpu.memref_squeeze %dma_wait3A_1547 : memref<1x1x125x16xf32, #tpu.memory_space<vmem>> -> memref<125x16xf32, #tpu.memory_space<vmem>>
          %dma_wait3A_1549 = arith.constant 0 : i32
          %dma_wait3A_1550 = arith.constant 0 : i32
          %dma_wait3A_1551 = tpu.memref_slice %arg2[%dma_wait3A_1549, %dma_wait3A_1550] : memref<10000x16xf32, #tpu.memory_space<hbm>> -> memref<125x16xf32, #tpu.memory_space<hbm>>
          %dma_wait3A_1552 = tpu.memref_slice %arg11[%dma_wait3A_1544] : memref<4x!tpu.dma_semaphore, #tpu.memory_space<semaphore_mem>> -> memref<1x!tpu.dma_semaphore, #tpu.memory_space<semaphore_mem>>
          %dma_wait3A_1553 = tpu.memref_squeeze %dma_wait3A_1552 : memref<1x!tpu.dma_semaphore, #tpu.memory_space<semaphore_mem>> -> memref<!tpu.dma_semaphore, #tpu.memory_space<semaphore_mem>>
          %dma_wait3A_1554 = arith.constant 0 : i32
          %dma_wait3A_1555 = arith.constant 0 : i32
          %dma_wait3A_1556 = tpu.memref_slice %arg8[%dma_wait3A_1542, %dma_wait3A_1543, %dma_wait3A_1554, %dma_wait3A_1555] : memref<4x5x125x16xf32, #tpu.memory_space<vmem>> -> memref<1x1x125x16xf32, #tpu.memory_space<vmem>>
          %dma_wait3A_1557 = tpu.memref_squeeze %dma_wait3A_1556 : memref<1x1x125x16xf32, #tpu.memory_space<vmem>> -> memref<125x16xf32, #tpu.memory_space<vmem>>
          %dma_wait3A_1558 = arith.constant 0 : i32
          %dma_wait3A_1559 = arith.constant 0 : i32
          %dma_wait3A_1560 = tpu.memref_slice %arg2[%dma_wait3A_1558, %dma_wait3A_1559] : memref<10000x16xf32, #tpu.memory_space<hbm>> -> memref<125x16xf32, #tpu.memory_space<hbm>>
          tpu.wait_dma2 semaphore(%dma_wait3A_1553 : memref<!tpu.dma_semaphore, #tpu.memory_space<semaphore_mem>>) src(%dma_wait3A_1560 : memref<125x16xf32, #tpu.memory_space<hbm>>) dst(%dma_wait3A_1557 : memref<125x16xf32, #tpu.memory_space<vmem>>)
        } else {
        }
        %mul3A_1371 = arith.constant 5 : i32
        %mul3A_1372 = arith.muli %add3A_570, %mul3A_1371 : i32
        %add3A_1373 = arith.constant 0 : i32
        %add3A_1374 = arith.addi %mul3A_1372, %add3A_1373 : i32
        %dma_start3A_1375 = arith.constant 2 : i32
        %dma_start3A_1376 = arith.constant 0 : i32
        %dma_start3A_1377 = arith.constant 2 : i32
        %dma_start3A_1378 = arith.constant 0 : i32
        %dma_start3A_1379 = arith.constant 0 : i32
        %dma_start3A_1380 = tpu.memref_slice %arg8[%dma_start3A_1375, %dma_start3A_1376, %dma_start3A_1378, %dma_start3A_1379] : memref<4x5x125x16xf32, #tpu.memory_space<vmem>> -> memref<1x1x125x16xf32, #tpu.memory_space<vmem>>
        %dma_start3A_1381 = tpu.memref_squeeze %dma_start3A_1380 : memref<1x1x125x16xf32, #tpu.memory_space<vmem>> -> memref<125x16xf32, #tpu.memory_space<vmem>>
        %dma_start3A_1382 = arith.constant 0 : i32
        %dma_start3A_1383 = tpu.memref_slice %arg6[%add3A_1374, %dma_start3A_1382] : memref<80x125xi32, #tpu.memory_space<vmem>> -> memref<1x125xi32, #tpu.memory_space<vmem>>
        %dma_start3A_1384 = tpu.memref_squeeze %dma_start3A_1383 : memref<1x125xi32, #tpu.memory_space<vmem>> -> memref<125xi32, #tpu.memory_space<vmem>>
        %dma_start3A_1385 = arith.constant 0 : i32
        %dma_start3A_1386 = arith.constant 0 : i32
        %dma_start3A_1387 = tpu.memref_slice %arg2[%dma_start3A_1385, %dma_start3A_1386] : memref<10000x16xf32, #tpu.memory_space<hbm>> -> memref<10000x16xf32, #tpu.memory_space<hbm>>
        %dma_start3A_1388 = tpu.memref_slice %arg10[%dma_start3A_1377] : memref<4x!tpu.dma_semaphore, #tpu.memory_space<semaphore_mem>> -> memref<1x!tpu.dma_semaphore, #tpu.memory_space<semaphore_mem>>
        %dma_start3A_1389 = tpu.memref_squeeze %dma_start3A_1388 : memref<1x!tpu.dma_semaphore, #tpu.memory_space<semaphore_mem>> -> memref<!tpu.dma_semaphore, #tpu.memory_space<semaphore_mem>>
        tpu.enqueue_indirect_dma source(%dma_start3A_1387 : memref<10000x16xf32, #tpu.memory_space<hbm>>) target(%dma_start3A_1381 : memref<125x16xf32, #tpu.memory_space<vmem>>) offsets(%dma_start3A_1384 : memref<125xi32, #tpu.memory_space<vmem>>) semaphore(%dma_start3A_1389 : memref<!tpu.dma_semaphore, #tpu.memory_space<semaphore_mem>>)
        %mul3A_1390 = arith.constant 5 : i32
        %mul3A_1391 = arith.muli %add3A_570, %mul3A_1390 : i32
        %add3A_1392 = arith.constant 1 : i32
        %add3A_1393 = arith.addi %mul3A_1391, %add3A_1392 : i32
        %dma_start3A_1394 = arith.constant 2 : i32
        %dma_start3A_1395 = arith.constant 1 : i32
        %dma_start3A_1396 = arith.constant 2 : i32
        %dma_start3A_1397 = arith.constant 0 : i32
        %dma_start3A_1398 = arith.constant 0 : i32
        %dma_start3A_1399 = tpu.memref_slice %arg8[%dma_start3A_1394, %dma_start3A_1395, %dma_start3A_1397, %dma_start3A_1398] : memref<4x5x125x16xf32, #tpu.memory_space<vmem>> -> memref<1x1x125x16xf32, #tpu.memory_space<vmem>>
        %dma_start3A_1400 = tpu.memref_squeeze %dma_start3A_1399 : memref<1x1x125x16xf32, #tpu.memory_space<vmem>> -> memref<125x16xf32, #tpu.memory_space<vmem>>
        %dma_start3A_1401 = arith.constant 0 : i32
        %dma_start3A_1402 = tpu.memref_slice %arg6[%add3A_1393, %dma_start3A_1401] : memref<80x125xi32, #tpu.memory_space<vmem>> -> memref<1x125xi32, #tpu.memory_space<vmem>>
        %dma_start3A_1403 = tpu.memref_squeeze %dma_start3A_1402 : memref<1x125xi32, #tpu.memory_space<vmem>> -> memref<125xi32, #tpu.memory_space<vmem>>
        %dma_start3A_1404 = arith.constant 0 : i32
        %dma_start3A_1405 = arith.constant 0 : i32
        %dma_start3A_1406 = tpu.memref_slice %arg2[%dma_start3A_1404, %dma_start3A_1405] : memref<10000x16xf32, #tpu.memory_space<hbm>> -> memref<10000x16xf32, #tpu.memory_space<hbm>>
        %dma_start3A_1407 = tpu.memref_slice %arg10[%dma_start3A_1396] : memref<4x!tpu.dma_semaphore, #tpu.memory_space<semaphore_mem>> -> memref<1x!tpu.dma_semaphore, #tpu.memory_space<semaphore_mem>>
        %dma_start3A_1408 = tpu.memref_squeeze %dma_start3A_1407 : memref<1x!tpu.dma_semaphore, #tpu.memory_space<semaphore_mem>> -> memref<!tpu.dma_semaphore, #tpu.memory_space<semaphore_mem>>
        tpu.enqueue_indirect_dma source(%dma_start3A_1406 : memref<10000x16xf32, #tpu.memory_space<hbm>>) target(%dma_start3A_1400 : memref<125x16xf32, #tpu.memory_space<vmem>>) offsets(%dma_start3A_1403 : memref<125xi32, #tpu.memory_space<vmem>>) semaphore(%dma_start3A_1408 : memref<!tpu.dma_semaphore, #tpu.memory_space<semaphore_mem>>)
        %mul3A_1409 = arith.constant 5 : i32
        %mul3A_1410 = arith.muli %add3A_570, %mul3A_1409 : i32
        %add3A_1411 = arith.constant 2 : i32
        %add3A_1412 = arith.addi %mul3A_1410, %add3A_1411 : i32
        %dma_start3A_1413 = arith.constant 2 : i32
        %dma_start3A_1414 = arith.constant 2 : i32
        %dma_start3A_1415 = arith.constant 2 : i32
        %dma_start3A_1416 = arith.constant 0 : i32
        %dma_start3A_1417 = arith.constant 0 : i32
        %dma_start3A_1418 = tpu.memref_slice %arg8[%dma_start3A_1413, %dma_start3A_1414, %dma_start3A_1416, %dma_start3A_1417] : memref<4x5x125x16xf32, #tpu.memory_space<vmem>> -> memref<1x1x125x16xf32, #tpu.memory_space<vmem>>
        %dma_start3A_1419 = tpu.memref_squeeze %dma_start3A_1418 : memref<1x1x125x16xf32, #tpu.memory_space<vmem>> -> memref<125x16xf32, #tpu.memory_space<vmem>>
        %dma_start3A_1420 = arith.constant 0 : i32
        %dma_start3A_1421 = tpu.memref_slice %arg6[%add3A_1412, %dma_start3A_1420] : memref<80x125xi32, #tpu.memory_space<vmem>> -> memref<1x125xi32, #tpu.memory_space<vmem>>
        %dma_start3A_1422 = tpu.memref_squeeze %dma_start3A_1421 : memref<1x125xi32, #tpu.memory_space<vmem>> -> memref<125xi32, #tpu.memory_space<vmem>>
        %dma_start3A_1423 = arith.constant 0 : i32
        %dma_start3A_1424 = arith.constant 0 : i32
        %dma_start3A_1425 = tpu.memref_slice %arg2[%dma_start3A_1423, %dma_start3A_1424] : memref<10000x16xf32, #tpu.memory_space<hbm>> -> memref<10000x16xf32, #tpu.memory_space<hbm>>
        %dma_start3A_1426 = tpu.memref_slice %arg10[%dma_start3A_1415] : memref<4x!tpu.dma_semaphore, #tpu.memory_space<semaphore_mem>> -> memref<1x!tpu.dma_semaphore, #tpu.memory_space<semaphore_mem>>
        %dma_start3A_1427 = tpu.memref_squeeze %dma_start3A_1426 : memref<1x!tpu.dma_semaphore, #tpu.memory_space<semaphore_mem>> -> memref<!tpu.dma_semaphore, #tpu.memory_space<semaphore_mem>>
        tpu.enqueue_indirect_dma source(%dma_start3A_1425 : memref<10000x16xf32, #tpu.memory_space<hbm>>) target(%dma_start3A_1419 : memref<125x16xf32, #tpu.memory_space<vmem>>) offsets(%dma_start3A_1422 : memref<125xi32, #tpu.memory_space<vmem>>) semaphore(%dma_start3A_1427 : memref<!tpu.dma_semaphore, #tpu.memory_space<semaphore_mem>>)
        %mul3A_1428 = arith.constant 5 : i32
        %mul3A_1429 = arith.muli %add3A_570, %mul3A_1428 : i32
        %add3A_1430 = arith.constant 3 : i32
        %add3A_1431 = arith.addi %mul3A_1429, %add3A_1430 : i32
        %dma_start3A_1432 = arith.constant 2 : i32
        %dma_start3A_1433 = arith.constant 3 : i32
        %dma_start3A_1434 = arith.constant 2 : i32
        %dma_start3A_1435 = arith.constant 0 : i32
        %dma_start3A_1436 = arith.constant 0 : i32
        %dma_start3A_1437 = tpu.memref_slice %arg8[%dma_start3A_1432, %dma_start3A_1433, %dma_start3A_1435, %dma_start3A_1436] : memref<4x5x125x16xf32, #tpu.memory_space<vmem>> -> memref<1x1x125x16xf32, #tpu.memory_space<vmem>>
        %dma_start3A_1438 = tpu.memref_squeeze %dma_start3A_1437 : memref<1x1x125x16xf32, #tpu.memory_space<vmem>> -> memref<125x16xf32, #tpu.memory_space<vmem>>
        %dma_start3A_1439 = arith.constant 0 : i32
        %dma_start3A_1440 = tpu.memref_slice %arg6[%add3A_1431, %dma_start3A_1439] : memref<80x125xi32, #tpu.memory_space<vmem>> -> memref<1x125xi32, #tpu.memory_space<vmem>>
        %dma_start3A_1441 = tpu.memref_squeeze %dma_start3A_1440 : memref<1x125xi32, #tpu.memory_space<vmem>> -> memref<125xi32, #tpu.memory_space<vmem>>
        %dma_start3A_1442 = arith.constant 0 : i32
        %dma_start3A_1443 = arith.constant 0 : i32
        %dma_start3A_1444 = tpu.memref_slice %arg2[%dma_start3A_1442, %dma_start3A_1443] : memref<10000x16xf32, #tpu.memory_space<hbm>> -> memref<10000x16xf32, #tpu.memory_space<hbm>>
        %dma_start3A_1445 = tpu.memref_slice %arg10[%dma_start3A_1434] : memref<4x!tpu.dma_semaphore, #tpu.memory_space<semaphore_mem>> -> memref<1x!tpu.dma_semaphore, #tpu.memory_space<semaphore_mem>>
        %dma_start3A_1446 = tpu.memref_squeeze %dma_start3A_1445 : memref<1x!tpu.dma_semaphore, #tpu.memory_space<semaphore_mem>> -> memref<!tpu.dma_semaphore, #tpu.memory_space<semaphore_mem>>
        tpu.enqueue_indirect_dma source(%dma_start3A_1444 : memref<10000x16xf32, #tpu.memory_space<hbm>>) target(%dma_start3A_1438 : memref<125x16xf32, #tpu.memory_space<vmem>>) offsets(%dma_start3A_1441 : memref<125xi32, #tpu.memory_space<vmem>>) semaphore(%dma_start3A_1446 : memref<!tpu.dma_semaphore, #tpu.memory_space<semaphore_mem>>)
        %mul3A_1447 = arith.constant 5 : i32
        %mul3A_1448 = arith.muli %add3A_570, %mul3A_1447 : i32
        %add3A_1449 = arith.constant 4 : i32
        %add3A_1450 = arith.addi %mul3A_1448, %add3A_1449 : i32
        %dma_start3A_1451 = arith.constant 2 : i32
        %dma_start3A_1452 = arith.constant 4 : i32
        %dma_start3A_1453 = arith.constant 2 : i32
        %dma_start3A_1454 = arith.constant 0 : i32
        %dma_start3A_1455 = arith.constant 0 : i32
        %dma_start3A_1456 = tpu.memref_slice %arg8[%dma_start3A_1451, %dma_start3A_1452, %dma_start3A_1454, %dma_start3A_1455] : memref<4x5x125x16xf32, #tpu.memory_space<vmem>> -> memref<1x1x125x16xf32, #tpu.memory_space<vmem>>
        %dma_start3A_1457 = tpu.memref_squeeze %dma_start3A_1456 : memref<1x1x125x16xf32, #tpu.memory_space<vmem>> -> memref<125x16xf32, #tpu.memory_space<vmem>>
        %dma_start3A_1458 = arith.constant 0 : i32
        %dma_start3A_1459 = tpu.memref_slice %arg6[%add3A_1450, %dma_start3A_1458] : memref<80x125xi32, #tpu.memory_space<vmem>> -> memref<1x125xi32, #tpu.memory_space<vmem>>
        %dma_start3A_1460 = tpu.memref_squeeze %dma_start3A_1459 : memref<1x125xi32, #tpu.memory_space<vmem>> -> memref<125xi32, #tpu.memory_space<vmem>>
        %dma_start3A_1461 = arith.constant 0 : i32
        %dma_start3A_1462 = arith.constant 0 : i32
        %dma_start3A_1463 = tpu.memref_slice %arg2[%dma_start3A_1461, %dma_start3A_1462] : memref<10000x16xf32, #tpu.memory_space<hbm>> -> memref<10000x16xf32, #tpu.memory_space<hbm>>
        %dma_start3A_1464 = tpu.memref_slice %arg10[%dma_start3A_1453] : memref<4x!tpu.dma_semaphore, #tpu.memory_space<semaphore_mem>> -> memref<1x!tpu.dma_semaphore, #tpu.memory_space<semaphore_mem>>
        %dma_start3A_1465 = tpu.memref_squeeze %dma_start3A_1464 : memref<1x!tpu.dma_semaphore, #tpu.memory_space<semaphore_mem>> -> memref<!tpu.dma_semaphore, #tpu.memory_space<semaphore_mem>>
        tpu.enqueue_indirect_dma source(%dma_start3A_1463 : memref<10000x16xf32, #tpu.memory_space<hbm>>) target(%dma_start3A_1457 : memref<125x16xf32, #tpu.memory_space<vmem>>) offsets(%dma_start3A_1460 : memref<125xi32, #tpu.memory_space<vmem>>) semaphore(%dma_start3A_1465 : memref<!tpu.dma_semaphore, #tpu.memory_space<semaphore_mem>>)
      } else {
      }
      %dma_wait3A_573 = arith.constant 0 : i32
      %dma_wait3A_574 = arith.constant 0 : i32
      %dma_wait3A_575 = arith.constant 0 : i32
      %dma_wait3A_576 = arith.constant 0 : i32
      %dma_wait3A_577 = arith.constant 0 : i32
      %dma_wait3A_578 = tpu.memref_slice %arg8[%dma_wait3A_573, %dma_wait3A_574, %dma_wait3A_576, %dma_wait3A_577] : memref<4x5x125x16xf32, #tpu.memory_space<vmem>> -> memref<1x1x125x16xf32, #tpu.memory_space<vmem>>
      %dma_wait3A_579 = tpu.memref_squeeze %dma_wait3A_578 : memref<1x1x125x16xf32, #tpu.memory_space<vmem>> -> memref<125x16xf32, #tpu.memory_space<vmem>>
      %dma_wait3A_580 = arith.constant 0 : i32
      %dma_wait3A_581 = arith.constant 0 : i32
      %dma_wait3A_582 = tpu.memref_slice %arg2[%dma_wait3A_580, %dma_wait3A_581] : memref<10000x16xf32, #tpu.memory_space<hbm>> -> memref<125x16xf32, #tpu.memory_space<hbm>>
      %dma_wait3A_583 = tpu.memref_slice %arg10[%dma_wait3A_575] : memref<4x!tpu.dma_semaphore, #tpu.memory_space<semaphore_mem>> -> memref<1x!tpu.dma_semaphore, #tpu.memory_space<semaphore_mem>>
      %dma_wait3A_584 = tpu.memref_squeeze %dma_wait3A_583 : memref<1x!tpu.dma_semaphore, #tpu.memory_space<semaphore_mem>> -> memref<!tpu.dma_semaphore, #tpu.memory_space<semaphore_mem>>
      %dma_wait3A_585 = arith.constant 0 : i32
      %dma_wait3A_586 = arith.constant 0 : i32
      %dma_wait3A_587 = tpu.memref_slice %arg8[%dma_wait3A_573, %dma_wait3A_574, %dma_wait3A_585, %dma_wait3A_586] : memref<4x5x125x16xf32, #tpu.memory_space<vmem>> -> memref<1x1x125x16xf32, #tpu.memory_space<vmem>>
      %dma_wait3A_588 = tpu.memref_squeeze %dma_wait3A_587 : memref<1x1x125x16xf32, #tpu.memory_space<vmem>> -> memref<125x16xf32, #tpu.memory_space<vmem>>
      %dma_wait3A_589 = arith.constant 0 : i32
      %dma_wait3A_590 = arith.constant 0 : i32
      %dma_wait3A_591 = tpu.memref_slice %arg2[%dma_wait3A_589, %dma_wait3A_590] : memref<10000x16xf32, #tpu.memory_space<hbm>> -> memref<125x16xf32, #tpu.memory_space<hbm>>
      tpu.wait_dma2 semaphore(%dma_wait3A_584 : memref<!tpu.dma_semaphore, #tpu.memory_space<semaphore_mem>>) src(%dma_wait3A_591 : memref<125x16xf32, #tpu.memory_space<hbm>>) dst(%dma_wait3A_588 : memref<125x16xf32, #tpu.memory_space<vmem>>)
      %dma_wait3A_592 = arith.constant 0 : i32
      %dma_wait3A_593 = arith.constant 1 : i32
      %dma_wait3A_594 = arith.constant 0 : i32
      %dma_wait3A_595 = arith.constant 0 : i32
      %dma_wait3A_596 = arith.constant 0 : i32
      %dma_wait3A_597 = tpu.memref_slice %arg8[%dma_wait3A_592, %dma_wait3A_593, %dma_wait3A_595, %dma_wait3A_596] : memref<4x5x125x16xf32, #tpu.memory_space<vmem>> -> memref<1x1x125x16xf32, #tpu.memory_space<vmem>>
      %dma_wait3A_598 = tpu.memref_squeeze %dma_wait3A_597 : memref<1x1x125x16xf32, #tpu.memory_space<vmem>> -> memref<125x16xf32, #tpu.memory_space<vmem>>
      %dma_wait3A_599 = arith.constant 0 : i32
      %dma_wait3A_600 = arith.constant 0 : i32
      %dma_wait3A_601 = tpu.memref_slice %arg2[%dma_wait3A_599, %dma_wait3A_600] : memref<10000x16xf32, #tpu.memory_space<hbm>> -> memref<125x16xf32, #tpu.memory_space<hbm>>
      %dma_wait3A_602 = tpu.memref_slice %arg10[%dma_wait3A_594] : memref<4x!tpu.dma_semaphore, #tpu.memory_space<semaphore_mem>> -> memref<1x!tpu.dma_semaphore, #tpu.memory_space<semaphore_mem>>
      %dma_wait3A_603 = tpu.memref_squeeze %dma_wait3A_602 : memref<1x!tpu.dma_semaphore, #tpu.memory_space<semaphore_mem>> -> memref<!tpu.dma_semaphore, #tpu.memory_space<semaphore_mem>>
      %dma_wait3A_604 = arith.constant 0 : i32
      %dma_wait3A_605 = arith.constant 0 : i32
      %dma_wait3A_606 = tpu.memref_slice %arg8[%dma_wait3A_592, %dma_wait3A_593, %dma_wait3A_604, %dma_wait3A_605] : memref<4x5x125x16xf32, #tpu.memory_space<vmem>> -> memref<1x1x125x16xf32, #tpu.memory_space<vmem>>
      %dma_wait3A_607 = tpu.memref_squeeze %dma_wait3A_606 : memref<1x1x125x16xf32, #tpu.memory_space<vmem>> -> memref<125x16xf32, #tpu.memory_space<vmem>>
      %dma_wait3A_608 = arith.constant 0 : i32
      %dma_wait3A_609 = arith.constant 0 : i32
      %dma_wait3A_610 = tpu.memref_slice %arg2[%dma_wait3A_608, %dma_wait3A_609] : memref<10000x16xf32, #tpu.memory_space<hbm>> -> memref<125x16xf32, #tpu.memory_space<hbm>>
      tpu.wait_dma2 semaphore(%dma_wait3A_603 : memref<!tpu.dma_semaphore, #tpu.memory_space<semaphore_mem>>) src(%dma_wait3A_610 : memref<125x16xf32, #tpu.memory_space<hbm>>) dst(%dma_wait3A_607 : memref<125x16xf32, #tpu.memory_space<vmem>>)
      %dma_wait3A_611 = arith.constant 0 : i32
      %dma_wait3A_612 = arith.constant 2 : i32
      %dma_wait3A_613 = arith.constant 0 : i32
      %dma_wait3A_614 = arith.constant 0 : i32
      %dma_wait3A_615 = arith.constant 0 : i32
      %dma_wait3A_616 = tpu.memref_slice %arg8[%dma_wait3A_611, %dma_wait3A_612, %dma_wait3A_614, %dma_wait3A_615] : memref<4x5x125x16xf32, #tpu.memory_space<vmem>> -> memref<1x1x125x16xf32, #tpu.memory_space<vmem>>
      %dma_wait3A_617 = tpu.memref_squeeze %dma_wait3A_616 : memref<1x1x125x16xf32, #tpu.memory_space<vmem>> -> memref<125x16xf32, #tpu.memory_space<vmem>>
      %dma_wait3A_618 = arith.constant 0 : i32
      %dma_wait3A_619 = arith.constant 0 : i32
      %dma_wait3A_620 = tpu.memref_slice %arg2[%dma_wait3A_618, %dma_wait3A_619] : memref<10000x16xf32, #tpu.memory_space<hbm>> -> memref<125x16xf32, #tpu.memory_space<hbm>>
      %dma_wait3A_621 = tpu.memref_slice %arg10[%dma_wait3A_613] : memref<4x!tpu.dma_semaphore, #tpu.memory_space<semaphore_mem>> -> memref<1x!tpu.dma_semaphore, #tpu.memory_space<semaphore_mem>>
      %dma_wait3A_622 = tpu.memref_squeeze %dma_wait3A_621 : memref<1x!tpu.dma_semaphore, #tpu.memory_space<semaphore_mem>> -> memref<!tpu.dma_semaphore, #tpu.memory_space<semaphore_mem>>
      %dma_wait3A_623 = arith.constant 0 : i32
      %dma_wait3A_624 = arith.constant 0 : i32
      %dma_wait3A_625 = tpu.memref_slice %arg8[%dma_wait3A_611, %dma_wait3A_612, %dma_wait3A_623, %dma_wait3A_624] : memref<4x5x125x16xf32, #tpu.memory_space<vmem>> -> memref<1x1x125x16xf32, #tpu.memory_space<vmem>>
      %dma_wait3A_626 = tpu.memref_squeeze %dma_wait3A_625 : memref<1x1x125x16xf32, #tpu.memory_space<vmem>> -> memref<125x16xf32, #tpu.memory_space<vmem>>
      %dma_wait3A_627 = arith.constant 0 : i32
      %dma_wait3A_628 = arith.constant 0 : i32
      %dma_wait3A_629 = tpu.memref_slice %arg2[%dma_wait3A_627, %dma_wait3A_628] : memref<10000x16xf32, #tpu.memory_space<hbm>> -> memref<125x16xf32, #tpu.memory_space<hbm>>
      tpu.wait_dma2 semaphore(%dma_wait3A_622 : memref<!tpu.dma_semaphore, #tpu.memory_space<semaphore_mem>>) src(%dma_wait3A_629 : memref<125x16xf32, #tpu.memory_space<hbm>>) dst(%dma_wait3A_626 : memref<125x16xf32, #tpu.memory_space<vmem>>)
      %dma_wait3A_630 = arith.constant 0 : i32
      %dma_wait3A_631 = arith.constant 3 : i32
      %dma_wait3A_632 = arith.constant 0 : i32
      %dma_wait3A_633 = arith.constant 0 : i32
      %dma_wait3A_634 = arith.constant 0 : i32
      %dma_wait3A_635 = tpu.memref_slice %arg8[%dma_wait3A_630, %dma_wait3A_631, %dma_wait3A_633, %dma_wait3A_634] : memref<4x5x125x16xf32, #tpu.memory_space<vmem>> -> memref<1x1x125x16xf32, #tpu.memory_space<vmem>>
      %dma_wait3A_636 = tpu.memref_squeeze %dma_wait3A_635 : memref<1x1x125x16xf32, #tpu.memory_space<vmem>> -> memref<125x16xf32, #tpu.memory_space<vmem>>
      %dma_wait3A_637 = arith.constant 0 : i32
      %dma_wait3A_638 = arith.constant 0 : i32
      %dma_wait3A_639 = tpu.memref_slice %arg2[%dma_wait3A_637, %dma_wait3A_638] : memref<10000x16xf32, #tpu.memory_space<hbm>> -> memref<125x16xf32, #tpu.memory_space<hbm>>
      %dma_wait3A_640 = tpu.memref_slice %arg10[%dma_wait3A_632] : memref<4x!tpu.dma_semaphore, #tpu.memory_space<semaphore_mem>> -> memref<1x!tpu.dma_semaphore, #tpu.memory_space<semaphore_mem>>
      %dma_wait3A_641 = tpu.memref_squeeze %dma_wait3A_640 : memref<1x!tpu.dma_semaphore, #tpu.memory_space<semaphore_mem>> -> memref<!tpu.dma_semaphore, #tpu.memory_space<semaphore_mem>>
      %dma_wait3A_642 = arith.constant 0 : i32
      %dma_wait3A_643 = arith.constant 0 : i32
      %dma_wait3A_644 = tpu.memref_slice %arg8[%dma_wait3A_630, %dma_wait3A_631, %dma_wait3A_642, %dma_wait3A_643] : memref<4x5x125x16xf32, #tpu.memory_space<vmem>> -> memref<1x1x125x16xf32, #tpu.memory_space<vmem>>
      %dma_wait3A_645 = tpu.memref_squeeze %dma_wait3A_644 : memref<1x1x125x16xf32, #tpu.memory_space<vmem>> -> memref<125x16xf32, #tpu.memory_space<vmem>>
      %dma_wait3A_646 = arith.constant 0 : i32
      %dma_wait3A_647 = arith.constant 0 : i32
      %dma_wait3A_648 = tpu.memref_slice %arg2[%dma_wait3A_646, %dma_wait3A_647] : memref<10000x16xf32, #tpu.memory_space<hbm>> -> memref<125x16xf32, #tpu.memory_space<hbm>>
      tpu.wait_dma2 semaphore(%dma_wait3A_641 : memref<!tpu.dma_semaphore, #tpu.memory_space<semaphore_mem>>) src(%dma_wait3A_648 : memref<125x16xf32, #tpu.memory_space<hbm>>) dst(%dma_wait3A_645 : memref<125x16xf32, #tpu.memory_space<vmem>>)
      %dma_wait3A_649 = arith.constant 0 : i32
      %dma_wait3A_650 = arith.constant 4 : i32
      %dma_wait3A_651 = arith.constant 0 : i32
      %dma_wait3A_652 = arith.constant 0 : i32
      %dma_wait3A_653 = arith.constant 0 : i32
      %dma_wait3A_654 = tpu.memref_slice %arg8[%dma_wait3A_649, %dma_wait3A_650, %dma_wait3A_652, %dma_wait3A_653] : memref<4x5x125x16xf32, #tpu.memory_space<vmem>> -> memref<1x1x125x16xf32, #tpu.memory_space<vmem>>
      %dma_wait3A_655 = tpu.memref_squeeze %dma_wait3A_654 : memref<1x1x125x16xf32, #tpu.memory_space<vmem>> -> memref<125x16xf32, #tpu.memory_space<vmem>>
      %dma_wait3A_656 = arith.constant 0 : i32
      %dma_wait3A_657 = arith.constant 0 : i32
      %dma_wait3A_658 = tpu.memref_slice %arg2[%dma_wait3A_656, %dma_wait3A_657] : memref<10000x16xf32, #tpu.memory_space<hbm>> -> memref<125x16xf32, #tpu.memory_space<hbm>>
      %dma_wait3A_659 = tpu.memref_slice %arg10[%dma_wait3A_651] : memref<4x!tpu.dma_semaphore, #tpu.memory_space<semaphore_mem>> -> memref<1x!tpu.dma_semaphore, #tpu.memory_space<semaphore_mem>>
      %dma_wait3A_660 = tpu.memref_squeeze %dma_wait3A_659 : memref<1x!tpu.dma_semaphore, #tpu.memory_space<semaphore_mem>> -> memref<!tpu.dma_semaphore, #tpu.memory_space<semaphore_mem>>
      %dma_wait3A_661 = arith.constant 0 : i32
      %dma_wait3A_662 = arith.constant 0 : i32
      %dma_wait3A_663 = tpu.memref_slice %arg8[%dma_wait3A_649, %dma_wait3A_650, %dma_wait3A_661, %dma_wait3A_662] : memref<4x5x125x16xf32, #tpu.memory_space<vmem>> -> memref<1x1x125x16xf32, #tpu.memory_space<vmem>>
      %dma_wait3A_664 = tpu.memref_squeeze %dma_wait3A_663 : memref<1x1x125x16xf32, #tpu.memory_space<vmem>> -> memref<125x16xf32, #tpu.memory_space<vmem>>
      %dma_wait3A_665 = arith.constant 0 : i32
      %dma_wait3A_666 = arith.constant 0 : i32
      %dma_wait3A_667 = tpu.memref_slice %arg2[%dma_wait3A_665, %dma_wait3A_666] : memref<10000x16xf32, #tpu.memory_space<hbm>> -> memref<125x16xf32, #tpu.memory_space<hbm>>
      tpu.wait_dma2 semaphore(%dma_wait3A_660 : memref<!tpu.dma_semaphore, #tpu.memory_space<semaphore_mem>>) src(%dma_wait3A_667 : memref<125x16xf32, #tpu.memory_space<hbm>>) dst(%dma_wait3A_664 : memref<125x16xf32, #tpu.memory_space<vmem>>)
      %mul3A_668 = arith.constant 5 : i32
      %mul3A_669 = arith.muli %add3A_568, %mul3A_668 : i32
      %add3A_670 = arith.constant 0 : i32
      %add3A_671 = arith.addi %mul3A_669, %add3A_670 : i32
      %dma_start3A_672 = arith.constant 0 : i32
      %dma_start3A_673 = arith.constant 0 : i32
      %dma_start3A_674 = arith.constant 0 : i32
      %dma_start3A_675 = arith.constant 0 : i32
      %dma_start3A_676 = arith.constant 0 : i32
      %dma_start3A_677 = tpu.memref_slice %arg8[%dma_start3A_672, %dma_start3A_673, %dma_start3A_675, %dma_start3A_676] : memref<4x5x125x16xf32, #tpu.memory_space<vmem>> -> memref<1x1x125x16xf32, #tpu.memory_space<vmem>>
      %dma_start3A_678 = tpu.memref_squeeze %dma_start3A_677 : memref<1x1x125x16xf32, #tpu.memory_space<vmem>> -> memref<125x16xf32, #tpu.memory_space<vmem>>
      %dma_start3A_679 = arith.constant 0 : i32
      %dma_start3A_680 = tpu.memref_slice %arg7[%add3A_671, %dma_start3A_679] : memref<80x125xi32, #tpu.memory_space<vmem>> -> memref<1x125xi32, #tpu.memory_space<vmem>>
      %dma_start3A_681 = tpu.memref_squeeze %dma_start3A_680 : memref<1x125xi32, #tpu.memory_space<vmem>> -> memref<125xi32, #tpu.memory_space<vmem>>
      %dma_start3A_682 = arith.constant 0 : i32
      %dma_start3A_683 = arith.constant 0 : i32
      %dma_start3A_684 = tpu.memref_slice %arg9[%dma_start3A_682, %dma_start3A_683] : memref<10000x16xf32, #tpu.memory_space<vmem_shared>> -> memref<10000x16xf32, #tpu.memory_space<vmem_shared>>
      %dma_start3A_685 = tpu.memref_slice %arg11[%dma_start3A_674] : memref<4x!tpu.dma_semaphore, #tpu.memory_space<semaphore_mem>> -> memref<1x!tpu.dma_semaphore, #tpu.memory_space<semaphore_mem>>
      %dma_start3A_686 = tpu.memref_squeeze %dma_start3A_685 : memref<1x!tpu.dma_semaphore, #tpu.memory_space<semaphore_mem>> -> memref<!tpu.dma_semaphore, #tpu.memory_space<semaphore_mem>>
      tpu.enqueue_indirect_dma source(%dma_start3A_678 : memref<125x16xf32, #tpu.memory_space<vmem>>) target(%dma_start3A_684 : memref<10000x16xf32, #tpu.memory_space<vmem_shared>>) offsets(%dma_start3A_681 : memref<125xi32, #tpu.memory_space<vmem>>) semaphore(%dma_start3A_686 : memref<!tpu.dma_semaphore, #tpu.memory_space<semaphore_mem>>) {add = true}
      %mul3A_687 = arith.constant 5 : i32
      %mul3A_688 = arith.muli %add3A_568, %mul3A_687 : i32
      %add3A_689 = arith.constant 1 : i32
      %add3A_690 = arith.addi %mul3A_688, %add3A_689 : i32
      %dma_start3A_691 = arith.constant 0 : i32
      %dma_start3A_692 = arith.constant 1 : i32
      %dma_start3A_693 = arith.constant 0 : i32
      %dma_start3A_694 = arith.constant 0 : i32
      %dma_start3A_695 = arith.constant 0 : i32
      %dma_start3A_696 = tpu.memref_slice %arg8[%dma_start3A_691, %dma_start3A_692, %dma_start3A_694, %dma_start3A_695] : memref<4x5x125x16xf32, #tpu.memory_space<vmem>> -> memref<1x1x125x16xf32, #tpu.memory_space<vmem>>
      %dma_start3A_697 = tpu.memref_squeeze %dma_start3A_696 : memref<1x1x125x16xf32, #tpu.memory_space<vmem>> -> memref<125x16xf32, #tpu.memory_space<vmem>>
      %dma_start3A_698 = arith.constant 0 : i32
      %dma_start3A_699 = tpu.memref_slice %arg7[%add3A_690, %dma_start3A_698] : memref<80x125xi32, #tpu.memory_space<vmem>> -> memref<1x125xi32, #tpu.memory_space<vmem>>
      %dma_start3A_700 = tpu.memref_squeeze %dma_start3A_699 : memref<1x125xi32, #tpu.memory_space<vmem>> -> memref<125xi32, #tpu.memory_space<vmem>>
      %dma_start3A_701 = arith.constant 0 : i32
      %dma_start3A_702 = arith.constant 0 : i32
      %dma_start3A_703 = tpu.memref_slice %arg9[%dma_start3A_701, %dma_start3A_702] : memref<10000x16xf32, #tpu.memory_space<vmem_shared>> -> memref<10000x16xf32, #tpu.memory_space<vmem_shared>>
      %dma_start3A_704 = tpu.memref_slice %arg11[%dma_start3A_693] : memref<4x!tpu.dma_semaphore, #tpu.memory_space<semaphore_mem>> -> memref<1x!tpu.dma_semaphore, #tpu.memory_space<semaphore_mem>>
      %dma_start3A_705 = tpu.memref_squeeze %dma_start3A_704 : memref<1x!tpu.dma_semaphore, #tpu.memory_space<semaphore_mem>> -> memref<!tpu.dma_semaphore, #tpu.memory_space<semaphore_mem>>
      tpu.enqueue_indirect_dma source(%dma_start3A_697 : memref<125x16xf32, #tpu.memory_space<vmem>>) target(%dma_start3A_703 : memref<10000x16xf32, #tpu.memory_space<vmem_shared>>) offsets(%dma_start3A_700 : memref<125xi32, #tpu.memory_space<vmem>>) semaphore(%dma_start3A_705 : memref<!tpu.dma_semaphore, #tpu.memory_space<semaphore_mem>>) {add = true}
      %mul3A_706 = arith.constant 5 : i32
      %mul3A_707 = arith.muli %add3A_568, %mul3A_706 : i32
      %add3A_708 = arith.constant 2 : i32
      %add3A_709 = arith.addi %mul3A_707, %add3A_708 : i32
      %dma_start3A_710 = arith.constant 0 : i32
      %dma_start3A_711 = arith.constant 2 : i32
      %dma_start3A_712 = arith.constant 0 : i32
      %dma_start3A_713 = arith.constant 0 : i32
      %dma_start3A_714 = arith.constant 0 : i32
      %dma_start3A_715 = tpu.memref_slice %arg8[%dma_start3A_710, %dma_start3A_711, %dma_start3A_713, %dma_start3A_714] : memref<4x5x125x16xf32, #tpu.memory_space<vmem>> -> memref<1x1x125x16xf32, #tpu.memory_space<vmem>>
      %dma_start3A_716 = tpu.memref_squeeze %dma_start3A_715 : memref<1x1x125x16xf32, #tpu.memory_space<vmem>> -> memref<125x16xf32, #tpu.memory_space<vmem>>
      %dma_start3A_717 = arith.constant 0 : i32
      %dma_start3A_718 = tpu.memref_slice %arg7[%add3A_709, %dma_start3A_717] : memref<80x125xi32, #tpu.memory_space<vmem>> -> memref<1x125xi32, #tpu.memory_space<vmem>>
      %dma_start3A_719 = tpu.memref_squeeze %dma_start3A_718 : memref<1x125xi32, #tpu.memory_space<vmem>> -> memref<125xi32, #tpu.memory_space<vmem>>
      %dma_start3A_720 = arith.constant 0 : i32
      %dma_start3A_721 = arith.constant 0 : i32
      %dma_start3A_722 = tpu.memref_slice %arg9[%dma_start3A_720, %dma_start3A_721] : memref<10000x16xf32, #tpu.memory_space<vmem_shared>> -> memref<10000x16xf32, #tpu.memory_space<vmem_shared>>
      %dma_start3A_723 = tpu.memref_slice %arg11[%dma_start3A_712] : memref<4x!tpu.dma_semaphore, #tpu.memory_space<semaphore_mem>> -> memref<1x!tpu.dma_semaphore, #tpu.memory_space<semaphore_mem>>
      %dma_start3A_724 = tpu.memref_squeeze %dma_start3A_723 : memref<1x!tpu.dma_semaphore, #tpu.memory_space<semaphore_mem>> -> memref<!tpu.dma_semaphore, #tpu.memory_space<semaphore_mem>>
      tpu.enqueue_indirect_dma source(%dma_start3A_716 : memref<125x16xf32, #tpu.memory_space<vmem>>) target(%dma_start3A_722 : memref<10000x16xf32, #tpu.memory_space<vmem_shared>>) offsets(%dma_start3A_719 : memref<125xi32, #tpu.memory_space<vmem>>) semaphore(%dma_start3A_724 : memref<!tpu.dma_semaphore, #tpu.memory_space<semaphore_mem>>) {add = true}
      %mul3A_725 = arith.constant 5 : i32
      %mul3A_726 = arith.muli %add3A_568, %mul3A_725 : i32
      %add3A_727 = arith.constant 3 : i32
      %add3A_728 = arith.addi %mul3A_726, %add3A_727 : i32
      %dma_start3A_729 = arith.constant 0 : i32
      %dma_start3A_730 = arith.constant 3 : i32
      %dma_start3A_731 = arith.constant 0 : i32
      %dma_start3A_732 = arith.constant 0 : i32
      %dma_start3A_733 = arith.constant 0 : i32
      %dma_start3A_734 = tpu.memref_slice %arg8[%dma_start3A_729, %dma_start3A_730, %dma_start3A_732, %dma_start3A_733] : memref<4x5x125x16xf32, #tpu.memory_space<vmem>> -> memref<1x1x125x16xf32, #tpu.memory_space<vmem>>
      %dma_start3A_735 = tpu.memref_squeeze %dma_start3A_734 : memref<1x1x125x16xf32, #tpu.memory_space<vmem>> -> memref<125x16xf32, #tpu.memory_space<vmem>>
      %dma_start3A_736 = arith.constant 0 : i32
      %dma_start3A_737 = tpu.memref_slice %arg7[%add3A_728, %dma_start3A_736] : memref<80x125xi32, #tpu.memory_space<vmem>> -> memref<1x125xi32, #tpu.memory_space<vmem>>
      %dma_start3A_738 = tpu.memref_squeeze %dma_start3A_737 : memref<1x125xi32, #tpu.memory_space<vmem>> -> memref<125xi32, #tpu.memory_space<vmem>>
      %dma_start3A_739 = arith.constant 0 : i32
      %dma_start3A_740 = arith.constant 0 : i32
      %dma_start3A_741 = tpu.memref_slice %arg9[%dma_start3A_739, %dma_start3A_740] : memref<10000x16xf32, #tpu.memory_space<vmem_shared>> -> memref<10000x16xf32, #tpu.memory_space<vmem_shared>>
      %dma_start3A_742 = tpu.memref_slice %arg11[%dma_start3A_731] : memref<4x!tpu.dma_semaphore, #tpu.memory_space<semaphore_mem>> -> memref<1x!tpu.dma_semaphore, #tpu.memory_space<semaphore_mem>>
      %dma_start3A_743 = tpu.memref_squeeze %dma_start3A_742 : memref<1x!tpu.dma_semaphore, #tpu.memory_space<semaphore_mem>> -> memref<!tpu.dma_semaphore, #tpu.memory_space<semaphore_mem>>
      tpu.enqueue_indirect_dma source(%dma_start3A_735 : memref<125x16xf32, #tpu.memory_space<vmem>>) target(%dma_start3A_741 : memref<10000x16xf32, #tpu.memory_space<vmem_shared>>) offsets(%dma_start3A_738 : memref<125xi32, #tpu.memory_space<vmem>>) semaphore(%dma_start3A_743 : memref<!tpu.dma_semaphore, #tpu.memory_space<semaphore_mem>>) {add = true}
      %mul3A_744 = arith.constant 5 : i32
      %mul3A_745 = arith.muli %add3A_568, %mul3A_744 : i32
      %add3A_746 = arith.constant 4 : i32
      %add3A_747 = arith.addi %mul3A_745, %add3A_746 : i32
      %dma_start3A_748 = arith.constant 0 : i32
      %dma_start3A_749 = arith.constant 4 : i32
      %dma_start3A_750 = arith.constant 0 : i32
      %dma_start3A_751 = arith.constant 0 : i32
      %dma_start3A_752 = arith.constant 0 : i32
      %dma_start3A_753 = tpu.memref_slice %arg8[%dma_start3A_748, %dma_start3A_749, %dma_start3A_751, %dma_start3A_752] : memref<4x5x125x16xf32, #tpu.memory_space<vmem>> -> memref<1x1x125x16xf32, #tpu.memory_space<vmem>>
      %dma_start3A_754 = tpu.memref_squeeze %dma_start3A_753 : memref<1x1x125x16xf32, #tpu.memory_space<vmem>> -> memref<125x16xf32, #tpu.memory_space<vmem>>
      %dma_start3A_755 = arith.constant 0 : i32
      %dma_start3A_756 = tpu.memref_slice %arg7[%add3A_747, %dma_start3A_755] : memref<80x125xi32, #tpu.memory_space<vmem>> -> memref<1x125xi32, #tpu.memory_space<vmem>>
      %dma_start3A_757 = tpu.memref_squeeze %dma_start3A_756 : memref<1x125xi32, #tpu.memory_space<vmem>> -> memref<125xi32, #tpu.memory_space<vmem>>
      %dma_start3A_758 = arith.constant 0 : i32
      %dma_start3A_759 = arith.constant 0 : i32
      %dma_start3A_760 = tpu.memref_slice %arg9[%dma_start3A_758, %dma_start3A_759] : memref<10000x16xf32, #tpu.memory_space<vmem_shared>> -> memref<10000x16xf32, #tpu.memory_space<vmem_shared>>
      %dma_start3A_761 = tpu.memref_slice %arg11[%dma_start3A_750] : memref<4x!tpu.dma_semaphore, #tpu.memory_space<semaphore_mem>> -> memref<1x!tpu.dma_semaphore, #tpu.memory_space<semaphore_mem>>
      %dma_start3A_762 = tpu.memref_squeeze %dma_start3A_761 : memref<1x!tpu.dma_semaphore, #tpu.memory_space<semaphore_mem>> -> memref<!tpu.dma_semaphore, #tpu.memory_space<semaphore_mem>>
      tpu.enqueue_indirect_dma source(%dma_start3A_754 : memref<125x16xf32, #tpu.memory_space<vmem>>) target(%dma_start3A_760 : memref<10000x16xf32, #tpu.memory_space<vmem_shared>>) offsets(%dma_start3A_757 : memref<125xi32, #tpu.memory_space<vmem>>) semaphore(%dma_start3A_762 : memref<!tpu.dma_semaphore, #tpu.memory_space<semaphore_mem>>) {add = true}
      %mul3A_763 = arith.constant 4 : i32
      %mul3A_764 = arith.muli %scan3A_563, %mul3A_763 : i32
      %add3A_765 = arith.constant 1 : i32
      %add3A_766 = arith.addi %mul3A_764, %add3A_765 : i32
      %add3A_767 = arith.constant 2 : i32
      %add3A_768 = arith.addi %add3A_766, %add3A_767 : i32
      %lt3A_769 = arith.constant 16 : i32
      %lt3A_770 = arith.cmpi slt, %add3A_768, %lt3A_769 : i32
      %convert_element_type3A_771 = arith.extui %lt3A_770 : i1 to i32
      %cond3A_772 = arith.constant 0 : i32
      %cond3A_773 = arith.cmpi ne, %convert_element_type3A_771, %cond3A_772 : i32
      scf.if %cond3A_773 {
        %ge3A = arith.constant 4 : i32
        %ge3A_1367 = arith.cmpi sge, %add3A_768, %ge3A : i32
        %convert_element_type3A_1368 = arith.extui %ge3A_1367 : i1 to i32
        %cond3A_1369 = arith.constant 0 : i32
        %cond3A_1370 = arith.cmpi ne, %convert_element_type3A_1368, %cond3A_1369 : i32
        scf.if %cond3A_1370 {
          %dma_wait3A_1466 = arith.constant 0 : i32
          %dma_wait3A_1467 = arith.constant 0 : i32
          %dma_wait3A_1468 = arith.constant 3 : i32
          %dma_wait3A_1469 = arith.constant 0 : i32
          %dma_wait3A_1470 = arith.constant 0 : i32
          %dma_wait3A_1471 = tpu.memref_slice %arg8[%dma_wait3A_1466, %dma_wait3A_1467, %dma_wait3A_1469, %dma_wait3A_1470] : memref<4x5x125x16xf32, #tpu.memory_space<vmem>> -> memref<1x1x125x16xf32, #tpu.memory_space<vmem>>
          %dma_wait3A_1472 = tpu.memref_squeeze %dma_wait3A_1471 : memref<1x1x125x16xf32, #tpu.memory_space<vmem>> -> memref<125x16xf32, #tpu.memory_space<vmem>>
          %dma_wait3A_1473 = arith.constant 0 : i32
          %dma_wait3A_1474 = arith.constant 0 : i32
          %dma_wait3A_1475 = tpu.memref_slice %arg2[%dma_wait3A_1473, %dma_wait3A_1474] : memref<10000x16xf32, #tpu.memory_space<hbm>> -> memref<125x16xf32, #tpu.memory_space<hbm>>
          %dma_wait3A_1476 = tpu.memref_slice %arg11[%dma_wait3A_1468] : memref<4x!tpu.dma_semaphore, #tpu.memory_space<semaphore_mem>> -> memref<1x!tpu.dma_semaphore, #tpu.memory_space<semaphore_mem>>
          %dma_wait3A_1477 = tpu.memref_squeeze %dma_wait3A_1476 : memref<1x!tpu.dma_semaphore, #tpu.memory_space<semaphore_mem>> -> memref<!tpu.dma_semaphore, #tpu.memory_space<semaphore_mem>>
          %dma_wait3A_1478 = arith.constant 0 : i32
          %dma_wait3A_1479 = arith.constant 0 : i32
          %dma_wait3A_1480 = tpu.memref_slice %arg8[%dma_wait3A_1466, %dma_wait3A_1467, %dma_wait3A_1478, %dma_wait3A_1479] : memref<4x5x125x16xf32, #tpu.memory_space<vmem>> -> memref<1x1x125x16xf32, #tpu.memory_space<vmem>>
          %dma_wait3A_1481 = tpu.memref_squeeze %dma_wait3A_1480 : memref<1x1x125x16xf32, #tpu.memory_space<vmem>> -> memref<125x16xf32, #tpu.memory_space<vmem>>
          %dma_wait3A_1482 = arith.constant 0 : i32
          %dma_wait3A_1483 = arith.constant 0 : i32
          %dma_wait3A_1484 = tpu.memref_slice %arg2[%dma_wait3A_1482, %dma_wait3A_1483] : memref<10000x16xf32, #tpu.memory_space<hbm>> -> memref<125x16xf32, #tpu.memory_space<hbm>>
          tpu.wait_dma2 semaphore(%dma_wait3A_1477 : memref<!tpu.dma_semaphore, #tpu.memory_space<semaphore_mem>>) src(%dma_wait3A_1484 : memref<125x16xf32, #tpu.memory_space<hbm>>) dst(%dma_wait3A_1481 : memref<125x16xf32, #tpu.memory_space<vmem>>)
          %dma_wait3A_1485 = arith.constant 0 : i32
          %dma_wait3A_1486 = arith.constant 1 : i32
          %dma_wait3A_1487 = arith.constant 3 : i32
          %dma_wait3A_1488 = arith.constant 0 : i32
          %dma_wait3A_1489 = arith.constant 0 : i32
          %dma_wait3A_1490 = tpu.memref_slice %arg8[%dma_wait3A_1485, %dma_wait3A_1486, %dma_wait3A_1488, %dma_wait3A_1489] : memref<4x5x125x16xf32, #tpu.memory_space<vmem>> -> memref<1x1x125x16xf32, #tpu.memory_space<vmem>>
          %dma_wait3A_1491 = tpu.memref_squeeze %dma_wait3A_1490 : memref<1x1x125x16xf32, #tpu.memory_space<vmem>> -> memref<125x16xf32, #tpu.memory_space<vmem>>
          %dma_wait3A_1492 = arith.constant 0 : i32
          %dma_wait3A_1493 = arith.constant 0 : i32
          %dma_wait3A_1494 = tpu.memref_slice %arg2[%dma_wait3A_1492, %dma_wait3A_1493] : memref<10000x16xf32, #tpu.memory_space<hbm>> -> memref<125x16xf32, #tpu.memory_space<hbm>>
          %dma_wait3A_1495 = tpu.memref_slice %arg11[%dma_wait3A_1487] : memref<4x!tpu.dma_semaphore, #tpu.memory_space<semaphore_mem>> -> memref<1x!tpu.dma_semaphore, #tpu.memory_space<semaphore_mem>>
          %dma_wait3A_1496 = tpu.memref_squeeze %dma_wait3A_1495 : memref<1x!tpu.dma_semaphore, #tpu.memory_space<semaphore_mem>> -> memref<!tpu.dma_semaphore, #tpu.memory_space<semaphore_mem>>
          %dma_wait3A_1497 = arith.constant 0 : i32
          %dma_wait3A_1498 = arith.constant 0 : i32
          %dma_wait3A_1499 = tpu.memref_slice %arg8[%dma_wait3A_1485, %dma_wait3A_1486, %dma_wait3A_1497, %dma_wait3A_1498] : memref<4x5x125x16xf32, #tpu.memory_space<vmem>> -> memref<1x1x125x16xf32, #tpu.memory_space<vmem>>
          %dma_wait3A_1500 = tpu.memref_squeeze %dma_wait3A_1499 : memref<1x1x125x16xf32, #tpu.memory_space<vmem>> -> memref<125x16xf32, #tpu.memory_space<vmem>>
          %dma_wait3A_1501 = arith.constant 0 : i32
          %dma_wait3A_1502 = arith.constant 0 : i32
          %dma_wait3A_1503 = tpu.memref_slice %arg2[%dma_wait3A_1501, %dma_wait3A_1502] : memref<10000x16xf32, #tpu.memory_space<hbm>> -> memref<125x16xf32, #tpu.memory_space<hbm>>
          tpu.wait_dma2 semaphore(%dma_wait3A_1496 : memref<!tpu.dma_semaphore, #tpu.memory_space<semaphore_mem>>) src(%dma_wait3A_1503 : memref<125x16xf32, #tpu.memory_space<hbm>>) dst(%dma_wait3A_1500 : memref<125x16xf32, #tpu.memory_space<vmem>>)
          %dma_wait3A_1504 = arith.constant 0 : i32
          %dma_wait3A_1505 = arith.constant 2 : i32
          %dma_wait3A_1506 = arith.constant 3 : i32
          %dma_wait3A_1507 = arith.constant 0 : i32
          %dma_wait3A_1508 = arith.constant 0 : i32
          %dma_wait3A_1509 = tpu.memref_slice %arg8[%dma_wait3A_1504, %dma_wait3A_1505, %dma_wait3A_1507, %dma_wait3A_1508] : memref<4x5x125x16xf32, #tpu.memory_space<vmem>> -> memref<1x1x125x16xf32, #tpu.memory_space<vmem>>
          %dma_wait3A_1510 = tpu.memref_squeeze %dma_wait3A_1509 : memref<1x1x125x16xf32, #tpu.memory_space<vmem>> -> memref<125x16xf32, #tpu.memory_space<vmem>>
          %dma_wait3A_1511 = arith.constant 0 : i32
          %dma_wait3A_1512 = arith.constant 0 : i32
          %dma_wait3A_1513 = tpu.memref_slice %arg2[%dma_wait3A_1511, %dma_wait3A_1512] : memref<10000x16xf32, #tpu.memory_space<hbm>> -> memref<125x16xf32, #tpu.memory_space<hbm>>
          %dma_wait3A_1514 = tpu.memref_slice %arg11[%dma_wait3A_1506] : memref<4x!tpu.dma_semaphore, #tpu.memory_space<semaphore_mem>> -> memref<1x!tpu.dma_semaphore, #tpu.memory_space<semaphore_mem>>
          %dma_wait3A_1515 = tpu.memref_squeeze %dma_wait3A_1514 : memref<1x!tpu.dma_semaphore, #tpu.memory_space<semaphore_mem>> -> memref<!tpu.dma_semaphore, #tpu.memory_space<semaphore_mem>>
          %dma_wait3A_1516 = arith.constant 0 : i32
          %dma_wait3A_1517 = arith.constant 0 : i32
          %dma_wait3A_1518 = tpu.memref_slice %arg8[%dma_wait3A_1504, %dma_wait3A_1505, %dma_wait3A_1516, %dma_wait3A_1517] : memref<4x5x125x16xf32, #tpu.memory_space<vmem>> -> memref<1x1x125x16xf32, #tpu.memory_space<vmem>>
          %dma_wait3A_1519 = tpu.memref_squeeze %dma_wait3A_1518 : memref<1x1x125x16xf32, #tpu.memory_space<vmem>> -> memref<125x16xf32, #tpu.memory_space<vmem>>
          %dma_wait3A_1520 = arith.constant 0 : i32
          %dma_wait3A_1521 = arith.constant 0 : i32
          %dma_wait3A_1522 = tpu.memref_slice %arg2[%dma_wait3A_1520, %dma_wait3A_1521] : memref<10000x16xf32, #tpu.memory_space<hbm>> -> memref<125x16xf32, #tpu.memory_space<hbm>>
          tpu.wait_dma2 semaphore(%dma_wait3A_1515 : memref<!tpu.dma_semaphore, #tpu.memory_space<semaphore_mem>>) src(%dma_wait3A_1522 : memref<125x16xf32, #tpu.memory_space<hbm>>) dst(%dma_wait3A_1519 : memref<125x16xf32, #tpu.memory_space<vmem>>)
          %dma_wait3A_1523 = arith.constant 0 : i32
          %dma_wait3A_1524 = arith.constant 3 : i32
          %dma_wait3A_1525 = arith.constant 3 : i32
          %dma_wait3A_1526 = arith.constant 0 : i32
          %dma_wait3A_1527 = arith.constant 0 : i32
          %dma_wait3A_1528 = tpu.memref_slice %arg8[%dma_wait3A_1523, %dma_wait3A_1524, %dma_wait3A_1526, %dma_wait3A_1527] : memref<4x5x125x16xf32, #tpu.memory_space<vmem>> -> memref<1x1x125x16xf32, #tpu.memory_space<vmem>>
          %dma_wait3A_1529 = tpu.memref_squeeze %dma_wait3A_1528 : memref<1x1x125x16xf32, #tpu.memory_space<vmem>> -> memref<125x16xf32, #tpu.memory_space<vmem>>
          %dma_wait3A_1530 = arith.constant 0 : i32
          %dma_wait3A_1531 = arith.constant 0 : i32
          %dma_wait3A_1532 = tpu.memref_slice %arg2[%dma_wait3A_1530, %dma_wait3A_1531] : memref<10000x16xf32, #tpu.memory_space<hbm>> -> memref<125x16xf32, #tpu.memory_space<hbm>>
          %dma_wait3A_1533 = tpu.memref_slice %arg11[%dma_wait3A_1525] : memref<4x!tpu.dma_semaphore, #tpu.memory_space<semaphore_mem>> -> memref<1x!tpu.dma_semaphore, #tpu.memory_space<semaphore_mem>>
          %dma_wait3A_1534 = tpu.memref_squeeze %dma_wait3A_1533 : memref<1x!tpu.dma_semaphore, #tpu.memory_space<semaphore_mem>> -> memref<!tpu.dma_semaphore, #tpu.memory_space<semaphore_mem>>
          %dma_wait3A_1535 = arith.constant 0 : i32
          %dma_wait3A_1536 = arith.constant 0 : i32
          %dma_wait3A_1537 = tpu.memref_slice %arg8[%dma_wait3A_1523, %dma_wait3A_1524, %dma_wait3A_1535, %dma_wait3A_1536] : memref<4x5x125x16xf32, #tpu.memory_space<vmem>> -> memref<1x1x125x16xf32, #tpu.memory_space<vmem>>
          %dma_wait3A_1538 = tpu.memref_squeeze %dma_wait3A_1537 : memref<1x1x125x16xf32, #tpu.memory_space<vmem>> -> memref<125x16xf32, #tpu.memory_space<vmem>>
          %dma_wait3A_1539 = arith.constant 0 : i32
          %dma_wait3A_1540 = arith.constant 0 : i32
          %dma_wait3A_1541 = tpu.memref_slice %arg2[%dma_wait3A_1539, %dma_wait3A_1540] : memref<10000x16xf32, #tpu.memory_space<hbm>> -> memref<125x16xf32, #tpu.memory_space<hbm>>
          tpu.wait_dma2 semaphore(%dma_wait3A_1534 : memref<!tpu.dma_semaphore, #tpu.memory_space<semaphore_mem>>) src(%dma_wait3A_1541 : memref<125x16xf32, #tpu.memory_space<hbm>>) dst(%dma_wait3A_1538 : memref<125x16xf32, #tpu.memory_space<vmem>>)
          %dma_wait3A_1542 = arith.constant 0 : i32
          %dma_wait3A_1543 = arith.constant 4 : i32
          %dma_wait3A_1544 = arith.constant 3 : i32
          %dma_wait3A_1545 = arith.constant 0 : i32
          %dma_wait3A_1546 = arith.constant 0 : i32
          %dma_wait3A_1547 = tpu.memref_slice %arg8[%dma_wait3A_1542, %dma_wait3A_1543, %dma_wait3A_1545, %dma_wait3A_1546] : memref<4x5x125x16xf32, #tpu.memory_space<vmem>> -> memref<1x1x125x16xf32, #tpu.memory_space<vmem>>
          %dma_wait3A_1548 = tpu.memref_squeeze %dma_wait3A_1547 : memref<1x1x125x16xf32, #tpu.memory_space<vmem>> -> memref<125x16xf32, #tpu.memory_space<vmem>>
          %dma_wait3A_1549 = arith.constant 0 : i32
          %dma_wait3A_1550 = arith.constant 0 : i32
          %dma_wait3A_1551 = tpu.memref_slice %arg2[%dma_wait3A_1549, %dma_wait3A_1550] : memref<10000x16xf32, #tpu.memory_space<hbm>> -> memref<125x16xf32, #tpu.memory_space<hbm>>
          %dma_wait3A_1552 = tpu.memref_slice %arg11[%dma_wait3A_1544] : memref<4x!tpu.dma_semaphore, #tpu.memory_space<semaphore_mem>> -> memref<1x!tpu.dma_semaphore, #tpu.memory_space<semaphore_mem>>
          %dma_wait3A_1553 = tpu.memref_squeeze %dma_wait3A_1552 : memref<1x!tpu.dma_semaphore, #tpu.memory_space<semaphore_mem>> -> memref<!tpu.dma_semaphore, #tpu.memory_space<semaphore_mem>>
          %dma_wait3A_1554 = arith.constant 0 : i32
          %dma_wait3A_1555 = arith.constant 0 : i32
          %dma_wait3A_1556 = tpu.memref_slice %arg8[%dma_wait3A_1542, %dma_wait3A_1543, %dma_wait3A_1554, %dma_wait3A_1555] : memref<4x5x125x16xf32, #tpu.memory_space<vmem>> -> memref<1x1x125x16xf32, #tpu.memory_space<vmem>>
          %dma_wait3A_1557 = tpu.memref_squeeze %dma_wait3A_1556 : memref<1x1x125x16xf32, #tpu.memory_space<vmem>> -> memref<125x16xf32, #tpu.memory_space<vmem>>
          %dma_wait3A_1558 = arith.constant 0 : i32
          %dma_wait3A_1559 = arith.constant 0 : i32
          %dma_wait3A_1560 = tpu.memref_slice %arg2[%dma_wait3A_1558, %dma_wait3A_1559] : memref<10000x16xf32, #tpu.memory_space<hbm>> -> memref<125x16xf32, #tpu.memory_space<hbm>>
          tpu.wait_dma2 semaphore(%dma_wait3A_1553 : memref<!tpu.dma_semaphore, #tpu.memory_space<semaphore_mem>>) src(%dma_wait3A_1560 : memref<125x16xf32, #tpu.memory_space<hbm>>) dst(%dma_wait3A_1557 : memref<125x16xf32, #tpu.memory_space<vmem>>)
        } else {
        }
        %mul3A_1371 = arith.constant 5 : i32
        %mul3A_1372 = arith.muli %add3A_768, %mul3A_1371 : i32
        %add3A_1373 = arith.constant 0 : i32
        %add3A_1374 = arith.addi %mul3A_1372, %add3A_1373 : i32
        %dma_start3A_1375 = arith.constant 3 : i32
        %dma_start3A_1376 = arith.constant 0 : i32
        %dma_start3A_1377 = arith.constant 3 : i32
        %dma_start3A_1378 = arith.constant 0 : i32
        %dma_start3A_1379 = arith.constant 0 : i32
        %dma_start3A_1380 = tpu.memref_slice %arg8[%dma_start3A_1375, %dma_start3A_1376, %dma_start3A_1378, %dma_start3A_1379] : memref<4x5x125x16xf32, #tpu.memory_space<vmem>> -> memref<1x1x125x16xf32, #tpu.memory_space<vmem>>
        %dma_start3A_1381 = tpu.memref_squeeze %dma_start3A_1380 : memref<1x1x125x16xf32, #tpu.memory_space<vmem>> -> memref<125x16xf32, #tpu.memory_space<vmem>>
        %dma_start3A_1382 = arith.constant 0 : i32
        %dma_start3A_1383 = tpu.memref_slice %arg6[%add3A_1374, %dma_start3A_1382] : memref<80x125xi32, #tpu.memory_space<vmem>> -> memref<1x125xi32, #tpu.memory_space<vmem>>
        %dma_start3A_1384 = tpu.memref_squeeze %dma_start3A_1383 : memref<1x125xi32, #tpu.memory_space<vmem>> -> memref<125xi32, #tpu.memory_space<vmem>>
        %dma_start3A_1385 = arith.constant 0 : i32
        %dma_start3A_1386 = arith.constant 0 : i32
        %dma_start3A_1387 = tpu.memref_slice %arg2[%dma_start3A_1385, %dma_start3A_1386] : memref<10000x16xf32, #tpu.memory_space<hbm>> -> memref<10000x16xf32, #tpu.memory_space<hbm>>
        %dma_start3A_1388 = tpu.memref_slice %arg10[%dma_start3A_1377] : memref<4x!tpu.dma_semaphore, #tpu.memory_space<semaphore_mem>> -> memref<1x!tpu.dma_semaphore, #tpu.memory_space<semaphore_mem>>
        %dma_start3A_1389 = tpu.memref_squeeze %dma_start3A_1388 : memref<1x!tpu.dma_semaphore, #tpu.memory_space<semaphore_mem>> -> memref<!tpu.dma_semaphore, #tpu.memory_space<semaphore_mem>>
        tpu.enqueue_indirect_dma source(%dma_start3A_1387 : memref<10000x16xf32, #tpu.memory_space<hbm>>) target(%dma_start3A_1381 : memref<125x16xf32, #tpu.memory_space<vmem>>) offsets(%dma_start3A_1384 : memref<125xi32, #tpu.memory_space<vmem>>) semaphore(%dma_start3A_1389 : memref<!tpu.dma_semaphore, #tpu.memory_space<semaphore_mem>>)
        %mul3A_1390 = arith.constant 5 : i32
        %mul3A_1391 = arith.muli %add3A_768, %mul3A_1390 : i32
        %add3A_1392 = arith.constant 1 : i32
        %add3A_1393 = arith.addi %mul3A_1391, %add3A_1392 : i32
        %dma_start3A_1394 = arith.constant 3 : i32
        %dma_start3A_1395 = arith.constant 1 : i32
        %dma_start3A_1396 = arith.constant 3 : i32
        %dma_start3A_1397 = arith.constant 0 : i32
        %dma_start3A_1398 = arith.constant 0 : i32
        %dma_start3A_1399 = tpu.memref_slice %arg8[%dma_start3A_1394, %dma_start3A_1395, %dma_start3A_1397, %dma_start3A_1398] : memref<4x5x125x16xf32, #tpu.memory_space<vmem>> -> memref<1x1x125x16xf32, #tpu.memory_space<vmem>>
        %dma_start3A_1400 = tpu.memref_squeeze %dma_start3A_1399 : memref<1x1x125x16xf32, #tpu.memory_space<vmem>> -> memref<125x16xf32, #tpu.memory_space<vmem>>
        %dma_start3A_1401 = arith.constant 0 : i32
        %dma_start3A_1402 = tpu.memref_slice %arg6[%add3A_1393, %dma_start3A_1401] : memref<80x125xi32, #tpu.memory_space<vmem>> -> memref<1x125xi32, #tpu.memory_space<vmem>>
        %dma_start3A_1403 = tpu.memref_squeeze %dma_start3A_1402 : memref<1x125xi32, #tpu.memory_space<vmem>> -> memref<125xi32, #tpu.memory_space<vmem>>
        %dma_start3A_1404 = arith.constant 0 : i32
        %dma_start3A_1405 = arith.constant 0 : i32
        %dma_start3A_1406 = tpu.memref_slice %arg2[%dma_start3A_1404, %dma_start3A_1405] : memref<10000x16xf32, #tpu.memory_space<hbm>> -> memref<10000x16xf32, #tpu.memory_space<hbm>>
        %dma_start3A_1407 = tpu.memref_slice %arg10[%dma_start3A_1396] : memref<4x!tpu.dma_semaphore, #tpu.memory_space<semaphore_mem>> -> memref<1x!tpu.dma_semaphore, #tpu.memory_space<semaphore_mem>>
        %dma_start3A_1408 = tpu.memref_squeeze %dma_start3A_1407 : memref<1x!tpu.dma_semaphore, #tpu.memory_space<semaphore_mem>> -> memref<!tpu.dma_semaphore, #tpu.memory_space<semaphore_mem>>
        tpu.enqueue_indirect_dma source(%dma_start3A_1406 : memref<10000x16xf32, #tpu.memory_space<hbm>>) target(%dma_start3A_1400 : memref<125x16xf32, #tpu.memory_space<vmem>>) offsets(%dma_start3A_1403 : memref<125xi32, #tpu.memory_space<vmem>>) semaphore(%dma_start3A_1408 : memref<!tpu.dma_semaphore, #tpu.memory_space<semaphore_mem>>)
        %mul3A_1409 = arith.constant 5 : i32
        %mul3A_1410 = arith.muli %add3A_768, %mul3A_1409 : i32
        %add3A_1411 = arith.constant 2 : i32
        %add3A_1412 = arith.addi %mul3A_1410, %add3A_1411 : i32
        %dma_start3A_1413 = arith.constant 3 : i32
        %dma_start3A_1414 = arith.constant 2 : i32
        %dma_start3A_1415 = arith.constant 3 : i32
        %dma_start3A_1416 = arith.constant 0 : i32
        %dma_start3A_1417 = arith.constant 0 : i32
        %dma_start3A_1418 = tpu.memref_slice %arg8[%dma_start3A_1413, %dma_start3A_1414, %dma_start3A_1416, %dma_start3A_1417] : memref<4x5x125x16xf32, #tpu.memory_space<vmem>> -> memref<1x1x125x16xf32, #tpu.memory_space<vmem>>
        %dma_start3A_1419 = tpu.memref_squeeze %dma_start3A_1418 : memref<1x1x125x16xf32, #tpu.memory_space<vmem>> -> memref<125x16xf32, #tpu.memory_space<vmem>>
        %dma_start3A_1420 = arith.constant 0 : i32
        %dma_start3A_1421 = tpu.memref_slice %arg6[%add3A_1412, %dma_start3A_1420] : memref<80x125xi32, #tpu.memory_space<vmem>> -> memref<1x125xi32, #tpu.memory_space<vmem>>
        %dma_start3A_1422 = tpu.memref_squeeze %dma_start3A_1421 : memref<1x125xi32, #tpu.memory_space<vmem>> -> memref<125xi32, #tpu.memory_space<vmem>>
        %dma_start3A_1423 = arith.constant 0 : i32
        %dma_start3A_1424 = arith.constant 0 : i32
        %dma_start3A_1425 = tpu.memref_slice %arg2[%dma_start3A_1423, %dma_start3A_1424] : memref<10000x16xf32, #tpu.memory_space<hbm>> -> memref<10000x16xf32, #tpu.memory_space<hbm>>
        %dma_start3A_1426 = tpu.memref_slice %arg10[%dma_start3A_1415] : memref<4x!tpu.dma_semaphore, #tpu.memory_space<semaphore_mem>> -> memref<1x!tpu.dma_semaphore, #tpu.memory_space<semaphore_mem>>
        %dma_start3A_1427 = tpu.memref_squeeze %dma_start3A_1426 : memref<1x!tpu.dma_semaphore, #tpu.memory_space<semaphore_mem>> -> memref<!tpu.dma_semaphore, #tpu.memory_space<semaphore_mem>>
        tpu.enqueue_indirect_dma source(%dma_start3A_1425 : memref<10000x16xf32, #tpu.memory_space<hbm>>) target(%dma_start3A_1419 : memref<125x16xf32, #tpu.memory_space<vmem>>) offsets(%dma_start3A_1422 : memref<125xi32, #tpu.memory_space<vmem>>) semaphore(%dma_start3A_1427 : memref<!tpu.dma_semaphore, #tpu.memory_space<semaphore_mem>>)
        %mul3A_1428 = arith.constant 5 : i32
        %mul3A_1429 = arith.muli %add3A_768, %mul3A_1428 : i32
        %add3A_1430 = arith.constant 3 : i32
        %add3A_1431 = arith.addi %mul3A_1429, %add3A_1430 : i32
        %dma_start3A_1432 = arith.constant 3 : i32
        %dma_start3A_1433 = arith.constant 3 : i32
        %dma_start3A_1434 = arith.constant 3 : i32
        %dma_start3A_1435 = arith.constant 0 : i32
        %dma_start3A_1436 = arith.constant 0 : i32
        %dma_start3A_1437 = tpu.memref_slice %arg8[%dma_start3A_1432, %dma_start3A_1433, %dma_start3A_1435, %dma_start3A_1436] : memref<4x5x125x16xf32, #tpu.memory_space<vmem>> -> memref<1x1x125x16xf32, #tpu.memory_space<vmem>>
        %dma_start3A_1438 = tpu.memref_squeeze %dma_start3A_1437 : memref<1x1x125x16xf32, #tpu.memory_space<vmem>> -> memref<125x16xf32, #tpu.memory_space<vmem>>
        %dma_start3A_1439 = arith.constant 0 : i32
        %dma_start3A_1440 = tpu.memref_slice %arg6[%add3A_1431, %dma_start3A_1439] : memref<80x125xi32, #tpu.memory_space<vmem>> -> memref<1x125xi32, #tpu.memory_space<vmem>>
        %dma_start3A_1441 = tpu.memref_squeeze %dma_start3A_1440 : memref<1x125xi32, #tpu.memory_space<vmem>> -> memref<125xi32, #tpu.memory_space<vmem>>
        %dma_start3A_1442 = arith.constant 0 : i32
        %dma_start3A_1443 = arith.constant 0 : i32
        %dma_start3A_1444 = tpu.memref_slice %arg2[%dma_start3A_1442, %dma_start3A_1443] : memref<10000x16xf32, #tpu.memory_space<hbm>> -> memref<10000x16xf32, #tpu.memory_space<hbm>>
        %dma_start3A_1445 = tpu.memref_slice %arg10[%dma_start3A_1434] : memref<4x!tpu.dma_semaphore, #tpu.memory_space<semaphore_mem>> -> memref<1x!tpu.dma_semaphore, #tpu.memory_space<semaphore_mem>>
        %dma_start3A_1446 = tpu.memref_squeeze %dma_start3A_1445 : memref<1x!tpu.dma_semaphore, #tpu.memory_space<semaphore_mem>> -> memref<!tpu.dma_semaphore, #tpu.memory_space<semaphore_mem>>
        tpu.enqueue_indirect_dma source(%dma_start3A_1444 : memref<10000x16xf32, #tpu.memory_space<hbm>>) target(%dma_start3A_1438 : memref<125x16xf32, #tpu.memory_space<vmem>>) offsets(%dma_start3A_1441 : memref<125xi32, #tpu.memory_space<vmem>>) semaphore(%dma_start3A_1446 : memref<!tpu.dma_semaphore, #tpu.memory_space<semaphore_mem>>)
        %mul3A_1447 = arith.constant 5 : i32
        %mul3A_1448 = arith.muli %add3A_768, %mul3A_1447 : i32
        %add3A_1449 = arith.constant 4 : i32
        %add3A_1450 = arith.addi %mul3A_1448, %add3A_1449 : i32
        %dma_start3A_1451 = arith.constant 3 : i32
        %dma_start3A_1452 = arith.constant 4 : i32
        %dma_start3A_1453 = arith.constant 3 : i32
        %dma_start3A_1454 = arith.constant 0 : i32
        %dma_start3A_1455 = arith.constant 0 : i32
        %dma_start3A_1456 = tpu.memref_slice %arg8[%dma_start3A_1451, %dma_start3A_1452, %dma_start3A_1454, %dma_start3A_1455] : memref<4x5x125x16xf32, #tpu.memory_space<vmem>> -> memref<1x1x125x16xf32, #tpu.memory_space<vmem>>
        %dma_start3A_1457 = tpu.memref_squeeze %dma_start3A_1456 : memref<1x1x125x16xf32, #tpu.memory_space<vmem>> -> memref<125x16xf32, #tpu.memory_space<vmem>>
        %dma_start3A_1458 = arith.constant 0 : i32
        %dma_start3A_1459 = tpu.memref_slice %arg6[%add3A_1450, %dma_start3A_1458] : memref<80x125xi32, #tpu.memory_space<vmem>> -> memref<1x125xi32, #tpu.memory_space<vmem>>
        %dma_start3A_1460 = tpu.memref_squeeze %dma_start3A_1459 : memref<1x125xi32, #tpu.memory_space<vmem>> -> memref<125xi32, #tpu.memory_space<vmem>>
        %dma_start3A_1461 = arith.constant 0 : i32
        %dma_start3A_1462 = arith.constant 0 : i32
        %dma_start3A_1463 = tpu.memref_slice %arg2[%dma_start3A_1461, %dma_start3A_1462] : memref<10000x16xf32, #tpu.memory_space<hbm>> -> memref<10000x16xf32, #tpu.memory_space<hbm>>
        %dma_start3A_1464 = tpu.memref_slice %arg10[%dma_start3A_1453] : memref<4x!tpu.dma_semaphore, #tpu.memory_space<semaphore_mem>> -> memref<1x!tpu.dma_semaphore, #tpu.memory_space<semaphore_mem>>
        %dma_start3A_1465 = tpu.memref_squeeze %dma_start3A_1464 : memref<1x!tpu.dma_semaphore, #tpu.memory_space<semaphore_mem>> -> memref<!tpu.dma_semaphore, #tpu.memory_space<semaphore_mem>>
        tpu.enqueue_indirect_dma source(%dma_start3A_1463 : memref<10000x16xf32, #tpu.memory_space<hbm>>) target(%dma_start3A_1457 : memref<125x16xf32, #tpu.memory_space<vmem>>) offsets(%dma_start3A_1460 : memref<125xi32, #tpu.memory_space<vmem>>) semaphore(%dma_start3A_1465 : memref<!tpu.dma_semaphore, #tpu.memory_space<semaphore_mem>>)
      } else {
      }
      %dma_wait3A_774 = arith.constant 0 : i32
      %dma_wait3A_775 = arith.constant 0 : i32
      %dma_wait3A_776 = arith.constant 1 : i32
      %dma_wait3A_777 = arith.constant 0 : i32
      %dma_wait3A_778 = arith.constant 0 : i32
      %dma_wait3A_779 = tpu.memref_slice %arg8[%dma_wait3A_774, %dma_wait3A_775, %dma_wait3A_777, %dma_wait3A_778] : memref<4x5x125x16xf32, #tpu.memory_space<vmem>> -> memref<1x1x125x16xf32, #tpu.memory_space<vmem>>
      %dma_wait3A_780 = tpu.memref_squeeze %dma_wait3A_779 : memref<1x1x125x16xf32, #tpu.memory_space<vmem>> -> memref<125x16xf32, #tpu.memory_space<vmem>>
      %dma_wait3A_781 = arith.constant 0 : i32
      %dma_wait3A_782 = arith.constant 0 : i32
      %dma_wait3A_783 = tpu.memref_slice %arg2[%dma_wait3A_781, %dma_wait3A_782] : memref<10000x16xf32, #tpu.memory_space<hbm>> -> memref<125x16xf32, #tpu.memory_space<hbm>>
      %dma_wait3A_784 = tpu.memref_slice %arg10[%dma_wait3A_776] : memref<4x!tpu.dma_semaphore, #tpu.memory_space<semaphore_mem>> -> memref<1x!tpu.dma_semaphore, #tpu.memory_space<semaphore_mem>>
      %dma_wait3A_785 = tpu.memref_squeeze %dma_wait3A_784 : memref<1x!tpu.dma_semaphore, #tpu.memory_space<semaphore_mem>> -> memref<!tpu.dma_semaphore, #tpu.memory_space<semaphore_mem>>
      %dma_wait3A_786 = arith.constant 0 : i32
      %dma_wait3A_787 = arith.constant 0 : i32
      %dma_wait3A_788 = tpu.memref_slice %arg8[%dma_wait3A_774, %dma_wait3A_775, %dma_wait3A_786, %dma_wait3A_787] : memref<4x5x125x16xf32, #tpu.memory_space<vmem>> -> memref<1x1x125x16xf32, #tpu.memory_space<vmem>>
      %dma_wait3A_789 = tpu.memref_squeeze %dma_wait3A_788 : memref<1x1x125x16xf32, #tpu.memory_space<vmem>> -> memref<125x16xf32, #tpu.memory_space<vmem>>
      %dma_wait3A_790 = arith.constant 0 : i32
      %dma_wait3A_791 = arith.constant 0 : i32
      %dma_wait3A_792 = tpu.memref_slice %arg2[%dma_wait3A_790, %dma_wait3A_791] : memref<10000x16xf32, #tpu.memory_space<hbm>> -> memref<125x16xf32, #tpu.memory_space<hbm>>
      tpu.wait_dma2 semaphore(%dma_wait3A_785 : memref<!tpu.dma_semaphore, #tpu.memory_space<semaphore_mem>>) src(%dma_wait3A_792 : memref<125x16xf32, #tpu.memory_space<hbm>>) dst(%dma_wait3A_789 : memref<125x16xf32, #tpu.memory_space<vmem>>)
      %dma_wait3A_793 = arith.constant 0 : i32
      %dma_wait3A_794 = arith.constant 1 : i32
      %dma_wait3A_795 = arith.constant 1 : i32
      %dma_wait3A_796 = arith.constant 0 : i32
      %dma_wait3A_797 = arith.constant 0 : i32
      %dma_wait3A_798 = tpu.memref_slice %arg8[%dma_wait3A_793, %dma_wait3A_794, %dma_wait3A_796, %dma_wait3A_797] : memref<4x5x125x16xf32, #tpu.memory_space<vmem>> -> memref<1x1x125x16xf32, #tpu.memory_space<vmem>>
      %dma_wait3A_799 = tpu.memref_squeeze %dma_wait3A_798 : memref<1x1x125x16xf32, #tpu.memory_space<vmem>> -> memref<125x16xf32, #tpu.memory_space<vmem>>
      %dma_wait3A_800 = arith.constant 0 : i32
      %dma_wait3A_801 = arith.constant 0 : i32
      %dma_wait3A_802 = tpu.memref_slice %arg2[%dma_wait3A_800, %dma_wait3A_801] : memref<10000x16xf32, #tpu.memory_space<hbm>> -> memref<125x16xf32, #tpu.memory_space<hbm>>
      %dma_wait3A_803 = tpu.memref_slice %arg10[%dma_wait3A_795] : memref<4x!tpu.dma_semaphore, #tpu.memory_space<semaphore_mem>> -> memref<1x!tpu.dma_semaphore, #tpu.memory_space<semaphore_mem>>
      %dma_wait3A_804 = tpu.memref_squeeze %dma_wait3A_803 : memref<1x!tpu.dma_semaphore, #tpu.memory_space<semaphore_mem>> -> memref<!tpu.dma_semaphore, #tpu.memory_space<semaphore_mem>>
      %dma_wait3A_805 = arith.constant 0 : i32
      %dma_wait3A_806 = arith.constant 0 : i32
      %dma_wait3A_807 = tpu.memref_slice %arg8[%dma_wait3A_793, %dma_wait3A_794, %dma_wait3A_805, %dma_wait3A_806] : memref<4x5x125x16xf32, #tpu.memory_space<vmem>> -> memref<1x1x125x16xf32, #tpu.memory_space<vmem>>
      %dma_wait3A_808 = tpu.memref_squeeze %dma_wait3A_807 : memref<1x1x125x16xf32, #tpu.memory_space<vmem>> -> memref<125x16xf32, #tpu.memory_space<vmem>>
      %dma_wait3A_809 = arith.constant 0 : i32
      %dma_wait3A_810 = arith.constant 0 : i32
      %dma_wait3A_811 = tpu.memref_slice %arg2[%dma_wait3A_809, %dma_wait3A_810] : memref<10000x16xf32, #tpu.memory_space<hbm>> -> memref<125x16xf32, #tpu.memory_space<hbm>>
      tpu.wait_dma2 semaphore(%dma_wait3A_804 : memref<!tpu.dma_semaphore, #tpu.memory_space<semaphore_mem>>) src(%dma_wait3A_811 : memref<125x16xf32, #tpu.memory_space<hbm>>) dst(%dma_wait3A_808 : memref<125x16xf32, #tpu.memory_space<vmem>>)
      %dma_wait3A_812 = arith.constant 0 : i32
      %dma_wait3A_813 = arith.constant 2 : i32
      %dma_wait3A_814 = arith.constant 1 : i32
      %dma_wait3A_815 = arith.constant 0 : i32
      %dma_wait3A_816 = arith.constant 0 : i32
      %dma_wait3A_817 = tpu.memref_slice %arg8[%dma_wait3A_812, %dma_wait3A_813, %dma_wait3A_815, %dma_wait3A_816] : memref<4x5x125x16xf32, #tpu.memory_space<vmem>> -> memref<1x1x125x16xf32, #tpu.memory_space<vmem>>
      %dma_wait3A_818 = tpu.memref_squeeze %dma_wait3A_817 : memref<1x1x125x16xf32, #tpu.memory_space<vmem>> -> memref<125x16xf32, #tpu.memory_space<vmem>>
      %dma_wait3A_819 = arith.constant 0 : i32
      %dma_wait3A_820 = arith.constant 0 : i32
      %dma_wait3A_821 = tpu.memref_slice %arg2[%dma_wait3A_819, %dma_wait3A_820] : memref<10000x16xf32, #tpu.memory_space<hbm>> -> memref<125x16xf32, #tpu.memory_space<hbm>>
      %dma_wait3A_822 = tpu.memref_slice %arg10[%dma_wait3A_814] : memref<4x!tpu.dma_semaphore, #tpu.memory_space<semaphore_mem>> -> memref<1x!tpu.dma_semaphore, #tpu.memory_space<semaphore_mem>>
      %dma_wait3A_823 = tpu.memref_squeeze %dma_wait3A_822 : memref<1x!tpu.dma_semaphore, #tpu.memory_space<semaphore_mem>> -> memref<!tpu.dma_semaphore, #tpu.memory_space<semaphore_mem>>
      %dma_wait3A_824 = arith.constant 0 : i32
      %dma_wait3A_825 = arith.constant 0 : i32
      %dma_wait3A_826 = tpu.memref_slice %arg8[%dma_wait3A_812, %dma_wait3A_813, %dma_wait3A_824, %dma_wait3A_825] : memref<4x5x125x16xf32, #tpu.memory_space<vmem>> -> memref<1x1x125x16xf32, #tpu.memory_space<vmem>>
      %dma_wait3A_827 = tpu.memref_squeeze %dma_wait3A_826 : memref<1x1x125x16xf32, #tpu.memory_space<vmem>> -> memref<125x16xf32, #tpu.memory_space<vmem>>
      %dma_wait3A_828 = arith.constant 0 : i32
      %dma_wait3A_829 = arith.constant 0 : i32
      %dma_wait3A_830 = tpu.memref_slice %arg2[%dma_wait3A_828, %dma_wait3A_829] : memref<10000x16xf32, #tpu.memory_space<hbm>> -> memref<125x16xf32, #tpu.memory_space<hbm>>
      tpu.wait_dma2 semaphore(%dma_wait3A_823 : memref<!tpu.dma_semaphore, #tpu.memory_space<semaphore_mem>>) src(%dma_wait3A_830 : memref<125x16xf32, #tpu.memory_space<hbm>>) dst(%dma_wait3A_827 : memref<125x16xf32, #tpu.memory_space<vmem>>)
      %dma_wait3A_831 = arith.constant 0 : i32
      %dma_wait3A_832 = arith.constant 3 : i32
      %dma_wait3A_833 = arith.constant 1 : i32
      %dma_wait3A_834 = arith.constant 0 : i32
      %dma_wait3A_835 = arith.constant 0 : i32
      %dma_wait3A_836 = tpu.memref_slice %arg8[%dma_wait3A_831, %dma_wait3A_832, %dma_wait3A_834, %dma_wait3A_835] : memref<4x5x125x16xf32, #tpu.memory_space<vmem>> -> memref<1x1x125x16xf32, #tpu.memory_space<vmem>>
      %dma_wait3A_837 = tpu.memref_squeeze %dma_wait3A_836 : memref<1x1x125x16xf32, #tpu.memory_space<vmem>> -> memref<125x16xf32, #tpu.memory_space<vmem>>
      %dma_wait3A_838 = arith.constant 0 : i32
      %dma_wait3A_839 = arith.constant 0 : i32
      %dma_wait3A_840 = tpu.memref_slice %arg2[%dma_wait3A_838, %dma_wait3A_839] : memref<10000x16xf32, #tpu.memory_space<hbm>> -> memref<125x16xf32, #tpu.memory_space<hbm>>
      %dma_wait3A_841 = tpu.memref_slice %arg10[%dma_wait3A_833] : memref<4x!tpu.dma_semaphore, #tpu.memory_space<semaphore_mem>> -> memref<1x!tpu.dma_semaphore, #tpu.memory_space<semaphore_mem>>
      %dma_wait3A_842 = tpu.memref_squeeze %dma_wait3A_841 : memref<1x!tpu.dma_semaphore, #tpu.memory_space<semaphore_mem>> -> memref<!tpu.dma_semaphore, #tpu.memory_space<semaphore_mem>>
      %dma_wait3A_843 = arith.constant 0 : i32
      %dma_wait3A_844 = arith.constant 0 : i32
      %dma_wait3A_845 = tpu.memref_slice %arg8[%dma_wait3A_831, %dma_wait3A_832, %dma_wait3A_843, %dma_wait3A_844] : memref<4x5x125x16xf32, #tpu.memory_space<vmem>> -> memref<1x1x125x16xf32, #tpu.memory_space<vmem>>
      %dma_wait3A_846 = tpu.memref_squeeze %dma_wait3A_845 : memref<1x1x125x16xf32, #tpu.memory_space<vmem>> -> memref<125x16xf32, #tpu.memory_space<vmem>>
      %dma_wait3A_847 = arith.constant 0 : i32
      %dma_wait3A_848 = arith.constant 0 : i32
      %dma_wait3A_849 = tpu.memref_slice %arg2[%dma_wait3A_847, %dma_wait3A_848] : memref<10000x16xf32, #tpu.memory_space<hbm>> -> memref<125x16xf32, #tpu.memory_space<hbm>>
      tpu.wait_dma2 semaphore(%dma_wait3A_842 : memref<!tpu.dma_semaphore, #tpu.memory_space<semaphore_mem>>) src(%dma_wait3A_849 : memref<125x16xf32, #tpu.memory_space<hbm>>) dst(%dma_wait3A_846 : memref<125x16xf32, #tpu.memory_space<vmem>>)
      %dma_wait3A_850 = arith.constant 0 : i32
      %dma_wait3A_851 = arith.constant 4 : i32
      %dma_wait3A_852 = arith.constant 1 : i32
      %dma_wait3A_853 = arith.constant 0 : i32
      %dma_wait3A_854 = arith.constant 0 : i32
      %dma_wait3A_855 = tpu.memref_slice %arg8[%dma_wait3A_850, %dma_wait3A_851, %dma_wait3A_853, %dma_wait3A_854] : memref<4x5x125x16xf32, #tpu.memory_space<vmem>> -> memref<1x1x125x16xf32, #tpu.memory_space<vmem>>
      %dma_wait3A_856 = tpu.memref_squeeze %dma_wait3A_855 : memref<1x1x125x16xf32, #tpu.memory_space<vmem>> -> memref<125x16xf32, #tpu.memory_space<vmem>>
      %dma_wait3A_857 = arith.constant 0 : i32
      %dma_wait3A_858 = arith.constant 0 : i32
      %dma_wait3A_859 = tpu.memref_slice %arg2[%dma_wait3A_857, %dma_wait3A_858] : memref<10000x16xf32, #tpu.memory_space<hbm>> -> memref<125x16xf32, #tpu.memory_space<hbm>>
      %dma_wait3A_860 = tpu.memref_slice %arg10[%dma_wait3A_852] : memref<4x!tpu.dma_semaphore, #tpu.memory_space<semaphore_mem>> -> memref<1x!tpu.dma_semaphore, #tpu.memory_space<semaphore_mem>>
      %dma_wait3A_861 = tpu.memref_squeeze %dma_wait3A_860 : memref<1x!tpu.dma_semaphore, #tpu.memory_space<semaphore_mem>> -> memref<!tpu.dma_semaphore, #tpu.memory_space<semaphore_mem>>
      %dma_wait3A_862 = arith.constant 0 : i32
      %dma_wait3A_863 = arith.constant 0 : i32
      %dma_wait3A_864 = tpu.memref_slice %arg8[%dma_wait3A_850, %dma_wait3A_851, %dma_wait3A_862, %dma_wait3A_863] : memref<4x5x125x16xf32, #tpu.memory_space<vmem>> -> memref<1x1x125x16xf32, #tpu.memory_space<vmem>>
      %dma_wait3A_865 = tpu.memref_squeeze %dma_wait3A_864 : memref<1x1x125x16xf32, #tpu.memory_space<vmem>> -> memref<125x16xf32, #tpu.memory_space<vmem>>
      %dma_wait3A_866 = arith.constant 0 : i32
      %dma_wait3A_867 = arith.constant 0 : i32
      %dma_wait3A_868 = tpu.memref_slice %arg2[%dma_wait3A_866, %dma_wait3A_867] : memref<10000x16xf32, #tpu.memory_space<hbm>> -> memref<125x16xf32, #tpu.memory_space<hbm>>
      tpu.wait_dma2 semaphore(%dma_wait3A_861 : memref<!tpu.dma_semaphore, #tpu.memory_space<semaphore_mem>>) src(%dma_wait3A_868 : memref<125x16xf32, #tpu.memory_space<hbm>>) dst(%dma_wait3A_865 : memref<125x16xf32, #tpu.memory_space<vmem>>)
      %mul3A_869 = arith.constant 5 : i32
      %mul3A_870 = arith.muli %add3A_766, %mul3A_869 : i32
      %add3A_871 = arith.constant 0 : i32
      %add3A_872 = arith.addi %mul3A_870, %add3A_871 : i32
      %dma_start3A_873 = arith.constant 1 : i32
      %dma_start3A_874 = arith.constant 0 : i32
      %dma_start3A_875 = arith.constant 1 : i32
      %dma_start3A_876 = arith.constant 0 : i32
      %dma_start3A_877 = arith.constant 0 : i32
      %dma_start3A_878 = tpu.memref_slice %arg8[%dma_start3A_873, %dma_start3A_874, %dma_start3A_876, %dma_start3A_877] : memref<4x5x125x16xf32, #tpu.memory_space<vmem>> -> memref<1x1x125x16xf32, #tpu.memory_space<vmem>>
      %dma_start3A_879 = tpu.memref_squeeze %dma_start3A_878 : memref<1x1x125x16xf32, #tpu.memory_space<vmem>> -> memref<125x16xf32, #tpu.memory_space<vmem>>
      %dma_start3A_880 = arith.constant 0 : i32
      %dma_start3A_881 = tpu.memref_slice %arg7[%add3A_872, %dma_start3A_880] : memref<80x125xi32, #tpu.memory_space<vmem>> -> memref<1x125xi32, #tpu.memory_space<vmem>>
      %dma_start3A_882 = tpu.memref_squeeze %dma_start3A_881 : memref<1x125xi32, #tpu.memory_space<vmem>> -> memref<125xi32, #tpu.memory_space<vmem>>
      %dma_start3A_883 = arith.constant 0 : i32
      %dma_start3A_884 = arith.constant 0 : i32
      %dma_start3A_885 = tpu.memref_slice %arg9[%dma_start3A_883, %dma_start3A_884] : memref<10000x16xf32, #tpu.memory_space<vmem_shared>> -> memref<10000x16xf32, #tpu.memory_space<vmem_shared>>
      %dma_start3A_886 = tpu.memref_slice %arg11[%dma_start3A_875] : memref<4x!tpu.dma_semaphore, #tpu.memory_space<semaphore_mem>> -> memref<1x!tpu.dma_semaphore, #tpu.memory_space<semaphore_mem>>
      %dma_start3A_887 = tpu.memref_squeeze %dma_start3A_886 : memref<1x!tpu.dma_semaphore, #tpu.memory_space<semaphore_mem>> -> memref<!tpu.dma_semaphore, #tpu.memory_space<semaphore_mem>>
      tpu.enqueue_indirect_dma source(%dma_start3A_879 : memref<125x16xf32, #tpu.memory_space<vmem>>) target(%dma_start3A_885 : memref<10000x16xf32, #tpu.memory_space<vmem_shared>>) offsets(%dma_start3A_882 : memref<125xi32, #tpu.memory_space<vmem>>) semaphore(%dma_start3A_887 : memref<!tpu.dma_semaphore, #tpu.memory_space<semaphore_mem>>) {add = true}
      %mul3A_888 = arith.constant 5 : i32
      %mul3A_889 = arith.muli %add3A_766, %mul3A_888 : i32
      %add3A_890 = arith.constant 1 : i32
      %add3A_891 = arith.addi %mul3A_889, %add3A_890 : i32
      %dma_start3A_892 = arith.constant 1 : i32
      %dma_start3A_893 = arith.constant 1 : i32
      %dma_start3A_894 = arith.constant 1 : i32
      %dma_start3A_895 = arith.constant 0 : i32
      %dma_start3A_896 = arith.constant 0 : i32
      %dma_start3A_897 = tpu.memref_slice %arg8[%dma_start3A_892, %dma_start3A_893, %dma_start3A_895, %dma_start3A_896] : memref<4x5x125x16xf32, #tpu.memory_space<vmem>> -> memref<1x1x125x16xf32, #tpu.memory_space<vmem>>
      %dma_start3A_898 = tpu.memref_squeeze %dma_start3A_897 : memref<1x1x125x16xf32, #tpu.memory_space<vmem>> -> memref<125x16xf32, #tpu.memory_space<vmem>>
      %dma_start3A_899 = arith.constant 0 : i32
      %dma_start3A_900 = tpu.memref_slice %arg7[%add3A_891, %dma_start3A_899] : memref<80x125xi32, #tpu.memory_space<vmem>> -> memref<1x125xi32, #tpu.memory_space<vmem>>
      %dma_start3A_901 = tpu.memref_squeeze %dma_start3A_900 : memref<1x125xi32, #tpu.memory_space<vmem>> -> memref<125xi32, #tpu.memory_space<vmem>>
      %dma_start3A_902 = arith.constant 0 : i32
      %dma_start3A_903 = arith.constant 0 : i32
      %dma_start3A_904 = tpu.memref_slice %arg9[%dma_start3A_902, %dma_start3A_903] : memref<10000x16xf32, #tpu.memory_space<vmem_shared>> -> memref<10000x16xf32, #tpu.memory_space<vmem_shared>>
      %dma_start3A_905 = tpu.memref_slice %arg11[%dma_start3A_894] : memref<4x!tpu.dma_semaphore, #tpu.memory_space<semaphore_mem>> -> memref<1x!tpu.dma_semaphore, #tpu.memory_space<semaphore_mem>>
      %dma_start3A_906 = tpu.memref_squeeze %dma_start3A_905 : memref<1x!tpu.dma_semaphore, #tpu.memory_space<semaphore_mem>> -> memref<!tpu.dma_semaphore, #tpu.memory_space<semaphore_mem>>
      tpu.enqueue_indirect_dma source(%dma_start3A_898 : memref<125x16xf32, #tpu.memory_space<vmem>>) target(%dma_start3A_904 : memref<10000x16xf32, #tpu.memory_space<vmem_shared>>) offsets(%dma_start3A_901 : memref<125xi32, #tpu.memory_space<vmem>>) semaphore(%dma_start3A_906 : memref<!tpu.dma_semaphore, #tpu.memory_space<semaphore_mem>>) {add = true}
      %mul3A_907 = arith.constant 5 : i32
      %mul3A_908 = arith.muli %add3A_766, %mul3A_907 : i32
      %add3A_909 = arith.constant 2 : i32
      %add3A_910 = arith.addi %mul3A_908, %add3A_909 : i32
      %dma_start3A_911 = arith.constant 1 : i32
      %dma_start3A_912 = arith.constant 2 : i32
      %dma_start3A_913 = arith.constant 1 : i32
      %dma_start3A_914 = arith.constant 0 : i32
      %dma_start3A_915 = arith.constant 0 : i32
      %dma_start3A_916 = tpu.memref_slice %arg8[%dma_start3A_911, %dma_start3A_912, %dma_start3A_914, %dma_start3A_915] : memref<4x5x125x16xf32, #tpu.memory_space<vmem>> -> memref<1x1x125x16xf32, #tpu.memory_space<vmem>>
      %dma_start3A_917 = tpu.memref_squeeze %dma_start3A_916 : memref<1x1x125x16xf32, #tpu.memory_space<vmem>> -> memref<125x16xf32, #tpu.memory_space<vmem>>
      %dma_start3A_918 = arith.constant 0 : i32
      %dma_start3A_919 = tpu.memref_slice %arg7[%add3A_910, %dma_start3A_918] : memref<80x125xi32, #tpu.memory_space<vmem>> -> memref<1x125xi32, #tpu.memory_space<vmem>>
      %dma_start3A_920 = tpu.memref_squeeze %dma_start3A_919 : memref<1x125xi32, #tpu.memory_space<vmem>> -> memref<125xi32, #tpu.memory_space<vmem>>
      %dma_start3A_921 = arith.constant 0 : i32
      %dma_start3A_922 = arith.constant 0 : i32
      %dma_start3A_923 = tpu.memref_slice %arg9[%dma_start3A_921, %dma_start3A_922] : memref<10000x16xf32, #tpu.memory_space<vmem_shared>> -> memref<10000x16xf32, #tpu.memory_space<vmem_shared>>
      %dma_start3A_924 = tpu.memref_slice %arg11[%dma_start3A_913] : memref<4x!tpu.dma_semaphore, #tpu.memory_space<semaphore_mem>> -> memref<1x!tpu.dma_semaphore, #tpu.memory_space<semaphore_mem>>
      %dma_start3A_925 = tpu.memref_squeeze %dma_start3A_924 : memref<1x!tpu.dma_semaphore, #tpu.memory_space<semaphore_mem>> -> memref<!tpu.dma_semaphore, #tpu.memory_space<semaphore_mem>>
      tpu.enqueue_indirect_dma source(%dma_start3A_917 : memref<125x16xf32, #tpu.memory_space<vmem>>) target(%dma_start3A_923 : memref<10000x16xf32, #tpu.memory_space<vmem_shared>>) offsets(%dma_start3A_920 : memref<125xi32, #tpu.memory_space<vmem>>) semaphore(%dma_start3A_925 : memref<!tpu.dma_semaphore, #tpu.memory_space<semaphore_mem>>) {add = true}
      %mul3A_926 = arith.constant 5 : i32
      %mul3A_927 = arith.muli %add3A_766, %mul3A_926 : i32
      %add3A_928 = arith.constant 3 : i32
      %add3A_929 = arith.addi %mul3A_927, %add3A_928 : i32
      %dma_start3A_930 = arith.constant 1 : i32
      %dma_start3A_931 = arith.constant 3 : i32
      %dma_start3A_932 = arith.constant 1 : i32
      %dma_start3A_933 = arith.constant 0 : i32
      %dma_start3A_934 = arith.constant 0 : i32
      %dma_start3A_935 = tpu.memref_slice %arg8[%dma_start3A_930, %dma_start3A_931, %dma_start3A_933, %dma_start3A_934] : memref<4x5x125x16xf32, #tpu.memory_space<vmem>> -> memref<1x1x125x16xf32, #tpu.memory_space<vmem>>
      %dma_start3A_936 = tpu.memref_squeeze %dma_start3A_935 : memref<1x1x125x16xf32, #tpu.memory_space<vmem>> -> memref<125x16xf32, #tpu.memory_space<vmem>>
      %dma_start3A_937 = arith.constant 0 : i32
      %dma_start3A_938 = tpu.memref_slice %arg7[%add3A_929, %dma_start3A_937] : memref<80x125xi32, #tpu.memory_space<vmem>> -> memref<1x125xi32, #tpu.memory_space<vmem>>
      %dma_start3A_939 = tpu.memref_squeeze %dma_start3A_938 : memref<1x125xi32, #tpu.memory_space<vmem>> -> memref<125xi32, #tpu.memory_space<vmem>>
      %dma_start3A_940 = arith.constant 0 : i32
      %dma_start3A_941 = arith.constant 0 : i32
      %dma_start3A_942 = tpu.memref_slice %arg9[%dma_start3A_940, %dma_start3A_941] : memref<10000x16xf32, #tpu.memory_space<vmem_shared>> -> memref<10000x16xf32, #tpu.memory_space<vmem_shared>>
      %dma_start3A_943 = tpu.memref_slice %arg11[%dma_start3A_932] : memref<4x!tpu.dma_semaphore, #tpu.memory_space<semaphore_mem>> -> memref<1x!tpu.dma_semaphore, #tpu.memory_space<semaphore_mem>>
      %dma_start3A_944 = tpu.memref_squeeze %dma_start3A_943 : memref<1x!tpu.dma_semaphore, #tpu.memory_space<semaphore_mem>> -> memref<!tpu.dma_semaphore, #tpu.memory_space<semaphore_mem>>
      tpu.enqueue_indirect_dma source(%dma_start3A_936 : memref<125x16xf32, #tpu.memory_space<vmem>>) target(%dma_start3A_942 : memref<10000x16xf32, #tpu.memory_space<vmem_shared>>) offsets(%dma_start3A_939 : memref<125xi32, #tpu.memory_space<vmem>>) semaphore(%dma_start3A_944 : memref<!tpu.dma_semaphore, #tpu.memory_space<semaphore_mem>>) {add = true}
      %mul3A_945 = arith.constant 5 : i32
      %mul3A_946 = arith.muli %add3A_766, %mul3A_945 : i32
      %add3A_947 = arith.constant 4 : i32
      %add3A_948 = arith.addi %mul3A_946, %add3A_947 : i32
      %dma_start3A_949 = arith.constant 1 : i32
      %dma_start3A_950 = arith.constant 4 : i32
      %dma_start3A_951 = arith.constant 1 : i32
      %dma_start3A_952 = arith.constant 0 : i32
      %dma_start3A_953 = arith.constant 0 : i32
      %dma_start3A_954 = tpu.memref_slice %arg8[%dma_start3A_949, %dma_start3A_950, %dma_start3A_952, %dma_start3A_953] : memref<4x5x125x16xf32, #tpu.memory_space<vmem>> -> memref<1x1x125x16xf32, #tpu.memory_space<vmem>>
      %dma_start3A_955 = tpu.memref_squeeze %dma_start3A_954 : memref<1x1x125x16xf32, #tpu.memory_space<vmem>> -> memref<125x16xf32, #tpu.memory_space<vmem>>
      %dma_start3A_956 = arith.constant 0 : i32
      %dma_start3A_957 = tpu.memref_slice %arg7[%add3A_948, %dma_start3A_956] : memref<80x125xi32, #tpu.memory_space<vmem>> -> memref<1x125xi32, #tpu.memory_space<vmem>>
      %dma_start3A_958 = tpu.memref_squeeze %dma_start3A_957 : memref<1x125xi32, #tpu.memory_space<vmem>> -> memref<125xi32, #tpu.memory_space<vmem>>
      %dma_start3A_959 = arith.constant 0 : i32
      %dma_start3A_960 = arith.constant 0 : i32
      %dma_start3A_961 = tpu.memref_slice %arg9[%dma_start3A_959, %dma_start3A_960] : memref<10000x16xf32, #tpu.memory_space<vmem_shared>> -> memref<10000x16xf32, #tpu.memory_space<vmem_shared>>
      %dma_start3A_962 = tpu.memref_slice %arg11[%dma_start3A_951] : memref<4x!tpu.dma_semaphore, #tpu.memory_space<semaphore_mem>> -> memref<1x!tpu.dma_semaphore, #tpu.memory_space<semaphore_mem>>
      %dma_start3A_963 = tpu.memref_squeeze %dma_start3A_962 : memref<1x!tpu.dma_semaphore, #tpu.memory_space<semaphore_mem>> -> memref<!tpu.dma_semaphore, #tpu.memory_space<semaphore_mem>>
      tpu.enqueue_indirect_dma source(%dma_start3A_955 : memref<125x16xf32, #tpu.memory_space<vmem>>) target(%dma_start3A_961 : memref<10000x16xf32, #tpu.memory_space<vmem_shared>>) offsets(%dma_start3A_958 : memref<125xi32, #tpu.memory_space<vmem>>) semaphore(%dma_start3A_963 : memref<!tpu.dma_semaphore, #tpu.memory_space<semaphore_mem>>) {add = true}
      %mul3A_964 = arith.constant 4 : i32
      %mul3A_965 = arith.muli %scan3A_563, %mul3A_964 : i32
      %add3A_966 = arith.constant 2 : i32
      %add3A_967 = arith.addi %mul3A_965, %add3A_966 : i32
      %add3A_968 = arith.constant 2 : i32
      %add3A_969 = arith.addi %add3A_967, %add3A_968 : i32
      %lt3A_970 = arith.constant 16 : i32
      %lt3A_971 = arith.cmpi slt, %add3A_969, %lt3A_970 : i32
      %convert_element_type3A_972 = arith.extui %lt3A_971 : i1 to i32
      %cond3A_973 = arith.constant 0 : i32
      %cond3A_974 = arith.cmpi ne, %convert_element_type3A_972, %cond3A_973 : i32
      scf.if %cond3A_974 {
        %ge3A = arith.constant 4 : i32
        %ge3A_1367 = arith.cmpi sge, %add3A_969, %ge3A : i32
        %convert_element_type3A_1368 = arith.extui %ge3A_1367 : i1 to i32
        %cond3A_1369 = arith.constant 0 : i32
        %cond3A_1370 = arith.cmpi ne, %convert_element_type3A_1368, %cond3A_1369 : i32
        scf.if %cond3A_1370 {
          %dma_wait3A_1466 = arith.constant 0 : i32
          %dma_wait3A_1467 = arith.constant 0 : i32
          %dma_wait3A_1468 = arith.constant 0 : i32
          %dma_wait3A_1469 = arith.constant 0 : i32
          %dma_wait3A_1470 = arith.constant 0 : i32
          %dma_wait3A_1471 = tpu.memref_slice %arg8[%dma_wait3A_1466, %dma_wait3A_1467, %dma_wait3A_1469, %dma_wait3A_1470] : memref<4x5x125x16xf32, #tpu.memory_space<vmem>> -> memref<1x1x125x16xf32, #tpu.memory_space<vmem>>
          %dma_wait3A_1472 = tpu.memref_squeeze %dma_wait3A_1471 : memref<1x1x125x16xf32, #tpu.memory_space<vmem>> -> memref<125x16xf32, #tpu.memory_space<vmem>>
          %dma_wait3A_1473 = arith.constant 0 : i32
          %dma_wait3A_1474 = arith.constant 0 : i32
          %dma_wait3A_1475 = tpu.memref_slice %arg2[%dma_wait3A_1473, %dma_wait3A_1474] : memref<10000x16xf32, #tpu.memory_space<hbm>> -> memref<125x16xf32, #tpu.memory_space<hbm>>
          %dma_wait3A_1476 = tpu.memref_slice %arg11[%dma_wait3A_1468] : memref<4x!tpu.dma_semaphore, #tpu.memory_space<semaphore_mem>> -> memref<1x!tpu.dma_semaphore, #tpu.memory_space<semaphore_mem>>
          %dma_wait3A_1477 = tpu.memref_squeeze %dma_wait3A_1476 : memref<1x!tpu.dma_semaphore, #tpu.memory_space<semaphore_mem>> -> memref<!tpu.dma_semaphore, #tpu.memory_space<semaphore_mem>>
          %dma_wait3A_1478 = arith.constant 0 : i32
          %dma_wait3A_1479 = arith.constant 0 : i32
          %dma_wait3A_1480 = tpu.memref_slice %arg8[%dma_wait3A_1466, %dma_wait3A_1467, %dma_wait3A_1478, %dma_wait3A_1479] : memref<4x5x125x16xf32, #tpu.memory_space<vmem>> -> memref<1x1x125x16xf32, #tpu.memory_space<vmem>>
          %dma_wait3A_1481 = tpu.memref_squeeze %dma_wait3A_1480 : memref<1x1x125x16xf32, #tpu.memory_space<vmem>> -> memref<125x16xf32, #tpu.memory_space<vmem>>
          %dma_wait3A_1482 = arith.constant 0 : i32
          %dma_wait3A_1483 = arith.constant 0 : i32
          %dma_wait3A_1484 = tpu.memref_slice %arg2[%dma_wait3A_1482, %dma_wait3A_1483] : memref<10000x16xf32, #tpu.memory_space<hbm>> -> memref<125x16xf32, #tpu.memory_space<hbm>>
          tpu.wait_dma2 semaphore(%dma_wait3A_1477 : memref<!tpu.dma_semaphore, #tpu.memory_space<semaphore_mem>>) src(%dma_wait3A_1484 : memref<125x16xf32, #tpu.memory_space<hbm>>) dst(%dma_wait3A_1481 : memref<125x16xf32, #tpu.memory_space<vmem>>)
          %dma_wait3A_1485 = arith.constant 0 : i32
          %dma_wait3A_1486 = arith.constant 1 : i32
          %dma_wait3A_1487 = arith.constant 0 : i32
          %dma_wait3A_1488 = arith.constant 0 : i32
          %dma_wait3A_1489 = arith.constant 0 : i32
          %dma_wait3A_1490 = tpu.memref_slice %arg8[%dma_wait3A_1485, %dma_wait3A_1486, %dma_wait3A_1488, %dma_wait3A_1489] : memref<4x5x125x16xf32, #tpu.memory_space<vmem>> -> memref<1x1x125x16xf32, #tpu.memory_space<vmem>>
          %dma_wait3A_1491 = tpu.memref_squeeze %dma_wait3A_1490 : memref<1x1x125x16xf32, #tpu.memory_space<vmem>> -> memref<125x16xf32, #tpu.memory_space<vmem>>
          %dma_wait3A_1492 = arith.constant 0 : i32
          %dma_wait3A_1493 = arith.constant 0 : i32
          %dma_wait3A_1494 = tpu.memref_slice %arg2[%dma_wait3A_1492, %dma_wait3A_1493] : memref<10000x16xf32, #tpu.memory_space<hbm>> -> memref<125x16xf32, #tpu.memory_space<hbm>>
          %dma_wait3A_1495 = tpu.memref_slice %arg11[%dma_wait3A_1487] : memref<4x!tpu.dma_semaphore, #tpu.memory_space<semaphore_mem>> -> memref<1x!tpu.dma_semaphore, #tpu.memory_space<semaphore_mem>>
          %dma_wait3A_1496 = tpu.memref_squeeze %dma_wait3A_1495 : memref<1x!tpu.dma_semaphore, #tpu.memory_space<semaphore_mem>> -> memref<!tpu.dma_semaphore, #tpu.memory_space<semaphore_mem>>
          %dma_wait3A_1497 = arith.constant 0 : i32
          %dma_wait3A_1498 = arith.constant 0 : i32
          %dma_wait3A_1499 = tpu.memref_slice %arg8[%dma_wait3A_1485, %dma_wait3A_1486, %dma_wait3A_1497, %dma_wait3A_1498] : memref<4x5x125x16xf32, #tpu.memory_space<vmem>> -> memref<1x1x125x16xf32, #tpu.memory_space<vmem>>
          %dma_wait3A_1500 = tpu.memref_squeeze %dma_wait3A_1499 : memref<1x1x125x16xf32, #tpu.memory_space<vmem>> -> memref<125x16xf32, #tpu.memory_space<vmem>>
          %dma_wait3A_1501 = arith.constant 0 : i32
          %dma_wait3A_1502 = arith.constant 0 : i32
          %dma_wait3A_1503 = tpu.memref_slice %arg2[%dma_wait3A_1501, %dma_wait3A_1502] : memref<10000x16xf32, #tpu.memory_space<hbm>> -> memref<125x16xf32, #tpu.memory_space<hbm>>
          tpu.wait_dma2 semaphore(%dma_wait3A_1496 : memref<!tpu.dma_semaphore, #tpu.memory_space<semaphore_mem>>) src(%dma_wait3A_1503 : memref<125x16xf32, #tpu.memory_space<hbm>>) dst(%dma_wait3A_1500 : memref<125x16xf32, #tpu.memory_space<vmem>>)
          %dma_wait3A_1504 = arith.constant 0 : i32
          %dma_wait3A_1505 = arith.constant 2 : i32
          %dma_wait3A_1506 = arith.constant 0 : i32
          %dma_wait3A_1507 = arith.constant 0 : i32
          %dma_wait3A_1508 = arith.constant 0 : i32
          %dma_wait3A_1509 = tpu.memref_slice %arg8[%dma_wait3A_1504, %dma_wait3A_1505, %dma_wait3A_1507, %dma_wait3A_1508] : memref<4x5x125x16xf32, #tpu.memory_space<vmem>> -> memref<1x1x125x16xf32, #tpu.memory_space<vmem>>
          %dma_wait3A_1510 = tpu.memref_squeeze %dma_wait3A_1509 : memref<1x1x125x16xf32, #tpu.memory_space<vmem>> -> memref<125x16xf32, #tpu.memory_space<vmem>>
          %dma_wait3A_1511 = arith.constant 0 : i32
          %dma_wait3A_1512 = arith.constant 0 : i32
          %dma_wait3A_1513 = tpu.memref_slice %arg2[%dma_wait3A_1511, %dma_wait3A_1512] : memref<10000x16xf32, #tpu.memory_space<hbm>> -> memref<125x16xf32, #tpu.memory_space<hbm>>
          %dma_wait3A_1514 = tpu.memref_slice %arg11[%dma_wait3A_1506] : memref<4x!tpu.dma_semaphore, #tpu.memory_space<semaphore_mem>> -> memref<1x!tpu.dma_semaphore, #tpu.memory_space<semaphore_mem>>
          %dma_wait3A_1515 = tpu.memref_squeeze %dma_wait3A_1514 : memref<1x!tpu.dma_semaphore, #tpu.memory_space<semaphore_mem>> -> memref<!tpu.dma_semaphore, #tpu.memory_space<semaphore_mem>>
          %dma_wait3A_1516 = arith.constant 0 : i32
          %dma_wait3A_1517 = arith.constant 0 : i32
          %dma_wait3A_1518 = tpu.memref_slice %arg8[%dma_wait3A_1504, %dma_wait3A_1505, %dma_wait3A_1516, %dma_wait3A_1517] : memref<4x5x125x16xf32, #tpu.memory_space<vmem>> -> memref<1x1x125x16xf32, #tpu.memory_space<vmem>>
          %dma_wait3A_1519 = tpu.memref_squeeze %dma_wait3A_1518 : memref<1x1x125x16xf32, #tpu.memory_space<vmem>> -> memref<125x16xf32, #tpu.memory_space<vmem>>
          %dma_wait3A_1520 = arith.constant 0 : i32
          %dma_wait3A_1521 = arith.constant 0 : i32
          %dma_wait3A_1522 = tpu.memref_slice %arg2[%dma_wait3A_1520, %dma_wait3A_1521] : memref<10000x16xf32, #tpu.memory_space<hbm>> -> memref<125x16xf32, #tpu.memory_space<hbm>>
          tpu.wait_dma2 semaphore(%dma_wait3A_1515 : memref<!tpu.dma_semaphore, #tpu.memory_space<semaphore_mem>>) src(%dma_wait3A_1522 : memref<125x16xf32, #tpu.memory_space<hbm>>) dst(%dma_wait3A_1519 : memref<125x16xf32, #tpu.memory_space<vmem>>)
          %dma_wait3A_1523 = arith.constant 0 : i32
          %dma_wait3A_1524 = arith.constant 3 : i32
          %dma_wait3A_1525 = arith.constant 0 : i32
          %dma_wait3A_1526 = arith.constant 0 : i32
          %dma_wait3A_1527 = arith.constant 0 : i32
          %dma_wait3A_1528 = tpu.memref_slice %arg8[%dma_wait3A_1523, %dma_wait3A_1524, %dma_wait3A_1526, %dma_wait3A_1527] : memref<4x5x125x16xf32, #tpu.memory_space<vmem>> -> memref<1x1x125x16xf32, #tpu.memory_space<vmem>>
          %dma_wait3A_1529 = tpu.memref_squeeze %dma_wait3A_1528 : memref<1x1x125x16xf32, #tpu.memory_space<vmem>> -> memref<125x16xf32, #tpu.memory_space<vmem>>
          %dma_wait3A_1530 = arith.constant 0 : i32
          %dma_wait3A_1531 = arith.constant 0 : i32
          %dma_wait3A_1532 = tpu.memref_slice %arg2[%dma_wait3A_1530, %dma_wait3A_1531] : memref<10000x16xf32, #tpu.memory_space<hbm>> -> memref<125x16xf32, #tpu.memory_space<hbm>>
          %dma_wait3A_1533 = tpu.memref_slice %arg11[%dma_wait3A_1525] : memref<4x!tpu.dma_semaphore, #tpu.memory_space<semaphore_mem>> -> memref<1x!tpu.dma_semaphore, #tpu.memory_space<semaphore_mem>>
          %dma_wait3A_1534 = tpu.memref_squeeze %dma_wait3A_1533 : memref<1x!tpu.dma_semaphore, #tpu.memory_space<semaphore_mem>> -> memref<!tpu.dma_semaphore, #tpu.memory_space<semaphore_mem>>
          %dma_wait3A_1535 = arith.constant 0 : i32
          %dma_wait3A_1536 = arith.constant 0 : i32
          %dma_wait3A_1537 = tpu.memref_slice %arg8[%dma_wait3A_1523, %dma_wait3A_1524, %dma_wait3A_1535, %dma_wait3A_1536] : memref<4x5x125x16xf32, #tpu.memory_space<vmem>> -> memref<1x1x125x16xf32, #tpu.memory_space<vmem>>
          %dma_wait3A_1538 = tpu.memref_squeeze %dma_wait3A_1537 : memref<1x1x125x16xf32, #tpu.memory_space<vmem>> -> memref<125x16xf32, #tpu.memory_space<vmem>>
          %dma_wait3A_1539 = arith.constant 0 : i32
          %dma_wait3A_1540 = arith.constant 0 : i32
          %dma_wait3A_1541 = tpu.memref_slice %arg2[%dma_wait3A_1539, %dma_wait3A_1540] : memref<10000x16xf32, #tpu.memory_space<hbm>> -> memref<125x16xf32, #tpu.memory_space<hbm>>
          tpu.wait_dma2 semaphore(%dma_wait3A_1534 : memref<!tpu.dma_semaphore, #tpu.memory_space<semaphore_mem>>) src(%dma_wait3A_1541 : memref<125x16xf32, #tpu.memory_space<hbm>>) dst(%dma_wait3A_1538 : memref<125x16xf32, #tpu.memory_space<vmem>>)
          %dma_wait3A_1542 = arith.constant 0 : i32
          %dma_wait3A_1543 = arith.constant 4 : i32
          %dma_wait3A_1544 = arith.constant 0 : i32
          %dma_wait3A_1545 = arith.constant 0 : i32
          %dma_wait3A_1546 = arith.constant 0 : i32
          %dma_wait3A_1547 = tpu.memref_slice %arg8[%dma_wait3A_1542, %dma_wait3A_1543, %dma_wait3A_1545, %dma_wait3A_1546] : memref<4x5x125x16xf32, #tpu.memory_space<vmem>> -> memref<1x1x125x16xf32, #tpu.memory_space<vmem>>
          %dma_wait3A_1548 = tpu.memref_squeeze %dma_wait3A_1547 : memref<1x1x125x16xf32, #tpu.memory_space<vmem>> -> memref<125x16xf32, #tpu.memory_space<vmem>>
          %dma_wait3A_1549 = arith.constant 0 : i32
          %dma_wait3A_1550 = arith.constant 0 : i32
          %dma_wait3A_1551 = tpu.memref_slice %arg2[%dma_wait3A_1549, %dma_wait3A_1550] : memref<10000x16xf32, #tpu.memory_space<hbm>> -> memref<125x16xf32, #tpu.memory_space<hbm>>
          %dma_wait3A_1552 = tpu.memref_slice %arg11[%dma_wait3A_1544] : memref<4x!tpu.dma_semaphore, #tpu.memory_space<semaphore_mem>> -> memref<1x!tpu.dma_semaphore, #tpu.memory_space<semaphore_mem>>
          %dma_wait3A_1553 = tpu.memref_squeeze %dma_wait3A_1552 : memref<1x!tpu.dma_semaphore, #tpu.memory_space<semaphore_mem>> -> memref<!tpu.dma_semaphore, #tpu.memory_space<semaphore_mem>>
          %dma_wait3A_1554 = arith.constant 0 : i32
          %dma_wait3A_1555 = arith.constant 0 : i32
          %dma_wait3A_1556 = tpu.memref_slice %arg8[%dma_wait3A_1542, %dma_wait3A_1543, %dma_wait3A_1554, %dma_wait3A_1555] : memref<4x5x125x16xf32, #tpu.memory_space<vmem>> -> memref<1x1x125x16xf32, #tpu.memory_space<vmem>>
          %dma_wait3A_1557 = tpu.memref_squeeze %dma_wait3A_1556 : memref<1x1x125x16xf32, #tpu.memory_space<vmem>> -> memref<125x16xf32, #tpu.memory_space<vmem>>
          %dma_wait3A_1558 = arith.constant 0 : i32
          %dma_wait3A_1559 = arith.constant 0 : i32
          %dma_wait3A_1560 = tpu.memref_slice %arg2[%dma_wait3A_1558, %dma_wait3A_1559] : memref<10000x16xf32, #tpu.memory_space<hbm>> -> memref<125x16xf32, #tpu.memory_space<hbm>>
          tpu.wait_dma2 semaphore(%dma_wait3A_1553 : memref<!tpu.dma_semaphore, #tpu.memory_space<semaphore_mem>>) src(%dma_wait3A_1560 : memref<125x16xf32, #tpu.memory_space<hbm>>) dst(%dma_wait3A_1557 : memref<125x16xf32, #tpu.memory_space<vmem>>)
        } else {
        }
        %mul3A_1371 = arith.constant 5 : i32
        %mul3A_1372 = arith.muli %add3A_969, %mul3A_1371 : i32
        %add3A_1373 = arith.constant 0 : i32
        %add3A_1374 = arith.addi %mul3A_1372, %add3A_1373 : i32
        %dma_start3A_1375 = arith.constant 0 : i32
        %dma_start3A_1376 = arith.constant 0 : i32
        %dma_start3A_1377 = arith.constant 0 : i32
        %dma_start3A_1378 = arith.constant 0 : i32
        %dma_start3A_1379 = arith.constant 0 : i32
        %dma_start3A_1380 = tpu.memref_slice %arg8[%dma_start3A_1375, %dma_start3A_1376, %dma_start3A_1378, %dma_start3A_1379] : memref<4x5x125x16xf32, #tpu.memory_space<vmem>> -> memref<1x1x125x16xf32, #tpu.memory_space<vmem>>
        %dma_start3A_1381 = tpu.memref_squeeze %dma_start3A_1380 : memref<1x1x125x16xf32, #tpu.memory_space<vmem>> -> memref<125x16xf32, #tpu.memory_space<vmem>>
        %dma_start3A_1382 = arith.constant 0 : i32
        %dma_start3A_1383 = tpu.memref_slice %arg6[%add3A_1374, %dma_start3A_1382] : memref<80x125xi32, #tpu.memory_space<vmem>> -> memref<1x125xi32, #tpu.memory_space<vmem>>
        %dma_start3A_1384 = tpu.memref_squeeze %dma_start3A_1383 : memref<1x125xi32, #tpu.memory_space<vmem>> -> memref<125xi32, #tpu.memory_space<vmem>>
        %dma_start3A_1385 = arith.constant 0 : i32
        %dma_start3A_1386 = arith.constant 0 : i32
        %dma_start3A_1387 = tpu.memref_slice %arg2[%dma_start3A_1385, %dma_start3A_1386] : memref<10000x16xf32, #tpu.memory_space<hbm>> -> memref<10000x16xf32, #tpu.memory_space<hbm>>
        %dma_start3A_1388 = tpu.memref_slice %arg10[%dma_start3A_1377] : memref<4x!tpu.dma_semaphore, #tpu.memory_space<semaphore_mem>> -> memref<1x!tpu.dma_semaphore, #tpu.memory_space<semaphore_mem>>
        %dma_start3A_1389 = tpu.memref_squeeze %dma_start3A_1388 : memref<1x!tpu.dma_semaphore, #tpu.memory_space<semaphore_mem>> -> memref<!tpu.dma_semaphore, #tpu.memory_space<semaphore_mem>>
        tpu.enqueue_indirect_dma source(%dma_start3A_1387 : memref<10000x16xf32, #tpu.memory_space<hbm>>) target(%dma_start3A_1381 : memref<125x16xf32, #tpu.memory_space<vmem>>) offsets(%dma_start3A_1384 : memref<125xi32, #tpu.memory_space<vmem>>) semaphore(%dma_start3A_1389 : memref<!tpu.dma_semaphore, #tpu.memory_space<semaphore_mem>>)
        %mul3A_1390 = arith.constant 5 : i32
        %mul3A_1391 = arith.muli %add3A_969, %mul3A_1390 : i32
        %add3A_1392 = arith.constant 1 : i32
        %add3A_1393 = arith.addi %mul3A_1391, %add3A_1392 : i32
        %dma_start3A_1394 = arith.constant 0 : i32
        %dma_start3A_1395 = arith.constant 1 : i32
        %dma_start3A_1396 = arith.constant 0 : i32
        %dma_start3A_1397 = arith.constant 0 : i32
        %dma_start3A_1398 = arith.constant 0 : i32
        %dma_start3A_1399 = tpu.memref_slice %arg8[%dma_start3A_1394, %dma_start3A_1395, %dma_start3A_1397, %dma_start3A_1398] : memref<4x5x125x16xf32, #tpu.memory_space<vmem>> -> memref<1x1x125x16xf32, #tpu.memory_space<vmem>>
        %dma_start3A_1400 = tpu.memref_squeeze %dma_start3A_1399 : memref<1x1x125x16xf32, #tpu.memory_space<vmem>> -> memref<125x16xf32, #tpu.memory_space<vmem>>
        %dma_start3A_1401 = arith.constant 0 : i32
        %dma_start3A_1402 = tpu.memref_slice %arg6[%add3A_1393, %dma_start3A_1401] : memref<80x125xi32, #tpu.memory_space<vmem>> -> memref<1x125xi32, #tpu.memory_space<vmem>>
        %dma_start3A_1403 = tpu.memref_squeeze %dma_start3A_1402 : memref<1x125xi32, #tpu.memory_space<vmem>> -> memref<125xi32, #tpu.memory_space<vmem>>
        %dma_start3A_1404 = arith.constant 0 : i32
        %dma_start3A_1405 = arith.constant 0 : i32
        %dma_start3A_1406 = tpu.memref_slice %arg2[%dma_start3A_1404, %dma_start3A_1405] : memref<10000x16xf32, #tpu.memory_space<hbm>> -> memref<10000x16xf32, #tpu.memory_space<hbm>>
        %dma_start3A_1407 = tpu.memref_slice %arg10[%dma_start3A_1396] : memref<4x!tpu.dma_semaphore, #tpu.memory_space<semaphore_mem>> -> memref<1x!tpu.dma_semaphore, #tpu.memory_space<semaphore_mem>>
        %dma_start3A_1408 = tpu.memref_squeeze %dma_start3A_1407 : memref<1x!tpu.dma_semaphore, #tpu.memory_space<semaphore_mem>> -> memref<!tpu.dma_semaphore, #tpu.memory_space<semaphore_mem>>
        tpu.enqueue_indirect_dma source(%dma_start3A_1406 : memref<10000x16xf32, #tpu.memory_space<hbm>>) target(%dma_start3A_1400 : memref<125x16xf32, #tpu.memory_space<vmem>>) offsets(%dma_start3A_1403 : memref<125xi32, #tpu.memory_space<vmem>>) semaphore(%dma_start3A_1408 : memref<!tpu.dma_semaphore, #tpu.memory_space<semaphore_mem>>)
        %mul3A_1409 = arith.constant 5 : i32
        %mul3A_1410 = arith.muli %add3A_969, %mul3A_1409 : i32
        %add3A_1411 = arith.constant 2 : i32
        %add3A_1412 = arith.addi %mul3A_1410, %add3A_1411 : i32
        %dma_start3A_1413 = arith.constant 0 : i32
        %dma_start3A_1414 = arith.constant 2 : i32
        %dma_start3A_1415 = arith.constant 0 : i32
        %dma_start3A_1416 = arith.constant 0 : i32
        %dma_start3A_1417 = arith.constant 0 : i32
        %dma_start3A_1418 = tpu.memref_slice %arg8[%dma_start3A_1413, %dma_start3A_1414, %dma_start3A_1416, %dma_start3A_1417] : memref<4x5x125x16xf32, #tpu.memory_space<vmem>> -> memref<1x1x125x16xf32, #tpu.memory_space<vmem>>
        %dma_start3A_1419 = tpu.memref_squeeze %dma_start3A_1418 : memref<1x1x125x16xf32, #tpu.memory_space<vmem>> -> memref<125x16xf32, #tpu.memory_space<vmem>>
        %dma_start3A_1420 = arith.constant 0 : i32
        %dma_start3A_1421 = tpu.memref_slice %arg6[%add3A_1412, %dma_start3A_1420] : memref<80x125xi32, #tpu.memory_space<vmem>> -> memref<1x125xi32, #tpu.memory_space<vmem>>
        %dma_start3A_1422 = tpu.memref_squeeze %dma_start3A_1421 : memref<1x125xi32, #tpu.memory_space<vmem>> -> memref<125xi32, #tpu.memory_space<vmem>>
        %dma_start3A_1423 = arith.constant 0 : i32
        %dma_start3A_1424 = arith.constant 0 : i32
        %dma_start3A_1425 = tpu.memref_slice %arg2[%dma_start3A_1423, %dma_start3A_1424] : memref<10000x16xf32, #tpu.memory_space<hbm>> -> memref<10000x16xf32, #tpu.memory_space<hbm>>
        %dma_start3A_1426 = tpu.memref_slice %arg10[%dma_start3A_1415] : memref<4x!tpu.dma_semaphore, #tpu.memory_space<semaphore_mem>> -> memref<1x!tpu.dma_semaphore, #tpu.memory_space<semaphore_mem>>
        %dma_start3A_1427 = tpu.memref_squeeze %dma_start3A_1426 : memref<1x!tpu.dma_semaphore, #tpu.memory_space<semaphore_mem>> -> memref<!tpu.dma_semaphore, #tpu.memory_space<semaphore_mem>>
        tpu.enqueue_indirect_dma source(%dma_start3A_1425 : memref<10000x16xf32, #tpu.memory_space<hbm>>) target(%dma_start3A_1419 : memref<125x16xf32, #tpu.memory_space<vmem>>) offsets(%dma_start3A_1422 : memref<125xi32, #tpu.memory_space<vmem>>) semaphore(%dma_start3A_1427 : memref<!tpu.dma_semaphore, #tpu.memory_space<semaphore_mem>>)
        %mul3A_1428 = arith.constant 5 : i32
        %mul3A_1429 = arith.muli %add3A_969, %mul3A_1428 : i32
        %add3A_1430 = arith.constant 3 : i32
        %add3A_1431 = arith.addi %mul3A_1429, %add3A_1430 : i32
        %dma_start3A_1432 = arith.constant 0 : i32
        %dma_start3A_1433 = arith.constant 3 : i32
        %dma_start3A_1434 = arith.constant 0 : i32
        %dma_start3A_1435 = arith.constant 0 : i32
        %dma_start3A_1436 = arith.constant 0 : i32
        %dma_start3A_1437 = tpu.memref_slice %arg8[%dma_start3A_1432, %dma_start3A_1433, %dma_start3A_1435, %dma_start3A_1436] : memref<4x5x125x16xf32, #tpu.memory_space<vmem>> -> memref<1x1x125x16xf32, #tpu.memory_space<vmem>>
        %dma_start3A_1438 = tpu.memref_squeeze %dma_start3A_1437 : memref<1x1x125x16xf32, #tpu.memory_space<vmem>> -> memref<125x16xf32, #tpu.memory_space<vmem>>
        %dma_start3A_1439 = arith.constant 0 : i32
        %dma_start3A_1440 = tpu.memref_slice %arg6[%add3A_1431, %dma_start3A_1439] : memref<80x125xi32, #tpu.memory_space<vmem>> -> memref<1x125xi32, #tpu.memory_space<vmem>>
        %dma_start3A_1441 = tpu.memref_squeeze %dma_start3A_1440 : memref<1x125xi32, #tpu.memory_space<vmem>> -> memref<125xi32, #tpu.memory_space<vmem>>
        %dma_start3A_1442 = arith.constant 0 : i32
        %dma_start3A_1443 = arith.constant 0 : i32
        %dma_start3A_1444 = tpu.memref_slice %arg2[%dma_start3A_1442, %dma_start3A_1443] : memref<10000x16xf32, #tpu.memory_space<hbm>> -> memref<10000x16xf32, #tpu.memory_space<hbm>>
        %dma_start3A_1445 = tpu.memref_slice %arg10[%dma_start3A_1434] : memref<4x!tpu.dma_semaphore, #tpu.memory_space<semaphore_mem>> -> memref<1x!tpu.dma_semaphore, #tpu.memory_space<semaphore_mem>>
        %dma_start3A_1446 = tpu.memref_squeeze %dma_start3A_1445 : memref<1x!tpu.dma_semaphore, #tpu.memory_space<semaphore_mem>> -> memref<!tpu.dma_semaphore, #tpu.memory_space<semaphore_mem>>
        tpu.enqueue_indirect_dma source(%dma_start3A_1444 : memref<10000x16xf32, #tpu.memory_space<hbm>>) target(%dma_start3A_1438 : memref<125x16xf32, #tpu.memory_space<vmem>>) offsets(%dma_start3A_1441 : memref<125xi32, #tpu.memory_space<vmem>>) semaphore(%dma_start3A_1446 : memref<!tpu.dma_semaphore, #tpu.memory_space<semaphore_mem>>)
        %mul3A_1447 = arith.constant 5 : i32
        %mul3A_1448 = arith.muli %add3A_969, %mul3A_1447 : i32
        %add3A_1449 = arith.constant 4 : i32
        %add3A_1450 = arith.addi %mul3A_1448, %add3A_1449 : i32
        %dma_start3A_1451 = arith.constant 0 : i32
        %dma_start3A_1452 = arith.constant 4 : i32
        %dma_start3A_1453 = arith.constant 0 : i32
        %dma_start3A_1454 = arith.constant 0 : i32
        %dma_start3A_1455 = arith.constant 0 : i32
        %dma_start3A_1456 = tpu.memref_slice %arg8[%dma_start3A_1451, %dma_start3A_1452, %dma_start3A_1454, %dma_start3A_1455] : memref<4x5x125x16xf32, #tpu.memory_space<vmem>> -> memref<1x1x125x16xf32, #tpu.memory_space<vmem>>
        %dma_start3A_1457 = tpu.memref_squeeze %dma_start3A_1456 : memref<1x1x125x16xf32, #tpu.memory_space<vmem>> -> memref<125x16xf32, #tpu.memory_space<vmem>>
        %dma_start3A_1458 = arith.constant 0 : i32
        %dma_start3A_1459 = tpu.memref_slice %arg6[%add3A_1450, %dma_start3A_1458] : memref<80x125xi32, #tpu.memory_space<vmem>> -> memref<1x125xi32, #tpu.memory_space<vmem>>
        %dma_start3A_1460 = tpu.memref_squeeze %dma_start3A_1459 : memref<1x125xi32, #tpu.memory_space<vmem>> -> memref<125xi32, #tpu.memory_space<vmem>>
        %dma_start3A_1461 = arith.constant 0 : i32
        %dma_start3A_1462 = arith.constant 0 : i32
        %dma_start3A_1463 = tpu.memref_slice %arg2[%dma_start3A_1461, %dma_start3A_1462] : memref<10000x16xf32, #tpu.memory_space<hbm>> -> memref<10000x16xf32, #tpu.memory_space<hbm>>
        %dma_start3A_1464 = tpu.memref_slice %arg10[%dma_start3A_1453] : memref<4x!tpu.dma_semaphore, #tpu.memory_space<semaphore_mem>> -> memref<1x!tpu.dma_semaphore, #tpu.memory_space<semaphore_mem>>
        %dma_start3A_1465 = tpu.memref_squeeze %dma_start3A_1464 : memref<1x!tpu.dma_semaphore, #tpu.memory_space<semaphore_mem>> -> memref<!tpu.dma_semaphore, #tpu.memory_space<semaphore_mem>>
        tpu.enqueue_indirect_dma source(%dma_start3A_1463 : memref<10000x16xf32, #tpu.memory_space<hbm>>) target(%dma_start3A_1457 : memref<125x16xf32, #tpu.memory_space<vmem>>) offsets(%dma_start3A_1460 : memref<125xi32, #tpu.memory_space<vmem>>) semaphore(%dma_start3A_1465 : memref<!tpu.dma_semaphore, #tpu.memory_space<semaphore_mem>>)
      } else {
      }
      %dma_wait3A_975 = arith.constant 0 : i32
      %dma_wait3A_976 = arith.constant 0 : i32
      %dma_wait3A_977 = arith.constant 2 : i32
      %dma_wait3A_978 = arith.constant 0 : i32
      %dma_wait3A_979 = arith.constant 0 : i32
      %dma_wait3A_980 = tpu.memref_slice %arg8[%dma_wait3A_975, %dma_wait3A_976, %dma_wait3A_978, %dma_wait3A_979] : memref<4x5x125x16xf32, #tpu.memory_space<vmem>> -> memref<1x1x125x16xf32, #tpu.memory_space<vmem>>
      %dma_wait3A_981 = tpu.memref_squeeze %dma_wait3A_980 : memref<1x1x125x16xf32, #tpu.memory_space<vmem>> -> memref<125x16xf32, #tpu.memory_space<vmem>>
      %dma_wait3A_982 = arith.constant 0 : i32
      %dma_wait3A_983 = arith.constant 0 : i32
      %dma_wait3A_984 = tpu.memref_slice %arg2[%dma_wait3A_982, %dma_wait3A_983] : memref<10000x16xf32, #tpu.memory_space<hbm>> -> memref<125x16xf32, #tpu.memory_space<hbm>>
      %dma_wait3A_985 = tpu.memref_slice %arg10[%dma_wait3A_977] : memref<4x!tpu.dma_semaphore, #tpu.memory_space<semaphore_mem>> -> memref<1x!tpu.dma_semaphore, #tpu.memory_space<semaphore_mem>>
      %dma_wait3A_986 = tpu.memref_squeeze %dma_wait3A_985 : memref<1x!tpu.dma_semaphore, #tpu.memory_space<semaphore_mem>> -> memref<!tpu.dma_semaphore, #tpu.memory_space<semaphore_mem>>
      %dma_wait3A_987 = arith.constant 0 : i32
      %dma_wait3A_988 = arith.constant 0 : i32
      %dma_wait3A_989 = tpu.memref_slice %arg8[%dma_wait3A_975, %dma_wait3A_976, %dma_wait3A_987, %dma_wait3A_988] : memref<4x5x125x16xf32, #tpu.memory_space<vmem>> -> memref<1x1x125x16xf32, #tpu.memory_space<vmem>>
      %dma_wait3A_990 = tpu.memref_squeeze %dma_wait3A_989 : memref<1x1x125x16xf32, #tpu.memory_space<vmem>> -> memref<125x16xf32, #tpu.memory_space<vmem>>
      %dma_wait3A_991 = arith.constant 0 : i32
      %dma_wait3A_992 = arith.constant 0 : i32
      %dma_wait3A_993 = tpu.memref_slice %arg2[%dma_wait3A_991, %dma_wait3A_992] : memref<10000x16xf32, #tpu.memory_space<hbm>> -> memref<125x16xf32, #tpu.memory_space<hbm>>
      tpu.wait_dma2 semaphore(%dma_wait3A_986 : memref<!tpu.dma_semaphore, #tpu.memory_space<semaphore_mem>>) src(%dma_wait3A_993 : memref<125x16xf32, #tpu.memory_space<hbm>>) dst(%dma_wait3A_990 : memref<125x16xf32, #tpu.memory_space<vmem>>)
      %dma_wait3A_994 = arith.constant 0 : i32
      %dma_wait3A_995 = arith.constant 1 : i32
      %dma_wait3A_996 = arith.constant 2 : i32
      %dma_wait3A_997 = arith.constant 0 : i32
      %dma_wait3A_998 = arith.constant 0 : i32
      %dma_wait3A_999 = tpu.memref_slice %arg8[%dma_wait3A_994, %dma_wait3A_995, %dma_wait3A_997, %dma_wait3A_998] : memref<4x5x125x16xf32, #tpu.memory_space<vmem>> -> memref<1x1x125x16xf32, #tpu.memory_space<vmem>>
      %dma_wait3A_1000 = tpu.memref_squeeze %dma_wait3A_999 : memref<1x1x125x16xf32, #tpu.memory_space<vmem>> -> memref<125x16xf32, #tpu.memory_space<vmem>>
      %dma_wait3A_1001 = arith.constant 0 : i32
      %dma_wait3A_1002 = arith.constant 0 : i32
      %dma_wait3A_1003 = tpu.memref_slice %arg2[%dma_wait3A_1001, %dma_wait3A_1002] : memref<10000x16xf32, #tpu.memory_space<hbm>> -> memref<125x16xf32, #tpu.memory_space<hbm>>
      %dma_wait3A_1004 = tpu.memref_slice %arg10[%dma_wait3A_996] : memref<4x!tpu.dma_semaphore, #tpu.memory_space<semaphore_mem>> -> memref<1x!tpu.dma_semaphore, #tpu.memory_space<semaphore_mem>>
      %dma_wait3A_1005 = tpu.memref_squeeze %dma_wait3A_1004 : memref<1x!tpu.dma_semaphore, #tpu.memory_space<semaphore_mem>> -> memref<!tpu.dma_semaphore, #tpu.memory_space<semaphore_mem>>
      %dma_wait3A_1006 = arith.constant 0 : i32
      %dma_wait3A_1007 = arith.constant 0 : i32
      %dma_wait3A_1008 = tpu.memref_slice %arg8[%dma_wait3A_994, %dma_wait3A_995, %dma_wait3A_1006, %dma_wait3A_1007] : memref<4x5x125x16xf32, #tpu.memory_space<vmem>> -> memref<1x1x125x16xf32, #tpu.memory_space<vmem>>
      %dma_wait3A_1009 = tpu.memref_squeeze %dma_wait3A_1008 : memref<1x1x125x16xf32, #tpu.memory_space<vmem>> -> memref<125x16xf32, #tpu.memory_space<vmem>>
      %dma_wait3A_1010 = arith.constant 0 : i32
      %dma_wait3A_1011 = arith.constant 0 : i32
      %dma_wait3A_1012 = tpu.memref_slice %arg2[%dma_wait3A_1010, %dma_wait3A_1011] : memref<10000x16xf32, #tpu.memory_space<hbm>> -> memref<125x16xf32, #tpu.memory_space<hbm>>
      tpu.wait_dma2 semaphore(%dma_wait3A_1005 : memref<!tpu.dma_semaphore, #tpu.memory_space<semaphore_mem>>) src(%dma_wait3A_1012 : memref<125x16xf32, #tpu.memory_space<hbm>>) dst(%dma_wait3A_1009 : memref<125x16xf32, #tpu.memory_space<vmem>>)
      %dma_wait3A_1013 = arith.constant 0 : i32
      %dma_wait3A_1014 = arith.constant 2 : i32
      %dma_wait3A_1015 = arith.constant 2 : i32
      %dma_wait3A_1016 = arith.constant 0 : i32
      %dma_wait3A_1017 = arith.constant 0 : i32
      %dma_wait3A_1018 = tpu.memref_slice %arg8[%dma_wait3A_1013, %dma_wait3A_1014, %dma_wait3A_1016, %dma_wait3A_1017] : memref<4x5x125x16xf32, #tpu.memory_space<vmem>> -> memref<1x1x125x16xf32, #tpu.memory_space<vmem>>
      %dma_wait3A_1019 = tpu.memref_squeeze %dma_wait3A_1018 : memref<1x1x125x16xf32, #tpu.memory_space<vmem>> -> memref<125x16xf32, #tpu.memory_space<vmem>>
      %dma_wait3A_1020 = arith.constant 0 : i32
      %dma_wait3A_1021 = arith.constant 0 : i32
      %dma_wait3A_1022 = tpu.memref_slice %arg2[%dma_wait3A_1020, %dma_wait3A_1021] : memref<10000x16xf32, #tpu.memory_space<hbm>> -> memref<125x16xf32, #tpu.memory_space<hbm>>
      %dma_wait3A_1023 = tpu.memref_slice %arg10[%dma_wait3A_1015] : memref<4x!tpu.dma_semaphore, #tpu.memory_space<semaphore_mem>> -> memref<1x!tpu.dma_semaphore, #tpu.memory_space<semaphore_mem>>
      %dma_wait3A_1024 = tpu.memref_squeeze %dma_wait3A_1023 : memref<1x!tpu.dma_semaphore, #tpu.memory_space<semaphore_mem>> -> memref<!tpu.dma_semaphore, #tpu.memory_space<semaphore_mem>>
      %dma_wait3A_1025 = arith.constant 0 : i32
      %dma_wait3A_1026 = arith.constant 0 : i32
      %dma_wait3A_1027 = tpu.memref_slice %arg8[%dma_wait3A_1013, %dma_wait3A_1014, %dma_wait3A_1025, %dma_wait3A_1026] : memref<4x5x125x16xf32, #tpu.memory_space<vmem>> -> memref<1x1x125x16xf32, #tpu.memory_space<vmem>>
      %dma_wait3A_1028 = tpu.memref_squeeze %dma_wait3A_1027 : memref<1x1x125x16xf32, #tpu.memory_space<vmem>> -> memref<125x16xf32, #tpu.memory_space<vmem>>
      %dma_wait3A_1029 = arith.constant 0 : i32
      %dma_wait3A_1030 = arith.constant 0 : i32
      %dma_wait3A_1031 = tpu.memref_slice %arg2[%dma_wait3A_1029, %dma_wait3A_1030] : memref<10000x16xf32, #tpu.memory_space<hbm>> -> memref<125x16xf32, #tpu.memory_space<hbm>>
      tpu.wait_dma2 semaphore(%dma_wait3A_1024 : memref<!tpu.dma_semaphore, #tpu.memory_space<semaphore_mem>>) src(%dma_wait3A_1031 : memref<125x16xf32, #tpu.memory_space<hbm>>) dst(%dma_wait3A_1028 : memref<125x16xf32, #tpu.memory_space<vmem>>)
      %dma_wait3A_1032 = arith.constant 0 : i32
      %dma_wait3A_1033 = arith.constant 3 : i32
      %dma_wait3A_1034 = arith.constant 2 : i32
      %dma_wait3A_1035 = arith.constant 0 : i32
      %dma_wait3A_1036 = arith.constant 0 : i32
      %dma_wait3A_1037 = tpu.memref_slice %arg8[%dma_wait3A_1032, %dma_wait3A_1033, %dma_wait3A_1035, %dma_wait3A_1036] : memref<4x5x125x16xf32, #tpu.memory_space<vmem>> -> memref<1x1x125x16xf32, #tpu.memory_space<vmem>>
      %dma_wait3A_1038 = tpu.memref_squeeze %dma_wait3A_1037 : memref<1x1x125x16xf32, #tpu.memory_space<vmem>> -> memref<125x16xf32, #tpu.memory_space<vmem>>
      %dma_wait3A_1039 = arith.constant 0 : i32
      %dma_wait3A_1040 = arith.constant 0 : i32
      %dma_wait3A_1041 = tpu.memref_slice %arg2[%dma_wait3A_1039, %dma_wait3A_1040] : memref<10000x16xf32, #tpu.memory_space<hbm>> -> memref<125x16xf32, #tpu.memory_space<hbm>>
      %dma_wait3A_1042 = tpu.memref_slice %arg10[%dma_wait3A_1034] : memref<4x!tpu.dma_semaphore, #tpu.memory_space<semaphore_mem>> -> memref<1x!tpu.dma_semaphore, #tpu.memory_space<semaphore_mem>>
      %dma_wait3A_1043 = tpu.memref_squeeze %dma_wait3A_1042 : memref<1x!tpu.dma_semaphore, #tpu.memory_space<semaphore_mem>> -> memref<!tpu.dma_semaphore, #tpu.memory_space<semaphore_mem>>
      %dma_wait3A_1044 = arith.constant 0 : i32
      %dma_wait3A_1045 = arith.constant 0 : i32
      %dma_wait3A_1046 = tpu.memref_slice %arg8[%dma_wait3A_1032, %dma_wait3A_1033, %dma_wait3A_1044, %dma_wait3A_1045] : memref<4x5x125x16xf32, #tpu.memory_space<vmem>> -> memref<1x1x125x16xf32, #tpu.memory_space<vmem>>
      %dma_wait3A_1047 = tpu.memref_squeeze %dma_wait3A_1046 : memref<1x1x125x16xf32, #tpu.memory_space<vmem>> -> memref<125x16xf32, #tpu.memory_space<vmem>>
      %dma_wait3A_1048 = arith.constant 0 : i32
      %dma_wait3A_1049 = arith.constant 0 : i32
      %dma_wait3A_1050 = tpu.memref_slice %arg2[%dma_wait3A_1048, %dma_wait3A_1049] : memref<10000x16xf32, #tpu.memory_space<hbm>> -> memref<125x16xf32, #tpu.memory_space<hbm>>
      tpu.wait_dma2 semaphore(%dma_wait3A_1043 : memref<!tpu.dma_semaphore, #tpu.memory_space<semaphore_mem>>) src(%dma_wait3A_1050 : memref<125x16xf32, #tpu.memory_space<hbm>>) dst(%dma_wait3A_1047 : memref<125x16xf32, #tpu.memory_space<vmem>>)
      %dma_wait3A_1051 = arith.constant 0 : i32
      %dma_wait3A_1052 = arith.constant 4 : i32
      %dma_wait3A_1053 = arith.constant 2 : i32
      %dma_wait3A_1054 = arith.constant 0 : i32
      %dma_wait3A_1055 = arith.constant 0 : i32
      %dma_wait3A_1056 = tpu.memref_slice %arg8[%dma_wait3A_1051, %dma_wait3A_1052, %dma_wait3A_1054, %dma_wait3A_1055] : memref<4x5x125x16xf32, #tpu.memory_space<vmem>> -> memref<1x1x125x16xf32, #tpu.memory_space<vmem>>
      %dma_wait3A_1057 = tpu.memref_squeeze %dma_wait3A_1056 : memref<1x1x125x16xf32, #tpu.memory_space<vmem>> -> memref<125x16xf32, #tpu.memory_space<vmem>>
      %dma_wait3A_1058 = arith.constant 0 : i32
      %dma_wait3A_1059 = arith.constant 0 : i32
      %dma_wait3A_1060 = tpu.memref_slice %arg2[%dma_wait3A_1058, %dma_wait3A_1059] : memref<10000x16xf32, #tpu.memory_space<hbm>> -> memref<125x16xf32, #tpu.memory_space<hbm>>
      %dma_wait3A_1061 = tpu.memref_slice %arg10[%dma_wait3A_1053] : memref<4x!tpu.dma_semaphore, #tpu.memory_space<semaphore_mem>> -> memref<1x!tpu.dma_semaphore, #tpu.memory_space<semaphore_mem>>
      %dma_wait3A_1062 = tpu.memref_squeeze %dma_wait3A_1061 : memref<1x!tpu.dma_semaphore, #tpu.memory_space<semaphore_mem>> -> memref<!tpu.dma_semaphore, #tpu.memory_space<semaphore_mem>>
      %dma_wait3A_1063 = arith.constant 0 : i32
      %dma_wait3A_1064 = arith.constant 0 : i32
      %dma_wait3A_1065 = tpu.memref_slice %arg8[%dma_wait3A_1051, %dma_wait3A_1052, %dma_wait3A_1063, %dma_wait3A_1064] : memref<4x5x125x16xf32, #tpu.memory_space<vmem>> -> memref<1x1x125x16xf32, #tpu.memory_space<vmem>>
      %dma_wait3A_1066 = tpu.memref_squeeze %dma_wait3A_1065 : memref<1x1x125x16xf32, #tpu.memory_space<vmem>> -> memref<125x16xf32, #tpu.memory_space<vmem>>
      %dma_wait3A_1067 = arith.constant 0 : i32
      %dma_wait3A_1068 = arith.constant 0 : i32
      %dma_wait3A_1069 = tpu.memref_slice %arg2[%dma_wait3A_1067, %dma_wait3A_1068] : memref<10000x16xf32, #tpu.memory_space<hbm>> -> memref<125x16xf32, #tpu.memory_space<hbm>>
      tpu.wait_dma2 semaphore(%dma_wait3A_1062 : memref<!tpu.dma_semaphore, #tpu.memory_space<semaphore_mem>>) src(%dma_wait3A_1069 : memref<125x16xf32, #tpu.memory_space<hbm>>) dst(%dma_wait3A_1066 : memref<125x16xf32, #tpu.memory_space<vmem>>)
      %mul3A_1070 = arith.constant 5 : i32
      %mul3A_1071 = arith.muli %add3A_967, %mul3A_1070 : i32
      %add3A_1072 = arith.constant 0 : i32
      %add3A_1073 = arith.addi %mul3A_1071, %add3A_1072 : i32
      %dma_start3A_1074 = arith.constant 2 : i32
      %dma_start3A_1075 = arith.constant 0 : i32
      %dma_start3A_1076 = arith.constant 2 : i32
      %dma_start3A_1077 = arith.constant 0 : i32
      %dma_start3A_1078 = arith.constant 0 : i32
      %dma_start3A_1079 = tpu.memref_slice %arg8[%dma_start3A_1074, %dma_start3A_1075, %dma_start3A_1077, %dma_start3A_1078] : memref<4x5x125x16xf32, #tpu.memory_space<vmem>> -> memref<1x1x125x16xf32, #tpu.memory_space<vmem>>
      %dma_start3A_1080 = tpu.memref_squeeze %dma_start3A_1079 : memref<1x1x125x16xf32, #tpu.memory_space<vmem>> -> memref<125x16xf32, #tpu.memory_space<vmem>>
      %dma_start3A_1081 = arith.constant 0 : i32
      %dma_start3A_1082 = tpu.memref_slice %arg7[%add3A_1073, %dma_start3A_1081] : memref<80x125xi32, #tpu.memory_space<vmem>> -> memref<1x125xi32, #tpu.memory_space<vmem>>
      %dma_start3A_1083 = tpu.memref_squeeze %dma_start3A_1082 : memref<1x125xi32, #tpu.memory_space<vmem>> -> memref<125xi32, #tpu.memory_space<vmem>>
      %dma_start3A_1084 = arith.constant 0 : i32
      %dma_start3A_1085 = arith.constant 0 : i32
      %dma_start3A_1086 = tpu.memref_slice %arg9[%dma_start3A_1084, %dma_start3A_1085] : memref<10000x16xf32, #tpu.memory_space<vmem_shared>> -> memref<10000x16xf32, #tpu.memory_space<vmem_shared>>
      %dma_start3A_1087 = tpu.memref_slice %arg11[%dma_start3A_1076] : memref<4x!tpu.dma_semaphore, #tpu.memory_space<semaphore_mem>> -> memref<1x!tpu.dma_semaphore, #tpu.memory_space<semaphore_mem>>
      %dma_start3A_1088 = tpu.memref_squeeze %dma_start3A_1087 : memref<1x!tpu.dma_semaphore, #tpu.memory_space<semaphore_mem>> -> memref<!tpu.dma_semaphore, #tpu.memory_space<semaphore_mem>>
      tpu.enqueue_indirect_dma source(%dma_start3A_1080 : memref<125x16xf32, #tpu.memory_space<vmem>>) target(%dma_start3A_1086 : memref<10000x16xf32, #tpu.memory_space<vmem_shared>>) offsets(%dma_start3A_1083 : memref<125xi32, #tpu.memory_space<vmem>>) semaphore(%dma_start3A_1088 : memref<!tpu.dma_semaphore, #tpu.memory_space<semaphore_mem>>) {add = true}
      %mul3A_1089 = arith.constant 5 : i32
      %mul3A_1090 = arith.muli %add3A_967, %mul3A_1089 : i32
      %add3A_1091 = arith.constant 1 : i32
      %add3A_1092 = arith.addi %mul3A_1090, %add3A_1091 : i32
      %dma_start3A_1093 = arith.constant 2 : i32
      %dma_start3A_1094 = arith.constant 1 : i32
      %dma_start3A_1095 = arith.constant 2 : i32
      %dma_start3A_1096 = arith.constant 0 : i32
      %dma_start3A_1097 = arith.constant 0 : i32
      %dma_start3A_1098 = tpu.memref_slice %arg8[%dma_start3A_1093, %dma_start3A_1094, %dma_start3A_1096, %dma_start3A_1097] : memref<4x5x125x16xf32, #tpu.memory_space<vmem>> -> memref<1x1x125x16xf32, #tpu.memory_space<vmem>>
      %dma_start3A_1099 = tpu.memref_squeeze %dma_start3A_1098 : memref<1x1x125x16xf32, #tpu.memory_space<vmem>> -> memref<125x16xf32, #tpu.memory_space<vmem>>
      %dma_start3A_1100 = arith.constant 0 : i32
      %dma_start3A_1101 = tpu.memref_slice %arg7[%add3A_1092, %dma_start3A_1100] : memref<80x125xi32, #tpu.memory_space<vmem>> -> memref<1x125xi32, #tpu.memory_space<vmem>>
      %dma_start3A_1102 = tpu.memref_squeeze %dma_start3A_1101 : memref<1x125xi32, #tpu.memory_space<vmem>> -> memref<125xi32, #tpu.memory_space<vmem>>
      %dma_start3A_1103 = arith.constant 0 : i32
      %dma_start3A_1104 = arith.constant 0 : i32
      %dma_start3A_1105 = tpu.memref_slice %arg9[%dma_start3A_1103, %dma_start3A_1104] : memref<10000x16xf32, #tpu.memory_space<vmem_shared>> -> memref<10000x16xf32, #tpu.memory_space<vmem_shared>>
      %dma_start3A_1106 = tpu.memref_slice %arg11[%dma_start3A_1095] : memref<4x!tpu.dma_semaphore, #tpu.memory_space<semaphore_mem>> -> memref<1x!tpu.dma_semaphore, #tpu.memory_space<semaphore_mem>>
      %dma_start3A_1107 = tpu.memref_squeeze %dma_start3A_1106 : memref<1x!tpu.dma_semaphore, #tpu.memory_space<semaphore_mem>> -> memref<!tpu.dma_semaphore, #tpu.memory_space<semaphore_mem>>
      tpu.enqueue_indirect_dma source(%dma_start3A_1099 : memref<125x16xf32, #tpu.memory_space<vmem>>) target(%dma_start3A_1105 : memref<10000x16xf32, #tpu.memory_space<vmem_shared>>) offsets(%dma_start3A_1102 : memref<125xi32, #tpu.memory_space<vmem>>) semaphore(%dma_start3A_1107 : memref<!tpu.dma_semaphore, #tpu.memory_space<semaphore_mem>>) {add = true}
      %mul3A_1108 = arith.constant 5 : i32
      %mul3A_1109 = arith.muli %add3A_967, %mul3A_1108 : i32
      %add3A_1110 = arith.constant 2 : i32
      %add3A_1111 = arith.addi %mul3A_1109, %add3A_1110 : i32
      %dma_start3A_1112 = arith.constant 2 : i32
      %dma_start3A_1113 = arith.constant 2 : i32
      %dma_start3A_1114 = arith.constant 2 : i32
      %dma_start3A_1115 = arith.constant 0 : i32
      %dma_start3A_1116 = arith.constant 0 : i32
      %dma_start3A_1117 = tpu.memref_slice %arg8[%dma_start3A_1112, %dma_start3A_1113, %dma_start3A_1115, %dma_start3A_1116] : memref<4x5x125x16xf32, #tpu.memory_space<vmem>> -> memref<1x1x125x16xf32, #tpu.memory_space<vmem>>
      %dma_start3A_1118 = tpu.memref_squeeze %dma_start3A_1117 : memref<1x1x125x16xf32, #tpu.memory_space<vmem>> -> memref<125x16xf32, #tpu.memory_space<vmem>>
      %dma_start3A_1119 = arith.constant 0 : i32
      %dma_start3A_1120 = tpu.memref_slice %arg7[%add3A_1111, %dma_start3A_1119] : memref<80x125xi32, #tpu.memory_space<vmem>> -> memref<1x125xi32, #tpu.memory_space<vmem>>
      %dma_start3A_1121 = tpu.memref_squeeze %dma_start3A_1120 : memref<1x125xi32, #tpu.memory_space<vmem>> -> memref<125xi32, #tpu.memory_space<vmem>>
      %dma_start3A_1122 = arith.constant 0 : i32
      %dma_start3A_1123 = arith.constant 0 : i32
      %dma_start3A_1124 = tpu.memref_slice %arg9[%dma_start3A_1122, %dma_start3A_1123] : memref<10000x16xf32, #tpu.memory_space<vmem_shared>> -> memref<10000x16xf32, #tpu.memory_space<vmem_shared>>
      %dma_start3A_1125 = tpu.memref_slice %arg11[%dma_start3A_1114] : memref<4x!tpu.dma_semaphore, #tpu.memory_space<semaphore_mem>> -> memref<1x!tpu.dma_semaphore, #tpu.memory_space<semaphore_mem>>
      %dma_start3A_1126 = tpu.memref_squeeze %dma_start3A_1125 : memref<1x!tpu.dma_semaphore, #tpu.memory_space<semaphore_mem>> -> memref<!tpu.dma_semaphore, #tpu.memory_space<semaphore_mem>>
      tpu.enqueue_indirect_dma source(%dma_start3A_1118 : memref<125x16xf32, #tpu.memory_space<vmem>>) target(%dma_start3A_1124 : memref<10000x16xf32, #tpu.memory_space<vmem_shared>>) offsets(%dma_start3A_1121 : memref<125xi32, #tpu.memory_space<vmem>>) semaphore(%dma_start3A_1126 : memref<!tpu.dma_semaphore, #tpu.memory_space<semaphore_mem>>) {add = true}
      %mul3A_1127 = arith.constant 5 : i32
      %mul3A_1128 = arith.muli %add3A_967, %mul3A_1127 : i32
      %add3A_1129 = arith.constant 3 : i32
      %add3A_1130 = arith.addi %mul3A_1128, %add3A_1129 : i32
      %dma_start3A_1131 = arith.constant 2 : i32
      %dma_start3A_1132 = arith.constant 3 : i32
      %dma_start3A_1133 = arith.constant 2 : i32
      %dma_start3A_1134 = arith.constant 0 : i32
      %dma_start3A_1135 = arith.constant 0 : i32
      %dma_start3A_1136 = tpu.memref_slice %arg8[%dma_start3A_1131, %dma_start3A_1132, %dma_start3A_1134, %dma_start3A_1135] : memref<4x5x125x16xf32, #tpu.memory_space<vmem>> -> memref<1x1x125x16xf32, #tpu.memory_space<vmem>>
      %dma_start3A_1137 = tpu.memref_squeeze %dma_start3A_1136 : memref<1x1x125x16xf32, #tpu.memory_space<vmem>> -> memref<125x16xf32, #tpu.memory_space<vmem>>
      %dma_start3A_1138 = arith.constant 0 : i32
      %dma_start3A_1139 = tpu.memref_slice %arg7[%add3A_1130, %dma_start3A_1138] : memref<80x125xi32, #tpu.memory_space<vmem>> -> memref<1x125xi32, #tpu.memory_space<vmem>>
      %dma_start3A_1140 = tpu.memref_squeeze %dma_start3A_1139 : memref<1x125xi32, #tpu.memory_space<vmem>> -> memref<125xi32, #tpu.memory_space<vmem>>
      %dma_start3A_1141 = arith.constant 0 : i32
      %dma_start3A_1142 = arith.constant 0 : i32
      %dma_start3A_1143 = tpu.memref_slice %arg9[%dma_start3A_1141, %dma_start3A_1142] : memref<10000x16xf32, #tpu.memory_space<vmem_shared>> -> memref<10000x16xf32, #tpu.memory_space<vmem_shared>>
      %dma_start3A_1144 = tpu.memref_slice %arg11[%dma_start3A_1133] : memref<4x!tpu.dma_semaphore, #tpu.memory_space<semaphore_mem>> -> memref<1x!tpu.dma_semaphore, #tpu.memory_space<semaphore_mem>>
      %dma_start3A_1145 = tpu.memref_squeeze %dma_start3A_1144 : memref<1x!tpu.dma_semaphore, #tpu.memory_space<semaphore_mem>> -> memref<!tpu.dma_semaphore, #tpu.memory_space<semaphore_mem>>
      tpu.enqueue_indirect_dma source(%dma_start3A_1137 : memref<125x16xf32, #tpu.memory_space<vmem>>) target(%dma_start3A_1143 : memref<10000x16xf32, #tpu.memory_space<vmem_shared>>) offsets(%dma_start3A_1140 : memref<125xi32, #tpu.memory_space<vmem>>) semaphore(%dma_start3A_1145 : memref<!tpu.dma_semaphore, #tpu.memory_space<semaphore_mem>>) {add = true}
      %mul3A_1146 = arith.constant 5 : i32
      %mul3A_1147 = arith.muli %add3A_967, %mul3A_1146 : i32
      %add3A_1148 = arith.constant 4 : i32
      %add3A_1149 = arith.addi %mul3A_1147, %add3A_1148 : i32
      %dma_start3A_1150 = arith.constant 2 : i32
      %dma_start3A_1151 = arith.constant 4 : i32
      %dma_start3A_1152 = arith.constant 2 : i32
      %dma_start3A_1153 = arith.constant 0 : i32
      %dma_start3A_1154 = arith.constant 0 : i32
      %dma_start3A_1155 = tpu.memref_slice %arg8[%dma_start3A_1150, %dma_start3A_1151, %dma_start3A_1153, %dma_start3A_1154] : memref<4x5x125x16xf32, #tpu.memory_space<vmem>> -> memref<1x1x125x16xf32, #tpu.memory_space<vmem>>
      %dma_start3A_1156 = tpu.memref_squeeze %dma_start3A_1155 : memref<1x1x125x16xf32, #tpu.memory_space<vmem>> -> memref<125x16xf32, #tpu.memory_space<vmem>>
      %dma_start3A_1157 = arith.constant 0 : i32
      %dma_start3A_1158 = tpu.memref_slice %arg7[%add3A_1149, %dma_start3A_1157] : memref<80x125xi32, #tpu.memory_space<vmem>> -> memref<1x125xi32, #tpu.memory_space<vmem>>
      %dma_start3A_1159 = tpu.memref_squeeze %dma_start3A_1158 : memref<1x125xi32, #tpu.memory_space<vmem>> -> memref<125xi32, #tpu.memory_space<vmem>>
      %dma_start3A_1160 = arith.constant 0 : i32
      %dma_start3A_1161 = arith.constant 0 : i32
      %dma_start3A_1162 = tpu.memref_slice %arg9[%dma_start3A_1160, %dma_start3A_1161] : memref<10000x16xf32, #tpu.memory_space<vmem_shared>> -> memref<10000x16xf32, #tpu.memory_space<vmem_shared>>
      %dma_start3A_1163 = tpu.memref_slice %arg11[%dma_start3A_1152] : memref<4x!tpu.dma_semaphore, #tpu.memory_space<semaphore_mem>> -> memref<1x!tpu.dma_semaphore, #tpu.memory_space<semaphore_mem>>
      %dma_start3A_1164 = tpu.memref_squeeze %dma_start3A_1163 : memref<1x!tpu.dma_semaphore, #tpu.memory_space<semaphore_mem>> -> memref<!tpu.dma_semaphore, #tpu.memory_space<semaphore_mem>>
      tpu.enqueue_indirect_dma source(%dma_start3A_1156 : memref<125x16xf32, #tpu.memory_space<vmem>>) target(%dma_start3A_1162 : memref<10000x16xf32, #tpu.memory_space<vmem_shared>>) offsets(%dma_start3A_1159 : memref<125xi32, #tpu.memory_space<vmem>>) semaphore(%dma_start3A_1164 : memref<!tpu.dma_semaphore, #tpu.memory_space<semaphore_mem>>) {add = true}
      %mul3A_1165 = arith.constant 4 : i32
      %mul3A_1166 = arith.muli %scan3A_563, %mul3A_1165 : i32
      %add3A_1167 = arith.constant 3 : i32
      %add3A_1168 = arith.addi %mul3A_1166, %add3A_1167 : i32
      %add3A_1169 = arith.constant 2 : i32
      %add3A_1170 = arith.addi %add3A_1168, %add3A_1169 : i32
      %lt3A_1171 = arith.constant 16 : i32
      %lt3A_1172 = arith.cmpi slt, %add3A_1170, %lt3A_1171 : i32
      %convert_element_type3A_1173 = arith.extui %lt3A_1172 : i1 to i32
      %cond3A_1174 = arith.constant 0 : i32
      %cond3A_1175 = arith.cmpi ne, %convert_element_type3A_1173, %cond3A_1174 : i32
      scf.if %cond3A_1175 {
        %ge3A = arith.constant 4 : i32
        %ge3A_1367 = arith.cmpi sge, %add3A_1170, %ge3A : i32
        %convert_element_type3A_1368 = arith.extui %ge3A_1367 : i1 to i32
        %cond3A_1369 = arith.constant 0 : i32
        %cond3A_1370 = arith.cmpi ne, %convert_element_type3A_1368, %cond3A_1369 : i32
        scf.if %cond3A_1370 {
          %dma_wait3A_1466 = arith.constant 0 : i32
          %dma_wait3A_1467 = arith.constant 0 : i32
          %dma_wait3A_1468 = arith.constant 1 : i32
          %dma_wait3A_1469 = arith.constant 0 : i32
          %dma_wait3A_1470 = arith.constant 0 : i32
          %dma_wait3A_1471 = tpu.memref_slice %arg8[%dma_wait3A_1466, %dma_wait3A_1467, %dma_wait3A_1469, %dma_wait3A_1470] : memref<4x5x125x16xf32, #tpu.memory_space<vmem>> -> memref<1x1x125x16xf32, #tpu.memory_space<vmem>>
          %dma_wait3A_1472 = tpu.memref_squeeze %dma_wait3A_1471 : memref<1x1x125x16xf32, #tpu.memory_space<vmem>> -> memref<125x16xf32, #tpu.memory_space<vmem>>
          %dma_wait3A_1473 = arith.constant 0 : i32
          %dma_wait3A_1474 = arith.constant 0 : i32
          %dma_wait3A_1475 = tpu.memref_slice %arg2[%dma_wait3A_1473, %dma_wait3A_1474] : memref<10000x16xf32, #tpu.memory_space<hbm>> -> memref<125x16xf32, #tpu.memory_space<hbm>>
          %dma_wait3A_1476 = tpu.memref_slice %arg11[%dma_wait3A_1468] : memref<4x!tpu.dma_semaphore, #tpu.memory_space<semaphore_mem>> -> memref<1x!tpu.dma_semaphore, #tpu.memory_space<semaphore_mem>>
          %dma_wait3A_1477 = tpu.memref_squeeze %dma_wait3A_1476 : memref<1x!tpu.dma_semaphore, #tpu.memory_space<semaphore_mem>> -> memref<!tpu.dma_semaphore, #tpu.memory_space<semaphore_mem>>
          %dma_wait3A_1478 = arith.constant 0 : i32
          %dma_wait3A_1479 = arith.constant 0 : i32
          %dma_wait3A_1480 = tpu.memref_slice %arg8[%dma_wait3A_1466, %dma_wait3A_1467, %dma_wait3A_1478, %dma_wait3A_1479] : memref<4x5x125x16xf32, #tpu.memory_space<vmem>> -> memref<1x1x125x16xf32, #tpu.memory_space<vmem>>
          %dma_wait3A_1481 = tpu.memref_squeeze %dma_wait3A_1480 : memref<1x1x125x16xf32, #tpu.memory_space<vmem>> -> memref<125x16xf32, #tpu.memory_space<vmem>>
          %dma_wait3A_1482 = arith.constant 0 : i32
          %dma_wait3A_1483 = arith.constant 0 : i32
          %dma_wait3A_1484 = tpu.memref_slice %arg2[%dma_wait3A_1482, %dma_wait3A_1483] : memref<10000x16xf32, #tpu.memory_space<hbm>> -> memref<125x16xf32, #tpu.memory_space<hbm>>
          tpu.wait_dma2 semaphore(%dma_wait3A_1477 : memref<!tpu.dma_semaphore, #tpu.memory_space<semaphore_mem>>) src(%dma_wait3A_1484 : memref<125x16xf32, #tpu.memory_space<hbm>>) dst(%dma_wait3A_1481 : memref<125x16xf32, #tpu.memory_space<vmem>>)
          %dma_wait3A_1485 = arith.constant 0 : i32
          %dma_wait3A_1486 = arith.constant 1 : i32
          %dma_wait3A_1487 = arith.constant 1 : i32
          %dma_wait3A_1488 = arith.constant 0 : i32
          %dma_wait3A_1489 = arith.constant 0 : i32
          %dma_wait3A_1490 = tpu.memref_slice %arg8[%dma_wait3A_1485, %dma_wait3A_1486, %dma_wait3A_1488, %dma_wait3A_1489] : memref<4x5x125x16xf32, #tpu.memory_space<vmem>> -> memref<1x1x125x16xf32, #tpu.memory_space<vmem>>
          %dma_wait3A_1491 = tpu.memref_squeeze %dma_wait3A_1490 : memref<1x1x125x16xf32, #tpu.memory_space<vmem>> -> memref<125x16xf32, #tpu.memory_space<vmem>>
          %dma_wait3A_1492 = arith.constant 0 : i32
          %dma_wait3A_1493 = arith.constant 0 : i32
          %dma_wait3A_1494 = tpu.memref_slice %arg2[%dma_wait3A_1492, %dma_wait3A_1493] : memref<10000x16xf32, #tpu.memory_space<hbm>> -> memref<125x16xf32, #tpu.memory_space<hbm>>
          %dma_wait3A_1495 = tpu.memref_slice %arg11[%dma_wait3A_1487] : memref<4x!tpu.dma_semaphore, #tpu.memory_space<semaphore_mem>> -> memref<1x!tpu.dma_semaphore, #tpu.memory_space<semaphore_mem>>
          %dma_wait3A_1496 = tpu.memref_squeeze %dma_wait3A_1495 : memref<1x!tpu.dma_semaphore, #tpu.memory_space<semaphore_mem>> -> memref<!tpu.dma_semaphore, #tpu.memory_space<semaphore_mem>>
          %dma_wait3A_1497 = arith.constant 0 : i32
          %dma_wait3A_1498 = arith.constant 0 : i32
          %dma_wait3A_1499 = tpu.memref_slice %arg8[%dma_wait3A_1485, %dma_wait3A_1486, %dma_wait3A_1497, %dma_wait3A_1498] : memref<4x5x125x16xf32, #tpu.memory_space<vmem>> -> memref<1x1x125x16xf32, #tpu.memory_space<vmem>>
          %dma_wait3A_1500 = tpu.memref_squeeze %dma_wait3A_1499 : memref<1x1x125x16xf32, #tpu.memory_space<vmem>> -> memref<125x16xf32, #tpu.memory_space<vmem>>
          %dma_wait3A_1501 = arith.constant 0 : i32
          %dma_wait3A_1502 = arith.constant 0 : i32
          %dma_wait3A_1503 = tpu.memref_slice %arg2[%dma_wait3A_1501, %dma_wait3A_1502] : memref<10000x16xf32, #tpu.memory_space<hbm>> -> memref<125x16xf32, #tpu.memory_space<hbm>>
          tpu.wait_dma2 semaphore(%dma_wait3A_1496 : memref<!tpu.dma_semaphore, #tpu.memory_space<semaphore_mem>>) src(%dma_wait3A_1503 : memref<125x16xf32, #tpu.memory_space<hbm>>) dst(%dma_wait3A_1500 : memref<125x16xf32, #tpu.memory_space<vmem>>)
          %dma_wait3A_1504 = arith.constant 0 : i32
          %dma_wait3A_1505 = arith.constant 2 : i32
          %dma_wait3A_1506 = arith.constant 1 : i32
          %dma_wait3A_1507 = arith.constant 0 : i32
          %dma_wait3A_1508 = arith.constant 0 : i32
          %dma_wait3A_1509 = tpu.memref_slice %arg8[%dma_wait3A_1504, %dma_wait3A_1505, %dma_wait3A_1507, %dma_wait3A_1508] : memref<4x5x125x16xf32, #tpu.memory_space<vmem>> -> memref<1x1x125x16xf32, #tpu.memory_space<vmem>>
          %dma_wait3A_1510 = tpu.memref_squeeze %dma_wait3A_1509 : memref<1x1x125x16xf32, #tpu.memory_space<vmem>> -> memref<125x16xf32, #tpu.memory_space<vmem>>
          %dma_wait3A_1511 = arith.constant 0 : i32
          %dma_wait3A_1512 = arith.constant 0 : i32
          %dma_wait3A_1513 = tpu.memref_slice %arg2[%dma_wait3A_1511, %dma_wait3A_1512] : memref<10000x16xf32, #tpu.memory_space<hbm>> -> memref<125x16xf32, #tpu.memory_space<hbm>>
          %dma_wait3A_1514 = tpu.memref_slice %arg11[%dma_wait3A_1506] : memref<4x!tpu.dma_semaphore, #tpu.memory_space<semaphore_mem>> -> memref<1x!tpu.dma_semaphore, #tpu.memory_space<semaphore_mem>>
          %dma_wait3A_1515 = tpu.memref_squeeze %dma_wait3A_1514 : memref<1x!tpu.dma_semaphore, #tpu.memory_space<semaphore_mem>> -> memref<!tpu.dma_semaphore, #tpu.memory_space<semaphore_mem>>
          %dma_wait3A_1516 = arith.constant 0 : i32
          %dma_wait3A_1517 = arith.constant 0 : i32
          %dma_wait3A_1518 = tpu.memref_slice %arg8[%dma_wait3A_1504, %dma_wait3A_1505, %dma_wait3A_1516, %dma_wait3A_1517] : memref<4x5x125x16xf32, #tpu.memory_space<vmem>> -> memref<1x1x125x16xf32, #tpu.memory_space<vmem>>
          %dma_wait3A_1519 = tpu.memref_squeeze %dma_wait3A_1518 : memref<1x1x125x16xf32, #tpu.memory_space<vmem>> -> memref<125x16xf32, #tpu.memory_space<vmem>>
          %dma_wait3A_1520 = arith.constant 0 : i32
          %dma_wait3A_1521 = arith.constant 0 : i32
          %dma_wait3A_1522 = tpu.memref_slice %arg2[%dma_wait3A_1520, %dma_wait3A_1521] : memref<10000x16xf32, #tpu.memory_space<hbm>> -> memref<125x16xf32, #tpu.memory_space<hbm>>
          tpu.wait_dma2 semaphore(%dma_wait3A_1515 : memref<!tpu.dma_semaphore, #tpu.memory_space<semaphore_mem>>) src(%dma_wait3A_1522 : memref<125x16xf32, #tpu.memory_space<hbm>>) dst(%dma_wait3A_1519 : memref<125x16xf32, #tpu.memory_space<vmem>>)
          %dma_wait3A_1523 = arith.constant 0 : i32
          %dma_wait3A_1524 = arith.constant 3 : i32
          %dma_wait3A_1525 = arith.constant 1 : i32
          %dma_wait3A_1526 = arith.constant 0 : i32
          %dma_wait3A_1527 = arith.constant 0 : i32
          %dma_wait3A_1528 = tpu.memref_slice %arg8[%dma_wait3A_1523, %dma_wait3A_1524, %dma_wait3A_1526, %dma_wait3A_1527] : memref<4x5x125x16xf32, #tpu.memory_space<vmem>> -> memref<1x1x125x16xf32, #tpu.memory_space<vmem>>
          %dma_wait3A_1529 = tpu.memref_squeeze %dma_wait3A_1528 : memref<1x1x125x16xf32, #tpu.memory_space<vmem>> -> memref<125x16xf32, #tpu.memory_space<vmem>>
          %dma_wait3A_1530 = arith.constant 0 : i32
          %dma_wait3A_1531 = arith.constant 0 : i32
          %dma_wait3A_1532 = tpu.memref_slice %arg2[%dma_wait3A_1530, %dma_wait3A_1531] : memref<10000x16xf32, #tpu.memory_space<hbm>> -> memref<125x16xf32, #tpu.memory_space<hbm>>
          %dma_wait3A_1533 = tpu.memref_slice %arg11[%dma_wait3A_1525] : memref<4x!tpu.dma_semaphore, #tpu.memory_space<semaphore_mem>> -> memref<1x!tpu.dma_semaphore, #tpu.memory_space<semaphore_mem>>
          %dma_wait3A_1534 = tpu.memref_squeeze %dma_wait3A_1533 : memref<1x!tpu.dma_semaphore, #tpu.memory_space<semaphore_mem>> -> memref<!tpu.dma_semaphore, #tpu.memory_space<semaphore_mem>>
          %dma_wait3A_1535 = arith.constant 0 : i32
          %dma_wait3A_1536 = arith.constant 0 : i32
          %dma_wait3A_1537 = tpu.memref_slice %arg8[%dma_wait3A_1523, %dma_wait3A_1524, %dma_wait3A_1535, %dma_wait3A_1536] : memref<4x5x125x16xf32, #tpu.memory_space<vmem>> -> memref<1x1x125x16xf32, #tpu.memory_space<vmem>>
          %dma_wait3A_1538 = tpu.memref_squeeze %dma_wait3A_1537 : memref<1x1x125x16xf32, #tpu.memory_space<vmem>> -> memref<125x16xf32, #tpu.memory_space<vmem>>
          %dma_wait3A_1539 = arith.constant 0 : i32
          %dma_wait3A_1540 = arith.constant 0 : i32
          %dma_wait3A_1541 = tpu.memref_slice %arg2[%dma_wait3A_1539, %dma_wait3A_1540] : memref<10000x16xf32, #tpu.memory_space<hbm>> -> memref<125x16xf32, #tpu.memory_space<hbm>>
          tpu.wait_dma2 semaphore(%dma_wait3A_1534 : memref<!tpu.dma_semaphore, #tpu.memory_space<semaphore_mem>>) src(%dma_wait3A_1541 : memref<125x16xf32, #tpu.memory_space<hbm>>) dst(%dma_wait3A_1538 : memref<125x16xf32, #tpu.memory_space<vmem>>)
          %dma_wait3A_1542 = arith.constant 0 : i32
          %dma_wait3A_1543 = arith.constant 4 : i32
          %dma_wait3A_1544 = arith.constant 1 : i32
          %dma_wait3A_1545 = arith.constant 0 : i32
          %dma_wait3A_1546 = arith.constant 0 : i32
          %dma_wait3A_1547 = tpu.memref_slice %arg8[%dma_wait3A_1542, %dma_wait3A_1543, %dma_wait3A_1545, %dma_wait3A_1546] : memref<4x5x125x16xf32, #tpu.memory_space<vmem>> -> memref<1x1x125x16xf32, #tpu.memory_space<vmem>>
          %dma_wait3A_1548 = tpu.memref_squeeze %dma_wait3A_1547 : memref<1x1x125x16xf32, #tpu.memory_space<vmem>> -> memref<125x16xf32, #tpu.memory_space<vmem>>
          %dma_wait3A_1549 = arith.constant 0 : i32
          %dma_wait3A_1550 = arith.constant 0 : i32
          %dma_wait3A_1551 = tpu.memref_slice %arg2[%dma_wait3A_1549, %dma_wait3A_1550] : memref<10000x16xf32, #tpu.memory_space<hbm>> -> memref<125x16xf32, #tpu.memory_space<hbm>>
          %dma_wait3A_1552 = tpu.memref_slice %arg11[%dma_wait3A_1544] : memref<4x!tpu.dma_semaphore, #tpu.memory_space<semaphore_mem>> -> memref<1x!tpu.dma_semaphore, #tpu.memory_space<semaphore_mem>>
          %dma_wait3A_1553 = tpu.memref_squeeze %dma_wait3A_1552 : memref<1x!tpu.dma_semaphore, #tpu.memory_space<semaphore_mem>> -> memref<!tpu.dma_semaphore, #tpu.memory_space<semaphore_mem>>
          %dma_wait3A_1554 = arith.constant 0 : i32
          %dma_wait3A_1555 = arith.constant 0 : i32
          %dma_wait3A_1556 = tpu.memref_slice %arg8[%dma_wait3A_1542, %dma_wait3A_1543, %dma_wait3A_1554, %dma_wait3A_1555] : memref<4x5x125x16xf32, #tpu.memory_space<vmem>> -> memref<1x1x125x16xf32, #tpu.memory_space<vmem>>
          %dma_wait3A_1557 = tpu.memref_squeeze %dma_wait3A_1556 : memref<1x1x125x16xf32, #tpu.memory_space<vmem>> -> memref<125x16xf32, #tpu.memory_space<vmem>>
          %dma_wait3A_1558 = arith.constant 0 : i32
          %dma_wait3A_1559 = arith.constant 0 : i32
          %dma_wait3A_1560 = tpu.memref_slice %arg2[%dma_wait3A_1558, %dma_wait3A_1559] : memref<10000x16xf32, #tpu.memory_space<hbm>> -> memref<125x16xf32, #tpu.memory_space<hbm>>
          tpu.wait_dma2 semaphore(%dma_wait3A_1553 : memref<!tpu.dma_semaphore, #tpu.memory_space<semaphore_mem>>) src(%dma_wait3A_1560 : memref<125x16xf32, #tpu.memory_space<hbm>>) dst(%dma_wait3A_1557 : memref<125x16xf32, #tpu.memory_space<vmem>>)
        } else {
        }
        %mul3A_1371 = arith.constant 5 : i32
        %mul3A_1372 = arith.muli %add3A_1170, %mul3A_1371 : i32
        %add3A_1373 = arith.constant 0 : i32
        %add3A_1374 = arith.addi %mul3A_1372, %add3A_1373 : i32
        %dma_start3A_1375 = arith.constant 1 : i32
        %dma_start3A_1376 = arith.constant 0 : i32
        %dma_start3A_1377 = arith.constant 1 : i32
        %dma_start3A_1378 = arith.constant 0 : i32
        %dma_start3A_1379 = arith.constant 0 : i32
        %dma_start3A_1380 = tpu.memref_slice %arg8[%dma_start3A_1375, %dma_start3A_1376, %dma_start3A_1378, %dma_start3A_1379] : memref<4x5x125x16xf32, #tpu.memory_space<vmem>> -> memref<1x1x125x16xf32, #tpu.memory_space<vmem>>
        %dma_start3A_1381 = tpu.memref_squeeze %dma_start3A_1380 : memref<1x1x125x16xf32, #tpu.memory_space<vmem>> -> memref<125x16xf32, #tpu.memory_space<vmem>>
        %dma_start3A_1382 = arith.constant 0 : i32
        %dma_start3A_1383 = tpu.memref_slice %arg6[%add3A_1374, %dma_start3A_1382] : memref<80x125xi32, #tpu.memory_space<vmem>> -> memref<1x125xi32, #tpu.memory_space<vmem>>
        %dma_start3A_1384 = tpu.memref_squeeze %dma_start3A_1383 : memref<1x125xi32, #tpu.memory_space<vmem>> -> memref<125xi32, #tpu.memory_space<vmem>>
        %dma_start3A_1385 = arith.constant 0 : i32
        %dma_start3A_1386 = arith.constant 0 : i32
        %dma_start3A_1387 = tpu.memref_slice %arg2[%dma_start3A_1385, %dma_start3A_1386] : memref<10000x16xf32, #tpu.memory_space<hbm>> -> memref<10000x16xf32, #tpu.memory_space<hbm>>
        %dma_start3A_1388 = tpu.memref_slice %arg10[%dma_start3A_1377] : memref<4x!tpu.dma_semaphore, #tpu.memory_space<semaphore_mem>> -> memref<1x!tpu.dma_semaphore, #tpu.memory_space<semaphore_mem>>
        %dma_start3A_1389 = tpu.memref_squeeze %dma_start3A_1388 : memref<1x!tpu.dma_semaphore, #tpu.memory_space<semaphore_mem>> -> memref<!tpu.dma_semaphore, #tpu.memory_space<semaphore_mem>>
        tpu.enqueue_indirect_dma source(%dma_start3A_1387 : memref<10000x16xf32, #tpu.memory_space<hbm>>) target(%dma_start3A_1381 : memref<125x16xf32, #tpu.memory_space<vmem>>) offsets(%dma_start3A_1384 : memref<125xi32, #tpu.memory_space<vmem>>) semaphore(%dma_start3A_1389 : memref<!tpu.dma_semaphore, #tpu.memory_space<semaphore_mem>>)
        %mul3A_1390 = arith.constant 5 : i32
        %mul3A_1391 = arith.muli %add3A_1170, %mul3A_1390 : i32
        %add3A_1392 = arith.constant 1 : i32
        %add3A_1393 = arith.addi %mul3A_1391, %add3A_1392 : i32
        %dma_start3A_1394 = arith.constant 1 : i32
        %dma_start3A_1395 = arith.constant 1 : i32
        %dma_start3A_1396 = arith.constant 1 : i32
        %dma_start3A_1397 = arith.constant 0 : i32
        %dma_start3A_1398 = arith.constant 0 : i32
        %dma_start3A_1399 = tpu.memref_slice %arg8[%dma_start3A_1394, %dma_start3A_1395, %dma_start3A_1397, %dma_start3A_1398] : memref<4x5x125x16xf32, #tpu.memory_space<vmem>> -> memref<1x1x125x16xf32, #tpu.memory_space<vmem>>
        %dma_start3A_1400 = tpu.memref_squeeze %dma_start3A_1399 : memref<1x1x125x16xf32, #tpu.memory_space<vmem>> -> memref<125x16xf32, #tpu.memory_space<vmem>>
        %dma_start3A_1401 = arith.constant 0 : i32
        %dma_start3A_1402 = tpu.memref_slice %arg6[%add3A_1393, %dma_start3A_1401] : memref<80x125xi32, #tpu.memory_space<vmem>> -> memref<1x125xi32, #tpu.memory_space<vmem>>
        %dma_start3A_1403 = tpu.memref_squeeze %dma_start3A_1402 : memref<1x125xi32, #tpu.memory_space<vmem>> -> memref<125xi32, #tpu.memory_space<vmem>>
        %dma_start3A_1404 = arith.constant 0 : i32
        %dma_start3A_1405 = arith.constant 0 : i32
        %dma_start3A_1406 = tpu.memref_slice %arg2[%dma_start3A_1404, %dma_start3A_1405] : memref<10000x16xf32, #tpu.memory_space<hbm>> -> memref<10000x16xf32, #tpu.memory_space<hbm>>
        %dma_start3A_1407 = tpu.memref_slice %arg10[%dma_start3A_1396] : memref<4x!tpu.dma_semaphore, #tpu.memory_space<semaphore_mem>> -> memref<1x!tpu.dma_semaphore, #tpu.memory_space<semaphore_mem>>
        %dma_start3A_1408 = tpu.memref_squeeze %dma_start3A_1407 : memref<1x!tpu.dma_semaphore, #tpu.memory_space<semaphore_mem>> -> memref<!tpu.dma_semaphore, #tpu.memory_space<semaphore_mem>>
        tpu.enqueue_indirect_dma source(%dma_start3A_1406 : memref<10000x16xf32, #tpu.memory_space<hbm>>) target(%dma_start3A_1400 : memref<125x16xf32, #tpu.memory_space<vmem>>) offsets(%dma_start3A_1403 : memref<125xi32, #tpu.memory_space<vmem>>) semaphore(%dma_start3A_1408 : memref<!tpu.dma_semaphore, #tpu.memory_space<semaphore_mem>>)
        %mul3A_1409 = arith.constant 5 : i32
        %mul3A_1410 = arith.muli %add3A_1170, %mul3A_1409 : i32
        %add3A_1411 = arith.constant 2 : i32
        %add3A_1412 = arith.addi %mul3A_1410, %add3A_1411 : i32
        %dma_start3A_1413 = arith.constant 1 : i32
        %dma_start3A_1414 = arith.constant 2 : i32
        %dma_start3A_1415 = arith.constant 1 : i32
        %dma_start3A_1416 = arith.constant 0 : i32
        %dma_start3A_1417 = arith.constant 0 : i32
        %dma_start3A_1418 = tpu.memref_slice %arg8[%dma_start3A_1413, %dma_start3A_1414, %dma_start3A_1416, %dma_start3A_1417] : memref<4x5x125x16xf32, #tpu.memory_space<vmem>> -> memref<1x1x125x16xf32, #tpu.memory_space<vmem>>
        %dma_start3A_1419 = tpu.memref_squeeze %dma_start3A_1418 : memref<1x1x125x16xf32, #tpu.memory_space<vmem>> -> memref<125x16xf32, #tpu.memory_space<vmem>>
        %dma_start3A_1420 = arith.constant 0 : i32
        %dma_start3A_1421 = tpu.memref_slice %arg6[%add3A_1412, %dma_start3A_1420] : memref<80x125xi32, #tpu.memory_space<vmem>> -> memref<1x125xi32, #tpu.memory_space<vmem>>
        %dma_start3A_1422 = tpu.memref_squeeze %dma_start3A_1421 : memref<1x125xi32, #tpu.memory_space<vmem>> -> memref<125xi32, #tpu.memory_space<vmem>>
        %dma_start3A_1423 = arith.constant 0 : i32
        %dma_start3A_1424 = arith.constant 0 : i32
        %dma_start3A_1425 = tpu.memref_slice %arg2[%dma_start3A_1423, %dma_start3A_1424] : memref<10000x16xf32, #tpu.memory_space<hbm>> -> memref<10000x16xf32, #tpu.memory_space<hbm>>
        %dma_start3A_1426 = tpu.memref_slice %arg10[%dma_start3A_1415] : memref<4x!tpu.dma_semaphore, #tpu.memory_space<semaphore_mem>> -> memref<1x!tpu.dma_semaphore, #tpu.memory_space<semaphore_mem>>
        %dma_start3A_1427 = tpu.memref_squeeze %dma_start3A_1426 : memref<1x!tpu.dma_semaphore, #tpu.memory_space<semaphore_mem>> -> memref<!tpu.dma_semaphore, #tpu.memory_space<semaphore_mem>>
        tpu.enqueue_indirect_dma source(%dma_start3A_1425 : memref<10000x16xf32, #tpu.memory_space<hbm>>) target(%dma_start3A_1419 : memref<125x16xf32, #tpu.memory_space<vmem>>) offsets(%dma_start3A_1422 : memref<125xi32, #tpu.memory_space<vmem>>) semaphore(%dma_start3A_1427 : memref<!tpu.dma_semaphore, #tpu.memory_space<semaphore_mem>>)
        %mul3A_1428 = arith.constant 5 : i32
        %mul3A_1429 = arith.muli %add3A_1170, %mul3A_1428 : i32
        %add3A_1430 = arith.constant 3 : i32
        %add3A_1431 = arith.addi %mul3A_1429, %add3A_1430 : i32
        %dma_start3A_1432 = arith.constant 1 : i32
        %dma_start3A_1433 = arith.constant 3 : i32
        %dma_start3A_1434 = arith.constant 1 : i32
        %dma_start3A_1435 = arith.constant 0 : i32
        %dma_start3A_1436 = arith.constant 0 : i32
        %dma_start3A_1437 = tpu.memref_slice %arg8[%dma_start3A_1432, %dma_start3A_1433, %dma_start3A_1435, %dma_start3A_1436] : memref<4x5x125x16xf32, #tpu.memory_space<vmem>> -> memref<1x1x125x16xf32, #tpu.memory_space<vmem>>
        %dma_start3A_1438 = tpu.memref_squeeze %dma_start3A_1437 : memref<1x1x125x16xf32, #tpu.memory_space<vmem>> -> memref<125x16xf32, #tpu.memory_space<vmem>>
        %dma_start3A_1439 = arith.constant 0 : i32
        %dma_start3A_1440 = tpu.memref_slice %arg6[%add3A_1431, %dma_start3A_1439] : memref<80x125xi32, #tpu.memory_space<vmem>> -> memref<1x125xi32, #tpu.memory_space<vmem>>
        %dma_start3A_1441 = tpu.memref_squeeze %dma_start3A_1440 : memref<1x125xi32, #tpu.memory_space<vmem>> -> memref<125xi32, #tpu.memory_space<vmem>>
        %dma_start3A_1442 = arith.constant 0 : i32
        %dma_start3A_1443 = arith.constant 0 : i32
        %dma_start3A_1444 = tpu.memref_slice %arg2[%dma_start3A_1442, %dma_start3A_1443] : memref<10000x16xf32, #tpu.memory_space<hbm>> -> memref<10000x16xf32, #tpu.memory_space<hbm>>
        %dma_start3A_1445 = tpu.memref_slice %arg10[%dma_start3A_1434] : memref<4x!tpu.dma_semaphore, #tpu.memory_space<semaphore_mem>> -> memref<1x!tpu.dma_semaphore, #tpu.memory_space<semaphore_mem>>
        %dma_start3A_1446 = tpu.memref_squeeze %dma_start3A_1445 : memref<1x!tpu.dma_semaphore, #tpu.memory_space<semaphore_mem>> -> memref<!tpu.dma_semaphore, #tpu.memory_space<semaphore_mem>>
        tpu.enqueue_indirect_dma source(%dma_start3A_1444 : memref<10000x16xf32, #tpu.memory_space<hbm>>) target(%dma_start3A_1438 : memref<125x16xf32, #tpu.memory_space<vmem>>) offsets(%dma_start3A_1441 : memref<125xi32, #tpu.memory_space<vmem>>) semaphore(%dma_start3A_1446 : memref<!tpu.dma_semaphore, #tpu.memory_space<semaphore_mem>>)
        %mul3A_1447 = arith.constant 5 : i32
        %mul3A_1448 = arith.muli %add3A_1170, %mul3A_1447 : i32
        %add3A_1449 = arith.constant 4 : i32
        %add3A_1450 = arith.addi %mul3A_1448, %add3A_1449 : i32
        %dma_start3A_1451 = arith.constant 1 : i32
        %dma_start3A_1452 = arith.constant 4 : i32
        %dma_start3A_1453 = arith.constant 1 : i32
        %dma_start3A_1454 = arith.constant 0 : i32
        %dma_start3A_1455 = arith.constant 0 : i32
        %dma_start3A_1456 = tpu.memref_slice %arg8[%dma_start3A_1451, %dma_start3A_1452, %dma_start3A_1454, %dma_start3A_1455] : memref<4x5x125x16xf32, #tpu.memory_space<vmem>> -> memref<1x1x125x16xf32, #tpu.memory_space<vmem>>
        %dma_start3A_1457 = tpu.memref_squeeze %dma_start3A_1456 : memref<1x1x125x16xf32, #tpu.memory_space<vmem>> -> memref<125x16xf32, #tpu.memory_space<vmem>>
        %dma_start3A_1458 = arith.constant 0 : i32
        %dma_start3A_1459 = tpu.memref_slice %arg6[%add3A_1450, %dma_start3A_1458] : memref<80x125xi32, #tpu.memory_space<vmem>> -> memref<1x125xi32, #tpu.memory_space<vmem>>
        %dma_start3A_1460 = tpu.memref_squeeze %dma_start3A_1459 : memref<1x125xi32, #tpu.memory_space<vmem>> -> memref<125xi32, #tpu.memory_space<vmem>>
        %dma_start3A_1461 = arith.constant 0 : i32
        %dma_start3A_1462 = arith.constant 0 : i32
        %dma_start3A_1463 = tpu.memref_slice %arg2[%dma_start3A_1461, %dma_start3A_1462] : memref<10000x16xf32, #tpu.memory_space<hbm>> -> memref<10000x16xf32, #tpu.memory_space<hbm>>
        %dma_start3A_1464 = tpu.memref_slice %arg10[%dma_start3A_1453] : memref<4x!tpu.dma_semaphore, #tpu.memory_space<semaphore_mem>> -> memref<1x!tpu.dma_semaphore, #tpu.memory_space<semaphore_mem>>
        %dma_start3A_1465 = tpu.memref_squeeze %dma_start3A_1464 : memref<1x!tpu.dma_semaphore, #tpu.memory_space<semaphore_mem>> -> memref<!tpu.dma_semaphore, #tpu.memory_space<semaphore_mem>>
        tpu.enqueue_indirect_dma source(%dma_start3A_1463 : memref<10000x16xf32, #tpu.memory_space<hbm>>) target(%dma_start3A_1457 : memref<125x16xf32, #tpu.memory_space<vmem>>) offsets(%dma_start3A_1460 : memref<125xi32, #tpu.memory_space<vmem>>) semaphore(%dma_start3A_1465 : memref<!tpu.dma_semaphore, #tpu.memory_space<semaphore_mem>>)
      } else {
      }
      %dma_wait3A_1176 = arith.constant 0 : i32
      %dma_wait3A_1177 = arith.constant 0 : i32
      %dma_wait3A_1178 = arith.constant 3 : i32
      %dma_wait3A_1179 = arith.constant 0 : i32
      %dma_wait3A_1180 = arith.constant 0 : i32
      %dma_wait3A_1181 = tpu.memref_slice %arg8[%dma_wait3A_1176, %dma_wait3A_1177, %dma_wait3A_1179, %dma_wait3A_1180] : memref<4x5x125x16xf32, #tpu.memory_space<vmem>> -> memref<1x1x125x16xf32, #tpu.memory_space<vmem>>
      %dma_wait3A_1182 = tpu.memref_squeeze %dma_wait3A_1181 : memref<1x1x125x16xf32, #tpu.memory_space<vmem>> -> memref<125x16xf32, #tpu.memory_space<vmem>>
      %dma_wait3A_1183 = arith.constant 0 : i32
      %dma_wait3A_1184 = arith.constant 0 : i32
      %dma_wait3A_1185 = tpu.memref_slice %arg2[%dma_wait3A_1183, %dma_wait3A_1184] : memref<10000x16xf32, #tpu.memory_space<hbm>> -> memref<125x16xf32, #tpu.memory_space<hbm>>
      %dma_wait3A_1186 = tpu.memref_slice %arg10[%dma_wait3A_1178] : memref<4x!tpu.dma_semaphore, #tpu.memory_space<semaphore_mem>> -> memref<1x!tpu.dma_semaphore, #tpu.memory_space<semaphore_mem>>
      %dma_wait3A_1187 = tpu.memref_squeeze %dma_wait3A_1186 : memref<1x!tpu.dma_semaphore, #tpu.memory_space<semaphore_mem>> -> memref<!tpu.dma_semaphore, #tpu.memory_space<semaphore_mem>>
      %dma_wait3A_1188 = arith.constant 0 : i32
      %dma_wait3A_1189 = arith.constant 0 : i32
      %dma_wait3A_1190 = tpu.memref_slice %arg8[%dma_wait3A_1176, %dma_wait3A_1177, %dma_wait3A_1188, %dma_wait3A_1189] : memref<4x5x125x16xf32, #tpu.memory_space<vmem>> -> memref<1x1x125x16xf32, #tpu.memory_space<vmem>>
      %dma_wait3A_1191 = tpu.memref_squeeze %dma_wait3A_1190 : memref<1x1x125x16xf32, #tpu.memory_space<vmem>> -> memref<125x16xf32, #tpu.memory_space<vmem>>
      %dma_wait3A_1192 = arith.constant 0 : i32
      %dma_wait3A_1193 = arith.constant 0 : i32
      %dma_wait3A_1194 = tpu.memref_slice %arg2[%dma_wait3A_1192, %dma_wait3A_1193] : memref<10000x16xf32, #tpu.memory_space<hbm>> -> memref<125x16xf32, #tpu.memory_space<hbm>>
      tpu.wait_dma2 semaphore(%dma_wait3A_1187 : memref<!tpu.dma_semaphore, #tpu.memory_space<semaphore_mem>>) src(%dma_wait3A_1194 : memref<125x16xf32, #tpu.memory_space<hbm>>) dst(%dma_wait3A_1191 : memref<125x16xf32, #tpu.memory_space<vmem>>)
      %dma_wait3A_1195 = arith.constant 0 : i32
      %dma_wait3A_1196 = arith.constant 1 : i32
      %dma_wait3A_1197 = arith.constant 3 : i32
      %dma_wait3A_1198 = arith.constant 0 : i32
      %dma_wait3A_1199 = arith.constant 0 : i32
      %dma_wait3A_1200 = tpu.memref_slice %arg8[%dma_wait3A_1195, %dma_wait3A_1196, %dma_wait3A_1198, %dma_wait3A_1199] : memref<4x5x125x16xf32, #tpu.memory_space<vmem>> -> memref<1x1x125x16xf32, #tpu.memory_space<vmem>>
      %dma_wait3A_1201 = tpu.memref_squeeze %dma_wait3A_1200 : memref<1x1x125x16xf32, #tpu.memory_space<vmem>> -> memref<125x16xf32, #tpu.memory_space<vmem>>
      %dma_wait3A_1202 = arith.constant 0 : i32
      %dma_wait3A_1203 = arith.constant 0 : i32
      %dma_wait3A_1204 = tpu.memref_slice %arg2[%dma_wait3A_1202, %dma_wait3A_1203] : memref<10000x16xf32, #tpu.memory_space<hbm>> -> memref<125x16xf32, #tpu.memory_space<hbm>>
      %dma_wait3A_1205 = tpu.memref_slice %arg10[%dma_wait3A_1197] : memref<4x!tpu.dma_semaphore, #tpu.memory_space<semaphore_mem>> -> memref<1x!tpu.dma_semaphore, #tpu.memory_space<semaphore_mem>>
      %dma_wait3A_1206 = tpu.memref_squeeze %dma_wait3A_1205 : memref<1x!tpu.dma_semaphore, #tpu.memory_space<semaphore_mem>> -> memref<!tpu.dma_semaphore, #tpu.memory_space<semaphore_mem>>
      %dma_wait3A_1207 = arith.constant 0 : i32
      %dma_wait3A_1208 = arith.constant 0 : i32
      %dma_wait3A_1209 = tpu.memref_slice %arg8[%dma_wait3A_1195, %dma_wait3A_1196, %dma_wait3A_1207, %dma_wait3A_1208] : memref<4x5x125x16xf32, #tpu.memory_space<vmem>> -> memref<1x1x125x16xf32, #tpu.memory_space<vmem>>
      %dma_wait3A_1210 = tpu.memref_squeeze %dma_wait3A_1209 : memref<1x1x125x16xf32, #tpu.memory_space<vmem>> -> memref<125x16xf32, #tpu.memory_space<vmem>>
      %dma_wait3A_1211 = arith.constant 0 : i32
      %dma_wait3A_1212 = arith.constant 0 : i32
      %dma_wait3A_1213 = tpu.memref_slice %arg2[%dma_wait3A_1211, %dma_wait3A_1212] : memref<10000x16xf32, #tpu.memory_space<hbm>> -> memref<125x16xf32, #tpu.memory_space<hbm>>
      tpu.wait_dma2 semaphore(%dma_wait3A_1206 : memref<!tpu.dma_semaphore, #tpu.memory_space<semaphore_mem>>) src(%dma_wait3A_1213 : memref<125x16xf32, #tpu.memory_space<hbm>>) dst(%dma_wait3A_1210 : memref<125x16xf32, #tpu.memory_space<vmem>>)
      %dma_wait3A_1214 = arith.constant 0 : i32
      %dma_wait3A_1215 = arith.constant 2 : i32
      %dma_wait3A_1216 = arith.constant 3 : i32
      %dma_wait3A_1217 = arith.constant 0 : i32
      %dma_wait3A_1218 = arith.constant 0 : i32
      %dma_wait3A_1219 = tpu.memref_slice %arg8[%dma_wait3A_1214, %dma_wait3A_1215, %dma_wait3A_1217, %dma_wait3A_1218] : memref<4x5x125x16xf32, #tpu.memory_space<vmem>> -> memref<1x1x125x16xf32, #tpu.memory_space<vmem>>
      %dma_wait3A_1220 = tpu.memref_squeeze %dma_wait3A_1219 : memref<1x1x125x16xf32, #tpu.memory_space<vmem>> -> memref<125x16xf32, #tpu.memory_space<vmem>>
      %dma_wait3A_1221 = arith.constant 0 : i32
      %dma_wait3A_1222 = arith.constant 0 : i32
      %dma_wait3A_1223 = tpu.memref_slice %arg2[%dma_wait3A_1221, %dma_wait3A_1222] : memref<10000x16xf32, #tpu.memory_space<hbm>> -> memref<125x16xf32, #tpu.memory_space<hbm>>
      %dma_wait3A_1224 = tpu.memref_slice %arg10[%dma_wait3A_1216] : memref<4x!tpu.dma_semaphore, #tpu.memory_space<semaphore_mem>> -> memref<1x!tpu.dma_semaphore, #tpu.memory_space<semaphore_mem>>
      %dma_wait3A_1225 = tpu.memref_squeeze %dma_wait3A_1224 : memref<1x!tpu.dma_semaphore, #tpu.memory_space<semaphore_mem>> -> memref<!tpu.dma_semaphore, #tpu.memory_space<semaphore_mem>>
      %dma_wait3A_1226 = arith.constant 0 : i32
      %dma_wait3A_1227 = arith.constant 0 : i32
      %dma_wait3A_1228 = tpu.memref_slice %arg8[%dma_wait3A_1214, %dma_wait3A_1215, %dma_wait3A_1226, %dma_wait3A_1227] : memref<4x5x125x16xf32, #tpu.memory_space<vmem>> -> memref<1x1x125x16xf32, #tpu.memory_space<vmem>>
      %dma_wait3A_1229 = tpu.memref_squeeze %dma_wait3A_1228 : memref<1x1x125x16xf32, #tpu.memory_space<vmem>> -> memref<125x16xf32, #tpu.memory_space<vmem>>
      %dma_wait3A_1230 = arith.constant 0 : i32
      %dma_wait3A_1231 = arith.constant 0 : i32
      %dma_wait3A_1232 = tpu.memref_slice %arg2[%dma_wait3A_1230, %dma_wait3A_1231] : memref<10000x16xf32, #tpu.memory_space<hbm>> -> memref<125x16xf32, #tpu.memory_space<hbm>>
      tpu.wait_dma2 semaphore(%dma_wait3A_1225 : memref<!tpu.dma_semaphore, #tpu.memory_space<semaphore_mem>>) src(%dma_wait3A_1232 : memref<125x16xf32, #tpu.memory_space<hbm>>) dst(%dma_wait3A_1229 : memref<125x16xf32, #tpu.memory_space<vmem>>)
      %dma_wait3A_1233 = arith.constant 0 : i32
      %dma_wait3A_1234 = arith.constant 3 : i32
      %dma_wait3A_1235 = arith.constant 3 : i32
      %dma_wait3A_1236 = arith.constant 0 : i32
      %dma_wait3A_1237 = arith.constant 0 : i32
      %dma_wait3A_1238 = tpu.memref_slice %arg8[%dma_wait3A_1233, %dma_wait3A_1234, %dma_wait3A_1236, %dma_wait3A_1237] : memref<4x5x125x16xf32, #tpu.memory_space<vmem>> -> memref<1x1x125x16xf32, #tpu.memory_space<vmem>>
      %dma_wait3A_1239 = tpu.memref_squeeze %dma_wait3A_1238 : memref<1x1x125x16xf32, #tpu.memory_space<vmem>> -> memref<125x16xf32, #tpu.memory_space<vmem>>
      %dma_wait3A_1240 = arith.constant 0 : i32
      %dma_wait3A_1241 = arith.constant 0 : i32
      %dma_wait3A_1242 = tpu.memref_slice %arg2[%dma_wait3A_1240, %dma_wait3A_1241] : memref<10000x16xf32, #tpu.memory_space<hbm>> -> memref<125x16xf32, #tpu.memory_space<hbm>>
      %dma_wait3A_1243 = tpu.memref_slice %arg10[%dma_wait3A_1235] : memref<4x!tpu.dma_semaphore, #tpu.memory_space<semaphore_mem>> -> memref<1x!tpu.dma_semaphore, #tpu.memory_space<semaphore_mem>>
      %dma_wait3A_1244 = tpu.memref_squeeze %dma_wait3A_1243 : memref<1x!tpu.dma_semaphore, #tpu.memory_space<semaphore_mem>> -> memref<!tpu.dma_semaphore, #tpu.memory_space<semaphore_mem>>
      %dma_wait3A_1245 = arith.constant 0 : i32
      %dma_wait3A_1246 = arith.constant 0 : i32
      %dma_wait3A_1247 = tpu.memref_slice %arg8[%dma_wait3A_1233, %dma_wait3A_1234, %dma_wait3A_1245, %dma_wait3A_1246] : memref<4x5x125x16xf32, #tpu.memory_space<vmem>> -> memref<1x1x125x16xf32, #tpu.memory_space<vmem>>
      %dma_wait3A_1248 = tpu.memref_squeeze %dma_wait3A_1247 : memref<1x1x125x16xf32, #tpu.memory_space<vmem>> -> memref<125x16xf32, #tpu.memory_space<vmem>>
      %dma_wait3A_1249 = arith.constant 0 : i32
      %dma_wait3A_1250 = arith.constant 0 : i32
      %dma_wait3A_1251 = tpu.memref_slice %arg2[%dma_wait3A_1249, %dma_wait3A_1250] : memref<10000x16xf32, #tpu.memory_space<hbm>> -> memref<125x16xf32, #tpu.memory_space<hbm>>
      tpu.wait_dma2 semaphore(%dma_wait3A_1244 : memref<!tpu.dma_semaphore, #tpu.memory_space<semaphore_mem>>) src(%dma_wait3A_1251 : memref<125x16xf32, #tpu.memory_space<hbm>>) dst(%dma_wait3A_1248 : memref<125x16xf32, #tpu.memory_space<vmem>>)
      %dma_wait3A_1252 = arith.constant 0 : i32
      %dma_wait3A_1253 = arith.constant 4 : i32
      %dma_wait3A_1254 = arith.constant 3 : i32
      %dma_wait3A_1255 = arith.constant 0 : i32
      %dma_wait3A_1256 = arith.constant 0 : i32
      %dma_wait3A_1257 = tpu.memref_slice %arg8[%dma_wait3A_1252, %dma_wait3A_1253, %dma_wait3A_1255, %dma_wait3A_1256] : memref<4x5x125x16xf32, #tpu.memory_space<vmem>> -> memref<1x1x125x16xf32, #tpu.memory_space<vmem>>
      %dma_wait3A_1258 = tpu.memref_squeeze %dma_wait3A_1257 : memref<1x1x125x16xf32, #tpu.memory_space<vmem>> -> memref<125x16xf32, #tpu.memory_space<vmem>>
      %dma_wait3A_1259 = arith.constant 0 : i32
      %dma_wait3A_1260 = arith.constant 0 : i32
      %dma_wait3A_1261 = tpu.memref_slice %arg2[%dma_wait3A_1259, %dma_wait3A_1260] : memref<10000x16xf32, #tpu.memory_space<hbm>> -> memref<125x16xf32, #tpu.memory_space<hbm>>
      %dma_wait3A_1262 = tpu.memref_slice %arg10[%dma_wait3A_1254] : memref<4x!tpu.dma_semaphore, #tpu.memory_space<semaphore_mem>> -> memref<1x!tpu.dma_semaphore, #tpu.memory_space<semaphore_mem>>
      %dma_wait3A_1263 = tpu.memref_squeeze %dma_wait3A_1262 : memref<1x!tpu.dma_semaphore, #tpu.memory_space<semaphore_mem>> -> memref<!tpu.dma_semaphore, #tpu.memory_space<semaphore_mem>>
      %dma_wait3A_1264 = arith.constant 0 : i32
      %dma_wait3A_1265 = arith.constant 0 : i32
      %dma_wait3A_1266 = tpu.memref_slice %arg8[%dma_wait3A_1252, %dma_wait3A_1253, %dma_wait3A_1264, %dma_wait3A_1265] : memref<4x5x125x16xf32, #tpu.memory_space<vmem>> -> memref<1x1x125x16xf32, #tpu.memory_space<vmem>>
      %dma_wait3A_1267 = tpu.memref_squeeze %dma_wait3A_1266 : memref<1x1x125x16xf32, #tpu.memory_space<vmem>> -> memref<125x16xf32, #tpu.memory_space<vmem>>
      %dma_wait3A_1268 = arith.constant 0 : i32
      %dma_wait3A_1269 = arith.constant 0 : i32
      %dma_wait3A_1270 = tpu.memref_slice %arg2[%dma_wait3A_1268, %dma_wait3A_1269] : memref<10000x16xf32, #tpu.memory_space<hbm>> -> memref<125x16xf32, #tpu.memory_space<hbm>>
      tpu.wait_dma2 semaphore(%dma_wait3A_1263 : memref<!tpu.dma_semaphore, #tpu.memory_space<semaphore_mem>>) src(%dma_wait3A_1270 : memref<125x16xf32, #tpu.memory_space<hbm>>) dst(%dma_wait3A_1267 : memref<125x16xf32, #tpu.memory_space<vmem>>)
      %mul3A_1271 = arith.constant 5 : i32
      %mul3A_1272 = arith.muli %add3A_1168, %mul3A_1271 : i32
      %add3A_1273 = arith.constant 0 : i32
      %add3A_1274 = arith.addi %mul3A_1272, %add3A_1273 : i32
      %dma_start3A_1275 = arith.constant 3 : i32
      %dma_start3A_1276 = arith.constant 0 : i32
      %dma_start3A_1277 = arith.constant 3 : i32
      %dma_start3A_1278 = arith.constant 0 : i32
      %dma_start3A_1279 = arith.constant 0 : i32
      %dma_start3A_1280 = tpu.memref_slice %arg8[%dma_start3A_1275, %dma_start3A_1276, %dma_start3A_1278, %dma_start3A_1279] : memref<4x5x125x16xf32, #tpu.memory_space<vmem>> -> memref<1x1x125x16xf32, #tpu.memory_space<vmem>>
      %dma_start3A_1281 = tpu.memref_squeeze %dma_start3A_1280 : memref<1x1x125x16xf32, #tpu.memory_space<vmem>> -> memref<125x16xf32, #tpu.memory_space<vmem>>
      %dma_start3A_1282 = arith.constant 0 : i32
      %dma_start3A_1283 = tpu.memref_slice %arg7[%add3A_1274, %dma_start3A_1282] : memref<80x125xi32, #tpu.memory_space<vmem>> -> memref<1x125xi32, #tpu.memory_space<vmem>>
      %dma_start3A_1284 = tpu.memref_squeeze %dma_start3A_1283 : memref<1x125xi32, #tpu.memory_space<vmem>> -> memref<125xi32, #tpu.memory_space<vmem>>
      %dma_start3A_1285 = arith.constant 0 : i32
      %dma_start3A_1286 = arith.constant 0 : i32
      %dma_start3A_1287 = tpu.memref_slice %arg9[%dma_start3A_1285, %dma_start3A_1286] : memref<10000x16xf32, #tpu.memory_space<vmem_shared>> -> memref<10000x16xf32, #tpu.memory_space<vmem_shared>>
      %dma_start3A_1288 = tpu.memref_slice %arg11[%dma_start3A_1277] : memref<4x!tpu.dma_semaphore, #tpu.memory_space<semaphore_mem>> -> memref<1x!tpu.dma_semaphore, #tpu.memory_space<semaphore_mem>>
      %dma_start3A_1289 = tpu.memref_squeeze %dma_start3A_1288 : memref<1x!tpu.dma_semaphore, #tpu.memory_space<semaphore_mem>> -> memref<!tpu.dma_semaphore, #tpu.memory_space<semaphore_mem>>
      tpu.enqueue_indirect_dma source(%dma_start3A_1281 : memref<125x16xf32, #tpu.memory_space<vmem>>) target(%dma_start3A_1287 : memref<10000x16xf32, #tpu.memory_space<vmem_shared>>) offsets(%dma_start3A_1284 : memref<125xi32, #tpu.memory_space<vmem>>) semaphore(%dma_start3A_1289 : memref<!tpu.dma_semaphore, #tpu.memory_space<semaphore_mem>>) {add = true}
      %mul3A_1290 = arith.constant 5 : i32
      %mul3A_1291 = arith.muli %add3A_1168, %mul3A_1290 : i32
      %add3A_1292 = arith.constant 1 : i32
      %add3A_1293 = arith.addi %mul3A_1291, %add3A_1292 : i32
      %dma_start3A_1294 = arith.constant 3 : i32
      %dma_start3A_1295 = arith.constant 1 : i32
      %dma_start3A_1296 = arith.constant 3 : i32
      %dma_start3A_1297 = arith.constant 0 : i32
      %dma_start3A_1298 = arith.constant 0 : i32
      %dma_start3A_1299 = tpu.memref_slice %arg8[%dma_start3A_1294, %dma_start3A_1295, %dma_start3A_1297, %dma_start3A_1298] : memref<4x5x125x16xf32, #tpu.memory_space<vmem>> -> memref<1x1x125x16xf32, #tpu.memory_space<vmem>>
      %dma_start3A_1300 = tpu.memref_squeeze %dma_start3A_1299 : memref<1x1x125x16xf32, #tpu.memory_space<vmem>> -> memref<125x16xf32, #tpu.memory_space<vmem>>
      %dma_start3A_1301 = arith.constant 0 : i32
      %dma_start3A_1302 = tpu.memref_slice %arg7[%add3A_1293, %dma_start3A_1301] : memref<80x125xi32, #tpu.memory_space<vmem>> -> memref<1x125xi32, #tpu.memory_space<vmem>>
      %dma_start3A_1303 = tpu.memref_squeeze %dma_start3A_1302 : memref<1x125xi32, #tpu.memory_space<vmem>> -> memref<125xi32, #tpu.memory_space<vmem>>
      %dma_start3A_1304 = arith.constant 0 : i32
      %dma_start3A_1305 = arith.constant 0 : i32
      %dma_start3A_1306 = tpu.memref_slice %arg9[%dma_start3A_1304, %dma_start3A_1305] : memref<10000x16xf32, #tpu.memory_space<vmem_shared>> -> memref<10000x16xf32, #tpu.memory_space<vmem_shared>>
      %dma_start3A_1307 = tpu.memref_slice %arg11[%dma_start3A_1296] : memref<4x!tpu.dma_semaphore, #tpu.memory_space<semaphore_mem>> -> memref<1x!tpu.dma_semaphore, #tpu.memory_space<semaphore_mem>>
      %dma_start3A_1308 = tpu.memref_squeeze %dma_start3A_1307 : memref<1x!tpu.dma_semaphore, #tpu.memory_space<semaphore_mem>> -> memref<!tpu.dma_semaphore, #tpu.memory_space<semaphore_mem>>
      tpu.enqueue_indirect_dma source(%dma_start3A_1300 : memref<125x16xf32, #tpu.memory_space<vmem>>) target(%dma_start3A_1306 : memref<10000x16xf32, #tpu.memory_space<vmem_shared>>) offsets(%dma_start3A_1303 : memref<125xi32, #tpu.memory_space<vmem>>) semaphore(%dma_start3A_1308 : memref<!tpu.dma_semaphore, #tpu.memory_space<semaphore_mem>>) {add = true}
      %mul3A_1309 = arith.constant 5 : i32
      %mul3A_1310 = arith.muli %add3A_1168, %mul3A_1309 : i32
      %add3A_1311 = arith.constant 2 : i32
      %add3A_1312 = arith.addi %mul3A_1310, %add3A_1311 : i32
      %dma_start3A_1313 = arith.constant 3 : i32
      %dma_start3A_1314 = arith.constant 2 : i32
      %dma_start3A_1315 = arith.constant 3 : i32
      %dma_start3A_1316 = arith.constant 0 : i32
      %dma_start3A_1317 = arith.constant 0 : i32
      %dma_start3A_1318 = tpu.memref_slice %arg8[%dma_start3A_1313, %dma_start3A_1314, %dma_start3A_1316, %dma_start3A_1317] : memref<4x5x125x16xf32, #tpu.memory_space<vmem>> -> memref<1x1x125x16xf32, #tpu.memory_space<vmem>>
      %dma_start3A_1319 = tpu.memref_squeeze %dma_start3A_1318 : memref<1x1x125x16xf32, #tpu.memory_space<vmem>> -> memref<125x16xf32, #tpu.memory_space<vmem>>
      %dma_start3A_1320 = arith.constant 0 : i32
      %dma_start3A_1321 = tpu.memref_slice %arg7[%add3A_1312, %dma_start3A_1320] : memref<80x125xi32, #tpu.memory_space<vmem>> -> memref<1x125xi32, #tpu.memory_space<vmem>>
      %dma_start3A_1322 = tpu.memref_squeeze %dma_start3A_1321 : memref<1x125xi32, #tpu.memory_space<vmem>> -> memref<125xi32, #tpu.memory_space<vmem>>
      %dma_start3A_1323 = arith.constant 0 : i32
      %dma_start3A_1324 = arith.constant 0 : i32
      %dma_start3A_1325 = tpu.memref_slice %arg9[%dma_start3A_1323, %dma_start3A_1324] : memref<10000x16xf32, #tpu.memory_space<vmem_shared>> -> memref<10000x16xf32, #tpu.memory_space<vmem_shared>>
      %dma_start3A_1326 = tpu.memref_slice %arg11[%dma_start3A_1315] : memref<4x!tpu.dma_semaphore, #tpu.memory_space<semaphore_mem>> -> memref<1x!tpu.dma_semaphore, #tpu.memory_space<semaphore_mem>>
      %dma_start3A_1327 = tpu.memref_squeeze %dma_start3A_1326 : memref<1x!tpu.dma_semaphore, #tpu.memory_space<semaphore_mem>> -> memref<!tpu.dma_semaphore, #tpu.memory_space<semaphore_mem>>
      tpu.enqueue_indirect_dma source(%dma_start3A_1319 : memref<125x16xf32, #tpu.memory_space<vmem>>) target(%dma_start3A_1325 : memref<10000x16xf32, #tpu.memory_space<vmem_shared>>) offsets(%dma_start3A_1322 : memref<125xi32, #tpu.memory_space<vmem>>) semaphore(%dma_start3A_1327 : memref<!tpu.dma_semaphore, #tpu.memory_space<semaphore_mem>>) {add = true}
      %mul3A_1328 = arith.constant 5 : i32
      %mul3A_1329 = arith.muli %add3A_1168, %mul3A_1328 : i32
      %add3A_1330 = arith.constant 3 : i32
      %add3A_1331 = arith.addi %mul3A_1329, %add3A_1330 : i32
      %dma_start3A_1332 = arith.constant 3 : i32
      %dma_start3A_1333 = arith.constant 3 : i32
      %dma_start3A_1334 = arith.constant 3 : i32
      %dma_start3A_1335 = arith.constant 0 : i32
      %dma_start3A_1336 = arith.constant 0 : i32
      %dma_start3A_1337 = tpu.memref_slice %arg8[%dma_start3A_1332, %dma_start3A_1333, %dma_start3A_1335, %dma_start3A_1336] : memref<4x5x125x16xf32, #tpu.memory_space<vmem>> -> memref<1x1x125x16xf32, #tpu.memory_space<vmem>>
      %dma_start3A_1338 = tpu.memref_squeeze %dma_start3A_1337 : memref<1x1x125x16xf32, #tpu.memory_space<vmem>> -> memref<125x16xf32, #tpu.memory_space<vmem>>
      %dma_start3A_1339 = arith.constant 0 : i32
      %dma_start3A_1340 = tpu.memref_slice %arg7[%add3A_1331, %dma_start3A_1339] : memref<80x125xi32, #tpu.memory_space<vmem>> -> memref<1x125xi32, #tpu.memory_space<vmem>>
      %dma_start3A_1341 = tpu.memref_squeeze %dma_start3A_1340 : memref<1x125xi32, #tpu.memory_space<vmem>> -> memref<125xi32, #tpu.memory_space<vmem>>
      %dma_start3A_1342 = arith.constant 0 : i32
      %dma_start3A_1343 = arith.constant 0 : i32
      %dma_start3A_1344 = tpu.memref_slice %arg9[%dma_start3A_1342, %dma_start3A_1343] : memref<10000x16xf32, #tpu.memory_space<vmem_shared>> -> memref<10000x16xf32, #tpu.memory_space<vmem_shared>>
      %dma_start3A_1345 = tpu.memref_slice %arg11[%dma_start3A_1334] : memref<4x!tpu.dma_semaphore, #tpu.memory_space<semaphore_mem>> -> memref<1x!tpu.dma_semaphore, #tpu.memory_space<semaphore_mem>>
      %dma_start3A_1346 = tpu.memref_squeeze %dma_start3A_1345 : memref<1x!tpu.dma_semaphore, #tpu.memory_space<semaphore_mem>> -> memref<!tpu.dma_semaphore, #tpu.memory_space<semaphore_mem>>
      tpu.enqueue_indirect_dma source(%dma_start3A_1338 : memref<125x16xf32, #tpu.memory_space<vmem>>) target(%dma_start3A_1344 : memref<10000x16xf32, #tpu.memory_space<vmem_shared>>) offsets(%dma_start3A_1341 : memref<125xi32, #tpu.memory_space<vmem>>) semaphore(%dma_start3A_1346 : memref<!tpu.dma_semaphore, #tpu.memory_space<semaphore_mem>>) {add = true}
      %mul3A_1347 = arith.constant 5 : i32
      %mul3A_1348 = arith.muli %add3A_1168, %mul3A_1347 : i32
      %add3A_1349 = arith.constant 4 : i32
      %add3A_1350 = arith.addi %mul3A_1348, %add3A_1349 : i32
      %dma_start3A_1351 = arith.constant 3 : i32
      %dma_start3A_1352 = arith.constant 4 : i32
      %dma_start3A_1353 = arith.constant 3 : i32
      %dma_start3A_1354 = arith.constant 0 : i32
      %dma_start3A_1355 = arith.constant 0 : i32
      %dma_start3A_1356 = tpu.memref_slice %arg8[%dma_start3A_1351, %dma_start3A_1352, %dma_start3A_1354, %dma_start3A_1355] : memref<4x5x125x16xf32, #tpu.memory_space<vmem>> -> memref<1x1x125x16xf32, #tpu.memory_space<vmem>>
      %dma_start3A_1357 = tpu.memref_squeeze %dma_start3A_1356 : memref<1x1x125x16xf32, #tpu.memory_space<vmem>> -> memref<125x16xf32, #tpu.memory_space<vmem>>
      %dma_start3A_1358 = arith.constant 0 : i32
      %dma_start3A_1359 = tpu.memref_slice %arg7[%add3A_1350, %dma_start3A_1358] : memref<80x125xi32, #tpu.memory_space<vmem>> -> memref<1x125xi32, #tpu.memory_space<vmem>>
      %dma_start3A_1360 = tpu.memref_squeeze %dma_start3A_1359 : memref<1x125xi32, #tpu.memory_space<vmem>> -> memref<125xi32, #tpu.memory_space<vmem>>
      %dma_start3A_1361 = arith.constant 0 : i32
      %dma_start3A_1362 = arith.constant 0 : i32
      %dma_start3A_1363 = tpu.memref_slice %arg9[%dma_start3A_1361, %dma_start3A_1362] : memref<10000x16xf32, #tpu.memory_space<vmem_shared>> -> memref<10000x16xf32, #tpu.memory_space<vmem_shared>>
      %dma_start3A_1364 = tpu.memref_slice %arg11[%dma_start3A_1353] : memref<4x!tpu.dma_semaphore, #tpu.memory_space<semaphore_mem>> -> memref<1x!tpu.dma_semaphore, #tpu.memory_space<semaphore_mem>>
      %dma_start3A_1365 = tpu.memref_squeeze %dma_start3A_1364 : memref<1x!tpu.dma_semaphore, #tpu.memory_space<semaphore_mem>> -> memref<!tpu.dma_semaphore, #tpu.memory_space<semaphore_mem>>
      tpu.enqueue_indirect_dma source(%dma_start3A_1357 : memref<125x16xf32, #tpu.memory_space<vmem>>) target(%dma_start3A_1363 : memref<10000x16xf32, #tpu.memory_space<vmem_shared>>) offsets(%dma_start3A_1360 : memref<125xi32, #tpu.memory_space<vmem>>) semaphore(%dma_start3A_1365 : memref<!tpu.dma_semaphore, #tpu.memory_space<semaphore_mem>>) {add = true}
      %scan3A_1366 = arith.constant 0 : i32
      scf.yield %scan3A_1366 : i32
    }
    %scan3A_175 = arith.constant 4 : i32
    %dma_wait3A = arith.constant 0 : i32
    %dma_wait3A_176 = arith.constant 0 : i32
    %dma_wait3A_177 = arith.constant 0 : i32
    %dma_wait3A_178 = arith.constant 0 : i32
    %dma_wait3A_179 = arith.constant 0 : i32
    %dma_wait3A_180 = tpu.memref_slice %arg8[%dma_wait3A, %dma_wait3A_176, %dma_wait3A_178, %dma_wait3A_179] : memref<4x5x125x16xf32, #tpu.memory_space<vmem>> -> memref<1x1x125x16xf32, #tpu.memory_space<vmem>>
    %dma_wait3A_181 = tpu.memref_squeeze %dma_wait3A_180 : memref<1x1x125x16xf32, #tpu.memory_space<vmem>> -> memref<125x16xf32, #tpu.memory_space<vmem>>
    %dma_wait3A_182 = arith.constant 0 : i32
    %dma_wait3A_183 = arith.constant 0 : i32
    %dma_wait3A_184 = tpu.memref_slice %arg2[%dma_wait3A_182, %dma_wait3A_183] : memref<10000x16xf32, #tpu.memory_space<hbm>> -> memref<125x16xf32, #tpu.memory_space<hbm>>
    %dma_wait3A_185 = tpu.memref_slice %arg11[%dma_wait3A_177] : memref<4x!tpu.dma_semaphore, #tpu.memory_space<semaphore_mem>> -> memref<1x!tpu.dma_semaphore, #tpu.memory_space<semaphore_mem>>
    %dma_wait3A_186 = tpu.memref_squeeze %dma_wait3A_185 : memref<1x!tpu.dma_semaphore, #tpu.memory_space<semaphore_mem>> -> memref<!tpu.dma_semaphore, #tpu.memory_space<semaphore_mem>>
    %dma_wait3A_187 = arith.constant 0 : i32
    %dma_wait3A_188 = arith.constant 0 : i32
    %dma_wait3A_189 = tpu.memref_slice %arg8[%dma_wait3A, %dma_wait3A_176, %dma_wait3A_187, %dma_wait3A_188] : memref<4x5x125x16xf32, #tpu.memory_space<vmem>> -> memref<1x1x125x16xf32, #tpu.memory_space<vmem>>
    %dma_wait3A_190 = tpu.memref_squeeze %dma_wait3A_189 : memref<1x1x125x16xf32, #tpu.memory_space<vmem>> -> memref<125x16xf32, #tpu.memory_space<vmem>>
    %dma_wait3A_191 = arith.constant 0 : i32
    %dma_wait3A_192 = arith.constant 0 : i32
    %dma_wait3A_193 = tpu.memref_slice %arg2[%dma_wait3A_191, %dma_wait3A_192] : memref<10000x16xf32, #tpu.memory_space<hbm>> -> memref<125x16xf32, #tpu.memory_space<hbm>>
    tpu.wait_dma2 semaphore(%dma_wait3A_186 : memref<!tpu.dma_semaphore, #tpu.memory_space<semaphore_mem>>) src(%dma_wait3A_193 : memref<125x16xf32, #tpu.memory_space<hbm>>) dst(%dma_wait3A_190 : memref<125x16xf32, #tpu.memory_space<vmem>>)
    %dma_wait3A_194 = arith.constant 0 : i32
    %dma_wait3A_195 = arith.constant 1 : i32
    %dma_wait3A_196 = arith.constant 0 : i32
    %dma_wait3A_197 = arith.constant 0 : i32
    %dma_wait3A_198 = arith.constant 0 : i32
    %dma_wait3A_199 = tpu.memref_slice %arg8[%dma_wait3A_194, %dma_wait3A_195, %dma_wait3A_197, %dma_wait3A_198] : memref<4x5x125x16xf32, #tpu.memory_space<vmem>> -> memref<1x1x125x16xf32, #tpu.memory_space<vmem>>
    %dma_wait3A_200 = tpu.memref_squeeze %dma_wait3A_199 : memref<1x1x125x16xf32, #tpu.memory_space<vmem>> -> memref<125x16xf32, #tpu.memory_space<vmem>>
    %dma_wait3A_201 = arith.constant 0 : i32
    %dma_wait3A_202 = arith.constant 0 : i32
    %dma_wait3A_203 = tpu.memref_slice %arg2[%dma_wait3A_201, %dma_wait3A_202] : memref<10000x16xf32, #tpu.memory_space<hbm>> -> memref<125x16xf32, #tpu.memory_space<hbm>>
    %dma_wait3A_204 = tpu.memref_slice %arg11[%dma_wait3A_196] : memref<4x!tpu.dma_semaphore, #tpu.memory_space<semaphore_mem>> -> memref<1x!tpu.dma_semaphore, #tpu.memory_space<semaphore_mem>>
    %dma_wait3A_205 = tpu.memref_squeeze %dma_wait3A_204 : memref<1x!tpu.dma_semaphore, #tpu.memory_space<semaphore_mem>> -> memref<!tpu.dma_semaphore, #tpu.memory_space<semaphore_mem>>
    %dma_wait3A_206 = arith.constant 0 : i32
    %dma_wait3A_207 = arith.constant 0 : i32
    %dma_wait3A_208 = tpu.memref_slice %arg8[%dma_wait3A_194, %dma_wait3A_195, %dma_wait3A_206, %dma_wait3A_207] : memref<4x5x125x16xf32, #tpu.memory_space<vmem>> -> memref<1x1x125x16xf32, #tpu.memory_space<vmem>>
    %dma_wait3A_209 = tpu.memref_squeeze %dma_wait3A_208 : memref<1x1x125x16xf32, #tpu.memory_space<vmem>> -> memref<125x16xf32, #tpu.memory_space<vmem>>
    %dma_wait3A_210 = arith.constant 0 : i32
    %dma_wait3A_211 = arith.constant 0 : i32
    %dma_wait3A_212 = tpu.memref_slice %arg2[%dma_wait3A_210, %dma_wait3A_211] : memref<10000x16xf32, #tpu.memory_space<hbm>> -> memref<125x16xf32, #tpu.memory_space<hbm>>
    tpu.wait_dma2 semaphore(%dma_wait3A_205 : memref<!tpu.dma_semaphore, #tpu.memory_space<semaphore_mem>>) src(%dma_wait3A_212 : memref<125x16xf32, #tpu.memory_space<hbm>>) dst(%dma_wait3A_209 : memref<125x16xf32, #tpu.memory_space<vmem>>)
    %dma_wait3A_213 = arith.constant 0 : i32
    %dma_wait3A_214 = arith.constant 2 : i32
    %dma_wait3A_215 = arith.constant 0 : i32
    %dma_wait3A_216 = arith.constant 0 : i32
    %dma_wait3A_217 = arith.constant 0 : i32
    %dma_wait3A_218 = tpu.memref_slice %arg8[%dma_wait3A_213, %dma_wait3A_214, %dma_wait3A_216, %dma_wait3A_217] : memref<4x5x125x16xf32, #tpu.memory_space<vmem>> -> memref<1x1x125x16xf32, #tpu.memory_space<vmem>>
    %dma_wait3A_219 = tpu.memref_squeeze %dma_wait3A_218 : memref<1x1x125x16xf32, #tpu.memory_space<vmem>> -> memref<125x16xf32, #tpu.memory_space<vmem>>
    %dma_wait3A_220 = arith.constant 0 : i32
    %dma_wait3A_221 = arith.constant 0 : i32
    %dma_wait3A_222 = tpu.memref_slice %arg2[%dma_wait3A_220, %dma_wait3A_221] : memref<10000x16xf32, #tpu.memory_space<hbm>> -> memref<125x16xf32, #tpu.memory_space<hbm>>
    %dma_wait3A_223 = tpu.memref_slice %arg11[%dma_wait3A_215] : memref<4x!tpu.dma_semaphore, #tpu.memory_space<semaphore_mem>> -> memref<1x!tpu.dma_semaphore, #tpu.memory_space<semaphore_mem>>
    %dma_wait3A_224 = tpu.memref_squeeze %dma_wait3A_223 : memref<1x!tpu.dma_semaphore, #tpu.memory_space<semaphore_mem>> -> memref<!tpu.dma_semaphore, #tpu.memory_space<semaphore_mem>>
    %dma_wait3A_225 = arith.constant 0 : i32
    %dma_wait3A_226 = arith.constant 0 : i32
    %dma_wait3A_227 = tpu.memref_slice %arg8[%dma_wait3A_213, %dma_wait3A_214, %dma_wait3A_225, %dma_wait3A_226] : memref<4x5x125x16xf32, #tpu.memory_space<vmem>> -> memref<1x1x125x16xf32, #tpu.memory_space<vmem>>
    %dma_wait3A_228 = tpu.memref_squeeze %dma_wait3A_227 : memref<1x1x125x16xf32, #tpu.memory_space<vmem>> -> memref<125x16xf32, #tpu.memory_space<vmem>>
    %dma_wait3A_229 = arith.constant 0 : i32
    %dma_wait3A_230 = arith.constant 0 : i32
    %dma_wait3A_231 = tpu.memref_slice %arg2[%dma_wait3A_229, %dma_wait3A_230] : memref<10000x16xf32, #tpu.memory_space<hbm>> -> memref<125x16xf32, #tpu.memory_space<hbm>>
    tpu.wait_dma2 semaphore(%dma_wait3A_224 : memref<!tpu.dma_semaphore, #tpu.memory_space<semaphore_mem>>) src(%dma_wait3A_231 : memref<125x16xf32, #tpu.memory_space<hbm>>) dst(%dma_wait3A_228 : memref<125x16xf32, #tpu.memory_space<vmem>>)
    %dma_wait3A_232 = arith.constant 0 : i32
    %dma_wait3A_233 = arith.constant 3 : i32
    %dma_wait3A_234 = arith.constant 0 : i32
    %dma_wait3A_235 = arith.constant 0 : i32
    %dma_wait3A_236 = arith.constant 0 : i32
    %dma_wait3A_237 = tpu.memref_slice %arg8[%dma_wait3A_232, %dma_wait3A_233, %dma_wait3A_235, %dma_wait3A_236] : memref<4x5x125x16xf32, #tpu.memory_space<vmem>> -> memref<1x1x125x16xf32, #tpu.memory_space<vmem>>
    %dma_wait3A_238 = tpu.memref_squeeze %dma_wait3A_237 : memref<1x1x125x16xf32, #tpu.memory_space<vmem>> -> memref<125x16xf32, #tpu.memory_space<vmem>>
    %dma_wait3A_239 = arith.constant 0 : i32
    %dma_wait3A_240 = arith.constant 0 : i32
    %dma_wait3A_241 = tpu.memref_slice %arg2[%dma_wait3A_239, %dma_wait3A_240] : memref<10000x16xf32, #tpu.memory_space<hbm>> -> memref<125x16xf32, #tpu.memory_space<hbm>>
    %dma_wait3A_242 = tpu.memref_slice %arg11[%dma_wait3A_234] : memref<4x!tpu.dma_semaphore, #tpu.memory_space<semaphore_mem>> -> memref<1x!tpu.dma_semaphore, #tpu.memory_space<semaphore_mem>>
    %dma_wait3A_243 = tpu.memref_squeeze %dma_wait3A_242 : memref<1x!tpu.dma_semaphore, #tpu.memory_space<semaphore_mem>> -> memref<!tpu.dma_semaphore, #tpu.memory_space<semaphore_mem>>
    %dma_wait3A_244 = arith.constant 0 : i32
    %dma_wait3A_245 = arith.constant 0 : i32
    %dma_wait3A_246 = tpu.memref_slice %arg8[%dma_wait3A_232, %dma_wait3A_233, %dma_wait3A_244, %dma_wait3A_245] : memref<4x5x125x16xf32, #tpu.memory_space<vmem>> -> memref<1x1x125x16xf32, #tpu.memory_space<vmem>>
    %dma_wait3A_247 = tpu.memref_squeeze %dma_wait3A_246 : memref<1x1x125x16xf32, #tpu.memory_space<vmem>> -> memref<125x16xf32, #tpu.memory_space<vmem>>
    %dma_wait3A_248 = arith.constant 0 : i32
    %dma_wait3A_249 = arith.constant 0 : i32
    %dma_wait3A_250 = tpu.memref_slice %arg2[%dma_wait3A_248, %dma_wait3A_249] : memref<10000x16xf32, #tpu.memory_space<hbm>> -> memref<125x16xf32, #tpu.memory_space<hbm>>
    tpu.wait_dma2 semaphore(%dma_wait3A_243 : memref<!tpu.dma_semaphore, #tpu.memory_space<semaphore_mem>>) src(%dma_wait3A_250 : memref<125x16xf32, #tpu.memory_space<hbm>>) dst(%dma_wait3A_247 : memref<125x16xf32, #tpu.memory_space<vmem>>)
    %dma_wait3A_251 = arith.constant 0 : i32
    %dma_wait3A_252 = arith.constant 4 : i32
    %dma_wait3A_253 = arith.constant 0 : i32
    %dma_wait3A_254 = arith.constant 0 : i32
    %dma_wait3A_255 = arith.constant 0 : i32
    %dma_wait3A_256 = tpu.memref_slice %arg8[%dma_wait3A_251, %dma_wait3A_252, %dma_wait3A_254, %dma_wait3A_255] : memref<4x5x125x16xf32, #tpu.memory_space<vmem>> -> memref<1x1x125x16xf32, #tpu.memory_space<vmem>>
    %dma_wait3A_257 = tpu.memref_squeeze %dma_wait3A_256 : memref<1x1x125x16xf32, #tpu.memory_space<vmem>> -> memref<125x16xf32, #tpu.memory_space<vmem>>
    %dma_wait3A_258 = arith.constant 0 : i32
    %dma_wait3A_259 = arith.constant 0 : i32
    %dma_wait3A_260 = tpu.memref_slice %arg2[%dma_wait3A_258, %dma_wait3A_259] : memref<10000x16xf32, #tpu.memory_space<hbm>> -> memref<125x16xf32, #tpu.memory_space<hbm>>
    %dma_wait3A_261 = tpu.memref_slice %arg11[%dma_wait3A_253] : memref<4x!tpu.dma_semaphore, #tpu.memory_space<semaphore_mem>> -> memref<1x!tpu.dma_semaphore, #tpu.memory_space<semaphore_mem>>
    %dma_wait3A_262 = tpu.memref_squeeze %dma_wait3A_261 : memref<1x!tpu.dma_semaphore, #tpu.memory_space<semaphore_mem>> -> memref<!tpu.dma_semaphore, #tpu.memory_space<semaphore_mem>>
    %dma_wait3A_263 = arith.constant 0 : i32
    %dma_wait3A_264 = arith.constant 0 : i32
    %dma_wait3A_265 = tpu.memref_slice %arg8[%dma_wait3A_251, %dma_wait3A_252, %dma_wait3A_263, %dma_wait3A_264] : memref<4x5x125x16xf32, #tpu.memory_space<vmem>> -> memref<1x1x125x16xf32, #tpu.memory_space<vmem>>
    %dma_wait3A_266 = tpu.memref_squeeze %dma_wait3A_265 : memref<1x1x125x16xf32, #tpu.memory_space<vmem>> -> memref<125x16xf32, #tpu.memory_space<vmem>>
    %dma_wait3A_267 = arith.constant 0 : i32
    %dma_wait3A_268 = arith.constant 0 : i32
    %dma_wait3A_269 = tpu.memref_slice %arg2[%dma_wait3A_267, %dma_wait3A_268] : memref<10000x16xf32, #tpu.memory_space<hbm>> -> memref<125x16xf32, #tpu.memory_space<hbm>>
    tpu.wait_dma2 semaphore(%dma_wait3A_262 : memref<!tpu.dma_semaphore, #tpu.memory_space<semaphore_mem>>) src(%dma_wait3A_269 : memref<125x16xf32, #tpu.memory_space<hbm>>) dst(%dma_wait3A_266 : memref<125x16xf32, #tpu.memory_space<vmem>>)
    %dma_wait3A_270 = arith.constant 0 : i32
    %dma_wait3A_271 = arith.constant 0 : i32
    %dma_wait3A_272 = arith.constant 1 : i32
    %dma_wait3A_273 = arith.constant 0 : i32
    %dma_wait3A_274 = arith.constant 0 : i32
    %dma_wait3A_275 = tpu.memref_slice %arg8[%dma_wait3A_270, %dma_wait3A_271, %dma_wait3A_273, %dma_wait3A_274] : memref<4x5x125x16xf32, #tpu.memory_space<vmem>> -> memref<1x1x125x16xf32, #tpu.memory_space<vmem>>
    %dma_wait3A_276 = tpu.memref_squeeze %dma_wait3A_275 : memref<1x1x125x16xf32, #tpu.memory_space<vmem>> -> memref<125x16xf32, #tpu.memory_space<vmem>>
    %dma_wait3A_277 = arith.constant 0 : i32
    %dma_wait3A_278 = arith.constant 0 : i32
    %dma_wait3A_279 = tpu.memref_slice %arg2[%dma_wait3A_277, %dma_wait3A_278] : memref<10000x16xf32, #tpu.memory_space<hbm>> -> memref<125x16xf32, #tpu.memory_space<hbm>>
    %dma_wait3A_280 = tpu.memref_slice %arg11[%dma_wait3A_272] : memref<4x!tpu.dma_semaphore, #tpu.memory_space<semaphore_mem>> -> memref<1x!tpu.dma_semaphore, #tpu.memory_space<semaphore_mem>>
    %dma_wait3A_281 = tpu.memref_squeeze %dma_wait3A_280 : memref<1x!tpu.dma_semaphore, #tpu.memory_space<semaphore_mem>> -> memref<!tpu.dma_semaphore, #tpu.memory_space<semaphore_mem>>
    %dma_wait3A_282 = arith.constant 0 : i32
    %dma_wait3A_283 = arith.constant 0 : i32
    %dma_wait3A_284 = tpu.memref_slice %arg8[%dma_wait3A_270, %dma_wait3A_271, %dma_wait3A_282, %dma_wait3A_283] : memref<4x5x125x16xf32, #tpu.memory_space<vmem>> -> memref<1x1x125x16xf32, #tpu.memory_space<vmem>>
    %dma_wait3A_285 = tpu.memref_squeeze %dma_wait3A_284 : memref<1x1x125x16xf32, #tpu.memory_space<vmem>> -> memref<125x16xf32, #tpu.memory_space<vmem>>
    %dma_wait3A_286 = arith.constant 0 : i32
    %dma_wait3A_287 = arith.constant 0 : i32
    %dma_wait3A_288 = tpu.memref_slice %arg2[%dma_wait3A_286, %dma_wait3A_287] : memref<10000x16xf32, #tpu.memory_space<hbm>> -> memref<125x16xf32, #tpu.memory_space<hbm>>
    tpu.wait_dma2 semaphore(%dma_wait3A_281 : memref<!tpu.dma_semaphore, #tpu.memory_space<semaphore_mem>>) src(%dma_wait3A_288 : memref<125x16xf32, #tpu.memory_space<hbm>>) dst(%dma_wait3A_285 : memref<125x16xf32, #tpu.memory_space<vmem>>)
    %dma_wait3A_289 = arith.constant 0 : i32
    %dma_wait3A_290 = arith.constant 1 : i32
    %dma_wait3A_291 = arith.constant 1 : i32
    %dma_wait3A_292 = arith.constant 0 : i32
    %dma_wait3A_293 = arith.constant 0 : i32
    %dma_wait3A_294 = tpu.memref_slice %arg8[%dma_wait3A_289, %dma_wait3A_290, %dma_wait3A_292, %dma_wait3A_293] : memref<4x5x125x16xf32, #tpu.memory_space<vmem>> -> memref<1x1x125x16xf32, #tpu.memory_space<vmem>>
    %dma_wait3A_295 = tpu.memref_squeeze %dma_wait3A_294 : memref<1x1x125x16xf32, #tpu.memory_space<vmem>> -> memref<125x16xf32, #tpu.memory_space<vmem>>
    %dma_wait3A_296 = arith.constant 0 : i32
    %dma_wait3A_297 = arith.constant 0 : i32
    %dma_wait3A_298 = tpu.memref_slice %arg2[%dma_wait3A_296, %dma_wait3A_297] : memref<10000x16xf32, #tpu.memory_space<hbm>> -> memref<125x16xf32, #tpu.memory_space<hbm>>
    %dma_wait3A_299 = tpu.memref_slice %arg11[%dma_wait3A_291] : memref<4x!tpu.dma_semaphore, #tpu.memory_space<semaphore_mem>> -> memref<1x!tpu.dma_semaphore, #tpu.memory_space<semaphore_mem>>
    %dma_wait3A_300 = tpu.memref_squeeze %dma_wait3A_299 : memref<1x!tpu.dma_semaphore, #tpu.memory_space<semaphore_mem>> -> memref<!tpu.dma_semaphore, #tpu.memory_space<semaphore_mem>>
    %dma_wait3A_301 = arith.constant 0 : i32
    %dma_wait3A_302 = arith.constant 0 : i32
    %dma_wait3A_303 = tpu.memref_slice %arg8[%dma_wait3A_289, %dma_wait3A_290, %dma_wait3A_301, %dma_wait3A_302] : memref<4x5x125x16xf32, #tpu.memory_space<vmem>> -> memref<1x1x125x16xf32, #tpu.memory_space<vmem>>
    %dma_wait3A_304 = tpu.memref_squeeze %dma_wait3A_303 : memref<1x1x125x16xf32, #tpu.memory_space<vmem>> -> memref<125x16xf32, #tpu.memory_space<vmem>>
    %dma_wait3A_305 = arith.constant 0 : i32
    %dma_wait3A_306 = arith.constant 0 : i32
    %dma_wait3A_307 = tpu.memref_slice %arg2[%dma_wait3A_305, %dma_wait3A_306] : memref<10000x16xf32, #tpu.memory_space<hbm>> -> memref<125x16xf32, #tpu.memory_space<hbm>>
    tpu.wait_dma2 semaphore(%dma_wait3A_300 : memref<!tpu.dma_semaphore, #tpu.memory_space<semaphore_mem>>) src(%dma_wait3A_307 : memref<125x16xf32, #tpu.memory_space<hbm>>) dst(%dma_wait3A_304 : memref<125x16xf32, #tpu.memory_space<vmem>>)
    %dma_wait3A_308 = arith.constant 0 : i32
    %dma_wait3A_309 = arith.constant 2 : i32
    %dma_wait3A_310 = arith.constant 1 : i32
    %dma_wait3A_311 = arith.constant 0 : i32
    %dma_wait3A_312 = arith.constant 0 : i32
    %dma_wait3A_313 = tpu.memref_slice %arg8[%dma_wait3A_308, %dma_wait3A_309, %dma_wait3A_311, %dma_wait3A_312] : memref<4x5x125x16xf32, #tpu.memory_space<vmem>> -> memref<1x1x125x16xf32, #tpu.memory_space<vmem>>
    %dma_wait3A_314 = tpu.memref_squeeze %dma_wait3A_313 : memref<1x1x125x16xf32, #tpu.memory_space<vmem>> -> memref<125x16xf32, #tpu.memory_space<vmem>>
    %dma_wait3A_315 = arith.constant 0 : i32
    %dma_wait3A_316 = arith.constant 0 : i32
    %dma_wait3A_317 = tpu.memref_slice %arg2[%dma_wait3A_315, %dma_wait3A_316] : memref<10000x16xf32, #tpu.memory_space<hbm>> -> memref<125x16xf32, #tpu.memory_space<hbm>>
    %dma_wait3A_318 = tpu.memref_slice %arg11[%dma_wait3A_310] : memref<4x!tpu.dma_semaphore, #tpu.memory_space<semaphore_mem>> -> memref<1x!tpu.dma_semaphore, #tpu.memory_space<semaphore_mem>>
    %dma_wait3A_319 = tpu.memref_squeeze %dma_wait3A_318 : memref<1x!tpu.dma_semaphore, #tpu.memory_space<semaphore_mem>> -> memref<!tpu.dma_semaphore, #tpu.memory_space<semaphore_mem>>
    %dma_wait3A_320 = arith.constant 0 : i32
    %dma_wait3A_321 = arith.constant 0 : i32
    %dma_wait3A_322 = tpu.memref_slice %arg8[%dma_wait3A_308, %dma_wait3A_309, %dma_wait3A_320, %dma_wait3A_321] : memref<4x5x125x16xf32, #tpu.memory_space<vmem>> -> memref<1x1x125x16xf32, #tpu.memory_space<vmem>>
    %dma_wait3A_323 = tpu.memref_squeeze %dma_wait3A_322 : memref<1x1x125x16xf32, #tpu.memory_space<vmem>> -> memref<125x16xf32, #tpu.memory_space<vmem>>
    %dma_wait3A_324 = arith.constant 0 : i32
    %dma_wait3A_325 = arith.constant 0 : i32
    %dma_wait3A_326 = tpu.memref_slice %arg2[%dma_wait3A_324, %dma_wait3A_325] : memref<10000x16xf32, #tpu.memory_space<hbm>> -> memref<125x16xf32, #tpu.memory_space<hbm>>
    tpu.wait_dma2 semaphore(%dma_wait3A_319 : memref<!tpu.dma_semaphore, #tpu.memory_space<semaphore_mem>>) src(%dma_wait3A_326 : memref<125x16xf32, #tpu.memory_space<hbm>>) dst(%dma_wait3A_323 : memref<125x16xf32, #tpu.memory_space<vmem>>)
    %dma_wait3A_327 = arith.constant 0 : i32
    %dma_wait3A_328 = arith.constant 3 : i32
    %dma_wait3A_329 = arith.constant 1 : i32
    %dma_wait3A_330 = arith.constant 0 : i32
    %dma_wait3A_331 = arith.constant 0 : i32
    %dma_wait3A_332 = tpu.memref_slice %arg8[%dma_wait3A_327, %dma_wait3A_328, %dma_wait3A_330, %dma_wait3A_331] : memref<4x5x125x16xf32, #tpu.memory_space<vmem>> -> memref<1x1x125x16xf32, #tpu.memory_space<vmem>>
    %dma_wait3A_333 = tpu.memref_squeeze %dma_wait3A_332 : memref<1x1x125x16xf32, #tpu.memory_space<vmem>> -> memref<125x16xf32, #tpu.memory_space<vmem>>
    %dma_wait3A_334 = arith.constant 0 : i32
    %dma_wait3A_335 = arith.constant 0 : i32
    %dma_wait3A_336 = tpu.memref_slice %arg2[%dma_wait3A_334, %dma_wait3A_335] : memref<10000x16xf32, #tpu.memory_space<hbm>> -> memref<125x16xf32, #tpu.memory_space<hbm>>
    %dma_wait3A_337 = tpu.memref_slice %arg11[%dma_wait3A_329] : memref<4x!tpu.dma_semaphore, #tpu.memory_space<semaphore_mem>> -> memref<1x!tpu.dma_semaphore, #tpu.memory_space<semaphore_mem>>
    %dma_wait3A_338 = tpu.memref_squeeze %dma_wait3A_337 : memref<1x!tpu.dma_semaphore, #tpu.memory_space<semaphore_mem>> -> memref<!tpu.dma_semaphore, #tpu.memory_space<semaphore_mem>>
    %dma_wait3A_339 = arith.constant 0 : i32
    %dma_wait3A_340 = arith.constant 0 : i32
    %dma_wait3A_341 = tpu.memref_slice %arg8[%dma_wait3A_327, %dma_wait3A_328, %dma_wait3A_339, %dma_wait3A_340] : memref<4x5x125x16xf32, #tpu.memory_space<vmem>> -> memref<1x1x125x16xf32, #tpu.memory_space<vmem>>
    %dma_wait3A_342 = tpu.memref_squeeze %dma_wait3A_341 : memref<1x1x125x16xf32, #tpu.memory_space<vmem>> -> memref<125x16xf32, #tpu.memory_space<vmem>>
    %dma_wait3A_343 = arith.constant 0 : i32
    %dma_wait3A_344 = arith.constant 0 : i32
    %dma_wait3A_345 = tpu.memref_slice %arg2[%dma_wait3A_343, %dma_wait3A_344] : memref<10000x16xf32, #tpu.memory_space<hbm>> -> memref<125x16xf32, #tpu.memory_space<hbm>>
    tpu.wait_dma2 semaphore(%dma_wait3A_338 : memref<!tpu.dma_semaphore, #tpu.memory_space<semaphore_mem>>) src(%dma_wait3A_345 : memref<125x16xf32, #tpu.memory_space<hbm>>) dst(%dma_wait3A_342 : memref<125x16xf32, #tpu.memory_space<vmem>>)
    %dma_wait3A_346 = arith.constant 0 : i32
    %dma_wait3A_347 = arith.constant 4 : i32
    %dma_wait3A_348 = arith.constant 1 : i32
    %dma_wait3A_349 = arith.constant 0 : i32
    %dma_wait3A_350 = arith.constant 0 : i32
    %dma_wait3A_351 = tpu.memref_slice %arg8[%dma_wait3A_346, %dma_wait3A_347, %dma_wait3A_349, %dma_wait3A_350] : memref<4x5x125x16xf32, #tpu.memory_space<vmem>> -> memref<1x1x125x16xf32, #tpu.memory_space<vmem>>
    %dma_wait3A_352 = tpu.memref_squeeze %dma_wait3A_351 : memref<1x1x125x16xf32, #tpu.memory_space<vmem>> -> memref<125x16xf32, #tpu.memory_space<vmem>>
    %dma_wait3A_353 = arith.constant 0 : i32
    %dma_wait3A_354 = arith.constant 0 : i32
    %dma_wait3A_355 = tpu.memref_slice %arg2[%dma_wait3A_353, %dma_wait3A_354] : memref<10000x16xf32, #tpu.memory_space<hbm>> -> memref<125x16xf32, #tpu.memory_space<hbm>>
    %dma_wait3A_356 = tpu.memref_slice %arg11[%dma_wait3A_348] : memref<4x!tpu.dma_semaphore, #tpu.memory_space<semaphore_mem>> -> memref<1x!tpu.dma_semaphore, #tpu.memory_space<semaphore_mem>>
    %dma_wait3A_357 = tpu.memref_squeeze %dma_wait3A_356 : memref<1x!tpu.dma_semaphore, #tpu.memory_space<semaphore_mem>> -> memref<!tpu.dma_semaphore, #tpu.memory_space<semaphore_mem>>
    %dma_wait3A_358 = arith.constant 0 : i32
    %dma_wait3A_359 = arith.constant 0 : i32
    %dma_wait3A_360 = tpu.memref_slice %arg8[%dma_wait3A_346, %dma_wait3A_347, %dma_wait3A_358, %dma_wait3A_359] : memref<4x5x125x16xf32, #tpu.memory_space<vmem>> -> memref<1x1x125x16xf32, #tpu.memory_space<vmem>>
    %dma_wait3A_361 = tpu.memref_squeeze %dma_wait3A_360 : memref<1x1x125x16xf32, #tpu.memory_space<vmem>> -> memref<125x16xf32, #tpu.memory_space<vmem>>
    %dma_wait3A_362 = arith.constant 0 : i32
    %dma_wait3A_363 = arith.constant 0 : i32
    %dma_wait3A_364 = tpu.memref_slice %arg2[%dma_wait3A_362, %dma_wait3A_363] : memref<10000x16xf32, #tpu.memory_space<hbm>> -> memref<125x16xf32, #tpu.memory_space<hbm>>
    tpu.wait_dma2 semaphore(%dma_wait3A_357 : memref<!tpu.dma_semaphore, #tpu.memory_space<semaphore_mem>>) src(%dma_wait3A_364 : memref<125x16xf32, #tpu.memory_space<hbm>>) dst(%dma_wait3A_361 : memref<125x16xf32, #tpu.memory_space<vmem>>)
    %dma_wait3A_365 = arith.constant 0 : i32
    %dma_wait3A_366 = arith.constant 0 : i32
    %dma_wait3A_367 = arith.constant 2 : i32
    %dma_wait3A_368 = arith.constant 0 : i32
    %dma_wait3A_369 = arith.constant 0 : i32
    %dma_wait3A_370 = tpu.memref_slice %arg8[%dma_wait3A_365, %dma_wait3A_366, %dma_wait3A_368, %dma_wait3A_369] : memref<4x5x125x16xf32, #tpu.memory_space<vmem>> -> memref<1x1x125x16xf32, #tpu.memory_space<vmem>>
    %dma_wait3A_371 = tpu.memref_squeeze %dma_wait3A_370 : memref<1x1x125x16xf32, #tpu.memory_space<vmem>> -> memref<125x16xf32, #tpu.memory_space<vmem>>
    %dma_wait3A_372 = arith.constant 0 : i32
    %dma_wait3A_373 = arith.constant 0 : i32
    %dma_wait3A_374 = tpu.memref_slice %arg2[%dma_wait3A_372, %dma_wait3A_373] : memref<10000x16xf32, #tpu.memory_space<hbm>> -> memref<125x16xf32, #tpu.memory_space<hbm>>
    %dma_wait3A_375 = tpu.memref_slice %arg11[%dma_wait3A_367] : memref<4x!tpu.dma_semaphore, #tpu.memory_space<semaphore_mem>> -> memref<1x!tpu.dma_semaphore, #tpu.memory_space<semaphore_mem>>
    %dma_wait3A_376 = tpu.memref_squeeze %dma_wait3A_375 : memref<1x!tpu.dma_semaphore, #tpu.memory_space<semaphore_mem>> -> memref<!tpu.dma_semaphore, #tpu.memory_space<semaphore_mem>>
    %dma_wait3A_377 = arith.constant 0 : i32
    %dma_wait3A_378 = arith.constant 0 : i32
    %dma_wait3A_379 = tpu.memref_slice %arg8[%dma_wait3A_365, %dma_wait3A_366, %dma_wait3A_377, %dma_wait3A_378] : memref<4x5x125x16xf32, #tpu.memory_space<vmem>> -> memref<1x1x125x16xf32, #tpu.memory_space<vmem>>
    %dma_wait3A_380 = tpu.memref_squeeze %dma_wait3A_379 : memref<1x1x125x16xf32, #tpu.memory_space<vmem>> -> memref<125x16xf32, #tpu.memory_space<vmem>>
    %dma_wait3A_381 = arith.constant 0 : i32
    %dma_wait3A_382 = arith.constant 0 : i32
    %dma_wait3A_383 = tpu.memref_slice %arg2[%dma_wait3A_381, %dma_wait3A_382] : memref<10000x16xf32, #tpu.memory_space<hbm>> -> memref<125x16xf32, #tpu.memory_space<hbm>>
    tpu.wait_dma2 semaphore(%dma_wait3A_376 : memref<!tpu.dma_semaphore, #tpu.memory_space<semaphore_mem>>) src(%dma_wait3A_383 : memref<125x16xf32, #tpu.memory_space<hbm>>) dst(%dma_wait3A_380 : memref<125x16xf32, #tpu.memory_space<vmem>>)
    %dma_wait3A_384 = arith.constant 0 : i32
    %dma_wait3A_385 = arith.constant 1 : i32
    %dma_wait3A_386 = arith.constant 2 : i32
    %dma_wait3A_387 = arith.constant 0 : i32
    %dma_wait3A_388 = arith.constant 0 : i32
    %dma_wait3A_389 = tpu.memref_slice %arg8[%dma_wait3A_384, %dma_wait3A_385, %dma_wait3A_387, %dma_wait3A_388] : memref<4x5x125x16xf32, #tpu.memory_space<vmem>> -> memref<1x1x125x16xf32, #tpu.memory_space<vmem>>
    %dma_wait3A_390 = tpu.memref_squeeze %dma_wait3A_389 : memref<1x1x125x16xf32, #tpu.memory_space<vmem>> -> memref<125x16xf32, #tpu.memory_space<vmem>>
    %dma_wait3A_391 = arith.constant 0 : i32
    %dma_wait3A_392 = arith.constant 0 : i32
    %dma_wait3A_393 = tpu.memref_slice %arg2[%dma_wait3A_391, %dma_wait3A_392] : memref<10000x16xf32, #tpu.memory_space<hbm>> -> memref<125x16xf32, #tpu.memory_space<hbm>>
    %dma_wait3A_394 = tpu.memref_slice %arg11[%dma_wait3A_386] : memref<4x!tpu.dma_semaphore, #tpu.memory_space<semaphore_mem>> -> memref<1x!tpu.dma_semaphore, #tpu.memory_space<semaphore_mem>>
    %dma_wait3A_395 = tpu.memref_squeeze %dma_wait3A_394 : memref<1x!tpu.dma_semaphore, #tpu.memory_space<semaphore_mem>> -> memref<!tpu.dma_semaphore, #tpu.memory_space<semaphore_mem>>
    %dma_wait3A_396 = arith.constant 0 : i32
    %dma_wait3A_397 = arith.constant 0 : i32
    %dma_wait3A_398 = tpu.memref_slice %arg8[%dma_wait3A_384, %dma_wait3A_385, %dma_wait3A_396, %dma_wait3A_397] : memref<4x5x125x16xf32, #tpu.memory_space<vmem>> -> memref<1x1x125x16xf32, #tpu.memory_space<vmem>>
    %dma_wait3A_399 = tpu.memref_squeeze %dma_wait3A_398 : memref<1x1x125x16xf32, #tpu.memory_space<vmem>> -> memref<125x16xf32, #tpu.memory_space<vmem>>
    %dma_wait3A_400 = arith.constant 0 : i32
    %dma_wait3A_401 = arith.constant 0 : i32
    %dma_wait3A_402 = tpu.memref_slice %arg2[%dma_wait3A_400, %dma_wait3A_401] : memref<10000x16xf32, #tpu.memory_space<hbm>> -> memref<125x16xf32, #tpu.memory_space<hbm>>
    tpu.wait_dma2 semaphore(%dma_wait3A_395 : memref<!tpu.dma_semaphore, #tpu.memory_space<semaphore_mem>>) src(%dma_wait3A_402 : memref<125x16xf32, #tpu.memory_space<hbm>>) dst(%dma_wait3A_399 : memref<125x16xf32, #tpu.memory_space<vmem>>)
    %dma_wait3A_403 = arith.constant 0 : i32
    %dma_wait3A_404 = arith.constant 2 : i32
    %dma_wait3A_405 = arith.constant 2 : i32
    %dma_wait3A_406 = arith.constant 0 : i32
    %dma_wait3A_407 = arith.constant 0 : i32
    %dma_wait3A_408 = tpu.memref_slice %arg8[%dma_wait3A_403, %dma_wait3A_404, %dma_wait3A_406, %dma_wait3A_407] : memref<4x5x125x16xf32, #tpu.memory_space<vmem>> -> memref<1x1x125x16xf32, #tpu.memory_space<vmem>>
    %dma_wait3A_409 = tpu.memref_squeeze %dma_wait3A_408 : memref<1x1x125x16xf32, #tpu.memory_space<vmem>> -> memref<125x16xf32, #tpu.memory_space<vmem>>
    %dma_wait3A_410 = arith.constant 0 : i32
    %dma_wait3A_411 = arith.constant 0 : i32
    %dma_wait3A_412 = tpu.memref_slice %arg2[%dma_wait3A_410, %dma_wait3A_411] : memref<10000x16xf32, #tpu.memory_space<hbm>> -> memref<125x16xf32, #tpu.memory_space<hbm>>
    %dma_wait3A_413 = tpu.memref_slice %arg11[%dma_wait3A_405] : memref<4x!tpu.dma_semaphore, #tpu.memory_space<semaphore_mem>> -> memref<1x!tpu.dma_semaphore, #tpu.memory_space<semaphore_mem>>
    %dma_wait3A_414 = tpu.memref_squeeze %dma_wait3A_413 : memref<1x!tpu.dma_semaphore, #tpu.memory_space<semaphore_mem>> -> memref<!tpu.dma_semaphore, #tpu.memory_space<semaphore_mem>>
    %dma_wait3A_415 = arith.constant 0 : i32
    %dma_wait3A_416 = arith.constant 0 : i32
    %dma_wait3A_417 = tpu.memref_slice %arg8[%dma_wait3A_403, %dma_wait3A_404, %dma_wait3A_415, %dma_wait3A_416] : memref<4x5x125x16xf32, #tpu.memory_space<vmem>> -> memref<1x1x125x16xf32, #tpu.memory_space<vmem>>
    %dma_wait3A_418 = tpu.memref_squeeze %dma_wait3A_417 : memref<1x1x125x16xf32, #tpu.memory_space<vmem>> -> memref<125x16xf32, #tpu.memory_space<vmem>>
    %dma_wait3A_419 = arith.constant 0 : i32
    %dma_wait3A_420 = arith.constant 0 : i32
    %dma_wait3A_421 = tpu.memref_slice %arg2[%dma_wait3A_419, %dma_wait3A_420] : memref<10000x16xf32, #tpu.memory_space<hbm>> -> memref<125x16xf32, #tpu.memory_space<hbm>>
    tpu.wait_dma2 semaphore(%dma_wait3A_414 : memref<!tpu.dma_semaphore, #tpu.memory_space<semaphore_mem>>) src(%dma_wait3A_421 : memref<125x16xf32, #tpu.memory_space<hbm>>) dst(%dma_wait3A_418 : memref<125x16xf32, #tpu.memory_space<vmem>>)
    %dma_wait3A_422 = arith.constant 0 : i32
    %dma_wait3A_423 = arith.constant 3 : i32
    %dma_wait3A_424 = arith.constant 2 : i32
    %dma_wait3A_425 = arith.constant 0 : i32
    %dma_wait3A_426 = arith.constant 0 : i32
    %dma_wait3A_427 = tpu.memref_slice %arg8[%dma_wait3A_422, %dma_wait3A_423, %dma_wait3A_425, %dma_wait3A_426] : memref<4x5x125x16xf32, #tpu.memory_space<vmem>> -> memref<1x1x125x16xf32, #tpu.memory_space<vmem>>
    %dma_wait3A_428 = tpu.memref_squeeze %dma_wait3A_427 : memref<1x1x125x16xf32, #tpu.memory_space<vmem>> -> memref<125x16xf32, #tpu.memory_space<vmem>>
    %dma_wait3A_429 = arith.constant 0 : i32
    %dma_wait3A_430 = arith.constant 0 : i32
    %dma_wait3A_431 = tpu.memref_slice %arg2[%dma_wait3A_429, %dma_wait3A_430] : memref<10000x16xf32, #tpu.memory_space<hbm>> -> memref<125x16xf32, #tpu.memory_space<hbm>>
    %dma_wait3A_432 = tpu.memref_slice %arg11[%dma_wait3A_424] : memref<4x!tpu.dma_semaphore, #tpu.memory_space<semaphore_mem>> -> memref<1x!tpu.dma_semaphore, #tpu.memory_space<semaphore_mem>>
    %dma_wait3A_433 = tpu.memref_squeeze %dma_wait3A_432 : memref<1x!tpu.dma_semaphore, #tpu.memory_space<semaphore_mem>> -> memref<!tpu.dma_semaphore, #tpu.memory_space<semaphore_mem>>
    %dma_wait3A_434 = arith.constant 0 : i32
    %dma_wait3A_435 = arith.constant 0 : i32
    %dma_wait3A_436 = tpu.memref_slice %arg8[%dma_wait3A_422, %dma_wait3A_423, %dma_wait3A_434, %dma_wait3A_435] : memref<4x5x125x16xf32, #tpu.memory_space<vmem>> -> memref<1x1x125x16xf32, #tpu.memory_space<vmem>>
    %dma_wait3A_437 = tpu.memref_squeeze %dma_wait3A_436 : memref<1x1x125x16xf32, #tpu.memory_space<vmem>> -> memref<125x16xf32, #tpu.memory_space<vmem>>
    %dma_wait3A_438 = arith.constant 0 : i32
    %dma_wait3A_439 = arith.constant 0 : i32
    %dma_wait3A_440 = tpu.memref_slice %arg2[%dma_wait3A_438, %dma_wait3A_439] : memref<10000x16xf32, #tpu.memory_space<hbm>> -> memref<125x16xf32, #tpu.memory_space<hbm>>
    tpu.wait_dma2 semaphore(%dma_wait3A_433 : memref<!tpu.dma_semaphore, #tpu.memory_space<semaphore_mem>>) src(%dma_wait3A_440 : memref<125x16xf32, #tpu.memory_space<hbm>>) dst(%dma_wait3A_437 : memref<125x16xf32, #tpu.memory_space<vmem>>)
    %dma_wait3A_441 = arith.constant 0 : i32
    %dma_wait3A_442 = arith.constant 4 : i32
    %dma_wait3A_443 = arith.constant 2 : i32
    %dma_wait3A_444 = arith.constant 0 : i32
    %dma_wait3A_445 = arith.constant 0 : i32
    %dma_wait3A_446 = tpu.memref_slice %arg8[%dma_wait3A_441, %dma_wait3A_442, %dma_wait3A_444, %dma_wait3A_445] : memref<4x5x125x16xf32, #tpu.memory_space<vmem>> -> memref<1x1x125x16xf32, #tpu.memory_space<vmem>>
    %dma_wait3A_447 = tpu.memref_squeeze %dma_wait3A_446 : memref<1x1x125x16xf32, #tpu.memory_space<vmem>> -> memref<125x16xf32, #tpu.memory_space<vmem>>
    %dma_wait3A_448 = arith.constant 0 : i32
    %dma_wait3A_449 = arith.constant 0 : i32
    %dma_wait3A_450 = tpu.memref_slice %arg2[%dma_wait3A_448, %dma_wait3A_449] : memref<10000x16xf32, #tpu.memory_space<hbm>> -> memref<125x16xf32, #tpu.memory_space<hbm>>
    %dma_wait3A_451 = tpu.memref_slice %arg11[%dma_wait3A_443] : memref<4x!tpu.dma_semaphore, #tpu.memory_space<semaphore_mem>> -> memref<1x!tpu.dma_semaphore, #tpu.memory_space<semaphore_mem>>
    %dma_wait3A_452 = tpu.memref_squeeze %dma_wait3A_451 : memref<1x!tpu.dma_semaphore, #tpu.memory_space<semaphore_mem>> -> memref<!tpu.dma_semaphore, #tpu.memory_space<semaphore_mem>>
    %dma_wait3A_453 = arith.constant 0 : i32
    %dma_wait3A_454 = arith.constant 0 : i32
    %dma_wait3A_455 = tpu.memref_slice %arg8[%dma_wait3A_441, %dma_wait3A_442, %dma_wait3A_453, %dma_wait3A_454] : memref<4x5x125x16xf32, #tpu.memory_space<vmem>> -> memref<1x1x125x16xf32, #tpu.memory_space<vmem>>
    %dma_wait3A_456 = tpu.memref_squeeze %dma_wait3A_455 : memref<1x1x125x16xf32, #tpu.memory_space<vmem>> -> memref<125x16xf32, #tpu.memory_space<vmem>>
    %dma_wait3A_457 = arith.constant 0 : i32
    %dma_wait3A_458 = arith.constant 0 : i32
    %dma_wait3A_459 = tpu.memref_slice %arg2[%dma_wait3A_457, %dma_wait3A_458] : memref<10000x16xf32, #tpu.memory_space<hbm>> -> memref<125x16xf32, #tpu.memory_space<hbm>>
    tpu.wait_dma2 semaphore(%dma_wait3A_452 : memref<!tpu.dma_semaphore, #tpu.memory_space<semaphore_mem>>) src(%dma_wait3A_459 : memref<125x16xf32, #tpu.memory_space<hbm>>) dst(%dma_wait3A_456 : memref<125x16xf32, #tpu.memory_space<vmem>>)
    %dma_wait3A_460 = arith.constant 0 : i32
    %dma_wait3A_461 = arith.constant 0 : i32
    %dma_wait3A_462 = arith.constant 3 : i32
    %dma_wait3A_463 = arith.constant 0 : i32
    %dma_wait3A_464 = arith.constant 0 : i32
    %dma_wait3A_465 = tpu.memref_slice %arg8[%dma_wait3A_460, %dma_wait3A_461, %dma_wait3A_463, %dma_wait3A_464] : memref<4x5x125x16xf32, #tpu.memory_space<vmem>> -> memref<1x1x125x16xf32, #tpu.memory_space<vmem>>
    %dma_wait3A_466 = tpu.memref_squeeze %dma_wait3A_465 : memref<1x1x125x16xf32, #tpu.memory_space<vmem>> -> memref<125x16xf32, #tpu.memory_space<vmem>>
    %dma_wait3A_467 = arith.constant 0 : i32
    %dma_wait3A_468 = arith.constant 0 : i32
    %dma_wait3A_469 = tpu.memref_slice %arg2[%dma_wait3A_467, %dma_wait3A_468] : memref<10000x16xf32, #tpu.memory_space<hbm>> -> memref<125x16xf32, #tpu.memory_space<hbm>>
    %dma_wait3A_470 = tpu.memref_slice %arg11[%dma_wait3A_462] : memref<4x!tpu.dma_semaphore, #tpu.memory_space<semaphore_mem>> -> memref<1x!tpu.dma_semaphore, #tpu.memory_space<semaphore_mem>>
    %dma_wait3A_471 = tpu.memref_squeeze %dma_wait3A_470 : memref<1x!tpu.dma_semaphore, #tpu.memory_space<semaphore_mem>> -> memref<!tpu.dma_semaphore, #tpu.memory_space<semaphore_mem>>
    %dma_wait3A_472 = arith.constant 0 : i32
    %dma_wait3A_473 = arith.constant 0 : i32
    %dma_wait3A_474 = tpu.memref_slice %arg8[%dma_wait3A_460, %dma_wait3A_461, %dma_wait3A_472, %dma_wait3A_473] : memref<4x5x125x16xf32, #tpu.memory_space<vmem>> -> memref<1x1x125x16xf32, #tpu.memory_space<vmem>>
    %dma_wait3A_475 = tpu.memref_squeeze %dma_wait3A_474 : memref<1x1x125x16xf32, #tpu.memory_space<vmem>> -> memref<125x16xf32, #tpu.memory_space<vmem>>
    %dma_wait3A_476 = arith.constant 0 : i32
    %dma_wait3A_477 = arith.constant 0 : i32
    %dma_wait3A_478 = tpu.memref_slice %arg2[%dma_wait3A_476, %dma_wait3A_477] : memref<10000x16xf32, #tpu.memory_space<hbm>> -> memref<125x16xf32, #tpu.memory_space<hbm>>
    tpu.wait_dma2 semaphore(%dma_wait3A_471 : memref<!tpu.dma_semaphore, #tpu.memory_space<semaphore_mem>>) src(%dma_wait3A_478 : memref<125x16xf32, #tpu.memory_space<hbm>>) dst(%dma_wait3A_475 : memref<125x16xf32, #tpu.memory_space<vmem>>)
    %dma_wait3A_479 = arith.constant 0 : i32
    %dma_wait3A_480 = arith.constant 1 : i32
    %dma_wait3A_481 = arith.constant 3 : i32
    %dma_wait3A_482 = arith.constant 0 : i32
    %dma_wait3A_483 = arith.constant 0 : i32
    %dma_wait3A_484 = tpu.memref_slice %arg8[%dma_wait3A_479, %dma_wait3A_480, %dma_wait3A_482, %dma_wait3A_483] : memref<4x5x125x16xf32, #tpu.memory_space<vmem>> -> memref<1x1x125x16xf32, #tpu.memory_space<vmem>>
    %dma_wait3A_485 = tpu.memref_squeeze %dma_wait3A_484 : memref<1x1x125x16xf32, #tpu.memory_space<vmem>> -> memref<125x16xf32, #tpu.memory_space<vmem>>
    %dma_wait3A_486 = arith.constant 0 : i32
    %dma_wait3A_487 = arith.constant 0 : i32
    %dma_wait3A_488 = tpu.memref_slice %arg2[%dma_wait3A_486, %dma_wait3A_487] : memref<10000x16xf32, #tpu.memory_space<hbm>> -> memref<125x16xf32, #tpu.memory_space<hbm>>
    %dma_wait3A_489 = tpu.memref_slice %arg11[%dma_wait3A_481] : memref<4x!tpu.dma_semaphore, #tpu.memory_space<semaphore_mem>> -> memref<1x!tpu.dma_semaphore, #tpu.memory_space<semaphore_mem>>
    %dma_wait3A_490 = tpu.memref_squeeze %dma_wait3A_489 : memref<1x!tpu.dma_semaphore, #tpu.memory_space<semaphore_mem>> -> memref<!tpu.dma_semaphore, #tpu.memory_space<semaphore_mem>>
    %dma_wait3A_491 = arith.constant 0 : i32
    %dma_wait3A_492 = arith.constant 0 : i32
    %dma_wait3A_493 = tpu.memref_slice %arg8[%dma_wait3A_479, %dma_wait3A_480, %dma_wait3A_491, %dma_wait3A_492] : memref<4x5x125x16xf32, #tpu.memory_space<vmem>> -> memref<1x1x125x16xf32, #tpu.memory_space<vmem>>
    %dma_wait3A_494 = tpu.memref_squeeze %dma_wait3A_493 : memref<1x1x125x16xf32, #tpu.memory_space<vmem>> -> memref<125x16xf32, #tpu.memory_space<vmem>>
    %dma_wait3A_495 = arith.constant 0 : i32
    %dma_wait3A_496 = arith.constant 0 : i32
    %dma_wait3A_497 = tpu.memref_slice %arg2[%dma_wait3A_495, %dma_wait3A_496] : memref<10000x16xf32, #tpu.memory_space<hbm>> -> memref<125x16xf32, #tpu.memory_space<hbm>>
    tpu.wait_dma2 semaphore(%dma_wait3A_490 : memref<!tpu.dma_semaphore, #tpu.memory_space<semaphore_mem>>) src(%dma_wait3A_497 : memref<125x16xf32, #tpu.memory_space<hbm>>) dst(%dma_wait3A_494 : memref<125x16xf32, #tpu.memory_space<vmem>>)
    %dma_wait3A_498 = arith.constant 0 : i32
    %dma_wait3A_499 = arith.constant 2 : i32
    %dma_wait3A_500 = arith.constant 3 : i32
    %dma_wait3A_501 = arith.constant 0 : i32
    %dma_wait3A_502 = arith.constant 0 : i32
    %dma_wait3A_503 = tpu.memref_slice %arg8[%dma_wait3A_498, %dma_wait3A_499, %dma_wait3A_501, %dma_wait3A_502] : memref<4x5x125x16xf32, #tpu.memory_space<vmem>> -> memref<1x1x125x16xf32, #tpu.memory_space<vmem>>
    %dma_wait3A_504 = tpu.memref_squeeze %dma_wait3A_503 : memref<1x1x125x16xf32, #tpu.memory_space<vmem>> -> memref<125x16xf32, #tpu.memory_space<vmem>>
    %dma_wait3A_505 = arith.constant 0 : i32
    %dma_wait3A_506 = arith.constant 0 : i32
    %dma_wait3A_507 = tpu.memref_slice %arg2[%dma_wait3A_505, %dma_wait3A_506] : memref<10000x16xf32, #tpu.memory_space<hbm>> -> memref<125x16xf32, #tpu.memory_space<hbm>>
    %dma_wait3A_508 = tpu.memref_slice %arg11[%dma_wait3A_500] : memref<4x!tpu.dma_semaphore, #tpu.memory_space<semaphore_mem>> -> memref<1x!tpu.dma_semaphore, #tpu.memory_space<semaphore_mem>>
    %dma_wait3A_509 = tpu.memref_squeeze %dma_wait3A_508 : memref<1x!tpu.dma_semaphore, #tpu.memory_space<semaphore_mem>> -> memref<!tpu.dma_semaphore, #tpu.memory_space<semaphore_mem>>
    %dma_wait3A_510 = arith.constant 0 : i32
    %dma_wait3A_511 = arith.constant 0 : i32
    %dma_wait3A_512 = tpu.memref_slice %arg8[%dma_wait3A_498, %dma_wait3A_499, %dma_wait3A_510, %dma_wait3A_511] : memref<4x5x125x16xf32, #tpu.memory_space<vmem>> -> memref<1x1x125x16xf32, #tpu.memory_space<vmem>>
    %dma_wait3A_513 = tpu.memref_squeeze %dma_wait3A_512 : memref<1x1x125x16xf32, #tpu.memory_space<vmem>> -> memref<125x16xf32, #tpu.memory_space<vmem>>
    %dma_wait3A_514 = arith.constant 0 : i32
    %dma_wait3A_515 = arith.constant 0 : i32
    %dma_wait3A_516 = tpu.memref_slice %arg2[%dma_wait3A_514, %dma_wait3A_515] : memref<10000x16xf32, #tpu.memory_space<hbm>> -> memref<125x16xf32, #tpu.memory_space<hbm>>
    tpu.wait_dma2 semaphore(%dma_wait3A_509 : memref<!tpu.dma_semaphore, #tpu.memory_space<semaphore_mem>>) src(%dma_wait3A_516 : memref<125x16xf32, #tpu.memory_space<hbm>>) dst(%dma_wait3A_513 : memref<125x16xf32, #tpu.memory_space<vmem>>)
    %dma_wait3A_517 = arith.constant 0 : i32
    %dma_wait3A_518 = arith.constant 3 : i32
    %dma_wait3A_519 = arith.constant 3 : i32
    %dma_wait3A_520 = arith.constant 0 : i32
    %dma_wait3A_521 = arith.constant 0 : i32
    %dma_wait3A_522 = tpu.memref_slice %arg8[%dma_wait3A_517, %dma_wait3A_518, %dma_wait3A_520, %dma_wait3A_521] : memref<4x5x125x16xf32, #tpu.memory_space<vmem>> -> memref<1x1x125x16xf32, #tpu.memory_space<vmem>>
    %dma_wait3A_523 = tpu.memref_squeeze %dma_wait3A_522 : memref<1x1x125x16xf32, #tpu.memory_space<vmem>> -> memref<125x16xf32, #tpu.memory_space<vmem>>
    %dma_wait3A_524 = arith.constant 0 : i32
    %dma_wait3A_525 = arith.constant 0 : i32
    %dma_wait3A_526 = tpu.memref_slice %arg2[%dma_wait3A_524, %dma_wait3A_525] : memref<10000x16xf32, #tpu.memory_space<hbm>> -> memref<125x16xf32, #tpu.memory_space<hbm>>
    %dma_wait3A_527 = tpu.memref_slice %arg11[%dma_wait3A_519] : memref<4x!tpu.dma_semaphore, #tpu.memory_space<semaphore_mem>> -> memref<1x!tpu.dma_semaphore, #tpu.memory_space<semaphore_mem>>
    %dma_wait3A_528 = tpu.memref_squeeze %dma_wait3A_527 : memref<1x!tpu.dma_semaphore, #tpu.memory_space<semaphore_mem>> -> memref<!tpu.dma_semaphore, #tpu.memory_space<semaphore_mem>>
    %dma_wait3A_529 = arith.constant 0 : i32
    %dma_wait3A_530 = arith.constant 0 : i32
    %dma_wait3A_531 = tpu.memref_slice %arg8[%dma_wait3A_517, %dma_wait3A_518, %dma_wait3A_529, %dma_wait3A_530] : memref<4x5x125x16xf32, #tpu.memory_space<vmem>> -> memref<1x1x125x16xf32, #tpu.memory_space<vmem>>
    %dma_wait3A_532 = tpu.memref_squeeze %dma_wait3A_531 : memref<1x1x125x16xf32, #tpu.memory_space<vmem>> -> memref<125x16xf32, #tpu.memory_space<vmem>>
    %dma_wait3A_533 = arith.constant 0 : i32
    %dma_wait3A_534 = arith.constant 0 : i32
    %dma_wait3A_535 = tpu.memref_slice %arg2[%dma_wait3A_533, %dma_wait3A_534] : memref<10000x16xf32, #tpu.memory_space<hbm>> -> memref<125x16xf32, #tpu.memory_space<hbm>>
    tpu.wait_dma2 semaphore(%dma_wait3A_528 : memref<!tpu.dma_semaphore, #tpu.memory_space<semaphore_mem>>) src(%dma_wait3A_535 : memref<125x16xf32, #tpu.memory_space<hbm>>) dst(%dma_wait3A_532 : memref<125x16xf32, #tpu.memory_space<vmem>>)
    %dma_wait3A_536 = arith.constant 0 : i32
    %dma_wait3A_537 = arith.constant 4 : i32
    %dma_wait3A_538 = arith.constant 3 : i32
    %dma_wait3A_539 = arith.constant 0 : i32
    %dma_wait3A_540 = arith.constant 0 : i32
    %dma_wait3A_541 = tpu.memref_slice %arg8[%dma_wait3A_536, %dma_wait3A_537, %dma_wait3A_539, %dma_wait3A_540] : memref<4x5x125x16xf32, #tpu.memory_space<vmem>> -> memref<1x1x125x16xf32, #tpu.memory_space<vmem>>
    %dma_wait3A_542 = tpu.memref_squeeze %dma_wait3A_541 : memref<1x1x125x16xf32, #tpu.memory_space<vmem>> -> memref<125x16xf32, #tpu.memory_space<vmem>>
    %dma_wait3A_543 = arith.constant 0 : i32
    %dma_wait3A_544 = arith.constant 0 : i32
    %dma_wait3A_545 = tpu.memref_slice %arg2[%dma_wait3A_543, %dma_wait3A_544] : memref<10000x16xf32, #tpu.memory_space<hbm>> -> memref<125x16xf32, #tpu.memory_space<hbm>>
    %dma_wait3A_546 = tpu.memref_slice %arg11[%dma_wait3A_538] : memref<4x!tpu.dma_semaphore, #tpu.memory_space<semaphore_mem>> -> memref<1x!tpu.dma_semaphore, #tpu.memory_space<semaphore_mem>>
    %dma_wait3A_547 = tpu.memref_squeeze %dma_wait3A_546 : memref<1x!tpu.dma_semaphore, #tpu.memory_space<semaphore_mem>> -> memref<!tpu.dma_semaphore, #tpu.memory_space<semaphore_mem>>
    %dma_wait3A_548 = arith.constant 0 : i32
    %dma_wait3A_549 = arith.constant 0 : i32
    %dma_wait3A_550 = tpu.memref_slice %arg8[%dma_wait3A_536, %dma_wait3A_537, %dma_wait3A_548, %dma_wait3A_549] : memref<4x5x125x16xf32, #tpu.memory_space<vmem>> -> memref<1x1x125x16xf32, #tpu.memory_space<vmem>>
    %dma_wait3A_551 = tpu.memref_squeeze %dma_wait3A_550 : memref<1x1x125x16xf32, #tpu.memory_space<vmem>> -> memref<125x16xf32, #tpu.memory_space<vmem>>
    %dma_wait3A_552 = arith.constant 0 : i32
    %dma_wait3A_553 = arith.constant 0 : i32
    %dma_wait3A_554 = tpu.memref_slice %arg2[%dma_wait3A_552, %dma_wait3A_553] : memref<10000x16xf32, #tpu.memory_space<hbm>> -> memref<125x16xf32, #tpu.memory_space<hbm>>
    tpu.wait_dma2 semaphore(%dma_wait3A_547 : memref<!tpu.dma_semaphore, #tpu.memory_space<semaphore_mem>>) src(%dma_wait3A_554 : memref<125x16xf32, #tpu.memory_space<hbm>>) dst(%dma_wait3A_551 : memref<125x16xf32, #tpu.memory_space<vmem>>)
    %barrier3A_555 = arith.constant 0 : index
    tpu.barrier barrier_id(%barrier3A_555)
    %scan3A_556 = arith.constant 0 : i32
    %scan3A_557 = arith.constant 0 : i32
    %scan3A_558 = arith.constant 8 : i32
    %scan3A_559 = arith.addi %scan3A_557, %scan3A_558 : i32
    %scan3A_560 = arith.constant 1 : i32
    %scan3A_561 = scf.for %scan3A_563 = %scan3A_557 to %scan3A_559 step %scan3A_560 iter_args(%scan3A_564 = %scan3A_556) -> (i32)  : i32 {
      %mul3A_565 = arith.constant 16 : i32
      %mul3A_566 = arith.muli %scan3A_563, %mul3A_565 : i32
      %add3A_567 = arith.addi %mul3A_566, %arg1 : i32
      %lt3A = arith.constant 125 : i32
      %lt3A_568 = arith.cmpi slt, %add3A_567, %lt3A : i32
      %convert_element_type3A = arith.extui %lt3A_568 : i1 to i32
      %cond3A = arith.constant 0 : i32
      %cond3A_569 = arith.cmpi ne, %convert_element_type3A, %cond3A : i32
      scf.if %cond3A_569 {
        %mul3A_571 = arith.constant 80 : i32
        %mul3A_572 = arith.muli %add3A_567, %mul3A_571 : i32
        %mul3A_573 = arith.constant 80 : i32
        %mul3A_574 = arith.muli %add3A_567, %mul3A_573 : i32
        "tpu.region"() ({
          %run_scoped3A_575 = tpu.sem_alloc : memref<!tpu.dma_semaphore, #tpu.memory_space<semaphore_mem>>
          %dma_start3A_576 = arith.constant 0 : i32
          %dma_start3A_577 = tpu.memref_slice %arg5[%arg0, %mul3A_572, %dma_start3A_576] : memref<2x10000x128xf32, #tpu.memory_space<hbm>> -> memref<1x80x16xf32, #tpu.memory_space<hbm>>
          %dma_start3A_578 = tpu.memref_squeeze %dma_start3A_577 : memref<1x80x16xf32, #tpu.memory_space<hbm>> -> memref<80x16xf32, #tpu.memory_space<hbm>>
          %dma_start3A_579 = arith.constant 0 : i32
          %dma_start3A_580 = tpu.memref_slice %arg9[%mul3A_574, %dma_start3A_579] : memref<10000x16xf32, #tpu.memory_space<vmem_shared>> -> memref<80x16xf32, #tpu.memory_space<vmem_shared>>
          tpu.enqueue_dma source(%dma_start3A_580 : memref<80x16xf32, #tpu.memory_space<vmem_shared>>) target(%dma_start3A_578 : memref<80x16xf32, #tpu.memory_space<hbm>>) target_semaphore(%run_scoped3A_575 : memref<!tpu.dma_semaphore, #tpu.memory_space<semaphore_mem>>)
          %dma_wait3A_581 = arith.constant 0 : i32
          %dma_wait3A_582 = tpu.memref_slice %arg5[%arg0, %mul3A_572, %dma_wait3A_581] : memref<2x10000x128xf32, #tpu.memory_space<hbm>> -> memref<1x80x16xf32, #tpu.memory_space<hbm>>
          %dma_wait3A_583 = tpu.memref_squeeze %dma_wait3A_582 : memref<1x80x16xf32, #tpu.memory_space<hbm>> -> memref<80x16xf32, #tpu.memory_space<hbm>>
          %dma_wait3A_584 = arith.constant 0 : i32
          %dma_wait3A_585 = tpu.memref_slice %arg9[%mul3A_574, %dma_wait3A_584] : memref<10000x16xf32, #tpu.memory_space<vmem_shared>> -> memref<80x16xf32, #tpu.memory_space<vmem_shared>>
          tpu.wait_dma2 semaphore(%run_scoped3A_575 : memref<!tpu.dma_semaphore, #tpu.memory_space<semaphore_mem>>) src(%dma_wait3A_585 : memref<80x16xf32, #tpu.memory_space<vmem_shared>>) dst(%dma_wait3A_583 : memref<80x16xf32, #tpu.memory_space<hbm>>)
          tpu.yield
        }) : () -> ()
      } else {
      }
      %scan3A_570 = arith.constant 0 : i32
      scf.yield %scan3A_570 : i32
    }
    %scan3A_562 = arith.constant 8 : i32
    return
  }
}

module attributes {stable_mosaic.version = 14 : i64} {
  func.func @body(%arg0: i32, %arg1: memref<1x2000x128xf32, #tpu.memory_space<vmem>>, %arg2: memref<1x2000x128xf32, #tpu.memory_space<vmem>>, %arg3: memref<2000x128xf32, #tpu.memory_space<vmem>>, %arg4: memref<2000x1xf32, #tpu.memory_space<vmem>>, %arg5: memref<128x256xf32, #tpu.memory_space<vmem>>, %arg6: memref<1x256xf32, #tpu.memory_space<vmem>>, %arg7: memref<256x5xf32, #tpu.memory_space<vmem>>, %arg8: memref<2000x16xf32, #tpu.memory_space<vmem>>) attributes {dimension_semantics = [#tpu.dimension_semantics<arbitrary>], iteration_bounds = array<i64: 5>, scalar_prefetch = 0 : i64, scratch_operands = 0 : i64, tpu.core_type = #tpu.core_type<tc>, window_params = [{transform_indices = @transform_0, window_bounds = array<i64: 1, 2000, 128>}, {transform_indices = @transform_1, window_bounds = array<i64: 1, 2000, 128>}, {transform_indices = @transform_2, window_bounds = array<i64: 2000, 128>}, {transform_indices = @transform_3, window_bounds = array<i64: 2000, 1>}, {pipeline_mode = #tpu.pipeline_mode<synchronous>, transform_indices = @transform_4, window_bounds = array<i64: 128, 256>}, {pipeline_mode = #tpu.pipeline_mode<synchronous>, transform_indices = @transform_5, window_bounds = array<i64: 1, 256>}, {pipeline_mode = #tpu.pipeline_mode<synchronous>, transform_indices = @transform_6, window_bounds = array<i64: 256, 5>}, {transform_indices = @transform_7, window_bounds = array<i64: 2000, 16>}]} {
    %get3A = arith.constant 0 : index
    %get3A_0 = arith.constant 0 : index
    %get3A_1 = vector.load %arg4[%get3A, %get3A_0] : memref<2000x1xf32, #tpu.memory_space<vmem>>, vector<2000x1xf32>
    %get3A_2 = arith.constant 0 : index
    %get3A_3 = arith.constant 0 : index
    %get3A_4 = arith.constant 0 : index
    %get3A_5 = vector.load %arg1[%get3A_2, %get3A_3, %get3A_4] : memref<1x2000x128xf32, #tpu.memory_space<vmem>>, vector<1x2000x128xf32>
    %get3A_6 = vector.shape_cast %get3A_5 : vector<1x2000x128xf32> to vector<2000x128xf32>
    %get3A_7 = arith.constant 0 : index
    %get3A_8 = arith.constant 0 : index
    %get3A_9 = arith.constant 0 : index
    %get3A_10 = vector.load %arg2[%get3A_7, %get3A_8, %get3A_9] : memref<1x2000x128xf32, #tpu.memory_space<vmem>>, vector<1x2000x128xf32>
    %get3A_11 = vector.shape_cast %get3A_10 : vector<1x2000x128xf32> to vector<2000x128xf32>
    %add3A = arith.addf %get3A_6, %get3A_11 : vector<2000x128xf32>
    %get3A_12 = arith.constant 0 : index
    %get3A_13 = arith.constant 0 : index
    %get3A_14 = vector.load %arg3[%get3A_12, %get3A_13] : memref<2000x128xf32, #tpu.memory_space<vmem>>, vector<2000x128xf32>
    %add3A_15 = arith.addf %add3A, %get3A_14 : vector<2000x128xf32>
    %mul3A = vector.broadcast %get3A_1 : vector<2000x1xf32> to vector<2000x128xf32>
    %mul3A_16 = arith.mulf %add3A_15, %mul3A : vector<2000x128xf32>
    %get3A_17 = arith.constant 0 : index
    %get3A_18 = arith.constant 0 : index
    %get3A_19 = vector.load %arg5[%get3A_17, %get3A_18] : memref<128x256xf32, #tpu.memory_space<vmem>>, vector<128x256xf32>
    %dot_general3A = arith.constant dense<0.000000e+00> : vector<2000x256xf32>
    %dot_general3A_20 = tpu.matmul %mul3A_16, %get3A_19, %dot_general3A {dimension_numbers = #tpu.dot_dimension_numbers<[1], [0], [0], [1], [0, 0, 1, 1], [], []>, transpose_lhs_hint = false} : vector<2000x128xf32>, vector<128x256xf32>, vector<2000x256xf32> -> vector<2000x256xf32>
    %get3A_21 = arith.constant 0 : index
    %get3A_22 = arith.constant 0 : index
    %get3A_23 = vector.load %arg6[%get3A_21, %get3A_22] : memref<1x256xf32, #tpu.memory_space<vmem>>, vector<1x256xf32>
    %add3A_24 = vector.broadcast %get3A_23 : vector<1x256xf32> to vector<2000x256xf32>
    %add3A_25 = arith.addf %dot_general3A_20, %add3A_24 : vector<2000x256xf32>
    %max3A = arith.constant 0.000000e+00 : f32
    %max3A_26 = vector.broadcast %max3A : f32 to vector<2000x256xf32>
    %max3A_27 = arith.maximumf %add3A_25, %max3A_26 : vector<2000x256xf32>
    %get3A_28 = arith.constant 0 : index
    %get3A_29 = arith.constant 0 : index
    %get3A_30 = vector.load %arg7[%get3A_28, %get3A_29] : memref<256x5xf32, #tpu.memory_space<vmem>>, vector<256x5xf32>
    %dot_general3A_31 = arith.constant dense<0.000000e+00> : vector<2000x5xf32>
    %dot_general3A_32 = tpu.matmul %max3A_27, %get3A_30, %dot_general3A_31 {dimension_numbers = #tpu.dot_dimension_numbers<[1], [0], [0], [1], [0, 0, 1, 1], [], []>, transpose_lhs_hint = false} : vector<2000x256xf32>, vector<256x5xf32>, vector<2000x5xf32> -> vector<2000x5xf32>
    %mul3A_33 = vector.broadcast %get3A_1 : vector<2000x1xf32> to vector<2000x5xf32>
    %mul3A_34 = arith.mulf %dot_general3A_32, %mul3A_33 : vector<2000x5xf32>
    %jit3A = arith.constant 0 : i32
    %convert_element_type3A = arith.sitofp %jit3A : i32 to f32
    %pad3A = vector.broadcast %convert_element_type3A : f32 to vector<2000x11xf32>
    %pad3A_35 = tpu.concatenate %mul3A_34, %pad3A in 1 : vector<2000x5xf32>, vector<2000x11xf32> -> vector<2000x16xf32>
    %swap3A = arith.constant 0 : index
    %swap3A_36 = arith.constant 0 : index
    %swap3A_37 = vector.load %arg8[%swap3A, %swap3A_36] : memref<2000x16xf32, #tpu.memory_space<vmem>>, vector<2000x16xf32>
    tpu.vector_store %arg8[%swap3A, %swap3A_36], %pad3A_35 {strides = array<i32>} : memref<2000x16xf32, #tpu.memory_space<vmem>>, vector<2000x16xf32>,
    return
  }
  func.func @transform_0(%arg0: i32) -> (i32, i32, i32) {
    %c0_i32 = arith.constant 0 : i32
    %c0_i32_0 = arith.constant 0 : i32
    %c0_i32_1 = arith.constant 0 : i32
    return %c0_i32, %arg0, %c0_i32_0 : i32, i32, i32
  }
  func.func @transform_1(%arg0: i32) -> (i32, i32, i32) {
    %c1_i32 = arith.constant 1 : i32
    %c0_i32 = arith.constant 0 : i32
    %c0_i32_0 = arith.constant 0 : i32
    return %c1_i32, %arg0, %c0_i32 : i32, i32, i32
  }
  func.func @transform_2(%arg0: i32) -> (i32, i32) {
    %c0_i32 = arith.constant 0 : i32
    %c0_i32_0 = arith.constant 0 : i32
    return %arg0, %c0_i32 : i32, i32
  }
  func.func @transform_3(%arg0: i32) -> (i32, i32) {
    %c0_i32 = arith.constant 0 : i32
    %c0_i32_0 = arith.constant 0 : i32
    return %arg0, %c0_i32 : i32, i32
  }
  func.func @transform_4(%arg0: i32) -> (i32, i32) {
    %c0_i32 = arith.constant 0 : i32
    %c0_i32_0 = arith.constant 0 : i32
    %c0_i32_1 = arith.constant 0 : i32
    return %c0_i32, %c0_i32_0 : i32, i32
  }
  func.func @transform_5(%arg0: i32) -> (i32, i32) {
    %c0_i32 = arith.constant 0 : i32
    %c0_i32_0 = arith.constant 0 : i32
    %c0_i32_1 = arith.constant 0 : i32
    return %c0_i32, %c0_i32_0 : i32, i32
  }
  func.func @transform_6(%arg0: i32) -> (i32, i32) {
    %c0_i32 = arith.constant 0 : i32
    %c0_i32_0 = arith.constant 0 : i32
    %c0_i32_1 = arith.constant 0 : i32
    return %c0_i32, %c0_i32_0 : i32, i32
  }
  func.func @transform_7(%arg0: i32) -> (i32, i32) {
    %c0_i32 = arith.constant 0 : i32
    %c0_i32_0 = arith.constant 0 : i32
    return %arg0, %c0_i32 : i32, i32
  }
}

module attributes {stable_mosaic.version = 14 : i64} {
  func.func @body(%arg0: i32, %arg1: memref<1x2000x128xf32, #tpu.memory_space<vmem>>, %arg2: memref<1x2000x128xf32, #tpu.memory_space<vmem>>, %arg3: memref<2000x16xf32, #tpu.memory_space<vmem>>, %arg4: memref<2000x1xf32, #tpu.memory_space<vmem>>, %arg5: memref<1x5xf32, #tpu.memory_space<vmem>>, %arg6: memref<2000x5xf32, #tpu.memory_space<vmem>>) attributes {dimension_semantics = [#tpu.dimension_semantics<arbitrary>], iteration_bounds = array<i64: 5>, scalar_prefetch = 0 : i64, scratch_operands = 0 : i64, tpu.core_type = #tpu.core_type<tc>, window_params = [{transform_indices = @transform_0, window_bounds = array<i64: 1, 2000, 128>}, {transform_indices = @transform_1, window_bounds = array<i64: 1, 2000, 128>}, {transform_indices = @transform_2, window_bounds = array<i64: 2000, 16>}, {transform_indices = @transform_3, window_bounds = array<i64: 2000, 1>}, {pipeline_mode = #tpu.pipeline_mode<synchronous>, transform_indices = @transform_4, window_bounds = array<i64: 1, 5>}, {transform_indices = @transform_5, window_bounds = array<i64: 2000, 5>}]} {
    %get3A = arith.constant 0 : index
    %get3A_0 = arith.constant 0 : index
    %get3A_1 = arith.constant 0 : index
    %get3A_2 = vector.load %arg1[%get3A, %get3A_0, %get3A_1] : memref<1x2000x128xf32, #tpu.memory_space<vmem>>, vector<1x2000x16xf32>
    %get3A_3 = vector.shape_cast %get3A_2 : vector<1x2000x16xf32> to vector<2000x16xf32>
    %get3A_4 = arith.constant 0 : index
    %get3A_5 = arith.constant 0 : index
    %get3A_6 = arith.constant 0 : index
    %get3A_7 = vector.load %arg2[%get3A_4, %get3A_5, %get3A_6] : memref<1x2000x128xf32, #tpu.memory_space<vmem>>, vector<1x2000x16xf32>
    %get3A_8 = vector.shape_cast %get3A_7 : vector<1x2000x16xf32> to vector<2000x16xf32>
    %add3A = arith.addf %get3A_3, %get3A_8 : vector<2000x16xf32>
    %get3A_9 = arith.constant 0 : index
    %get3A_10 = arith.constant 0 : index
    %get3A_11 = vector.load %arg3[%get3A_9, %get3A_10] : memref<2000x16xf32, #tpu.memory_space<vmem>>, vector<2000x16xf32>
    %add3A_12 = arith.addf %add3A, %get3A_11 : vector<2000x16xf32>
    %get3A_13 = arith.constant 0 : index
    %get3A_14 = arith.constant 0 : index
    %get3A_15 = vector.load %arg4[%get3A_13, %get3A_14] : memref<2000x1xf32, #tpu.memory_space<vmem>>, vector<2000x1xf32>
    %mul3A = vector.broadcast %get3A_15 : vector<2000x1xf32> to vector<2000x16xf32>
    %mul3A_16 = arith.mulf %add3A_12, %mul3A : vector<2000x16xf32>
    %slice3A = vector.extract_strided_slice %mul3A_16 {offsets = [0, 0], sizes = [2000, 5], strides = [1, 1]} : vector<2000x16xf32> to vector<2000x5xf32>
    %get3A_17 = arith.constant 0 : index
    %get3A_18 = arith.constant 0 : index
    %get3A_19 = vector.load %arg5[%get3A_17, %get3A_18] : memref<1x5xf32, #tpu.memory_space<vmem>>, vector<1x5xf32>
    %add3A_20 = vector.broadcast %get3A_19 : vector<1x5xf32> to vector<2000x5xf32>
    %add3A_21 = arith.addf %slice3A, %add3A_20 : vector<2000x5xf32>
    %swap3A = arith.constant 0 : index
    %swap3A_22 = arith.constant 0 : index
    %swap3A_23 = vector.load %arg6[%swap3A, %swap3A_22] : memref<2000x5xf32, #tpu.memory_space<vmem>>, vector<2000x5xf32>
    tpu.vector_store %arg6[%swap3A, %swap3A_22], %add3A_21 {strides = array<i32>} : memref<2000x5xf32, #tpu.memory_space<vmem>>, vector<2000x5xf32>,
    return
  }
  func.func @transform_0(%arg0: i32) -> (i32, i32, i32) {
    %c0_i32 = arith.constant 0 : i32
    %c0_i32_0 = arith.constant 0 : i32
    %c0_i32_1 = arith.constant 0 : i32
    return %c0_i32, %arg0, %c0_i32_0 : i32, i32, i32
  }
  func.func @transform_1(%arg0: i32) -> (i32, i32, i32) {
    %c1_i32 = arith.constant 1 : i32
    %c0_i32 = arith.constant 0 : i32
    %c0_i32_0 = arith.constant 0 : i32
    return %c1_i32, %arg0, %c0_i32 : i32, i32, i32
  }
  func.func @transform_2(%arg0: i32) -> (i32, i32) {
    %c0_i32 = arith.constant 0 : i32
    %c0_i32_0 = arith.constant 0 : i32
    return %arg0, %c0_i32 : i32, i32
  }
  func.func @transform_3(%arg0: i32) -> (i32, i32) {
    %c0_i32 = arith.constant 0 : i32
    %c0_i32_0 = arith.constant 0 : i32
    return %arg0, %c0_i32 : i32, i32
  }
  func.func @transform_4(%arg0: i32) -> (i32, i32) {
    %c0_i32 = arith.constant 0 : i32
    %c0_i32_0 = arith.constant 0 : i32
    %c0_i32_1 = arith.constant 0 : i32
    return %c0_i32, %c0_i32_0 : i32, i32
  }
  func.func @transform_5(%arg0: i32) -> (i32, i32) {
    %c0_i32 = arith.constant 0 : i32
    %c0_i32_0 = arith.constant 0 : i32
    return %arg0, %c0_i32 : i32, i32
  }
}

</mosaic_0001>

<sc_bundles>
// kernel: kernel.10.cloned.1.call-start
scs
__scs_entry_jumppad:
0x0: {  	(pc) =	sbr.rel $0x88, $3  }
0x1: {  	(tag) =	ssettag $0x0;
	lr =	simm.s32 $0x1  }
0x2: {  	[smem:$0x3F9B] =	sst lr;
	_ =	strace $0xD0000000  }
0x3: {  	_ = 	snop  }
0x4: {  	_ = 	snop  }
0x5: {  	_ = 	snop  }
0x6: {  	_ = 	snop  }
0x7: {  	_ = 	snop  }
__scs_overlays_trampoline_lowered:
0x8: {  	[smem:$0x3FAA] =	sst s0  }
0x9: {  	[smem:$0x3FAB] =	sst s1  }
0xa: {  	[smem:$0x3FAC] =	sst s2  }
0xb: {  	[smem:$0x3FAD] =	sst s3  }
0xc: {  	[smem:$0x3FAE] =	sst s4  }
0xd: {  	[smem:$0x3FAF] =	sst s5  }
0xe: {  	[smem:$0x3FB0] =	sst s6  }
0xf: {  	[smem:$0x3FB1] =	sst s7  }
0x10: {  	[smem:$0x3FB2] =	sst s8  }
0x11: {  	[smem:$0x3FB3] =	sst s9;
	s0 =	simm.s32 @!p0 $0x0  }
0x12: {  	s1 =	sld [smem:$0x3F99];
	s0 =	simm.s32 @p0 $0x1  }
0x13: {  	[smem:$0x3FB4] =	sst s0;
	s0 =	simm.s32 @!p1 $0x0  }
0x14: {  	s2 =	sld [smem:$0x3F98];
	s0 =	simm.s32 @p1 $0x1  }
0x15: {  	[smem:$0x3FB5] =	sst s0;
	s0 =	simm.s32 @!p2 $0x0  }
0x16: {  	s3 =	sld [smem:$0x3FDB];
	s0 =	simm.s32 @p2 $0x1  }
0x17: {  	s4 =	simm.s32 $0x1BF5;
	[smem:$0x3FB7] =	sst s0  }
0x18: {  	s0 =	sld [smem:$0x3F9A];
	_ =	swait.ge [sflag:s4], $0x0  }
0x19: {  	s7 =	sld [smem:$0x3F9B]  }
0x1a: {  	s8 =	sadd.s32 $0xFFFFE003, lr  }
0x1b: {  	s9 =	sadd.s32 $0xFFFFFEF7, lr;
	s5 =	simm.s32 $0xFFFFFFFF;
	p2 =	slt.u32 s8, $0xFFFFF086  }
0x1c: {  	p1 =	slt.u32 s9, $0xF7A;
	s5 =	simm.s32 @!p2 $0x0  }
0x1d: {  	s5 =	simm.s32 @p1 $0x1;
	p0 =	seq.s32 s7, s2  }
0x1e: {  	s7 =	smul.u32 @!p0 $0xF7A, s2;
	p2 =	seq.s32 @!p0 s5, $0x0  }
0x1f: {  	s9 =	smul.u32 $0xF7A, s1;
	s8 =	simm.s32 @!p0 $0x1BF5;
	p2 =	por !p2, p0  }
0x20: {  	[sflag:s8] =	ssyncset.s32 @!p0 $0xFFFFF086;
	s6 =	sadd.s32 @!p0 s3, s7;
	s7 =	simm.s32 @!p0 $0x108  }
0x21: {  	s3 =	sadd.s32 s3, s9;
	s6 =	sadd.s32 @!p0 $0x88, s6;
	s7 =	simm.s32 @p2 $0x1082  }
0x22: {  	[simem:s7], [sflag:s8] =	dma.local @!p0 [hbm:s6], $0xF7A  }
0x23: {  	s9 =	sor.u32 $0xD0000000, s2;
	s6 =	simm.s32 $0x108;
	_ =	swait.ge @!p0 [sflag:s8], $0x0  }
0x24: {  	s3 =	sadd.s32 $0x88, s3;
	s6 =	simm.s32 @!p1 $0x1082;
	[sflag:s4] =	ssyncset.s32 $0xFFFFF086  }
0x25: {  	[simem:s6], [sflag:s4] =	dma.local [hbm:s3], $0xF7A  }
0x26: {  	[smem:$0x3F9B] =	sst s1;
	(tag) =	ssettag s2;
	_ =	strace s9  }
0x27: {  	s1 =	sld [smem:$0x3FAB]  }
0x28: {  	s2 =	sld [smem:$0x3FAC]  }
0x29: {  	s4 =	sld [smem:$0x3FAE]  }
0x2a: {  	p0 =	seq.s32 s5, $0x0;
	s5 =	sld [smem:$0x3FAF]  }
0x2b: {  	s6 =	sld [smem:$0x3FB0]  }
0x2c: {  	s7 =	sld [smem:$0x3FB1]  }
0x2d: {  	s3 =	simm.s32 $0x108;
	s8 =	sld [smem:$0x3FB2]  }
0x2e: {  	s3 =	simm.s32 @!p0 $0x1082;
	s9 =	sld [smem:$0x3FB3]  }
0x2f: {  	lr =	sadd.s32 s0, s3;
	s0 =	sld [smem:$0x3FAA]  }
0x30: {  	s3 =	sld [smem:$0x3FAD]  }
0x31: {  	[smem:$0x3FB6] =	sst s10  }
0x32: {  	s10 =	sld [smem:$0x3FB4];
	_ =	sdelay $0x3  }
0x33: {  	p0 =	seq.s32 s10, $0x1;
	s10 =	sld [smem:$0x3FB6];
	_ =	sdelay $0x3  }
0x34: {  	[smem:$0x3FB6] =	sst s10  }
0x35: {  	s10 =	sld [smem:$0x3FB5];
	_ =	sdelay $0x3  }
0x36: {  	p1 =	seq.s32 s10, $0x1;
	s10 =	sld [smem:$0x3FB6];
	_ =	sdelay $0x3  }
0x37: {  	[smem:$0x3FB6] =	sst s10  }
0x38: {  	s10 =	sld [smem:$0x3FB7]  }
0x39: {  	_ = 	snop;
	(pc) =	sbr.ind lr, $3  }
0x3a: {  	_ = 	snop  }
0x3b: {  	_ = 	snop  }
0x3c: {  	p2 =	seq.s32 s10, $0x1;
	s10 =	sld [smem:$0x3FB6]  }
0x3d: {  	_ =	shalt  }
0x3e: {  	_ =	shalt  }
0x3f: {  	_ =	shalt  }
0x40: {  	_ =	shalt  }
0x41: {  	_ =	shalt  }
0x42: {  	_ =	shalt  }
0x43: {  	_ =	shalt  }
0x44: {  	_ =	shalt  }
0x45: {  	_ =	shalt  }
0x46: {  	_ =	shalt  }
0x47: {  	_ =	shalt  }
0x48: {  	_ =	shalt  }
0x49: {  	_ =	shalt  }
0x4a: {  	_ =	shalt  }
0x4b: {  	_ =	shalt  }
0x4c: {  	_ =	shalt  }
0x4d: {  	_ =	shalt  }
0x4e: {  	_ =	shalt  }
0x4f: {  	_ =	shalt  }
0x50: {  	_ =	shalt  }
0x51: {  	_ =	shalt  }
0x52: {  	_ =	shalt  }
0x53: {  	_ =	shalt  }
0x54: {  	_ =	shalt  }
0x55: {  	_ =	shalt  }
0x56: {  	_ =	shalt  }
0x57: {  	_ =	shalt  }
0x58: {  	_ =	shalt  }
0x59: {  	_ =	shalt  }
0x5a: {  	_ =	shalt  }
0x5b: {  	_ =	shalt  }
0x5c: {  	_ =	shalt  }
0x5d: {  	_ =	shalt  }
0x5e: {  	_ =	shalt  }
0x5f: {  	_ =	shalt  }
0x60: {  	_ =	shalt  }
0x61: {  	_ =	shalt  }
0x62: {  	_ =	shalt  }
0x63: {  	_ =	shalt  }
0x64: {  	_ =	shalt  }
0x65: {  	_ =	shalt  }
0x66: {  	_ =	shalt  }
0x67: {  	_ =	shalt  }
0x68: {  	_ =	shalt  }
0x69: {  	_ =	shalt  }
0x6a: {  	_ =	shalt  }
0x6b: {  	_ =	shalt  }
0x6c: {  	_ =	shalt  }
0x6d: {  	_ =	shalt  }
0x6e: {  	_ =	shalt  }
0x6f: {  	_ =	shalt  }
0x70: {  	_ =	shalt  }
0x71: {  	_ =	shalt  }
0x72: {  	_ =	shalt  }
0x73: {  	_ =	shalt  }
0x74: {  	_ =	shalt  }
0x75: {  	_ =	shalt  }
0x76: {  	_ =	shalt  }
0x77: {  	_ =	shalt  }
0x78: {  	_ =	shalt  }
0x79: {  	_ =	shalt  }
0x7a: {  	_ =	shalt  }
0x7b: {  	_ =	shalt  }
0x7c: {  	_ =	shalt  }
0x7d: {  	_ =	shalt  }
0x7e: {  	_ =	shalt  }
0x7f: {  	_ =	shalt  }
0x80: {  	_ =	shalt  }
0x81: {  	_ =	shalt  }
0x82: {  	_ =	shalt  }
0x83: {  	_ =	shalt  }
0x84: {  	_ =	shalt  }
0x85: {  	_ =	shalt  }
0x86: {  	_ =	shalt  }
0x87: {  	_ =	shalt  }
.Lfunc_end0:
.L_simem_size_0:
called_computation.1_lowered:
.L_overlay_start_0:
0x88: {  	s2 =	sld [smem:$0x3FD9]  }
0x89: {  	s3 =	sld [smem:$0x3FFE];
	_ =	sdelay $0x1  }
0x8a: {  	s1 =	srdreg.scid  }
0x8b: {  	s0 =	sand.u32 $0x1, s1  }
0x8c: {  	s17 =	sshll.u32 s0, $0xA;
	s2 =	sadd.s32 s3, s2  }
0x8d: {  	s2 =	sadd.s32 s2, s17  }
0x8e: {  	[smem:$0x3FC2] =	sst s2  }
0x8f: {  	_ = 	snop  }
0x90: {  	s2 =	sld [smem:$0x3FD0];
	(tm) =	ssettm $0x1  }
0x91: {  	s18 =	sld [smem:$0x3FFB];
	_ =	sdelay $0x3  }
0x92: {  	_ =	strace s18  }
0x93: {  	s3 =	sld [smem:$0x3FFC];
	_ =	sdelay $0x3  }
0x94: {  	_ =	strace s3  }
0x95: {  	s3 =	sld [smem:$0x3FFD];
	_ =	sdelay $0x3  }
0x96: {  	_ =	strace s3  }
0x97: {  	_ =	strace $0x8FFFFFFF  }
0x98: {  	s19 =	sld [smem:$0x3FDB];
	_ =	sdelay $0x1  }
0x99: {  	s4 =	simm.s32 $_scs_section_size  }
0x9a: {  	s5 =	simm.s32 $_size__tile_overlayer_lowered;
	s6 =	simm.s32 $_tile_overlayer_lowered  }
0x9b: {  	s22 =	simm.s32 $0x1BFF;
	s21 =	sshll.u32 s6, $0x1;
	s3 =	sadd.s32 s4, s19  }
0x9c: {  	s7 =	simm.s32 $0x0;
	s20 =	sshll.u32 s5, $0x1;
	s5 =	sadd.s32 s21, s3  }
0x9d: {  	[timem:s7], [sflag:s22] =	dma.local [hbm:s5], s20  }
0x9e: {  	_ =	swait.ge [sflag:s22], s20  }
0x9f: {  	s4 =	ssub.s32 $0x0, s20;
	[sflag:s22] =	ssyncset.done $0x0  }
0xa0: {  	[sflag:s22] =	ssyncadd.s32 s4;
	_ =	sdelay $0x1  }
0xa1: {  	s23 =	simm.s32 $0x1B8B  }
0xa2: {  	_ =	swait.ge [sflag:s23], $0x1  }
0xa3: {  	[sflag:s23] =	ssyncset.done $0x0  }
0xa4: {  	s25 =	simm.s32 $0x1B8E;
	s24 =	sld [smem:$0x3FFE];
	[sflag:s23] =	ssyncadd.s32 $0xFFFFFFFF  }
0xa5: {  	s26 =	simm.s32 $execute0_lowered;
	[smem:$0x3FD2] =	sst s25  }
0xa6: {  	s5 =	sshll.u32 s26, $0x1;
	_ =	strace $0x80000049;
	[dreg:$0x1] =	wrdreg $0xFFFFFFFF  }
0xa7: {  	s28 =	simm.s32 $_size_execute0_lowered;
	s3 =	sadd.s32 s3, s5;
	[dreg:$0x0] =	wrdreg $0x0  }
0xa8: {  	s5 =	sshll.u32 s28, $0x1;
	[dreg:$0x2] =	wrdreg s3  }
0xa9: {  	[dreg:$0x3] =	wrdreg s5  }
0xaa: {  	[dreg:$0x4] =	wrdreg $0xC0  }
0xab: {  	_ =	task [dreg:s7], $0x5FFFF  }
0xac: {  	[dreg:$0x1] =	wrdreg $0xFFFFFFFF  }
0xad: {  	[dreg:$0x0] =	wrdreg $0x60  }
0xae: {  	[dreg:$0x2] =	wrdreg s24  }
0xaf: {  	[dreg:$0x3] =	wrdreg s2  }
0xb0: {  	[dreg:$0x4] =	wrdreg $0xAD000  }
0xb1: {  	[dreg:$0x5] =	wrdreg $0x9  }
0xb2: {  	_ =	task.clear_ibuf [dreg:s7], $0x6FFFF;
	_ =	strace $0x90000049  }
0xb3: {  	s29 =	simm.s32 $0x9;
	_ =	strace $0x8000004B  }
0xb4: {  	_ =	swait.ge [sflag:s29], $0x1  }
0xb5: {  	[sflag:s29] =	ssyncadd.s32 $0xFFFFFFFF  }
0xb6: {  	_ =	strace $0x9000004B  }
0xb7: {  	_ =	sfence  }
0xb8: {  	s30 =	sld [smem:$0x0];
	_ =	sdelay $0x2  }
0xb9: {  	s31 =	sshll.u32 s1, $0xD;
	s1 =	sshrl.u32 s1, $0x2  }
0xba: {  	s3 =	sand.u32 $0x4000, s31;
	s1 =	sadd.s32 s1, s30  }
0xbb: {  	s0 =	sor.u32 s3, s0;
	s1 =	sshll.u32 s1, $0x11  }
0xbc: {  	s0 =	sor.u32 s1, s0  }
0xbd: {  	s0 =	sadd.s32 $0x8F2B, s0  }
0xbe: {  	[sflag:s0] =	ssyncadd.remote.s32 $0x1  }
0xbf: {  	_ =	sfence.sel $0xFFFF  }
0xc0: {  	[dreg:$0x0] =	wrdreg $0xFFFFFFFF;
	(pc) =	sbr.abs _section_cstart, $3  }
0xc1: {  	[dreg:$0x1] =	wrdreg $0xFFFFFFFF  }
0xc2: {  	_ =	task.clear_ibuf [dreg:s7], $0x2FFFF;
	_ =	strace $0x9FFFFFFF  }
0xc3: {  	(tm) =	ssettm $0x7FFFFFFF  }
tec
execute0_lowered:
.L_overlay_start_1:
0x0: {  	(tag) =	ssettag $0x1  }
0x1: {  	s0 =	srdreg.scid;
	s25 =	stileid.u32  }
0x2: {  	s7 =	rddreg [dreg:$0x0];
	s1 =	simm.s32 $0x0;
	s6 =	sand.u32 $0x1, s0  }
0x3: {  	[smem:$0x7FF] =	sst s1;
	s19 =	sor.u32 $0x50, s25;
	s9 =	smul.u32 $0x138800, s6  }
0x4: {  	s10 =	sadd.s32 $0x5AC00, s7;
	s14 =	sor.u32 $0x10, s25;
	s26 =	smul.u32 $0x2800, s19  }
0x5: {  	s0 =	sshll.u32 s6, $0x4;
	s2 =	ssub.s32 $0x2, s6;
	s6 =	smul.u32 $0x28000, s6  }
0x6: {  	s16 =	sor.u32 $0x20, s25;
	s19 =	smul.u32 $0xA000, s19;
	s0 =	sor.u32 s25, s0  }
0x7: {  	s17 =	sor.u32 $0x30, s25;
	s18 =	sor.u32 $0x40, s25;
	s8 =	smul.u32 $0x2800, s0  }
0x8: {  	s20 =	sor.u32 $0x60, s25;
	s22 =	sshrl.u32 s2, $0x1;
	s0 =	smul.u32 $0x2800, s25  }
0x9: {  	s21 =	sor.u32 $0x70, s25;
	s13 =	ssub.s32 s2, s22;
	s2 =	smul.u32 $0x2800, s14  }
0xa: {  	p0 =	sgt.u32 s21, $0x7C;
	s15 =	sadd.s32 s9, s26;
	s13 =	smax.u32 s13, $0x1  }
0xb: {  	s3 =	sadd.s32 s9, s0;
	s5 =	sadd.s32 s9, s2;
	s6 =	sadd.s32 s0, s6  }
0xc: {  	s4 =	sshrl.u32 s3, $0x3;
	s3 =	smul.u32 $0x2800, s16;
	s12 =	sshrl.u32 s5, $0x3  }
0xd: {  	s5 =	smul.u32 $0x2800, s18;
	s4 =	sadd.s32 s10, s4;
	s12 =	sadd.s32 s10, s12  }
0xe: {  	[dreg:$0x4] =	wrdreg s4;
	s11 =	sadd.s32 s9, s3;
	s4 =	smul.u32 $0x2800, s17  }
0xf: {  	s6 =	sadd.s32 $0x50400, s6;
	[dreg:$0x5] =	wrdreg s12;
	s11 =	sshrl.u32 s11, $0x3  }
0x10: {  	s24 =	sadd.s32 s9, s5;
	s11 =	sadd.s32 s10, s11;
	s23 =	sadd.s32 s9, s4  }
0x11: {  	[dreg:$0x6] =	wrdreg s11;
	s11 =	sshrl.u32 s23, $0x3;
	s23 =	smul.u32 $0x2800, s20  }
0x12: {  	s12 =	sshrl.u32 s24, $0x3;
	s24 =	smul.u32 $0x2800, s21;
	s11 =	sadd.s32 s10, s11  }
0x13: {  	[dreg:$0x7] =	wrdreg s11;
	s11 =	sadd.s32 s10, s12;
	s22 =	sadd.s32 s9, s23  }
0x14: {  	s9 =	sadd.s32 s9, s24;
	[dreg:$0x8] =	wrdreg s11;
	s11 =	sshrl.u32 s15, $0x3  }
0x15: {  	s18 =	smul.u32 $0xA000, s18;
	s9 =	sshrl.u32 s9, $0x3;
	s11 =	sadd.s32 s10, s11  }
0x16: {  	s6 =	sshrl.u32 s6, $0x3;
	s9 =	sadd.s32 s10, s9;
	[dreg:$0x9] =	wrdreg s11  }
0x17: {  	s12 =	sshrl.u32 s22, $0x3;
	s15 =	sadd.s32 $0x1FA00, s7;
	[dreg:$0xb] =	wrdreg s9  }
0x18: {  	s6 =	sadd.s32 s6, s15;
	s11 =	sadd.s32 s10, s12;
	s12 =	rddreg [dreg:$0x2]  }
0x19: {  	s8 =	sshrl.u32 s8, $0x3;
	s20 =	smul.u32 $0xA000, s20;
	[dreg:$0xc] =	wrdreg s6  }
0x1a: {  	s22 =	sadd.s32 s15, s8;
	s10 =	smul.u32 $0xA000, s25;
	[dreg:$0xa] =	wrdreg s11  }
0x1b: {  	s15 =	sadd.s32 $0x33A00, s7;
	s11 =	rddreg [dreg:$0x1];
	s0 =	sadd.s32 s0, s12  }
0x1c: {  	s2 =	sadd.s32 s2, s12;
	s9 =	sshrl.u32 s10, $0x2;
	s10 =	smul.u32 $0xA000, s14  }
0x1d: {  	s3 =	sadd.s32 s3, s12;
	s4 =	sadd.s32 s4, s12;
	s14 =	smul.u32 $0xA000, s16  }
0x1e: {  	s5 =	sadd.s32 s5, s12;
	_ =	strace $0x8000004A;
	s16 =	smul.u32 $0xA000, s17  }
0x1f: {  	[dreg:$0xd] =	wrdreg s13;
	s17 =	sshll.u32 s25, $0x6;
	s25 =	smul.u32 $0xA000, s21  }
0x20: {  	s13 =	sshrl.u32 s19, $0x2;
	s19 =	sadd.s32 s23, s12;
	s28 =	sshrl.u32 s2, $0x3  }
0x21: {  	s29 =	sshrl.u32 s3, $0x3;
	s30 =	sshrl.u32 s4, $0x3;
	s31 =	sshrl.u32 s5, $0x3  }
0x22: {  	s3 =	sadd.s32 $0xA000, s22;
	s4 =	simm.s32 $0x7;
	s5 =	simm.s32 $0x7D  }
0x23: {  	s6 =	sadd.s32 s9, s12;
	s17 =	sor.u32 $0x1C07, s17;
	s13 =	sadd.s32 s13, s12  }
0x24: {  	s7 =	sshrl.u32 s10, $0x2;
	s8 =	sshrl.u32 s14, $0x2;
	s9 =	sshrl.u32 s16, $0x2  }
0x25: {  	s10 =	sshrl.u32 s18, $0x2;
	s14 =	sshrl.u32 s20, $0x2;
	s16 =	sshrl.u32 s25, $0x2  }
0x26: {  	s18 =	sadd.s32 s26, s12;
	s20 =	sadd.s32 s24, s12;
	s6 =	sshrl.u32 s6, $0x3  }
0x27: {  	s25 =	sshrl.u32 s13, $0x3;
	s13 =	simm.s32 $0x0;
	s7 =	sadd.s32 s7, s12  }
0x28: {  	s8 =	sadd.s32 s8, s12;
	s9 =	sadd.s32 s9, s12;
	s10 =	sadd.s32 s10, s12  }
0x29: {  	s14 =	sadd.s32 s14, s12;
	s16 =	sadd.s32 s16, s12;
	[dreg:$0xe] =	wrdreg s6  }
0x2a: {  	[dreg:$0x13] =	wrdreg s25;
	s2 =	sshrl.u32 @!p0 s20, $0x3;
	s7 =	sshrl.u32 s7, $0x3  }
0x2b: {  	s25 =	smov.u32 s22;
	s21 =	sshrl.u32 s8, $0x3;
	[dreg:$0xf] =	wrdreg s7  }
0x2c: {  	s23 =	sshrl.u32 s9, $0x3;
	s24 =	sshrl.u32 s10, $0x3;
	[dreg:$0x10] =	wrdreg s21  }
0x2d: {  	s26 =	sshrl.u32 s14, $0x3;
	s6 =	sshrl.u32 @!p0 s16, $0x3;
	[dreg:$0x11] =	wrdreg s23  }
0x2e: {  	s9 =	sshrl.u32 s18, $0x3;
	s8 =	simm.s32 $0x1;
	[dreg:$0x12] =	wrdreg s24  }
0x2f: {  	s10 =	simm.s32 $0x3;
	s14 =	simm.s32 $0x2;
	[dreg:$0x14] =	wrdreg s26  }
0x30: {  	s16 =	simm.s32 $0x4;
	[dreg:$0x15] =	wrdreg s6;
	s26 =	sshrl.u32 s0, $0x3  }
0x31: {  	s0 =	sshrl.u32 s19, $0x3;
	s6 =	simm.s32 $0x3000;
	s7 =	simm.s32 $0x6E80  }
.LBB2_1:
0x32: {  	s18 =	rddreg [dreg:$0xe]  }
0x33: {  	[spmem:s18], [sflag:s17] =	dma.local [hbm:s11], $0x500  }
0x34: {  	_ =	swait.ge [sflag:s4], $0x500  }
0x35: {  	[sflag:s4] =	ssyncset.done $0x0  }
0x36: {  	s24 =	rddreg [dreg:$0xf];
	[sflag:s4] =	ssyncadd.s32 $0xFFFFFB00  }
0x37: {  	[spmem:s24], [sflag:s17] =	dma.local [hbm:s11], $0x500  }
0x38: {  	_ =	swait.ge [sflag:s4], $0x500  }
0x39: {  	[sflag:s4] =	ssyncset.done $0x0  }
0x3a: {  	s19 =	rddreg [dreg:$0x10];
	[sflag:s4] =	ssyncadd.s32 $0xFFFFFB00  }
0x3b: {  	[spmem:s19], [sflag:s17] =	dma.local [hbm:s11], $0x500  }
0x3c: {  	_ =	swait.ge [sflag:s4], $0x500  }
0x3d: {  	[sflag:s4] =	ssyncset.done $0x0  }
0x3e: {  	s20 =	rddreg [dreg:$0x11];
	[sflag:s4] =	ssyncadd.s32 $0xFFFFFB00  }
0x3f: {  	[spmem:s20], [sflag:s17] =	dma.local [hbm:s11], $0x500  }
0x40: {  	_ =	swait.ge [sflag:s4], $0x500  }
0x41: {  	[sflag:s4] =	ssyncset.done $0x0  }
0x42: {  	s21 =	rddreg [dreg:$0x12];
	[sflag:s4] =	ssyncadd.s32 $0xFFFFFB00  }
0x43: {  	[spmem:s21], [sflag:s17] =	dma.local [hbm:s11], $0x500  }
0x44: {  	_ =	swait.ge [sflag:s4], $0x500  }
0x45: {  	[sflag:s4] =	ssyncset.done $0x0  }
0x46: {  	s22 =	rddreg [dreg:$0x13];
	[sflag:s4] =	ssyncadd.s32 $0xFFFFFB00  }
0x47: {  	[spmem:s22], [sflag:s17] =	dma.local [hbm:s11], $0x500  }
0x48: {  	_ =	swait.ge [sflag:s4], $0x500  }
0x49: {  	[sflag:s4] =	ssyncset.done $0x0  }
0x4a: {  	s23 =	rddreg [dreg:$0x14];
	[sflag:s4] =	ssyncadd.s32 $0xFFFFFB00  }
0x4b: {  	[spmem:s23], [sflag:s17] =	dma.local [hbm:s11], $0x500  }
0x4c: {  	_ =	swait.ge [sflag:s4], $0x500  }
0x4d: {  	[sflag:s4] =	ssyncset.done $0x0  }
0x4e: {  	s18 =	rddreg [dreg:$0x15];
	[sflag:s4] =	ssyncadd.s32 $0xFFFFFB00  }
0x4f: {  	[spmem:s18], [sflag:s17] =	dma.local @!p0 [hbm:s11], $0x500  }
0x50: {  	s18 =	simm.s32 @!p0 $0x7  }
0x51: {  	_ =	swait.ge @!p0 [sflag:s18], $0x500  }
0x52: {  	[sflag:s18] =	ssyncset.done @!p0 $0x0  }
0x53: {  	[sflag:s18] =	ssyncadd.s32 @!p0 $0xFFFFFB00  }
0x54: {  	[tilespmem:s1], [sflag:$0x7] =	stream.linear.gather [hbm4b:s25+s1], $0x2800, $0x38;
	[tilespmem:$0x1E580] =	vst v63  }
0x55: {  	_ =	swait.ge [sflag:s4], $0x2800  }
0x56: {  	[sflag:s4] =	ssyncset.done $0x0  }
0x57: {  	[sflag:s4] =	ssyncadd.s32 $0xFFFFD800  }
0x58: {  	s24 =	simm.s32 $0x2800;
	[bflag:$0x0] =	sbarrier.arrive $0xFFFF  }
0x59: {  	[tilespmem:s24], [sflag:$0x5] =	stream.linear.gather [hbm4b:s3+s1], $0x400, $0x38;
	[tilespmem:$0x1E580] =	vst v63  }
0x5a: {  	s19 =	simm.s32 $0x0;
	s20 =	simm.s32 $0x0;
	s18 =	rddreg [dreg:$0xc]  }
0x5b: {  	[tilespmem:s6], [sflag:$0x1] =	stream.indirect.gather [hbm4b:s15+s5], $0x80, s1, s5, $0xb8;
	[tilespmem:$0x1E580] =	vst v63  }
.LBB2_2:
0x5c: {  	s21 =	sand.u32 $0x1, s20  }
0x5d: {  	s22 =	sadd.s32 $0x5, s21  }
0x5e: {  	p1 =	seq.s32 s19, $0x9000;
	_ =	swait.ge [sflag:s22], $0x400  }
0x5f: {  	s23 =	sxor.u32 @!p1 $0x1, s21;
	s24 =	simm.s32 @!p1 $0x0;
	[sflag:s22] =	ssyncset.done $0x0  }
0x60: {  	p2 =	seq.s32 @!p1 s19, $0x0;
	[sflag:s22] =	ssyncadd.s32 $0xFFFFFC00;
	s22 =	sshll.u32 @!p1 s23, $0xA  }
0x61: {  	p2 =	por p1, !p2;
	s23 =	sadd.s32 @!p1 $0x5, s23;
	s22 =	sor.u32 @!p1 $0x2800, s22  }
0x62: {  	[tilespmem:s22], [sflag:s23] =	stream.linear.gather @!p1 [hbm4b:s18+s24], $0x400, $0x38;
	[tilespmem:$0x1E580] =	vst v63  }
0x63: {  	_ =	swait.ge @p2 [sflag:s16], $0x3E80  }
0x64: {  	s22 =	sshra.s32 s19, $0x2;
	[sflag:s16] =	ssyncset.done @p2 $0x0  }
0x65: {  	s24 =	sadd.s32 $0x80, s22;
	[sflag:s16] =	ssyncadd.s32 @p2 $0xFFFFC180  }
0x66: {  	[tilespmem:s7], [sflag:$0x2] =	stream.indirect.gather [hbm4b:s15+s5], $0x80, s24, s5, $0xb8;
	[tilespmem:$0x1E580] =	vst v63  }
0x67: {  	_ =	swait.ge [sflag:s8], $0x3E80  }
0x68: {  	s21 =	sshll.u32 s21, $0xA;
	[sflag:s8] =	ssyncset.done $0x0  }
0x69: {  	s24 =	sor.u32 $0x2800, s21;
	[sflag:s8] =	ssyncadd.s32 $0xFFFFC180  }
0x6a: {  	[spmem:s12] =	stream.indirect.scatter.add.f32 [tilespmem:s6], [sflag:$0x3], $0x80, s24, s5, $0xb8;
	[tilespmem:$0x1E580] =	vst v63  }
0x6b: {  	_ =	swait.ge [sflag:s10], $0x3E80  }
0x6c: {  	[sflag:s10] =	ssyncset.done $0x0  }
0x6d: {  	s24 =	sadd.s32 $0x100, s22;
	[sflag:s10] =	ssyncadd.s32 $0xFFFFC180  }
0x6e: {  	[tilespmem:s6], [sflag:$0x1] =	stream.indirect.gather [hbm4b:s15+s5], $0x80, s24, s5, $0xb8;
	[tilespmem:$0x1E580] =	vst v63  }
0x6f: {  	_ =	swait.ge [sflag:s14], $0x3E80  }
0x70: {  	[sflag:s14] =	ssyncset.done $0x0  }
0x71: {  	s24 =	sor.u32 $0x2880, s21;
	[sflag:s14] =	ssyncadd.s32 $0xFFFFC180  }
0x72: {  	[spmem:s12] =	stream.indirect.scatter.add.f32 [tilespmem:s7], [sflag:$0x4], $0x80, s24, s5, $0xb8;
	[tilespmem:$0x1E580] =	vst v63  }
0x73: {  	_ =	swait.ge [sflag:s16], $0x3E80  }
0x74: {  	[sflag:s16] =	ssyncset.done $0x0  }
0x75: {  	s24 =	sadd.s32 $0x180, s22;
	[sflag:s16] =	ssyncadd.s32 $0xFFFFC180  }
0x76: {  	[tilespmem:s7], [sflag:$0x2] =	stream.indirect.gather [hbm4b:s15+s5], $0x80, s24, s5, $0xb8;
	[tilespmem:$0x1E580] =	vst v63  }
0x77: {  	_ =	swait.ge [sflag:s8], $0x3E80  }
0x78: {  	[sflag:s8] =	ssyncset.done $0x0  }
0x79: {  	s24 =	sor.u32 $0x2900, s21;
	[sflag:s8] =	ssyncadd.s32 $0xFFFFC180  }
0x7a: {  	[spmem:s12] =	stream.indirect.scatter.add.f32 [tilespmem:s6], [sflag:$0x3], $0x80, s24, s5, $0xb8;
	[tilespmem:$0x1E580] =	vst v63  }
0x7b: {  	_ =	swait.ge [sflag:s10], $0x3E80  }
0x7c: {  	[sflag:s10] =	ssyncset.done $0x0  }
0x7d: {  	s24 =	sadd.s32 $0x200, s22;
	[sflag:s10] =	ssyncadd.s32 $0xFFFFC180  }
0x7e: {  	[tilespmem:s6], [sflag:$0x1] =	stream.indirect.gather [hbm4b:s15+s5], $0x80, s24, s5, $0xb8;
	[tilespmem:$0x1E580] =	vst v63  }
0x7f: {  	_ =	swait.ge [sflag:s14], $0x3E80  }
0x80: {  	[sflag:s14] =	ssyncset.done $0x0  }
0x81: {  	s24 =	sor.u32 $0x2980, s21;
	[sflag:s14] =	ssyncadd.s32 $0xFFFFC180  }
0x82: {  	[spmem:s12] =	stream.indirect.scatter.add.f32 [tilespmem:s7], [sflag:$0x4], $0x80, s24, s5, $0xb8;
	[tilespmem:$0x1E580] =	vst v63  }
0x83: {  	_ =	swait.ge [sflag:s16], $0x3E80  }
0x84: {  	[sflag:s16] =	ssyncset.done $0x0  }
0x85: {  	s24 =	sadd.s32 $0x280, s22;
	[sflag:s16] =	ssyncadd.s32 $0xFFFFC180  }
0x86: {  	[tilespmem:s7], [sflag:$0x2] =	stream.indirect.gather [hbm4b:s15+s5], $0x80, s24, s5, $0xb8;
	[tilespmem:$0x1E580] =	vst v63  }
0x87: {  	_ =	swait.ge [sflag:s8], $0x3E80  }
0x88: {  	[sflag:s8] =	ssyncset.done $0x0  }
0x89: {  	s24 =	sor.u32 $0x2A00, s21;
	[sflag:s8] =	ssyncadd.s32 $0xFFFFC180  }
0x8a: {  	[spmem:s12] =	stream.indirect.scatter.add.f32 [tilespmem:s6], [sflag:$0x3], $0x80, s24, s5, $0xb8;
	[tilespmem:$0x1E580] =	vst v63  }
0x8b: {  	_ =	swait.ge [sflag:s10], $0x3E80  }
0x8c: {  	[sflag:s10] =	ssyncset.done $0x0  }
0x8d: {  	s24 =	sadd.s32 $0x300, s22;
	[sflag:s10] =	ssyncadd.s32 $0xFFFFC180  }
0x8e: {  	[tilespmem:s6], [sflag:$0x1] =	stream.indirect.gather [hbm4b:s15+s5], $0x80, s24, s5, $0xb8;
	[tilespmem:$0x1E580] =	vst v63  }
0x8f: {  	_ =	swait.ge [sflag:s14], $0x3E80  }
0x90: {  	[sflag:s14] =	ssyncset.done $0x0  }
0x91: {  	s24 =	sor.u32 $0x2A80, s21;
	[sflag:s14] =	ssyncadd.s32 $0xFFFFC180  }
0x92: {  	[spmem:s12] =	stream.indirect.scatter.add.f32 [tilespmem:s7], [sflag:$0x4], $0x80, s24, s5, $0xb8;
	[tilespmem:$0x1E580] =	vst v63  }
0x93: {  	_ =	swait.ge [sflag:s16], $0x3E80  }
0x94: {  	[sflag:s16] =	ssyncset.done $0x0  }
0x95: {  	s22 =	sadd.s32 $0x380, s22;
	[sflag:s16] =	ssyncadd.s32 $0xFFFFC180  }
0x96: {  	[tilespmem:s7], [sflag:$0x2] =	stream.indirect.gather [hbm4b:s15+s5], $0x80, s22, s5, $0xb8;
	[tilespmem:$0x1E580] =	vst v63  }
0x97: {  	_ =	swait.ge [sflag:s8], $0x3E80  }
0x98: {  	[sflag:s8] =	ssyncset.done $0x0  }
0x99: {  	s24 =	sor.u32 $0x2B00, s21;
	s22 =	simm.s32 @!p1 $0x3;
	[sflag:s8] =	ssyncadd.s32 $0xFFFFC180  }
0x9a: {  	[spmem:s12] =	stream.indirect.scatter.add.f32 [tilespmem:s6], [sflag:$0x3], $0x80, s24, s5, $0xb8;
	[tilespmem:$0x1E580] =	vst v63  }
0x9b: {  	_ =	swait.ge @!p1 [sflag:s22], $0x3E80  }
0x9c: {  	[sflag:s22] =	ssyncset.done @!p1 $0x0  }
0x9d: {  	s23 =	simm.s32 @!p1 $0x7D;
	[sflag:s22] =	ssyncadd.s32 @!p1 $0xFFFFC180;
	s22 =	sshra.s32 @!p1 s19, $0x2  }
0x9e: {  	s24 =	simm.s32 @!p1 $0x3000;
	s19 =	sadd.s32 $0x1000, s19;
	s22 =	sadd.s32 @!p1 $0x400, s22  }
0x9f: {  	[tilespmem:s24], [sflag:$0x1] =	stream.indirect.gather @!p1 [hbm4b:s15+s23], $0x80, s22, s23, $0xb8;
	[tilespmem:$0x1E580] =	vst v63  }
0xa0: {  	p1 =	sne.s32 s19, $0xA000  }
.Ltmp0:
0xa1: {  	_ = 	snop;
	(pc) =	sbr.rel @p1 .LBB2_2-.Ltmp0, $4  }
0xa2: {  	_ =	swait.ge [sflag:s14], $0x3E80  }
0xa3: {  	s20 =	sadd.s32 $0x1, s20;
	[sflag:s14] =	ssyncset.done $0x0  }
0xa4: {  	s18 =	sadd.s32 $0x80, s18;
	s21 =	sadd.s32 $0x2B80, s21;
	[sflag:s14] =	ssyncadd.s32 $0xFFFFC180  }
0xa5: {  	[spmem:s12] =	stream.indirect.scatter.add.f32 [tilespmem:s7], [sflag:$0x4], $0x80, s21, s5, $0xb8;
	[tilespmem:$0x1E580] =	vst v63  }
0xa6: {  	_ =	swait.ge [sflag:s10], $0x3E80  }
0xa7: {  	[sflag:s10] =	ssyncset.done $0x0  }
0xa8: {  	[sflag:s10] =	ssyncadd.s32 $0xFFFFC180  }
0xa9: {  	_ =	swait.ge [sflag:s16], $0x3E80  }
0xaa: {  	[sflag:s16] =	ssyncset.done $0x0  }
0xab: {  	[sflag:s16] =	ssyncadd.s32 $0xFFFFC180  }
0xac: {  	[bflag:$0x0] =	sbarrier.arrive $0xFFFF  }
0xad: {  	s18 =	rddreg [dreg:$0x4]  }
0xae: {  	[hbm:s18], [sflag:s17] =	dma.local [spmem:s26], $0x500  }
0xaf: {  	_ =	swait.ge [sflag:s4], $0x500  }
0xb0: {  	[sflag:s4] =	ssyncset.done $0x0  }
0xb1: {  	s19 =	rddreg [dreg:$0x5];
	[sflag:s4] =	ssyncadd.s32 $0xFFFFFB00  }
0xb2: {  	[hbm:s19], [sflag:s17] =	dma.local [spmem:s28], $0x500  }
0xb3: {  	_ =	swait.ge [sflag:s4], $0x500  }
0xb4: {  	[sflag:s4] =	ssyncset.done $0x0  }
0xb5: {  	s20 =	rddreg [dreg:$0x6];
	[sflag:s4] =	ssyncadd.s32 $0xFFFFFB00  }
0xb6: {  	[hbm:s20], [sflag:s17] =	dma.local [spmem:s29], $0x500  }
0xb7: {  	_ =	swait.ge [sflag:s4], $0x500  }
0xb8: {  	[sflag:s4] =	ssyncset.done $0x0  }
0xb9: {  	s21 =	rddreg [dreg:$0x7];
	[sflag:s4] =	ssyncadd.s32 $0xFFFFFB00  }
0xba: {  	[hbm:s21], [sflag:s17] =	dma.local [spmem:s30], $0x500  }
0xbb: {  	_ =	swait.ge [sflag:s4], $0x500  }
0xbc: {  	[sflag:s4] =	ssyncset.done $0x0  }
0xbd: {  	s22 =	rddreg [dreg:$0x8];
	[sflag:s4] =	ssyncadd.s32 $0xFFFFFB00  }
0xbe: {  	[hbm:s22], [sflag:s17] =	dma.local [spmem:s31], $0x500  }
0xbf: {  	_ =	swait.ge [sflag:s4], $0x500  }
0xc0: {  	[sflag:s4] =	ssyncset.done $0x0  }
0xc1: {  	s23 =	rddreg [dreg:$0x9];
	[sflag:s4] =	ssyncadd.s32 $0xFFFFFB00  }
0xc2: {  	[hbm:s23], [sflag:s17] =	dma.local [spmem:s9], $0x500  }
0xc3: {  	_ =	swait.ge [sflag:s4], $0x500  }
0xc4: {  	[sflag:s4] =	ssyncset.done $0x0  }
0xc5: {  	s24 =	rddreg [dreg:$0xa];
	[sflag:s4] =	ssyncadd.s32 $0xFFFFFB00  }
0xc6: {  	[hbm:s24], [sflag:s17] =	dma.local [spmem:s0], $0x500  }
0xc7: {  	_ =	swait.ge [sflag:s4], $0x500  }
0xc8: {  	[sflag:s4] =	ssyncset.done $0x0  }
0xc9: {  	s18 =	rddreg [dreg:$0xb];
	[sflag:s4] =	ssyncadd.s32 $0xFFFFFB00  }
0xca: {  	[hbm:s18], [sflag:s17] =	dma.local @!p0 [spmem:s2], $0x500  }
0xcb: {  	s18 =	simm.s32 @!p0 $0x7  }
0xcc: {  	_ =	swait.ge @!p0 [sflag:s18], $0x500  }
0xcd: {  	s13 =	sadd.s32 $0x1, s13;
	s19 =	rddreg [dreg:$0xd]  }
0xce: {  	p1 =	sne.s32 s13, s19  }
.Ltmp1:
0xcf: {  	_ = 	snop;
	(pc) =	sbr.rel @p1 .LBB2_1-.Ltmp1, $3  }
0xd0: {  	_ =	sdelay $0x1  }
0xd1: {  	[sflag:s18] =	ssyncset.done @!p0 $0x0  }
0xd2: {  	[sflag:s18] =	ssyncadd.s32 @!p0 $0xFFFFFB00  }
0xd3: {  	_ =	sfence.sel $0x180000  }
0xd4: {  	[bflag:$0x0] =	sbarrier.arrive $0xFFFF  }
0xd5: {  	_ =	strace $0x9000004A  }
0xd6: {  	s0 =	stileid.u32;
	[bflag:$0x2] =	sbarrier.arrive $0xFFFF  }
0xd7: {  	p0 =	sne.s32 s0, $0x0;
	s0 =	rddreg [dreg:$0x3]  }
0xd8: {  	s0 =	sadd.s32 @!p0 $0x100000, s0  }
0xd9: {  	[sflag:s0] =	ssyncadd.tile.s32 @!p0 $0x1;
	_ =	shalt  }
.Lfunc_end2:
_tile_overlayer_lowered:
.L_overlay_start_2:
0xda: {  	(tag) =	ssettag $0x2  }
0xdb: {  	s0 =	rddreg [dreg:$0x0];
	s2 =	stileid.u32  }
0xdc: {  	s1 =	rddreg [dreg:$0x1];
	p0 =	sne.s32 s2, $0x0  }
0xdd: {  	s3 =	rddreg [dreg:$0x2];
	[bflag:$0x3] =	sbarrier.arrive $0xFFFF;
	s2 =	simm.s32 @!p0 $0x1C07  }
0xde: {  	[timem:s3], [sflag:s2] =	dma.local @!p0 [hbm:s0], s1  }
0xdf: {  	s0 =	simm.s32 @!p0 $0x7  }
0xe0: {  	_ =	swait.ge @!p0 [sflag:s0], s1  }
0xe1: {  	s1 =	ssub.s32 @!p0 $0x0, s1;
	[sflag:s0] =	ssyncset.done @!p0 $0x0  }
0xe2: {  	[sflag:s0] =	ssyncadd.s32 @!p0 s1  }
0xe3: {  	[bflag:$0x3] =	sbarrier.arrive $0xFFFF  }
0xe4: {  	_ =	shalt  }

// kernel: kernel.13.cloned.1.call-start
scs
__scs_entry_jumppad:
0x0: {  	(pc) =	sbr.rel $0x88, $3  }
0x1: {  	(tag) =	ssettag $0x0;
	lr =	simm.s32 $0x1  }
0x2: {  	[smem:$0x3F9B] =	sst lr;
	_ =	strace $0xD0000000  }
0x3: {  	_ = 	snop  }
0x4: {  	_ = 	snop  }
0x5: {  	_ = 	snop  }
0x6: {  	_ = 	snop  }
0x7: {  	_ = 	snop  }
__scs_overlays_trampoline_lowered:
0x8: {  	[smem:$0x3FAA] =	sst s0  }
0x9: {  	[smem:$0x3FAB] =	sst s1  }
0xa: {  	[smem:$0x3FAC] =	sst s2  }
0xb: {  	[smem:$0x3FAD] =	sst s3  }
0xc: {  	[smem:$0x3FAE] =	sst s4  }
0xd: {  	[smem:$0x3FAF] =	sst s5  }
0xe: {  	[smem:$0x3FB0] =	sst s6  }
0xf: {  	[smem:$0x3FB1] =	sst s7  }
0x10: {  	[smem:$0x3FB2] =	sst s8  }
0x11: {  	[smem:$0x3FB3] =	sst s9;
	s0 =	simm.s32 @!p0 $0x0  }
0x12: {  	s1 =	sld [smem:$0x3F99];
	s0 =	simm.s32 @p0 $0x1  }
0x13: {  	[smem:$0x3FB4] =	sst s0;
	s0 =	simm.s32 @!p1 $0x0  }
0x14: {  	s2 =	sld [smem:$0x3F98];
	s0 =	simm.s32 @p1 $0x1  }
0x15: {  	[smem:$0x3FB5] =	sst s0;
	s0 =	simm.s32 @!p2 $0x0  }
0x16: {  	s3 =	sld [smem:$0x3FDB];
	s0 =	simm.s32 @p2 $0x1  }
0x17: {  	s4 =	simm.s32 $0x1BF5;
	[smem:$0x3FB7] =	sst s0  }
0x18: {  	s0 =	sld [smem:$0x3F9A];
	_ =	swait.ge [sflag:s4], $0x0  }
0x19: {  	s7 =	sld [smem:$0x3F9B]  }
0x1a: {  	s8 =	sadd.s32 $0xFFFFE003, lr  }
0x1b: {  	s9 =	sadd.s32 $0xFFFFFEF7, lr;
	s5 =	simm.s32 $0xFFFFFFFF;
	p2 =	slt.u32 s8, $0xFFFFF086  }
0x1c: {  	p1 =	slt.u32 s9, $0xF7A;
	s5 =	simm.s32 @!p2 $0x0  }
0x1d: {  	s5 =	simm.s32 @p1 $0x1;
	p0 =	seq.s32 s7, s2  }
0x1e: {  	s7 =	smul.u32 @!p0 $0xF7A, s2;
	p2 =	seq.s32 @!p0 s5, $0x0  }
0x1f: {  	s9 =	smul.u32 $0xF7A, s1;
	s8 =	simm.s32 @!p0 $0x1BF5;
	p2 =	por !p2, p0  }
0x20: {  	[sflag:s8] =	ssyncset.s32 @!p0 $0xFFFFF086;
	s6 =	sadd.s32 @!p0 s3, s7;
	s7 =	simm.s32 @!p0 $0x108  }
0x21: {  	s3 =	sadd.s32 s3, s9;
	s6 =	sadd.s32 @!p0 $0x88, s6;
	s7 =	simm.s32 @p2 $0x1082  }
0x22: {  	[simem:s7], [sflag:s8] =	dma.local @!p0 [hbm:s6], $0xF7A  }
0x23: {  	s9 =	sor.u32 $0xD0000000, s2;
	s6 =	simm.s32 $0x108;
	_ =	swait.ge @!p0 [sflag:s8], $0x0  }
0x24: {  	s3 =	sadd.s32 $0x88, s3;
	s6 =	simm.s32 @!p1 $0x1082;
	[sflag:s4] =	ssyncset.s32 $0xFFFFF086  }
0x25: {  	[simem:s6], [sflag:s4] =	dma.local [hbm:s3], $0xF7A  }
0x26: {  	[smem:$0x3F9B] =	sst s1;
	(tag) =	ssettag s2;
	_ =	strace s9  }
0x27: {  	s1 =	sld [smem:$0x3FAB]  }
0x28: {  	s2 =	sld [smem:$0x3FAC]  }
0x29: {  	s4 =	sld [smem:$0x3FAE]  }
0x2a: {  	p0 =	seq.s32 s5, $0x0;
	s5 =	sld [smem:$0x3FAF]  }
0x2b: {  	s6 =	sld [smem:$0x3FB0]  }
0x2c: {  	s7 =	sld [smem:$0x3FB1]  }
0x2d: {  	s3 =	simm.s32 $0x108;
	s8 =	sld [smem:$0x3FB2]  }
0x2e: {  	s3 =	simm.s32 @!p0 $0x1082;
	s9 =	sld [smem:$0x3FB3]  }
0x2f: {  	lr =	sadd.s32 s0, s3;
	s0 =	sld [smem:$0x3FAA]  }
0x30: {  	s3 =	sld [smem:$0x3FAD]  }
0x31: {  	[smem:$0x3FB6] =	sst s10  }
0x32: {  	s10 =	sld [smem:$0x3FB4];
	_ =	sdelay $0x3  }
0x33: {  	p0 =	seq.s32 s10, $0x1;
	s10 =	sld [smem:$0x3FB6];
	_ =	sdelay $0x3  }
0x34: {  	[smem:$0x3FB6] =	sst s10  }
0x35: {  	s10 =	sld [smem:$0x3FB5];
	_ =	sdelay $0x3  }
0x36: {  	p1 =	seq.s32 s10, $0x1;
	s10 =	sld [smem:$0x3FB6];
	_ =	sdelay $0x3  }
0x37: {  	[smem:$0x3FB6] =	sst s10  }
0x38: {  	s10 =	sld [smem:$0x3FB7]  }
0x39: {  	_ = 	snop;
	(pc) =	sbr.ind lr, $3  }
0x3a: {  	_ = 	snop  }
0x3b: {  	_ = 	snop  }
0x3c: {  	p2 =	seq.s32 s10, $0x1;
	s10 =	sld [smem:$0x3FB6]  }
0x3d: {  	_ =	shalt  }
0x3e: {  	_ =	shalt  }
0x3f: {  	_ =	shalt  }
0x40: {  	_ =	shalt  }
0x41: {  	_ =	shalt  }
0x42: {  	_ =	shalt  }
0x43: {  	_ =	shalt  }
0x44: {  	_ =	shalt  }
0x45: {  	_ =	shalt  }
0x46: {  	_ =	shalt  }
0x47: {  	_ =	shalt  }
0x48: {  	_ =	shalt  }
0x49: {  	_ =	shalt  }
0x4a: {  	_ =	shalt  }
0x4b: {  	_ =	shalt  }
0x4c: {  	_ =	shalt  }
0x4d: {  	_ =	shalt  }
0x4e: {  	_ =	shalt  }
0x4f: {  	_ =	shalt  }
0x50: {  	_ =	shalt  }
0x51: {  	_ =	shalt  }
0x52: {  	_ =	shalt  }
0x53: {  	_ =	shalt  }
0x54: {  	_ =	shalt  }
0x55: {  	_ =	shalt  }
0x56: {  	_ =	shalt  }
0x57: {  	_ =	shalt  }
0x58: {  	_ =	shalt  }
0x59: {  	_ =	shalt  }
0x5a: {  	_ =	shalt  }
0x5b: {  	_ =	shalt  }
0x5c: {  	_ =	shalt  }
0x5d: {  	_ =	shalt  }
0x5e: {  	_ =	shalt  }
0x5f: {  	_ =	shalt  }
0x60: {  	_ =	shalt  }
0x61: {  	_ =	shalt  }
0x62: {  	_ =	shalt  }
0x63: {  	_ =	shalt  }
0x64: {  	_ =	shalt  }
0x65: {  	_ =	shalt  }
0x66: {  	_ =	shalt  }
0x67: {  	_ =	shalt  }
0x68: {  	_ =	shalt  }
0x69: {  	_ =	shalt  }
0x6a: {  	_ =	shalt  }
0x6b: {  	_ =	shalt  }
0x6c: {  	_ =	shalt  }
0x6d: {  	_ =	shalt  }
0x6e: {  	_ =	shalt  }
0x6f: {  	_ =	shalt  }
0x70: {  	_ =	shalt  }
0x71: {  	_ =	shalt  }
0x72: {  	_ =	shalt  }
0x73: {  	_ =	shalt  }
0x74: {  	_ =	shalt  }
0x75: {  	_ =	shalt  }
0x76: {  	_ =	shalt  }
0x77: {  	_ =	shalt  }
0x78: {  	_ =	shalt  }
0x79: {  	_ =	shalt  }
0x7a: {  	_ =	shalt  }
0x7b: {  	_ =	shalt  }
0x7c: {  	_ =	shalt  }
0x7d: {  	_ =	shalt  }
0x7e: {  	_ =	shalt  }
0x7f: {  	_ =	shalt  }
0x80: {  	_ =	shalt  }
0x81: {  	_ =	shalt  }
0x82: {  	_ =	shalt  }
0x83: {  	_ =	shalt  }
0x84: {  	_ =	shalt  }
0x85: {  	_ =	shalt  }
0x86: {  	_ =	shalt  }
0x87: {  	_ =	shalt  }
.Lfunc_end0:
.L_simem_size_0:
called_computation.2_lowered:
.L_overlay_start_0:
0x88: {  	s2 =	sld [smem:$0x3FD9]  }
0x89: {  	s3 =	sld [smem:$0x3FFE];
	_ =	sdelay $0x1  }
0x8a: {  	s1 =	srdreg.scid  }
0x8b: {  	s0 =	sand.u32 $0x1, s1  }
0x8c: {  	s17 =	sshll.u32 s0, $0xA;
	s2 =	sadd.s32 s3, s2  }
0x8d: {  	s2 =	sadd.s32 s2, s17  }
0x8e: {  	[smem:$0x3FC2] =	sst s2  }
0x8f: {  	_ = 	snop  }
0x90: {  	s2 =	sld [smem:$0x3FD0];
	(tm) =	ssettm $0x1  }
0x91: {  	s18 =	sld [smem:$0x3FFB];
	_ =	sdelay $0x3  }
0x92: {  	_ =	strace s18  }
0x93: {  	s3 =	sld [smem:$0x3FFC];
	_ =	sdelay $0x3  }
0x94: {  	_ =	strace s3  }
0x95: {  	s3 =	sld [smem:$0x3FFD];
	_ =	sdelay $0x3  }
0x96: {  	_ =	strace s3  }
0x97: {  	_ =	strace $0x8FFFFFFF  }
0x98: {  	s19 =	sld [smem:$0x3FDB];
	_ =	sdelay $0x1  }
0x99: {  	s4 =	simm.s32 $_scs_section_size  }
0x9a: {  	s5 =	simm.s32 $_size__tile_overlayer_lowered;
	s6 =	simm.s32 $_tile_overlayer_lowered  }
0x9b: {  	s22 =	simm.s32 $0x1BFF;
	s21 =	sshll.u32 s6, $0x1;
	s3 =	sadd.s32 s4, s19  }
0x9c: {  	s7 =	simm.s32 $0x0;
	s20 =	sshll.u32 s5, $0x1;
	s5 =	sadd.s32 s21, s3  }
0x9d: {  	[timem:s7], [sflag:s22] =	dma.local [hbm:s5], s20  }
0x9e: {  	_ =	swait.ge [sflag:s22], s20  }
0x9f: {  	s4 =	ssub.s32 $0x0, s20;
	[sflag:s22] =	ssyncset.done $0x0  }
0xa0: {  	[sflag:s22] =	ssyncadd.s32 s4;
	_ =	sdelay $0x1  }
0xa1: {  	s23 =	simm.s32 $0x1B8B  }
0xa2: {  	_ =	swait.ge [sflag:s23], $0x1  }
0xa3: {  	[sflag:s23] =	ssyncset.done $0x0  }
0xa4: {  	s25 =	simm.s32 $0x1B8E;
	s24 =	sld [smem:$0x3FFE];
	[sflag:s23] =	ssyncadd.s32 $0xFFFFFFFF  }
0xa5: {  	s26 =	simm.s32 $execute0_lowered;
	[smem:$0x3FD2] =	sst s25  }
0xa6: {  	s5 =	sshll.u32 s26, $0x1;
	_ =	strace $0x8000004C;
	[dreg:$0x1] =	wrdreg $0xFFFFFFFF  }
0xa7: {  	s28 =	simm.s32 $_size_execute0_lowered;
	s3 =	sadd.s32 s3, s5;
	[dreg:$0x0] =	wrdreg $0x0  }
0xa8: {  	s5 =	sshll.u32 s28, $0x1;
	[dreg:$0x2] =	wrdreg s3  }
0xa9: {  	[dreg:$0x3] =	wrdreg s5  }
0xaa: {  	[dreg:$0x4] =	wrdreg $0xC0  }
0xab: {  	_ =	task [dreg:s7], $0x5FFFF  }
0xac: {  	[dreg:$0x1] =	wrdreg $0xFFFFFFFF  }
0xad: {  	[dreg:$0x0] =	wrdreg $0x60  }
0xae: {  	[dreg:$0x2] =	wrdreg s24  }
0xaf: {  	[dreg:$0x3] =	wrdreg s2  }
0xb0: {  	[dreg:$0x4] =	wrdreg $0xEC400  }
0xb1: {  	[dreg:$0x5] =	wrdreg $0x9  }
0xb2: {  	_ =	task.clear_ibuf [dreg:s7], $0x6FFFF;
	_ =	strace $0x9000004C  }
0xb3: {  	s29 =	simm.s32 $0x9;
	_ =	strace $0x8000004E  }
0xb4: {  	_ =	swait.ge [sflag:s29], $0x1  }
0xb5: {  	[sflag:s29] =	ssyncadd.s32 $0xFFFFFFFF  }
0xb6: {  	_ =	strace $0x9000004E  }
0xb7: {  	_ =	sfence  }
0xb8: {  	s30 =	sld [smem:$0x0];
	_ =	sdelay $0x2  }
0xb9: {  	s31 =	sshll.u32 s1, $0xD;
	s1 =	sshrl.u32 s1, $0x2  }
0xba: {  	s3 =	sand.u32 $0x4000, s31;
	s1 =	sadd.s32 s1, s30  }
0xbb: {  	s0 =	sor.u32 s3, s0;
	s1 =	sshll.u32 s1, $0x11  }
0xbc: {  	s0 =	sor.u32 s1, s0  }
0xbd: {  	s0 =	sadd.s32 $0x8F2B, s0  }
0xbe: {  	[sflag:s0] =	ssyncadd.remote.s32 $0x1  }
0xbf: {  	_ =	sfence.sel $0xFFFF  }
0xc0: {  	[dreg:$0x0] =	wrdreg $0xFFFFFFFF;
	(pc) =	sbr.abs _section_cstart, $3  }
0xc1: {  	[dreg:$0x1] =	wrdreg $0xFFFFFFFF  }
0xc2: {  	_ =	task.clear_ibuf [dreg:s7], $0x2FFFF;
	_ =	strace $0x9FFFFFFF  }
0xc3: {  	(tm) =	ssettm $0x7FFFFFFF  }
tec
execute0_lowered:
.L_overlay_start_1:
0x0: {  	(tag) =	ssettag $0x1  }
0x1: {  	s22 =	stileid.u32  }
0x2: {  	s0 =	srdreg.scid;
	s6 =	smul.u32 $0x1400, s22  }
0x3: {  	s0 =	sand.u32 $0x1, s0;
	s8 =	smul.u32 $0x2800, s22  }
0x4: {  	s7 =	sor.u32 $0x10, s22;
	s26 =	smul.u32 $0x138800, s0  }
0x5: {  	s1 =	rddreg [dreg:$0x0];
	s9 =	sor.u32 $0x20, s22;
	s10 =	smul.u32 $0x2800, s7  }
0x6: {  	s3 =	rddreg [dreg:$0x2];
	s11 =	sor.u32 $0x30, s22;
	s12 =	smul.u32 $0x2800, s9  }
0x7: {  	s4 =	simm.s32 $0x0;
	s13 =	sor.u32 $0x40, s22;
	s14 =	smul.u32 $0x2800, s11  }
0x8: {  	s29 =	simm.s32 $0x7D;
	s15 =	sor.u32 $0x50, s22;
	s16 =	smul.u32 $0x2800, s13  }
0x9: {  	[smem:$0x7FF] =	sst s4;
	s18 =	sor.u32 $0x60, s22;
	s19 =	smul.u32 $0x2800, s15  }
0xa: {  	s5 =	sadd.s32 $0x2200, s1;
	s2 =	sshll.u32 s0, $0x4;
	s20 =	smul.u32 $0x2800, s18  }
0xb: {  	_ =	strace $0x8000004D;
	s0 =	ssub.s32 $0x2, s0;
	s25 =	smul.u32 $0x1400, s11  }
0xc: {  	s2 =	sor.u32 s22, s2;
	s17 =	sshrl.u32 s0, $0x1;
	s30 =	sshrl.u32 s6, $0x2  }
0xd: {  	s2 =	smul.u32 $0x2800, s2;
	s0 =	ssub.s32 s0, s17;
	s17 =	sor.u32 $0x70, s22  }
0xe: {  	s8 =	sadd.s32 s26, s8;
	s10 =	sadd.s32 s26, s10;
	s12 =	sadd.s32 s26, s12  }
0xf: {  	s14 =	sadd.s32 s26, s14;
	s16 =	sadd.s32 s26, s16;
	s19 =	sadd.s32 s26, s19  }
0x10: {  	s20 =	sadd.s32 s26, s20;
	s31 =	sadd.s32 s30, s3;
	s21 =	smul.u32 $0x2800, s17  }
0x11: {  	s0 =	smax.u32 s0, $0x1;
	[dreg:$0x7] =	wrdreg s31;
	s23 =	sshrl.u32 s8, $0x3  }
0x12: {  	s24 =	sshrl.u32 s10, $0x3;
	s31 =	sshrl.u32 s16, $0x3;
	s16 =	smul.u32 $0x1400, s13  }
0x13: {  	s30 =	sshrl.u32 s14, $0x3;
	s10 =	sshrl.u32 s19, $0x3;
	s19 =	smul.u32 $0x1400, s15  }
0x14: {  	s11 =	sshrl.u32 s20, $0x3;
	s14 =	sshll.u32 s22, $0x6;
	s22 =	smul.u32 $0x1400, s18  }
0x15: {  	p0 =	sgt.u32 s17, $0x7C;
	s2 =	sshrl.u32 s2, $0x3;
	[dreg:$0x6] =	wrdreg s0  }
0x16: {  	s2 =	sadd.s32 s2, s1;
	s1 =	sadd.s32 $0x33A00, s1;
	s4 =	sadd.s32 s26, s21  }
0x17: {  	s21 =	smul.u32 $0x1400, s9;
	s28 =	sadd.s32 $0x1FA00, s2;
	s2 =	sadd.s32 $0x29A00, s2  }
0x18: {  	s6 =	sadd.s32 s1, s23;
	s26 =	sadd.s32 s1, s24;
	[dreg:$0x4] =	wrdreg s28  }
0x19: {  	s9 =	sadd.s32 s1, s31;
	s23 =	smul.u32 $0x1400, s17;
	[dreg:$0x5] =	wrdreg s2  }
0x1a: {  	s4 =	sshrl.u32 s4, $0x3;
	s2 =	smul.u32 $0x1400, s7;
	[dreg:$0x8] =	wrdreg s6  }
0x1b: {  	[dreg:$0x9] =	wrdreg s26;
	s28 =	sshrl.u32 s12, $0x3;
	s7 =	sadd.s32 s1, s30  }
0x1c: {  	[dreg:$0xc] =	wrdreg s9;
	s12 =	sadd.s32 s1, s11;
	s9 =	sor.u32 $0x1C09, s14  }
0x1d: {  	s20 =	sshrl.u32 s21, $0x2;
	s21 =	sshrl.u32 s25, $0x2;
	[dreg:$0xb] =	wrdreg s7  }
0x1e: {  	s26 =	sshrl.u32 s22, $0x2;
	s22 =	simm.s32 $0xCD00;
	[dreg:$0xe] =	wrdreg s12  }
0x1f: {  	s6 =	sadd.s32 s1, s28;
	s24 =	sadd.s32 s21, s3;
	[dreg:$0x10] =	wrdreg s9  }
0x20: {  	s28 =	sshrl.u32 s23, $0x2;
	s30 =	sadd.s32 s26, s3;
	[dreg:$0xa] =	wrdreg s6  }
0x21: {  	s23 =	simm.s32 $0x2;
	s21 =	simm.s32 $0xC530;
	[dreg:$0x13] =	wrdreg s24  }
0x22: {  	s6 =	sadd.s32 s1, s10;
	s1 =	sadd.s32 s1, s4;
	[dreg:$0x16] =	wrdreg s30  }
0x23: {  	s0 =	sshrl.u32 s2, $0x2;
	s4 =	sshrl.u32 s16, $0x2;
	[dreg:$0xd] =	wrdreg s6  }
0x24: {  	s31 =	sadd.s32 s28, s3;
	s16 =	simm.s32 $0x1;
	[dreg:$0xf] =	wrdreg s1  }
0x25: {  	s24 =	simm.s32 $0x3;
	s0 =	sadd.s32 s0, s3;
	[dreg:$0x17] =	wrdreg s31  }
0x26: {  	s2 =	simm.s32 $0x0;
	s1 =	sadd.s32 s20, s3;
	[dreg:$0x11] =	wrdreg s0  }
0x27: {  	s25 =	sadd.s32 s4, s3;
	[dreg:$0x12] =	wrdreg s1;
	s0 =	sshrl.u32 s19, $0x2  }
0x28: {  	s6 =	simm.s32 $0x9;
	[dreg:$0x14] =	wrdreg s25;
	s0 =	sadd.s32 s0, s3  }
0x29: {  	s20 =	simm.s32 $0xE470;
	s25 =	simm.s32 $0x4;
	[dreg:$0x15] =	wrdreg s0  }
.LBB2_1:
0x2a: {  	[dreg:$0x18] =	wrdreg s2  }
0x2b: {  	s0 =	rddreg [dreg:$0x7]  }
0x2c: {  	s1 =	sshrl.u32 s0, $0x3;
	s0 =	rddreg [dreg:$0x1]  }
0x2d: {  	[dreg:$0x19] =	wrdreg s1  }
0x2e: {  	[spmem:s1], [sflag:s9] =	dma.local [hbm:s0], $0xA0  }
0x2f: {  	_ =	swait.ge [sflag:s6], $0xA0  }
0x30: {  	s17 =	rddreg [dreg:$0x11]  }
0x31: {  	[sflag:s6] =	ssyncset.done $0x0;
	s1 =	sshrl.u32 s17, $0x3  }
0x32: {  	[sflag:s6] =	ssyncadd.s32 $0xFFFFFF60;
	[dreg:$0x1a] =	wrdreg s1  }
0x33: {  	[spmem:s1], [sflag:s9] =	dma.local [hbm:s0], $0xA0  }
0x34: {  	_ =	swait.ge [sflag:s6], $0xA0  }
0x35: {  	s18 =	rddreg [dreg:$0x12]  }
0x36: {  	[sflag:s6] =	ssyncset.done $0x0;
	s1 =	sshrl.u32 s18, $0x3  }
0x37: {  	[sflag:s6] =	ssyncadd.s32 $0xFFFFFF60;
	[dreg:$0x1b] =	wrdreg s1  }
0x38: {  	[spmem:s1], [sflag:s9] =	dma.local [hbm:s0], $0xA0  }
0x39: {  	_ =	swait.ge [sflag:s6], $0xA0  }
0x3a: {  	s19 =	rddreg [dreg:$0x13]  }
0x3b: {  	[sflag:s6] =	ssyncset.done $0x0;
	s1 =	sshrl.u32 s19, $0x3  }
0x3c: {  	[sflag:s6] =	ssyncadd.s32 $0xFFFFFF60;
	[dreg:$0x1c] =	wrdreg s1  }
0x3d: {  	[spmem:s1], [sflag:s9] =	dma.local [hbm:s0], $0xA0  }
0x3e: {  	_ =	swait.ge [sflag:s6], $0xA0  }
0x3f: {  	s26 =	rddreg [dreg:$0x14]  }
0x40: {  	[sflag:s6] =	ssyncset.done $0x0;
	s1 =	sshrl.u32 s26, $0x3  }
0x41: {  	[sflag:s6] =	ssyncadd.s32 $0xFFFFFF60;
	[dreg:$0x1d] =	wrdreg s1  }
0x42: {  	[spmem:s1], [sflag:s9] =	dma.local [hbm:s0], $0xA0  }
0x43: {  	_ =	swait.ge [sflag:s6], $0xA0  }
0x44: {  	s28 =	rddreg [dreg:$0x15]  }
0x45: {  	[sflag:s6] =	ssyncset.done $0x0;
	s1 =	sshrl.u32 s28, $0x3  }
0x46: {  	[sflag:s6] =	ssyncadd.s32 $0xFFFFFF60;
	[dreg:$0x1f] =	wrdreg s1  }
0x47: {  	[spmem:s1], [sflag:s9] =	dma.local [hbm:s0], $0xA0  }
0x48: {  	_ =	swait.ge [sflag:s6], $0xA0  }
0x49: {  	s30 =	rddreg [dreg:$0x16]  }
0x4a: {  	[sflag:s6] =	ssyncset.done $0x0;
	s1 =	sshrl.u32 s30, $0x3  }
0x4b: {  	[sflag:s6] =	ssyncadd.s32 $0xFFFFFF60;
	[smem:$0x7FD] =	sst s1  }
0x4c: {  	[spmem:s1], [sflag:s9] =	dma.local [hbm:s0], $0xA0  }
0x4d: {  	_ =	swait.ge [sflag:s6], $0xA0  }
0x4e: {  	s1 =	rddreg [dreg:$0x17]  }
0x4f: {  	[sflag:s6] =	ssyncset.done $0x0;
	s1 =	sshrl.u32 @!p0 s1, $0x3  }
0x50: {  	[sflag:s6] =	ssyncadd.s32 $0xFFFFFF60;
	[dreg:$0x1e] =	wrdreg s1  }
0x51: {  	[spmem:s1], [sflag:s9] =	dma.local @!p0 [hbm:s0], $0xA0  }
0x52: {  	s0 =	simm.s32 @!p0 $0x9  }
0x53: {  	_ =	swait.ge @!p0 [sflag:s0], $0xA0  }
0x54: {  	[sflag:s0] =	ssyncset.done @!p0 $0x0  }
0x55: {  	s31 =	simm.s32 $0x0;
	s2 =	rddreg [dreg:$0x4];
	[sflag:s0] =	ssyncadd.s32 @!p0 $0xFFFFFF60  }
0x56: {  	[tilespmem:s31], [sflag:$0x9] =	stream.linear.gather [hbm4b:s2+s31], $0x2800, $0x38;
	[tilespmem:$0x11350] =	vst v63  }
0x57: {  	_ =	swait.ge [sflag:s6], $0x2800  }
0x58: {  	[sflag:s6] =	ssyncset.done $0x0  }
0x59: {  	s7 =	simm.s32 $0x2800;
	s4 =	rddreg [dreg:$0x5];
	[sflag:s6] =	ssyncadd.s32 $0xFFFFD800  }
0x5a: {  	[tilespmem:s7], [sflag:$0x9] =	stream.linear.gather [hbm4b:s4+s31], $0x2800, $0x38;
	[tilespmem:$0x11350] =	vst v63  }
0x5b: {  	_ =	swait.ge [sflag:s6], $0x2800  }
0x5c: {  	[sflag:s6] =	ssyncset.done $0x0  }
0x5d: {  	[sflag:s6] =	ssyncadd.s32 $0xFFFFD800  }
0x5e: {  	s1 =	simm.s32 $0x5000;
	[bflag:$0x0] =	sbarrier.arrive $0xFFFF  }
0x5f: {  	[tilespmem:s1], [sflag:$0x1] =	stream.indirect.gather [hbm4b:s5+s29], $0x10, s31, s29, $0xb8;
	[tilespmem:$0x11350] =	vst v63  }
0x60: {  	s8 =	simm.s32 $0x80;
	s2 =	simm.s32 $0x57D0  }
0x61: {  	[tilespmem:s2], [sflag:$0x1] =	stream.indirect.gather [hbm4b:s5+s29], $0x10, s8, s29, $0xb8;
	[tilespmem:$0x11350] =	vst v63  }
0x62: {  	s9 =	simm.s32 $0x100;
	s4 =	simm.s32 $0x5FA0  }
0x63: {  	[tilespmem:s4], [sflag:$0x1] =	stream.indirect.gather [hbm4b:s5+s29], $0x10, s9, s29, $0xb8;
	[tilespmem:$0x11350] =	vst v63  }
0x64: {  	s10 =	simm.s32 $0x180;
	s6 =	simm.s32 $0x6770  }
0x65: {  	[tilespmem:s6], [sflag:$0x1] =	stream.indirect.gather [hbm4b:s5+s29], $0x10, s10, s29, $0xb8;
	[tilespmem:$0x11350] =	vst v63  }
0x66: {  	s11 =	simm.s32 $0x200;
	s7 =	simm.s32 $0x6F40  }
0x67: {  	[tilespmem:s7], [sflag:$0x1] =	stream.indirect.gather [hbm4b:s5+s29], $0x10, s11, s29, $0xb8;
	[tilespmem:$0x11350] =	vst v63  }
0x68: {  	s12 =	simm.s32 $0x280;
	s8 =	simm.s32 $0x7710  }
0x69: {  	[tilespmem:s8], [sflag:$0x2] =	stream.indirect.gather [hbm4b:s5+s29], $0x10, s12, s29, $0xb8;
	[tilespmem:$0x11350] =	vst v63  }
0x6a: {  	s13 =	simm.s32 $0x300;
	s9 =	simm.s32 $0x7EE0  }
0x6b: {  	[tilespmem:s9], [sflag:$0x2] =	stream.indirect.gather [hbm4b:s5+s29], $0x10, s13, s29, $0xb8;
	[tilespmem:$0x11350] =	vst v63  }
0x6c: {  	s14 =	simm.s32 $0x380;
	p1 =	por $0x1, $0x1;
	s10 =	simm.s32 $0x86B0  }
0x6d: {  	[tilespmem:s10], [sflag:$0x2] =	stream.indirect.gather [hbm4b:s5+s29], $0x10, s14, s29, $0xb8;
	[tilespmem:$0x11350] =	vst v63  }
0x6e: {  	s15 =	simm.s32 $0x400;
	p1 =	por p1, p1;
	s11 =	simm.s32 $0x8E80  }
0x6f: {  	[tilespmem:s11], [sflag:$0x2] =	stream.indirect.gather [hbm4b:s5+s29], $0x10, s15, s29, $0xb8;
	[tilespmem:$0x11350] =	vst v63  }
0x70: {  	s17 =	simm.s32 $0x480;
	s0 =	simm.s32 @!p1 $0x7;
	s12 =	simm.s32 $0x9650  }
0x71: {  	[tilespmem:s12], [sflag:$0x2] =	stream.indirect.gather [hbm4b:s5+s29], $0x10, s17, s29, $0xb8;
	[tilespmem:$0x11350] =	vst v63  }
0x72: {  	_ =	swait.ge @!p1 [sflag:s0], $0x7D0  }
0x73: {  	[sflag:s0] =	ssyncset.done @!p1 $0x0  }
0x74: {  	[sflag:s0] =	ssyncadd.s32 @!p1 $0xFFFFF830  }
0x75: {  	_ =	swait.ge @!p1 [sflag:s0], $0x7D0  }
0x76: {  	[sflag:s0] =	ssyncset.done @!p1 $0x0  }
0x77: {  	[sflag:s0] =	ssyncadd.s32 @!p1 $0xFFFFF830  }
0x78: {  	_ =	swait.ge @!p1 [sflag:s0], $0x7D0  }
0x79: {  	[sflag:s0] =	ssyncset.done @!p1 $0x0  }
0x7a: {  	[sflag:s0] =	ssyncadd.s32 @!p1 $0xFFFFF830  }
0x7b: {  	_ =	swait.ge @!p1 [sflag:s0], $0x7D0  }
0x7c: {  	[sflag:s0] =	ssyncset.done @!p1 $0x0  }
0x7d: {  	[sflag:s0] =	ssyncadd.s32 @!p1 $0xFFFFF830  }
0x7e: {  	_ =	swait.ge @!p1 [sflag:s0], $0x7D0  }
0x7f: {  	[sflag:s0] =	ssyncset.done @!p1 $0x0  }
0x80: {  	s18 =	simm.s32 $0x500;
	s13 =	simm.s32 $0x9E20;
	[sflag:s0] =	ssyncadd.s32 @!p1 $0xFFFFF830  }
0x81: {  	[tilespmem:s13], [sflag:$0x3] =	stream.indirect.gather [hbm4b:s5+s29], $0x10, s18, s29, $0xb8;
	[tilespmem:$0x11350] =	vst v63  }
0x82: {  	s19 =	simm.s32 $0x580;
	s14 =	simm.s32 $0xA5F0  }
0x83: {  	[tilespmem:s14], [sflag:$0x3] =	stream.indirect.gather [hbm4b:s5+s29], $0x10, s19, s29, $0xb8;
	[tilespmem:$0x11350] =	vst v63  }
0x84: {  	s26 =	simm.s32 $0x600;
	s15 =	simm.s32 $0xADC0  }
0x85: {  	[tilespmem:s15], [sflag:$0x3] =	stream.indirect.gather [hbm4b:s5+s29], $0x10, s26, s29, $0xb8;
	[tilespmem:$0x11350] =	vst v63  }
0x86: {  	s28 =	simm.s32 $0x680;
	s17 =	simm.s32 $0xB590  }
0x87: {  	[tilespmem:s17], [sflag:$0x3] =	stream.indirect.gather [hbm4b:s5+s29], $0x10, s28, s29, $0xb8;
	[tilespmem:$0x11350] =	vst v63  }
0x88: {  	s30 =	simm.s32 $0x700;
	s18 =	simm.s32 $0xBD60  }
0x89: {  	[tilespmem:s18], [sflag:$0x3] =	stream.indirect.gather [hbm4b:s5+s29], $0x10, s30, s29, $0xb8;
	[tilespmem:$0x11350] =	vst v63  }
0x8a: {  	_ =	swait.ge [sflag:s16], $0x7D0  }
0x8b: {  	[sflag:s16] =	ssyncset.done $0x0  }
0x8c: {  	[sflag:s16] =	ssyncadd.s32 $0xFFFFF830  }
0x8d: {  	_ =	swait.ge [sflag:s16], $0x7D0  }
0x8e: {  	[sflag:s16] =	ssyncset.done $0x0  }
0x8f: {  	[sflag:s16] =	ssyncadd.s32 $0xFFFFF830  }
0x90: {  	_ =	swait.ge [sflag:s16], $0x7D0  }
0x91: {  	[sflag:s16] =	ssyncset.done $0x0  }
0x92: {  	[sflag:s16] =	ssyncadd.s32 $0xFFFFF830  }
0x93: {  	_ =	swait.ge [sflag:s16], $0x7D0  }
0x94: {  	[sflag:s16] =	ssyncset.done $0x0  }
0x95: {  	[sflag:s16] =	ssyncadd.s32 $0xFFFFF830  }
0x96: {  	_ =	swait.ge [sflag:s16], $0x7D0  }
0x97: {  	[sflag:s16] =	ssyncset.done $0x0  }
0x98: {  	s31 =	simm.s32 $0x2800;
	[sflag:s16] =	ssyncadd.s32 $0xFFFFF830  }
0x99: {  	[spmem:s3] =	stream.indirect.scatter.add.f32 [tilespmem:s1], [sflag:$0x5], $0x10, s31, s29, $0xb8;
	[tilespmem:$0x11350] =	vst v63  }
0x9a: {  	s1 =	simm.s32 $0x2880  }
0x9b: {  	[spmem:s3] =	stream.indirect.scatter.add.f32 [tilespmem:s2], [sflag:$0x5], $0x10, s1, s29, $0xb8;
	[tilespmem:$0x11350] =	vst v63  }
0x9c: {  	s2 =	simm.s32 $0x2900  }
0x9d: {  	[spmem:s3] =	stream.indirect.scatter.add.f32 [tilespmem:s4], [sflag:$0x5], $0x10, s2, s29, $0xb8;
	[tilespmem:$0x11350] =	vst v63  }
0x9e: {  	s4 =	simm.s32 $0x2980  }
0x9f: {  	[spmem:s3] =	stream.indirect.scatter.add.f32 [tilespmem:s6], [sflag:$0x5], $0x10, s4, s29, $0xb8;
	[tilespmem:$0x11350] =	vst v63  }
0xa0: {  	s19 =	simm.s32 $0x2A00;
	s1 =	simm.s32 @!p1 $0x8  }
0xa1: {  	[spmem:s3] =	stream.indirect.scatter.add.f32 [tilespmem:s7], [sflag:$0x5], $0x10, s19, s29, $0xb8;
	[tilespmem:$0x11350] =	vst v63  }
0xa2: {  	_ =	swait.ge @!p1 [sflag:s1], $0x7D0  }
0xa3: {  	[sflag:s1] =	ssyncset.done @!p1 $0x0  }
0xa4: {  	[sflag:s1] =	ssyncadd.s32 @!p1 $0xFFFFF830  }
0xa5: {  	_ =	swait.ge @!p1 [sflag:s1], $0x7D0  }
0xa6: {  	[sflag:s1] =	ssyncset.done @!p1 $0x0  }
0xa7: {  	[sflag:s1] =	ssyncadd.s32 @!p1 $0xFFFFF830  }
0xa8: {  	_ =	swait.ge @!p1 [sflag:s1], $0x7D0  }
0xa9: {  	[sflag:s1] =	ssyncset.done @!p1 $0x0  }
0xaa: {  	[sflag:s1] =	ssyncadd.s32 @!p1 $0xFFFFF830  }
0xab: {  	_ =	swait.ge @!p1 [sflag:s1], $0x7D0  }
0xac: {  	[sflag:s1] =	ssyncset.done @!p1 $0x0  }
0xad: {  	[sflag:s1] =	ssyncadd.s32 @!p1 $0xFFFFF830  }
0xae: {  	_ =	swait.ge @!p1 [sflag:s1], $0x7D0  }
0xaf: {  	[sflag:s1] =	ssyncset.done @!p1 $0x0  }
0xb0: {  	s26 =	simm.s32 $0x780;
	s4 =	simm.s32 $0xC530;
	[sflag:s1] =	ssyncadd.s32 @!p1 $0xFFFFF830  }
0xb1: {  	[tilespmem:s4], [sflag:$0x4] =	stream.indirect.gather [hbm4b:s5+s29], $0x10, s26, s29, $0xb8;
	[tilespmem:$0x11350] =	vst v63  }
0xb2: {  	s28 =	simm.s32 $0x800;
	s6 =	simm.s32 $0xCD00  }
0xb3: {  	[tilespmem:s6], [sflag:$0x4] =	stream.indirect.gather [hbm4b:s5+s29], $0x10, s28, s29, $0xb8;
	[tilespmem:$0x11350] =	vst v63  }
0xb4: {  	s30 =	simm.s32 $0x880;
	s7 =	simm.s32 $0xD4D0  }
0xb5: {  	[tilespmem:s7], [sflag:$0x4] =	stream.indirect.gather [hbm4b:s5+s29], $0x10, s30, s29, $0xb8;
	[tilespmem:$0x11350] =	vst v63  }
0xb6: {  	s31 =	simm.s32 $0x900;
	s19 =	simm.s32 $0xDCA0  }
0xb7: {  	[tilespmem:s19], [sflag:$0x4] =	stream.indirect.gather [hbm4b:s5+s29], $0x10, s31, s29, $0xb8;
	[tilespmem:$0x11350] =	vst v63  }
0xb8: {  	s1 =	simm.s32 $0x980  }
0xb9: {  	[tilespmem:s20], [sflag:$0x4] =	stream.indirect.gather [hbm4b:s5+s29], $0x10, s1, s29, $0xb8;
	[tilespmem:$0x11350] =	vst v63  }
0xba: {  	_ =	swait.ge [sflag:s23], $0x7D0  }
0xbb: {  	[sflag:s23] =	ssyncset.done $0x0  }
0xbc: {  	[sflag:s23] =	ssyncadd.s32 $0xFFFFF830  }
0xbd: {  	_ =	swait.ge [sflag:s23], $0x7D0  }
0xbe: {  	[sflag:s23] =	ssyncset.done $0x0  }
0xbf: {  	[sflag:s23] =	ssyncadd.s32 $0xFFFFF830  }
0xc0: {  	_ =	swait.ge [sflag:s23], $0x7D0  }
0xc1: {  	[sflag:s23] =	ssyncset.done $0x0  }
0xc2: {  	[sflag:s23] =	ssyncadd.s32 $0xFFFFF830  }
0xc3: {  	_ =	swait.ge [sflag:s23], $0x7D0  }
0xc4: {  	[sflag:s23] =	ssyncset.done $0x0  }
0xc5: {  	[sflag:s23] =	ssyncadd.s32 $0xFFFFF830  }
0xc6: {  	_ =	swait.ge [sflag:s23], $0x7D0  }
0xc7: {  	[sflag:s23] =	ssyncset.done $0x0  }
0xc8: {  	s2 =	simm.s32 $0x2A80;
	[sflag:s23] =	ssyncadd.s32 $0xFFFFF830  }
0xc9: {  	[spmem:s3] =	stream.indirect.scatter.add.f32 [tilespmem:s8], [sflag:$0x6], $0x10, s2, s29, $0xb8;
	[tilespmem:$0x11350] =	vst v63  }
0xca: {  	s8 =	simm.s32 $0x2B00  }
0xcb: {  	[spmem:s3] =	stream.indirect.scatter.add.f32 [tilespmem:s9], [sflag:$0x6], $0x10, s8, s29, $0xb8;
	[tilespmem:$0x11350] =	vst v63  }
0xcc: {  	s9 =	simm.s32 $0x2B80  }
0xcd: {  	[spmem:s3] =	stream.indirect.scatter.add.f32 [tilespmem:s10], [sflag:$0x6], $0x10, s9, s29, $0xb8;
	[tilespmem:$0x11350] =	vst v63  }
0xce: {  	p1 =	por $0x0, $0x0;
	s10 =	simm.s32 $0x2C00  }
0xcf: {  	[spmem:s3] =	stream.indirect.scatter.add.f32 [tilespmem:s11], [sflag:$0x6], $0x10, s10, s29, $0xb8;
	[tilespmem:$0x11350] =	vst v63  }
0xd0: {  	s1 =	simm.s32 @!p1 $0x5;
	s11 =	simm.s32 $0x2C80  }
0xd1: {  	[spmem:s3] =	stream.indirect.scatter.add.f32 [tilespmem:s12], [sflag:$0x6], $0x10, s11, s29, $0xb8;
	[tilespmem:$0x11350] =	vst v63  }
0xd2: {  	_ =	swait.ge @!p1 [sflag:s1], $0x7D0  }
0xd3: {  	[sflag:s1] =	ssyncset.done @!p1 $0x0  }
0xd4: {  	[sflag:s1] =	ssyncadd.s32 @!p1 $0xFFFFF830  }
0xd5: {  	_ =	swait.ge @!p1 [sflag:s1], $0x7D0  }
0xd6: {  	[sflag:s1] =	ssyncset.done @!p1 $0x0  }
0xd7: {  	[sflag:s1] =	ssyncadd.s32 @!p1 $0xFFFFF830  }
0xd8: {  	_ =	swait.ge @!p1 [sflag:s1], $0x7D0  }
0xd9: {  	[sflag:s1] =	ssyncset.done @!p1 $0x0  }
0xda: {  	[sflag:s1] =	ssyncadd.s32 @!p1 $0xFFFFF830  }
0xdb: {  	_ =	swait.ge @!p1 [sflag:s1], $0x7D0  }
0xdc: {  	[sflag:s1] =	ssyncset.done @!p1 $0x0  }
0xdd: {  	[sflag:s1] =	ssyncadd.s32 @!p1 $0xFFFFF830  }
0xde: {  	_ =	swait.ge @!p1 [sflag:s1], $0x7D0  }
0xdf: {  	s0 =	simm.s32 @!p1 $0x7D;
	[sflag:s1] =	ssyncset.done @!p1 $0x0  }
0xe0: {  	s2 =	simm.s32 @!p1 $0xA00;
	[sflag:s1] =	ssyncadd.s32 @!p1 $0xFFFFF830;
	s1 =	simm.s32 @!p1 $0x5000  }
0xe1: {  	[tilespmem:s1], [sflag:$0x1] =	stream.indirect.gather @!p1 [hbm4b:s5+s0], $0x10, s2, s0, $0xb8;
	[tilespmem:$0x11350] =	vst v63  }
0xe2: {  	s1 =	simm.s32 @!p1 $0xA80;
	s2 =	simm.s32 @!p1 $0x57D0  }
0xe3: {  	[tilespmem:s2], [sflag:$0x1] =	stream.indirect.gather @!p1 [hbm4b:s5+s0], $0x10, s1, s0, $0xb8;
	[tilespmem:$0x11350] =	vst v63  }
0xe4: {  	s1 =	simm.s32 @!p1 $0xB00;
	s2 =	simm.s32 @!p1 $0x5FA0  }
0xe5: {  	[tilespmem:s2], [sflag:$0x1] =	stream.indirect.gather @!p1 [hbm4b:s5+s0], $0x10, s1, s0, $0xb8;
	[tilespmem:$0x11350] =	vst v63  }
0xe6: {  	s1 =	simm.s32 @!p1 $0xB80;
	s2 =	simm.s32 @!p1 $0x6770  }
0xe7: {  	[tilespmem:s2], [sflag:$0x1] =	stream.indirect.gather @!p1 [hbm4b:s5+s0], $0x10, s1, s0, $0xb8;
	[tilespmem:$0x11350] =	vst v63  }
0xe8: {  	s1 =	simm.s32 @!p1 $0xC00;
	s2 =	simm.s32 @!p1 $0x6F40  }
0xe9: {  	[tilespmem:s2], [sflag:$0x1] =	stream.indirect.gather @!p1 [hbm4b:s5+s0], $0x10, s1, s0, $0xb8;
	[tilespmem:$0x11350] =	vst v63  }
0xea: {  	_ =	swait.ge [sflag:s24], $0x7D0  }
0xeb: {  	[sflag:s24] =	ssyncset.done $0x0  }
0xec: {  	[sflag:s24] =	ssyncadd.s32 $0xFFFFF830  }
0xed: {  	_ =	swait.ge [sflag:s24], $0x7D0  }
0xee: {  	[sflag:s24] =	ssyncset.done $0x0  }
0xef: {  	[sflag:s24] =	ssyncadd.s32 $0xFFFFF830  }
0xf0: {  	_ =	swait.ge [sflag:s24], $0x7D0  }
0xf1: {  	[sflag:s24] =	ssyncset.done $0x0  }
0xf2: {  	[sflag:s24] =	ssyncadd.s32 $0xFFFFF830  }
0xf3: {  	_ =	swait.ge [sflag:s24], $0x7D0  }
0xf4: {  	[sflag:s24] =	ssyncset.done $0x0  }
0xf5: {  	[sflag:s24] =	ssyncadd.s32 $0xFFFFF830  }
0xf6: {  	_ =	swait.ge [sflag:s24], $0x7D0  }
0xf7: {  	[sflag:s24] =	ssyncset.done $0x0  }
0xf8: {  	s12 =	simm.s32 $0x2D00;
	[sflag:s24] =	ssyncadd.s32 $0xFFFFF830  }
0xf9: {  	[spmem:s3] =	stream.indirect.scatter.add.f32 [tilespmem:s13], [sflag:$0x7], $0x10, s12, s29, $0xb8;
	[tilespmem:$0x11350] =	vst v63  }
0xfa: {  	s13 =	simm.s32 $0x2D80  }
0xfb: {  	[spmem:s3] =	stream.indirect.scatter.add.f32 [tilespmem:s14], [sflag:$0x7], $0x10, s13, s29, $0xb8;
	[tilespmem:$0x11350] =	vst v63  }
0xfc: {  	s14 =	simm.s32 $0x2E00  }
0xfd: {  	[spmem:s3] =	stream.indirect.scatter.add.f32 [tilespmem:s15], [sflag:$0x7], $0x10, s14, s29, $0xb8;
	[tilespmem:$0x11350] =	vst v63  }
0xfe: {  	s15 =	simm.s32 $0x2E80  }
0xff: {  	[spmem:s3] =	stream.indirect.scatter.add.f32 [tilespmem:s17], [sflag:$0x7], $0x10, s15, s29, $0xb8;
	[tilespmem:$0x11350] =	vst v63  }
0x100: {  	s20 =	simm.s32 $0x2F00;
	s2 =	simm.s32 @!p1 $0x6  }
0x101: {  	[spmem:s3] =	stream.indirect.scatter.add.f32 [tilespmem:s18], [sflag:$0x7], $0x10, s20, s29, $0xb8;
	[tilespmem:$0x11350] =	vst v63  }
0x102: {  	_ =	swait.ge @!p1 [sflag:s2], $0x7D0  }
0x103: {  	[sflag:s2] =	ssyncset.done @!p1 $0x0  }
0x104: {  	[sflag:s2] =	ssyncadd.s32 @!p1 $0xFFFFF830  }
0x105: {  	_ =	swait.ge @!p1 [sflag:s2], $0x7D0  }
0x106: {  	[sflag:s2] =	ssyncset.done @!p1 $0x0  }
0x107: {  	[sflag:s2] =	ssyncadd.s32 @!p1 $0xFFFFF830  }
0x108: {  	_ =	swait.ge @!p1 [sflag:s2], $0x7D0  }
0x109: {  	[sflag:s2] =	ssyncset.done @!p1 $0x0  }
0x10a: {  	[sflag:s2] =	ssyncadd.s32 @!p1 $0xFFFFF830  }
0x10b: {  	_ =	swait.ge @!p1 [sflag:s2], $0x7D0  }
0x10c: {  	[sflag:s2] =	ssyncset.done @!p1 $0x0  }
0x10d: {  	[sflag:s2] =	ssyncadd.s32 @!p1 $0xFFFFF830  }
0x10e: {  	_ =	swait.ge @!p1 [sflag:s2], $0x7D0  }
0x10f: {  	[sflag:s2] =	ssyncset.done @!p1 $0x0  }
0x110: {  	s1 =	simm.s32 @!p1 $0xC80;
	[sflag:s2] =	ssyncadd.s32 @!p1 $0xFFFFF830;
	s2 =	simm.s32 @!p1 $0x7710  }
0x111: {  	[tilespmem:s2], [sflag:$0x2] =	stream.indirect.gather @!p1 [hbm4b:s5+s0], $0x10, s1, s0, $0xb8;
	[tilespmem:$0x11350] =	vst v63  }
0x112: {  	s1 =	simm.s32 @!p1 $0xD00;
	s2 =	simm.s32 @!p1 $0x7EE0  }
0x113: {  	[tilespmem:s2], [sflag:$0x2] =	stream.indirect.gather @!p1 [hbm4b:s5+s0], $0x10, s1, s0, $0xb8;
	[tilespmem:$0x11350] =	vst v63  }
0x114: {  	s1 =	simm.s32 @!p1 $0xD80;
	s2 =	simm.s32 @!p1 $0x86B0  }
0x115: {  	[tilespmem:s2], [sflag:$0x2] =	stream.indirect.gather @!p1 [hbm4b:s5+s0], $0x10, s1, s0, $0xb8;
	[tilespmem:$0x11350] =	vst v63  }
0x116: {  	s1 =	simm.s32 @!p1 $0xE00;
	s2 =	simm.s32 @!p1 $0x8E80  }
0x117: {  	[tilespmem:s2], [sflag:$0x2] =	stream.indirect.gather @!p1 [hbm4b:s5+s0], $0x10, s1, s0, $0xb8;
	[tilespmem:$0x11350] =	vst v63  }
0x118: {  	s1 =	simm.s32 @!p1 $0xE80;
	s2 =	simm.s32 @!p1 $0x9650  }
0x119: {  	[tilespmem:s2], [sflag:$0x2] =	stream.indirect.gather @!p1 [hbm4b:s5+s0], $0x10, s1, s0, $0xb8;
	[tilespmem:$0x11350] =	vst v63  }
0x11a: {  	_ =	swait.ge [sflag:s25], $0x7D0  }
0x11b: {  	[sflag:s25] =	ssyncset.done $0x0  }
0x11c: {  	[sflag:s25] =	ssyncadd.s32 $0xFFFFF830  }
0x11d: {  	_ =	swait.ge [sflag:s25], $0x7D0  }
0x11e: {  	[sflag:s25] =	ssyncset.done $0x0  }
0x11f: {  	[sflag:s25] =	ssyncadd.s32 $0xFFFFF830  }
0x120: {  	_ =	swait.ge [sflag:s25], $0x7D0  }
0x121: {  	[sflag:s25] =	ssyncset.done $0x0  }
0x122: {  	[sflag:s25] =	ssyncadd.s32 $0xFFFFF830  }
0x123: {  	_ =	swait.ge [sflag:s25], $0x7D0  }
0x124: {  	[sflag:s25] =	ssyncset.done $0x0  }
0x125: {  	[sflag:s25] =	ssyncadd.s32 $0xFFFFF830  }
0x126: {  	_ =	swait.ge [sflag:s25], $0x7D0  }
0x127: {  	[sflag:s25] =	ssyncset.done $0x0  }
0x128: {  	s26 =	simm.s32 $0x2F80;
	[sflag:s25] =	ssyncadd.s32 $0xFFFFF830  }
0x129: {  	[spmem:s3] =	stream.indirect.scatter.add.f32 [tilespmem:s4], [sflag:$0x8], $0x10, s26, s29, $0xb8;
	[tilespmem:$0x11350] =	vst v63  }
0x12a: {  	p6 =	por $0x0, $0x0;
	s28 =	simm.s32 $0x3000  }
0x12b: {  	[spmem:s3] =	stream.indirect.scatter.add.f32 [tilespmem:s6], [sflag:$0x8], $0x10, s28, s29, $0xb8;
	[tilespmem:$0x11350] =	vst v63  }
0x12c: {  	s30 =	simm.s32 $0x3080;
	s31 =	simm.s32 $0x3100;
	s18 =	simm.s32 $0x3180  }
0x12d: {  	[spmem:s3] =	stream.indirect.scatter.add.f32 [tilespmem:s7], [sflag:$0x8], $0x10, s30, s29, $0xb8;
	[tilespmem:$0x11350] =	vst v63  }
0x12e: {  	s2 =	simm.s32 $0x5000;
	p1 =	por p6, p6;
	s4 =	simm.s32 $0x2800  }
0x12f: {  	[spmem:s3] =	stream.indirect.scatter.add.f32 [tilespmem:s19], [sflag:$0x8], $0x10, s31, s29, $0xb8;
	[tilespmem:$0x11350] =	vst v63  }
.LBB2_2:
0x130: {  	p3 =	seq.s32 s2, $0x0;
	s0 =	simm.s32 @!p1 $0x7  }
0x131: {  	s30 =	smov.u32 s2;
	s2 =	sadd.s32 $0x2800, s2;
	s7 =	simm.s32 $0xE470  }
0x132: {  	[spmem:s3] =	stream.indirect.scatter.add.f32 [tilespmem:s7], [sflag:$0x8], $0x10, s18, s29, $0xb8;
	[tilespmem:$0x11350] =	vst v63  }
0x133: {  	p2 =	sne.s32 s2, $0xA000;
	_ =	swait.ge @!p1 [sflag:s0], $0x7D0  }
0x134: {  	[sflag:s0] =	ssyncset.done @!p1 $0x0  }
0x135: {  	[sflag:s0] =	ssyncadd.s32 @!p1 $0xFFFFF830  }
0x136: {  	_ =	swait.ge @!p1 [sflag:s0], $0x7D0  }
0x137: {  	[sflag:s0] =	ssyncset.done @!p1 $0x0  }
0x138: {  	[sflag:s0] =	ssyncadd.s32 @!p1 $0xFFFFF830  }
0x139: {  	_ =	swait.ge @!p1 [sflag:s0], $0x7D0  }
0x13a: {  	[sflag:s0] =	ssyncset.done @!p1 $0x0  }
0x13b: {  	[sflag:s0] =	ssyncadd.s32 @!p1 $0xFFFFF830  }
0x13c: {  	_ =	swait.ge @!p1 [sflag:s0], $0x7D0  }
0x13d: {  	[sflag:s0] =	ssyncset.done @!p1 $0x0  }
0x13e: {  	[sflag:s0] =	ssyncadd.s32 @!p1 $0xFFFFF830  }
0x13f: {  	_ =	swait.ge @!p1 [sflag:s0], $0x7D0  }
0x140: {  	s26 =	sshra.s32 s4, $0x2;
	s20 =	simm.s32 $0x9E20;
	[sflag:s0] =	ssyncset.done @!p1 $0x0  }
0x141: {  	s18 =	sadd.s32 $0x3180, s26;
	[sflag:s0] =	ssyncadd.s32 @!p1 $0xFFFFF830;
	s0 =	sadd.s32 $0x500, s26  }
0x142: {  	[tilespmem:s20], [sflag:$0x3] =	stream.indirect.gather [hbm4b:s5+s29], $0x10, s0, s29, $0xb8;
	[tilespmem:$0x11350] =	vst v63  }
0x143: {  	s1 =	simm.s32 $0xA5F0;
	s0 =	sadd.s32 $0x580, s26  }
0x144: {  	[tilespmem:s1], [sflag:$0x3] =	stream.indirect.gather [hbm4b:s5+s29], $0x10, s0, s29, $0xb8;
	[tilespmem:$0x11350] =	vst v63  }
0x145: {  	s17 =	simm.s32 $0xADC0;
	s0 =	sadd.s32 $0x600, s26  }
0x146: {  	[tilespmem:s17], [sflag:$0x3] =	stream.indirect.gather [hbm4b:s5+s29], $0x10, s0, s29, $0xb8;
	[tilespmem:$0x11350] =	vst v63  }
0x147: {  	s19 =	simm.s32 $0xB590;
	s0 =	sadd.s32 $0x680, s26  }
0x148: {  	[tilespmem:s19], [sflag:$0x3] =	stream.indirect.gather [hbm4b:s5+s29], $0x10, s0, s29, $0xb8;
	[tilespmem:$0x11350] =	vst v63  }
0x149: {  	s1 =	simm.s32 $0xBD60;
	s0 =	sadd.s32 $0x700, s26  }
0x14a: {  	[tilespmem:s1], [sflag:$0x3] =	stream.indirect.gather [hbm4b:s5+s29], $0x10, s0, s29, $0xb8;
	[tilespmem:$0x11350] =	vst v63  }
0x14b: {  	_ =	swait.ge [sflag:s16], $0x7D0  }
0x14c: {  	[sflag:s16] =	ssyncset.done $0x0  }
0x14d: {  	[sflag:s16] =	ssyncadd.s32 $0xFFFFF830  }
0x14e: {  	_ =	swait.ge [sflag:s16], $0x7D0  }
0x14f: {  	[sflag:s16] =	ssyncset.done $0x0  }
0x150: {  	[sflag:s16] =	ssyncadd.s32 $0xFFFFF830  }
0x151: {  	_ =	swait.ge [sflag:s16], $0x7D0  }
0x152: {  	[sflag:s16] =	ssyncset.done $0x0  }
0x153: {  	[sflag:s16] =	ssyncadd.s32 $0xFFFFF830  }
0x154: {  	_ =	swait.ge [sflag:s16], $0x7D0  }
0x155: {  	[sflag:s16] =	ssyncset.done $0x0  }
0x156: {  	[sflag:s16] =	ssyncadd.s32 $0xFFFFF830  }
0x157: {  	_ =	swait.ge [sflag:s16], $0x7D0  }
0x158: {  	[sflag:s16] =	ssyncset.done $0x0  }
0x159: {  	s0 =	sadd.s32 $0x2800, s26;
	s1 =	simm.s32 $0x5000;
	[sflag:s16] =	ssyncadd.s32 $0xFFFFF830  }
0x15a: {  	[spmem:s3] =	stream.indirect.scatter.add.f32 [tilespmem:s1], [sflag:$0x5], $0x10, s0, s29, $0xb8;
	[tilespmem:$0x11350] =	vst v63  }
0x15b: {  	s0 =	sadd.s32 $0x2880, s26;
	s1 =	simm.s32 $0x57D0  }
0x15c: {  	[spmem:s3] =	stream.indirect.scatter.add.f32 [tilespmem:s1], [sflag:$0x5], $0x10, s0, s29, $0xb8;
	[tilespmem:$0x11350] =	vst v63  }
0x15d: {  	s0 =	sadd.s32 $0x2900, s26;
	s1 =	simm.s32 $0x5FA0  }
0x15e: {  	[spmem:s3] =	stream.indirect.scatter.add.f32 [tilespmem:s1], [sflag:$0x5], $0x10, s0, s29, $0xb8;
	[tilespmem:$0x11350] =	vst v63  }
0x15f: {  	s0 =	sadd.s32 $0x2980, s26;
	s1 =	simm.s32 $0x6770  }
0x160: {  	[spmem:s3] =	stream.indirect.scatter.add.f32 [tilespmem:s1], [sflag:$0x5], $0x10, s0, s29, $0xb8;
	[tilespmem:$0x11350] =	vst v63  }
0x161: {  	s6 =	simm.s32 $0x6F40;
	s0 =	sadd.s32 $0x2A00, s26;
	s1 =	simm.s32 @!p1 $0x8  }
0x162: {  	[spmem:s3] =	stream.indirect.scatter.add.f32 [tilespmem:s6], [sflag:$0x5], $0x10, s0, s29, $0xb8;
	[tilespmem:$0x11350] =	vst v63  }
0x163: {  	_ =	swait.ge @!p1 [sflag:s1], $0x7D0  }
0x164: {  	[sflag:s1] =	ssyncset.done @!p1 $0x0  }
0x165: {  	[sflag:s1] =	ssyncadd.s32 @!p1 $0xFFFFF830  }
0x166: {  	_ =	swait.ge @!p1 [sflag:s1], $0x7D0  }
0x167: {  	[sflag:s1] =	ssyncset.done @!p1 $0x0  }
0x168: {  	[sflag:s1] =	ssyncadd.s32 @!p1 $0xFFFFF830  }
0x169: {  	_ =	swait.ge @!p1 [sflag:s1], $0x7D0  }
0x16a: {  	[sflag:s1] =	ssyncset.done @!p1 $0x0  }
0x16b: {  	[sflag:s1] =	ssyncadd.s32 @!p1 $0xFFFFF830  }
0x16c: {  	_ =	swait.ge @!p1 [sflag:s1], $0x7D0  }
0x16d: {  	[sflag:s1] =	ssyncset.done @!p1 $0x0  }
0x16e: {  	[sflag:s1] =	ssyncadd.s32 @!p1 $0xFFFFF830  }
0x16f: {  	_ =	swait.ge @!p1 [sflag:s1], $0x7D0  }
0x170: {  	[sflag:s1] =	ssyncset.done @!p1 $0x0  }
0x171: {  	s0 =	sadd.s32 $0x780, s26;
	[sflag:s1] =	ssyncadd.s32 @!p1 $0xFFFFF830;
	p1 =	por p3, p3  }
0x172: {  	[tilespmem:s21], [sflag:$0x4] =	stream.indirect.gather [hbm4b:s5+s29], $0x10, s0, s29, $0xb8;
	[tilespmem:$0x11350] =	vst v63  }
0x173: {  	s0 =	sadd.s32 $0x800, s26  }
0x174: {  	[tilespmem:s22], [sflag:$0x4] =	stream.indirect.gather [hbm4b:s5+s29], $0x10, s0, s29, $0xb8;
	[tilespmem:$0x11350] =	vst v63  }
0x175: {  	s14 =	simm.s32 $0xD4D0;
	s0 =	sadd.s32 $0x880, s26  }
0x176: {  	[tilespmem:s14], [sflag:$0x4] =	stream.indirect.gather [hbm4b:s5+s29], $0x10, s0, s29, $0xb8;
	[tilespmem:$0x11350] =	vst v63  }
0x177: {  	s15 =	simm.s32 $0xDCA0;
	s0 =	sadd.s32 $0x900, s26  }
0x178: {  	[tilespmem:s15], [sflag:$0x4] =	stream.indirect.gather [hbm4b:s5+s29], $0x10, s0, s29, $0xb8;
	[tilespmem:$0x11350] =	vst v63  }
0x179: {  	s0 =	sadd.s32 $0x980, s26  }
0x17a: {  	[tilespmem:s7], [sflag:$0x4] =	stream.indirect.gather [hbm4b:s5+s29], $0x10, s0, s29, $0xb8;
	[tilespmem:$0x11350] =	vst v63  }
0x17b: {  	_ =	swait.ge [sflag:s23], $0x7D0  }
0x17c: {  	[sflag:s23] =	ssyncset.done $0x0  }
0x17d: {  	[sflag:s23] =	ssyncadd.s32 $0xFFFFF830  }
0x17e: {  	_ =	swait.ge [sflag:s23], $0x7D0  }
0x17f: {  	[sflag:s23] =	ssyncset.done $0x0  }
0x180: {  	[sflag:s23] =	ssyncadd.s32 $0xFFFFF830  }
0x181: {  	_ =	swait.ge [sflag:s23], $0x7D0  }
0x182: {  	[sflag:s23] =	ssyncset.done $0x0  }
0x183: {  	[sflag:s23] =	ssyncadd.s32 $0xFFFFF830  }
0x184: {  	_ =	swait.ge [sflag:s23], $0x7D0  }
0x185: {  	[sflag:s23] =	ssyncset.done $0x0  }
0x186: {  	[sflag:s23] =	ssyncadd.s32 $0xFFFFF830  }
0x187: {  	_ =	swait.ge [sflag:s23], $0x7D0  }
0x188: {  	[sflag:s23] =	ssyncset.done $0x0  }
0x189: {  	s1 =	simm.s32 $0x7710;
	s0 =	sadd.s32 $0x2A80, s26;
	[sflag:s23] =	ssyncadd.s32 $0xFFFFF830  }
0x18a: {  	[spmem:s3] =	stream.indirect.scatter.add.f32 [tilespmem:s1], [sflag:$0x6], $0x10, s0, s29, $0xb8;
	[tilespmem:$0x11350] =	vst v63  }
0x18b: {  	s0 =	sadd.s32 $0x2B00, s26;
	s1 =	simm.s32 $0x7EE0  }
0x18c: {  	[spmem:s3] =	stream.indirect.scatter.add.f32 [tilespmem:s1], [sflag:$0x6], $0x10, s0, s29, $0xb8;
	[tilespmem:$0x11350] =	vst v63  }
0x18d: {  	s0 =	sadd.s32 $0x2B80, s26;
	s1 =	simm.s32 $0x86B0  }
0x18e: {  	[spmem:s3] =	stream.indirect.scatter.add.f32 [tilespmem:s1], [sflag:$0x6], $0x10, s0, s29, $0xb8;
	[tilespmem:$0x11350] =	vst v63  }
0x18f: {  	s0 =	sadd.s32 $0x2C00, s26;
	s1 =	simm.s32 $0x8E80  }
0x190: {  	[spmem:s3] =	stream.indirect.scatter.add.f32 [tilespmem:s1], [sflag:$0x6], $0x10, s0, s29, $0xb8;
	[tilespmem:$0x11350] =	vst v63  }
0x191: {  	p3 =	seq.s32 s4, $0x7800;
	s0 =	sadd.s32 $0x2C80, s26;
	s1 =	simm.s32 $0x9650  }
0x192: {  	[spmem:s3] =	stream.indirect.scatter.add.f32 [tilespmem:s1], [sflag:$0x6], $0x10, s0, s29, $0xb8;
	[tilespmem:$0x11350] =	vst v63  }
0x193: {  	s6 =	sshra.s32 @!p3 s4, $0x2;
	s4 =	smov.u32 s30;
	s7 =	simm.s32 @!p3 $0x5  }
0x194: {  	s8 =	sadd.s32 @!p3 $0xA00, s6;
	s9 =	sadd.s32 @!p3 $0xA80, s6;
	_ =	swait.ge @!p3 [sflag:s7], $0x7D0  }
0x195: {  	s10 =	sadd.s32 @!p3 $0xB00, s6;
	s11 =	sadd.s32 @!p3 $0xB80, s6;
	[sflag:s7] =	ssyncset.done @!p3 $0x0  }
0x196: {  	s12 =	sadd.s32 @!p3 $0xC00, s6;
	s31 =	sadd.s32 @!p3 $0xC80, s6;
	[sflag:s7] =	ssyncadd.s32 @!p3 $0xFFFFF830  }
0x197: {  	s28 =	sadd.s32 @!p3 $0xD80, s6;
	s0 =	sadd.s32 @!p3 $0xD00, s6;
	_ =	swait.ge @!p3 [sflag:s7], $0x7D0  }
0x198: {  	s30 =	sadd.s32 @!p3 $0xE80, s6;
	s1 =	sadd.s32 @!p3 $0xE00, s6;
	[sflag:s7] =	ssyncset.done @!p3 $0x0  }
0x199: {  	[sflag:s7] =	ssyncadd.s32 @!p3 $0xFFFFF830  }
0x19a: {  	_ =	swait.ge @!p3 [sflag:s7], $0x7D0  }
0x19b: {  	[sflag:s7] =	ssyncset.done @!p3 $0x0  }
0x19c: {  	[sflag:s7] =	ssyncadd.s32 @!p3 $0xFFFFF830  }
0x19d: {  	_ =	swait.ge @!p3 [sflag:s7], $0x7D0  }
0x19e: {  	[sflag:s7] =	ssyncset.done @!p3 $0x0  }
0x19f: {  	[sflag:s7] =	ssyncadd.s32 @!p3 $0xFFFFF830  }
0x1a0: {  	_ =	swait.ge @!p3 [sflag:s7], $0x7D0  }
0x1a1: {  	s13 =	simm.s32 @!p3 $0x5000;
	s6 =	simm.s32 @!p3 $0x7D;
	[sflag:s7] =	ssyncset.done @!p3 $0x0  }
0x1a2: {  	[sflag:s7] =	ssyncadd.s32 @!p3 $0xFFFFF830;
	s7 =	simm.s32 @!p3 $0x57D0  }
0x1a3: {  	[tilespmem:s13], [sflag:$0x1] =	stream.indirect.gather @!p3 [hbm4b:s5+s6], $0x10, s8, s6, $0xb8;
	[tilespmem:$0x11350] =	vst v63  }
0x1a4: {  	s8 =	simm.s32 @!p3 $0x5FA0  }
0x1a5: {  	[tilespmem:s7], [sflag:$0x1] =	stream.indirect.gather @!p3 [hbm4b:s5+s6], $0x10, s9, s6, $0xb8;
	[tilespmem:$0x11350] =	vst v63  }
0x1a6: {  	s7 =	simm.s32 @!p3 $0x6770  }
0x1a7: {  	[tilespmem:s8], [sflag:$0x1] =	stream.indirect.gather @!p3 [hbm4b:s5+s6], $0x10, s10, s6, $0xb8;
	[tilespmem:$0x11350] =	vst v63  }
0x1a8: {  	s8 =	simm.s32 @!p3 $0x6F40  }
0x1a9: {  	[tilespmem:s7], [sflag:$0x1] =	stream.indirect.gather @!p3 [hbm4b:s5+s6], $0x10, s11, s6, $0xb8;
	[tilespmem:$0x11350] =	vst v63  }
0x1aa: {  	_ = 	snop  }
0x1ab: {  	[tilespmem:s8], [sflag:$0x1] =	stream.indirect.gather @!p3 [hbm4b:s5+s6], $0x10, s12, s6, $0xb8;
	[tilespmem:$0x11350] =	vst v63  }
0x1ac: {  	_ =	swait.ge [sflag:s24], $0x7D0  }
0x1ad: {  	[sflag:s24] =	ssyncset.done $0x0  }
0x1ae: {  	[sflag:s24] =	ssyncadd.s32 $0xFFFFF830  }
0x1af: {  	_ =	swait.ge [sflag:s24], $0x7D0  }
0x1b0: {  	[sflag:s24] =	ssyncset.done $0x0  }
0x1b1: {  	[sflag:s24] =	ssyncadd.s32 $0xFFFFF830  }
0x1b2: {  	_ =	swait.ge [sflag:s24], $0x7D0  }
0x1b3: {  	[sflag:s24] =	ssyncset.done $0x0  }
0x1b4: {  	[sflag:s24] =	ssyncadd.s32 $0xFFFFF830  }
0x1b5: {  	_ =	swait.ge [sflag:s24], $0x7D0  }
0x1b6: {  	[sflag:s24] =	ssyncset.done $0x0  }
0x1b7: {  	[sflag:s24] =	ssyncadd.s32 $0xFFFFF830  }
0x1b8: {  	_ =	swait.ge [sflag:s24], $0x7D0  }
0x1b9: {  	s7 =	sadd.s32 $0x2D00, s26;
	[sflag:s24] =	ssyncset.done $0x0  }
0x1ba: {  	[sflag:s24] =	ssyncadd.s32 $0xFFFFF830  }
0x1bb: {  	[spmem:s3] =	stream.indirect.scatter.add.f32 [tilespmem:s20], [sflag:$0x7], $0x10, s7, s29, $0xb8;
	[tilespmem:$0x11350] =	vst v63  }
0x1bc: {  	s8 =	simm.s32 $0xA5F0;
	s7 =	sadd.s32 $0x2D80, s26  }
0x1bd: {  	[spmem:s3] =	stream.indirect.scatter.add.f32 [tilespmem:s8], [sflag:$0x7], $0x10, s7, s29, $0xb8;
	[tilespmem:$0x11350] =	vst v63  }
0x1be: {  	s7 =	sadd.s32 $0x2E00, s26  }
0x1bf: {  	[spmem:s3] =	stream.indirect.scatter.add.f32 [tilespmem:s17], [sflag:$0x7], $0x10, s7, s29, $0xb8;
	[tilespmem:$0x11350] =	vst v63  }
0x1c0: {  	s7 =	sadd.s32 $0x2E80, s26  }
0x1c1: {  	[spmem:s3] =	stream.indirect.scatter.add.f32 [tilespmem:s19], [sflag:$0x7], $0x10, s7, s29, $0xb8;
	[tilespmem:$0x11350] =	vst v63  }
0x1c2: {  	s9 =	simm.s32 $0xBD60;
	s8 =	simm.s32 @!p3 $0x6;
	s7 =	sadd.s32 $0x2F00, s26  }
0x1c3: {  	[spmem:s3] =	stream.indirect.scatter.add.f32 [tilespmem:s9], [sflag:$0x7], $0x10, s7, s29, $0xb8;
	[tilespmem:$0x11350] =	vst v63  }
0x1c4: {  	_ =	swait.ge @!p3 [sflag:s8], $0x7D0  }
0x1c5: {  	[sflag:s8] =	ssyncset.done @!p3 $0x0  }
0x1c6: {  	[sflag:s8] =	ssyncadd.s32 @!p3 $0xFFFFF830  }
0x1c7: {  	_ =	swait.ge @!p3 [sflag:s8], $0x7D0  }
0x1c8: {  	[sflag:s8] =	ssyncset.done @!p3 $0x0  }
0x1c9: {  	[sflag:s8] =	ssyncadd.s32 @!p3 $0xFFFFF830  }
0x1ca: {  	_ =	swait.ge @!p3 [sflag:s8], $0x7D0  }
0x1cb: {  	[sflag:s8] =	ssyncset.done @!p3 $0x0  }
0x1cc: {  	[sflag:s8] =	ssyncadd.s32 @!p3 $0xFFFFF830  }
0x1cd: {  	_ =	swait.ge @!p3 [sflag:s8], $0x7D0  }
0x1ce: {  	[sflag:s8] =	ssyncset.done @!p3 $0x0  }
0x1cf: {  	[sflag:s8] =	ssyncadd.s32 @!p3 $0xFFFFF830  }
0x1d0: {  	_ =	swait.ge @!p3 [sflag:s8], $0x7D0  }
0x1d1: {  	s7 =	simm.s32 @!p3 $0x7710;
	[sflag:s8] =	ssyncset.done @!p3 $0x0  }
0x1d2: {  	[sflag:s8] =	ssyncadd.s32 @!p3 $0xFFFFF830;
	s8 =	simm.s32 @!p3 $0x7EE0  }
0x1d3: {  	[tilespmem:s7], [sflag:$0x2] =	stream.indirect.gather @!p3 [hbm4b:s5+s6], $0x10, s31, s6, $0xb8;
	[tilespmem:$0x11350] =	vst v63  }
0x1d4: {  	s7 =	simm.s32 @!p3 $0x86B0  }
0x1d5: {  	[tilespmem:s8], [sflag:$0x2] =	stream.indirect.gather @!p3 [hbm4b:s5+s6], $0x10, s0, s6, $0xb8;
	[tilespmem:$0x11350] =	vst v63  }
0x1d6: {  	s0 =	simm.s32 @!p3 $0x8E80  }
0x1d7: {  	[tilespmem:s7], [sflag:$0x2] =	stream.indirect.gather @!p3 [hbm4b:s5+s6], $0x10, s28, s6, $0xb8;
	[tilespmem:$0x11350] =	vst v63  }
0x1d8: {  	s7 =	simm.s32 @!p3 $0x9650  }
0x1d9: {  	[tilespmem:s0], [sflag:$0x2] =	stream.indirect.gather @!p3 [hbm4b:s5+s6], $0x10, s1, s6, $0xb8;
	[tilespmem:$0x11350] =	vst v63  }
0x1da: {  	_ = 	snop  }
0x1db: {  	[tilespmem:s7], [sflag:$0x2] =	stream.indirect.gather @!p3 [hbm4b:s5+s6], $0x10, s30, s6, $0xb8;
	[tilespmem:$0x11350] =	vst v63  }
0x1dc: {  	_ =	swait.ge [sflag:s25], $0x7D0  }
0x1dd: {  	[sflag:s25] =	ssyncset.done $0x0  }
0x1de: {  	[sflag:s25] =	ssyncadd.s32 $0xFFFFF830  }
0x1df: {  	_ =	swait.ge [sflag:s25], $0x7D0  }
0x1e0: {  	[sflag:s25] =	ssyncset.done $0x0  }
0x1e1: {  	[sflag:s25] =	ssyncadd.s32 $0xFFFFF830  }
0x1e2: {  	_ =	swait.ge [sflag:s25], $0x7D0  }
0x1e3: {  	[sflag:s25] =	ssyncset.done $0x0  }
0x1e4: {  	[sflag:s25] =	ssyncadd.s32 $0xFFFFF830  }
0x1e5: {  	_ =	swait.ge [sflag:s25], $0x7D0  }
0x1e6: {  	[sflag:s25] =	ssyncset.done $0x0  }
0x1e7: {  	[sflag:s25] =	ssyncadd.s32 $0xFFFFF830  }
0x1e8: {  	_ =	swait.ge [sflag:s25], $0x7D0  }
0x1e9: {  	s0 =	sadd.s32 $0x2F80, s26;
	[sflag:s25] =	ssyncset.done $0x0  }
0x1ea: {  	[sflag:s25] =	ssyncadd.s32 $0xFFFFF830  }
0x1eb: {  	[spmem:s3] =	stream.indirect.scatter.add.f32 [tilespmem:s21], [sflag:$0x8], $0x10, s0, s29, $0xb8;
	[tilespmem:$0x11350] =	vst v63  }
0x1ec: {  	s1 =	sadd.s32 $0x3080, s26;
	s0 =	sadd.s32 $0x3000, s26  }
0x1ed: {  	[spmem:s3] =	stream.indirect.scatter.add.f32 [tilespmem:s22], [sflag:$0x8], $0x10, s0, s29, $0xb8;
	[tilespmem:$0x11350] =	vst v63  }
.Ltmp0:
0x1ee: {  	_ = 	snop;
	(pc) =	sbr.rel @p2 .LBB2_2-.Ltmp0, $4  }
0x1ef: {  	_ = 	snop  }
0x1f0: {  	[spmem:s3] =	stream.indirect.scatter.add.f32 [tilespmem:s14], [sflag:$0x8], $0x10, s1, s29, $0xb8;
	[tilespmem:$0x11350] =	vst v63  }
0x1f1: {  	s0 =	sadd.s32 $0x3100, s26  }
0x1f2: {  	[spmem:s3] =	stream.indirect.scatter.add.f32 [tilespmem:s15], [sflag:$0x8], $0x10, s0, s29, $0xb8;
	[tilespmem:$0x11350] =	vst v63  }
0x1f3: {  	s0 =	simm.s32 @!p1 $0x7;
	s17 =	simm.s32 $0xE470  }
0x1f4: {  	[spmem:s3] =	stream.indirect.scatter.add.f32 [tilespmem:s17], [sflag:$0x8], $0x10, s18, s29, $0xb8;
	[tilespmem:$0x11350] =	vst v63  }
0x1f5: {  	_ =	swait.ge @!p1 [sflag:s0], $0x7D0  }
0x1f6: {  	[sflag:s0] =	ssyncset.done @!p1 $0x0  }
0x1f7: {  	[sflag:s0] =	ssyncadd.s32 @!p1 $0xFFFFF830  }
0x1f8: {  	_ =	swait.ge @!p1 [sflag:s0], $0x7D0  }
0x1f9: {  	[sflag:s0] =	ssyncset.done @!p1 $0x0  }
0x1fa: {  	[sflag:s0] =	ssyncadd.s32 @!p1 $0xFFFFF830  }
0x1fb: {  	_ =	swait.ge @!p1 [sflag:s0], $0x7D0  }
0x1fc: {  	[sflag:s0] =	ssyncset.done @!p1 $0x0  }
0x1fd: {  	[sflag:s0] =	ssyncadd.s32 @!p1 $0xFFFFF830  }
0x1fe: {  	_ =	swait.ge @!p1 [sflag:s0], $0x7D0  }
0x1ff: {  	[sflag:s0] =	ssyncset.done @!p1 $0x0  }
0x200: {  	[sflag:s0] =	ssyncadd.s32 @!p1 $0xFFFFF830  }
0x201: {  	_ =	swait.ge @!p1 [sflag:s0], $0x7D0  }
0x202: {  	s2 =	sshra.s32 s4, $0x2;
	[sflag:s0] =	ssyncset.done @!p1 $0x0  }
0x203: {  	s7 =	simm.s32 $0x9E20;
	s15 =	sadd.s32 $0x500, s2;
	[sflag:s0] =	ssyncadd.s32 @!p1 $0xFFFFF830  }
0x204: {  	[tilespmem:s7], [sflag:$0x3] =	stream.indirect.gather [hbm4b:s5+s29], $0x10, s15, s29, $0xb8;
	[tilespmem:$0x11350] =	vst v63  }
0x205: {  	s8 =	simm.s32 $0xA5F0;
	s18 =	sadd.s32 $0x580, s2  }
0x206: {  	[tilespmem:s8], [sflag:$0x3] =	stream.indirect.gather [hbm4b:s5+s29], $0x10, s18, s29, $0xb8;
	[tilespmem:$0x11350] =	vst v63  }
0x207: {  	s9 =	simm.s32 $0xADC0;
	s19 =	sadd.s32 $0x600, s2  }
0x208: {  	[tilespmem:s9], [sflag:$0x3] =	stream.indirect.gather [hbm4b:s5+s29], $0x10, s19, s29, $0xb8;
	[tilespmem:$0x11350] =	vst v63  }
0x209: {  	s10 =	simm.s32 $0xB590;
	s20 =	sadd.s32 $0x680, s2  }
0x20a: {  	[tilespmem:s10], [sflag:$0x3] =	stream.indirect.gather [hbm4b:s5+s29], $0x10, s20, s29, $0xb8;
	[tilespmem:$0x11350] =	vst v63  }
0x20b: {  	s11 =	simm.s32 $0xBD60;
	s26 =	sadd.s32 $0x700, s2  }
0x20c: {  	[tilespmem:s11], [sflag:$0x3] =	stream.indirect.gather [hbm4b:s5+s29], $0x10, s26, s29, $0xb8;
	[tilespmem:$0x11350] =	vst v63  }
0x20d: {  	_ =	swait.ge [sflag:s16], $0x7D0  }
0x20e: {  	[sflag:s16] =	ssyncset.done $0x0  }
0x20f: {  	[sflag:s16] =	ssyncadd.s32 $0xFFFFF830  }
0x210: {  	_ =	swait.ge [sflag:s16], $0x7D0  }
0x211: {  	[sflag:s16] =	ssyncset.done $0x0  }
0x212: {  	[sflag:s16] =	ssyncadd.s32 $0xFFFFF830  }
0x213: {  	_ =	swait.ge [sflag:s16], $0x7D0  }
0x214: {  	[sflag:s16] =	ssyncset.done $0x0  }
0x215: {  	[sflag:s16] =	ssyncadd.s32 $0xFFFFF830  }
0x216: {  	_ =	swait.ge [sflag:s16], $0x7D0  }
0x217: {  	[sflag:s16] =	ssyncset.done $0x0  }
0x218: {  	[sflag:s16] =	ssyncadd.s32 $0xFFFFF830  }
0x219: {  	_ =	swait.ge [sflag:s16], $0x7D0  }
0x21a: {  	[sflag:s16] =	ssyncset.done $0x0  }
0x21b: {  	s1 =	simm.s32 $0x5000;
	s28 =	sadd.s32 $0x2800, s2;
	[sflag:s16] =	ssyncadd.s32 $0xFFFFF830  }
0x21c: {  	[spmem:s3] =	stream.indirect.scatter.add.f32 [tilespmem:s1], [sflag:$0x5], $0x10, s28, s29, $0xb8;
	[tilespmem:$0x11350] =	vst v63  }
0x21d: {  	s31 =	simm.s32 $0x57D0;
	s30 =	sadd.s32 $0x2880, s2  }
0x21e: {  	[spmem:s3] =	stream.indirect.scatter.add.f32 [tilespmem:s31], [sflag:$0x5], $0x10, s30, s29, $0xb8;
	[tilespmem:$0x11350] =	vst v63  }
0x21f: {  	s12 =	simm.s32 $0x5FA0;
	s6 =	sadd.s32 $0x2900, s2  }
0x220: {  	[spmem:s3] =	stream.indirect.scatter.add.f32 [tilespmem:s12], [sflag:$0x5], $0x10, s6, s29, $0xb8;
	[tilespmem:$0x11350] =	vst v63  }
0x221: {  	s14 =	simm.s32 $0x6770;
	s13 =	sadd.s32 $0x2980, s2  }
0x222: {  	[spmem:s3] =	stream.indirect.scatter.add.f32 [tilespmem:s14], [sflag:$0x5], $0x10, s13, s29, $0xb8;
	[tilespmem:$0x11350] =	vst v63  }
0x223: {  	s15 =	sadd.s32 $0x2A00, s2;
	s1 =	simm.s32 @!p1 $0x8;
	s6 =	simm.s32 $0x6F40  }
0x224: {  	[spmem:s3] =	stream.indirect.scatter.add.f32 [tilespmem:s6], [sflag:$0x5], $0x10, s15, s29, $0xb8;
	[tilespmem:$0x11350] =	vst v63  }
0x225: {  	_ =	swait.ge @!p1 [sflag:s1], $0x7D0  }
0x226: {  	[sflag:s1] =	ssyncset.done @!p1 $0x0  }
0x227: {  	[sflag:s1] =	ssyncadd.s32 @!p1 $0xFFFFF830  }
0x228: {  	_ =	swait.ge @!p1 [sflag:s1], $0x7D0  }
0x229: {  	[sflag:s1] =	ssyncset.done @!p1 $0x0  }
0x22a: {  	[sflag:s1] =	ssyncadd.s32 @!p1 $0xFFFFF830  }
0x22b: {  	_ =	swait.ge @!p1 [sflag:s1], $0x7D0  }
0x22c: {  	[sflag:s1] =	ssyncset.done @!p1 $0x0  }
0x22d: {  	[sflag:s1] =	ssyncadd.s32 @!p1 $0xFFFFF830  }
0x22e: {  	_ =	swait.ge @!p1 [sflag:s1], $0x7D0  }
0x22f: {  	[sflag:s1] =	ssyncset.done @!p1 $0x0  }
0x230: {  	[sflag:s1] =	ssyncadd.s32 @!p1 $0xFFFFF830  }
0x231: {  	_ =	swait.ge @!p1 [sflag:s1], $0x7D0  }
0x232: {  	[sflag:s1] =	ssyncset.done @!p1 $0x0  }
0x233: {  	s18 =	sadd.s32 $0x780, s2;
	s12 =	simm.s32 $0xC530;
	[sflag:s1] =	ssyncadd.s32 @!p1 $0xFFFFF830  }
0x234: {  	[tilespmem:s12], [sflag:$0x4] =	stream.indirect.gather [hbm4b:s5+s29], $0x10, s18, s29, $0xb8;
	[tilespmem:$0x11350] =	vst v63  }
0x235: {  	s19 =	sadd.s32 $0x800, s2;
	s13 =	simm.s32 $0xCD00  }
0x236: {  	[tilespmem:s13], [sflag:$0x4] =	stream.indirect.gather [hbm4b:s5+s29], $0x10, s19, s29, $0xb8;
	[tilespmem:$0x11350] =	vst v63  }
0x237: {  	s20 =	sadd.s32 $0x880, s2;
	s14 =	simm.s32 $0xD4D0  }
0x238: {  	[tilespmem:s14], [sflag:$0x4] =	stream.indirect.gather [hbm4b:s5+s29], $0x10, s20, s29, $0xb8;
	[tilespmem:$0x11350] =	vst v63  }
0x239: {  	s26 =	sadd.s32 $0x900, s2;
	s15 =	simm.s32 $0xDCA0  }
0x23a: {  	[tilespmem:s15], [sflag:$0x4] =	stream.indirect.gather [hbm4b:s5+s29], $0x10, s26, s29, $0xb8;
	[tilespmem:$0x11350] =	vst v63  }
0x23b: {  	s28 =	sadd.s32 $0x980, s2  }
0x23c: {  	[tilespmem:s17], [sflag:$0x4] =	stream.indirect.gather [hbm4b:s5+s29], $0x10, s28, s29, $0xb8;
	[tilespmem:$0x11350] =	vst v63  }
0x23d: {  	_ =	swait.ge [sflag:s23], $0x7D0  }
0x23e: {  	[sflag:s23] =	ssyncset.done $0x0  }
0x23f: {  	[sflag:s23] =	ssyncadd.s32 $0xFFFFF830  }
0x240: {  	_ =	swait.ge [sflag:s23], $0x7D0  }
0x241: {  	[sflag:s23] =	ssyncset.done $0x0  }
0x242: {  	[sflag:s23] =	ssyncadd.s32 $0xFFFFF830  }
0x243: {  	_ =	swait.ge [sflag:s23], $0x7D0  }
0x244: {  	[sflag:s23] =	ssyncset.done $0x0  }
0x245: {  	[sflag:s23] =	ssyncadd.s32 $0xFFFFF830  }
0x246: {  	_ =	swait.ge [sflag:s23], $0x7D0  }
0x247: {  	[sflag:s23] =	ssyncset.done $0x0  }
0x248: {  	[sflag:s23] =	ssyncadd.s32 $0xFFFFF830  }
0x249: {  	_ =	swait.ge [sflag:s23], $0x7D0  }
0x24a: {  	[sflag:s23] =	ssyncset.done $0x0  }
0x24b: {  	s30 =	sadd.s32 $0x2A80, s2;
	s31 =	simm.s32 $0x7710;
	[sflag:s23] =	ssyncadd.s32 $0xFFFFF830  }
0x24c: {  	[spmem:s3] =	stream.indirect.scatter.add.f32 [tilespmem:s31], [sflag:$0x6], $0x10, s30, s29, $0xb8;
	[tilespmem:$0x11350] =	vst v63  }
0x24d: {  	s6 =	sadd.s32 $0x2B00, s2;
	s18 =	simm.s32 $0x7EE0  }
0x24e: {  	[spmem:s3] =	stream.indirect.scatter.add.f32 [tilespmem:s18], [sflag:$0x6], $0x10, s6, s29, $0xb8;
	[tilespmem:$0x11350] =	vst v63  }
0x24f: {  	s19 =	sadd.s32 $0x2B80, s2;
	s20 =	simm.s32 $0x86B0  }
0x250: {  	[spmem:s3] =	stream.indirect.scatter.add.f32 [tilespmem:s20], [sflag:$0x6], $0x10, s19, s29, $0xb8;
	[tilespmem:$0x11350] =	vst v63  }
0x251: {  	p1 =	seq.s32 s4, $0x7800;
	s26 =	sadd.s32 $0x2C00, s2;
	s28 =	simm.s32 $0x8E80  }
0x252: {  	[spmem:s3] =	stream.indirect.scatter.add.f32 [tilespmem:s28], [sflag:$0x6], $0x10, s26, s29, $0xb8;
	[tilespmem:$0x11350] =	vst v63  }
0x253: {  	s30 =	sadd.s32 $0x2C80, s2;
	s31 =	simm.s32 $0x9650;
	s6 =	simm.s32 @!p1 $0x5  }
0x254: {  	[spmem:s3] =	stream.indirect.scatter.add.f32 [tilespmem:s31], [sflag:$0x6], $0x10, s30, s29, $0xb8;
	[tilespmem:$0x11350] =	vst v63  }
0x255: {  	_ =	swait.ge @!p1 [sflag:s6], $0x7D0  }
0x256: {  	[sflag:s6] =	ssyncset.done @!p1 $0x0  }
0x257: {  	[sflag:s6] =	ssyncadd.s32 @!p1 $0xFFFFF830  }
0x258: {  	_ =	swait.ge @!p1 [sflag:s6], $0x7D0  }
0x259: {  	[sflag:s6] =	ssyncset.done @!p1 $0x0  }
0x25a: {  	[sflag:s6] =	ssyncadd.s32 @!p1 $0xFFFFF830  }
0x25b: {  	_ =	swait.ge @!p1 [sflag:s6], $0x7D0  }
0x25c: {  	[sflag:s6] =	ssyncset.done @!p1 $0x0  }
0x25d: {  	[sflag:s6] =	ssyncadd.s32 @!p1 $0xFFFFF830  }
0x25e: {  	_ =	swait.ge @!p1 [sflag:s6], $0x7D0  }
0x25f: {  	[sflag:s6] =	ssyncset.done @!p1 $0x0  }
0x260: {  	[sflag:s6] =	ssyncadd.s32 @!p1 $0xFFFFF830  }
0x261: {  	_ =	swait.ge @!p1 [sflag:s6], $0x7D0  }
0x262: {  	s0 =	sshra.s32 @!p1 s4, $0x2;
	s1 =	simm.s32 @!p1 $0x7D;
	[sflag:s6] =	ssyncset.done @!p1 $0x0  }
0x263: {  	s4 =	sadd.s32 @!p1 $0xA00, s0;
	[sflag:s6] =	ssyncadd.s32 @!p1 $0xFFFFF830;
	s6 =	simm.s32 @!p1 $0x5000  }
0x264: {  	[tilespmem:s6], [sflag:$0x1] =	stream.indirect.gather @!p1 [hbm4b:s5+s1], $0x10, s4, s1, $0xb8;
	[tilespmem:$0x11350] =	vst v63  }
0x265: {  	s4 =	sadd.s32 @!p1 $0xA80, s0;
	s6 =	simm.s32 @!p1 $0x57D0  }
0x266: {  	[tilespmem:s6], [sflag:$0x1] =	stream.indirect.gather @!p1 [hbm4b:s5+s1], $0x10, s4, s1, $0xb8;
	[tilespmem:$0x11350] =	vst v63  }
0x267: {  	s4 =	sadd.s32 @!p1 $0xB00, s0;
	s6 =	simm.s32 @!p1 $0x5FA0  }
0x268: {  	[tilespmem:s6], [sflag:$0x1] =	stream.indirect.gather @!p1 [hbm4b:s5+s1], $0x10, s4, s1, $0xb8;
	[tilespmem:$0x11350] =	vst v63  }
0x269: {  	s4 =	sadd.s32 @!p1 $0xB80, s0;
	s6 =	simm.s32 @!p1 $0x6770  }
0x26a: {  	[tilespmem:s6], [sflag:$0x1] =	stream.indirect.gather @!p1 [hbm4b:s5+s1], $0x10, s4, s1, $0xb8;
	[tilespmem:$0x11350] =	vst v63  }
0x26b: {  	s4 =	sadd.s32 @!p1 $0xC00, s0;
	s6 =	simm.s32 @!p1 $0x6F40  }
0x26c: {  	[tilespmem:s6], [sflag:$0x1] =	stream.indirect.gather @!p1 [hbm4b:s5+s1], $0x10, s4, s1, $0xb8;
	[tilespmem:$0x11350] =	vst v63  }
0x26d: {  	_ =	swait.ge [sflag:s24], $0x7D0  }
0x26e: {  	[sflag:s24] =	ssyncset.done $0x0  }
0x26f: {  	[sflag:s24] =	ssyncadd.s32 $0xFFFFF830  }
0x270: {  	_ =	swait.ge [sflag:s24], $0x7D0  }
0x271: {  	[sflag:s24] =	ssyncset.done $0x0  }
0x272: {  	[sflag:s24] =	ssyncadd.s32 $0xFFFFF830  }
0x273: {  	_ =	swait.ge [sflag:s24], $0x7D0  }
0x274: {  	[sflag:s24] =	ssyncset.done $0x0  }
0x275: {  	[sflag:s24] =	ssyncadd.s32 $0xFFFFF830  }
0x276: {  	_ =	swait.ge [sflag:s24], $0x7D0  }
0x277: {  	[sflag:s24] =	ssyncset.done $0x0  }
0x278: {  	[sflag:s24] =	ssyncadd.s32 $0xFFFFF830  }
0x279: {  	_ =	swait.ge [sflag:s24], $0x7D0  }
0x27a: {  	[sflag:s24] =	ssyncset.done $0x0  }
0x27b: {  	s6 =	sadd.s32 $0x2D00, s2;
	[sflag:s24] =	ssyncadd.s32 $0xFFFFF830  }
0x27c: {  	[spmem:s3] =	stream.indirect.scatter.add.f32 [tilespmem:s7], [sflag:$0x7], $0x10, s6, s29, $0xb8;
	[tilespmem:$0x11350] =	vst v63  }
0x27d: {  	s7 =	sadd.s32 $0x2D80, s2  }
0x27e: {  	[spmem:s3] =	stream.indirect.scatter.add.f32 [tilespmem:s8], [sflag:$0x7], $0x10, s7, s29, $0xb8;
	[tilespmem:$0x11350] =	vst v63  }
0x27f: {  	s8 =	sadd.s32 $0x2E00, s2  }
0x280: {  	[spmem:s3] =	stream.indirect.scatter.add.f32 [tilespmem:s9], [sflag:$0x7], $0x10, s8, s29, $0xb8;
	[tilespmem:$0x11350] =	vst v63  }
0x281: {  	s9 =	sadd.s32 $0x2E80, s2  }
0x282: {  	[spmem:s3] =	stream.indirect.scatter.add.f32 [tilespmem:s10], [sflag:$0x7], $0x10, s9, s29, $0xb8;
	[tilespmem:$0x11350] =	vst v63  }
0x283: {  	s6 =	simm.s32 @!p1 $0x6;
	s10 =	sadd.s32 $0x2F00, s2  }
0x284: {  	[spmem:s3] =	stream.indirect.scatter.add.f32 [tilespmem:s11], [sflag:$0x7], $0x10, s10, s29, $0xb8;
	[tilespmem:$0x11350] =	vst v63  }
0x285: {  	_ =	swait.ge @!p1 [sflag:s6], $0x7D0  }
0x286: {  	[sflag:s6] =	ssyncset.done @!p1 $0x0  }
0x287: {  	[sflag:s6] =	ssyncadd.s32 @!p1 $0xFFFFF830  }
0x288: {  	_ =	swait.ge @!p1 [sflag:s6], $0x7D0  }
0x289: {  	[sflag:s6] =	ssyncset.done @!p1 $0x0  }
0x28a: {  	[sflag:s6] =	ssyncadd.s32 @!p1 $0xFFFFF830  }
0x28b: {  	_ =	swait.ge @!p1 [sflag:s6], $0x7D0  }
0x28c: {  	[sflag:s6] =	ssyncset.done @!p1 $0x0  }
0x28d: {  	[sflag:s6] =	ssyncadd.s32 @!p1 $0xFFFFF830  }
0x28e: {  	_ =	swait.ge @!p1 [sflag:s6], $0x7D0  }
0x28f: {  	[sflag:s6] =	ssyncset.done @!p1 $0x0  }
0x290: {  	[sflag:s6] =	ssyncadd.s32 @!p1 $0xFFFFF830  }
0x291: {  	_ =	swait.ge @!p1 [sflag:s6], $0x7D0  }
0x292: {  	[sflag:s6] =	ssyncset.done @!p1 $0x0  }
0x293: {  	s4 =	sadd.s32 @!p1 $0xC80, s0;
	[sflag:s6] =	ssyncadd.s32 @!p1 $0xFFFFF830;
	s6 =	simm.s32 @!p1 $0x7710  }
0x294: {  	[tilespmem:s6], [sflag:$0x2] =	stream.indirect.gather @!p1 [hbm4b:s5+s1], $0x10, s4, s1, $0xb8;
	[tilespmem:$0x11350] =	vst v63  }
0x295: {  	s4 =	sadd.s32 @!p1 $0xD00, s0;
	s6 =	simm.s32 @!p1 $0x7EE0  }
0x296: {  	[tilespmem:s6], [sflag:$0x2] =	stream.indirect.gather @!p1 [hbm4b:s5+s1], $0x10, s4, s1, $0xb8;
	[tilespmem:$0x11350] =	vst v63  }
0x297: {  	s4 =	sadd.s32 @!p1 $0xD80, s0;
	s6 =	simm.s32 @!p1 $0x86B0  }
0x298: {  	[tilespmem:s6], [sflag:$0x2] =	stream.indirect.gather @!p1 [hbm4b:s5+s1], $0x10, s4, s1, $0xb8;
	[tilespmem:$0x11350] =	vst v63  }
0x299: {  	s4 =	sadd.s32 @!p1 $0xE00, s0;
	s6 =	simm.s32 @!p1 $0x8E80  }
0x29a: {  	[tilespmem:s6], [sflag:$0x2] =	stream.indirect.gather @!p1 [hbm4b:s5+s1], $0x10, s4, s1, $0xb8;
	[tilespmem:$0x11350] =	vst v63  }
0x29b: {  	s0 =	sadd.s32 @!p1 $0xE80, s0;
	s4 =	simm.s32 @!p1 $0x9650  }
0x29c: {  	[tilespmem:s4], [sflag:$0x2] =	stream.indirect.gather @!p1 [hbm4b:s5+s1], $0x10, s0, s1, $0xb8;
	[tilespmem:$0x11350] =	vst v63  }
0x29d: {  	_ =	swait.ge [sflag:s25], $0x7D0  }
0x29e: {  	[sflag:s25] =	ssyncset.done $0x0  }
0x29f: {  	[sflag:s25] =	ssyncadd.s32 $0xFFFFF830  }
0x2a0: {  	_ =	swait.ge [sflag:s25], $0x7D0  }
0x2a1: {  	[sflag:s25] =	ssyncset.done $0x0  }
0x2a2: {  	[sflag:s25] =	ssyncadd.s32 $0xFFFFF830  }
0x2a3: {  	_ =	swait.ge [sflag:s25], $0x7D0  }
0x2a4: {  	[sflag:s25] =	ssyncset.done $0x0  }
0x2a5: {  	[sflag:s25] =	ssyncadd.s32 $0xFFFFF830  }
0x2a6: {  	_ =	swait.ge [sflag:s25], $0x7D0  }
0x2a7: {  	[sflag:s25] =	ssyncset.done $0x0  }
0x2a8: {  	[sflag:s25] =	ssyncadd.s32 $0xFFFFF830  }
0x2a9: {  	_ =	swait.ge [sflag:s25], $0x7D0  }
0x2aa: {  	[sflag:s25] =	ssyncset.done $0x0  }
0x2ab: {  	s11 =	sadd.s32 $0x2F80, s2;
	[sflag:s25] =	ssyncadd.s32 $0xFFFFF830  }
0x2ac: {  	[spmem:s3] =	stream.indirect.scatter.add.f32 [tilespmem:s12], [sflag:$0x8], $0x10, s11, s29, $0xb8;
	[tilespmem:$0x11350] =	vst v63  }
0x2ad: {  	s18 =	sadd.s32 $0x3000, s2  }
0x2ae: {  	[spmem:s3] =	stream.indirect.scatter.add.f32 [tilespmem:s13], [sflag:$0x8], $0x10, s18, s29, $0xb8;
	[tilespmem:$0x11350] =	vst v63  }
0x2af: {  	s19 =	sadd.s32 $0x3080, s2  }
0x2b0: {  	[spmem:s3] =	stream.indirect.scatter.add.f32 [tilespmem:s14], [sflag:$0x8], $0x10, s19, s29, $0xb8;
	[tilespmem:$0x11350] =	vst v63  }
0x2b1: {  	s20 =	sadd.s32 $0x3100, s2  }
0x2b2: {  	[spmem:s3] =	stream.indirect.scatter.add.f32 [tilespmem:s15], [sflag:$0x8], $0x10, s20, s29, $0xb8;
	[tilespmem:$0x11350] =	vst v63  }
0x2b3: {  	s26 =	sadd.s32 $0x3180, s2;
	s28 =	simm.s32 $0x5  }
0x2b4: {  	[spmem:s3] =	stream.indirect.scatter.add.f32 [tilespmem:s17], [sflag:$0x8], $0x10, s26, s29, $0xb8;
	[tilespmem:$0x11350] =	vst v63  }
0x2b5: {  	_ =	swait.ge [sflag:s28], $0x7D0  }
0x2b6: {  	[sflag:s28] =	ssyncset.done $0x0  }
0x2b7: {  	[sflag:s28] =	ssyncadd.s32 $0xFFFFF830  }
0x2b8: {  	_ =	swait.ge [sflag:s28], $0x7D0  }
0x2b9: {  	[sflag:s28] =	ssyncset.done $0x0  }
0x2ba: {  	[sflag:s28] =	ssyncadd.s32 $0xFFFFF830  }
0x2bb: {  	_ =	swait.ge [sflag:s28], $0x7D0  }
0x2bc: {  	[sflag:s28] =	ssyncset.done $0x0  }
0x2bd: {  	[sflag:s28] =	ssyncadd.s32 $0xFFFFF830  }
0x2be: {  	_ =	swait.ge [sflag:s28], $0x7D0  }
0x2bf: {  	[sflag:s28] =	ssyncset.done $0x0  }
0x2c0: {  	[sflag:s28] =	ssyncadd.s32 $0xFFFFF830  }
0x2c1: {  	_ =	swait.ge [sflag:s28], $0x7D0  }
0x2c2: {  	[sflag:s28] =	ssyncset.done $0x0  }
0x2c3: {  	s30 =	simm.s32 $0x6;
	[sflag:s28] =	ssyncadd.s32 $0xFFFFF830  }
0x2c4: {  	_ =	swait.ge [sflag:s30], $0x7D0  }
0x2c5: {  	[sflag:s30] =	ssyncset.done $0x0  }
0x2c6: {  	[sflag:s30] =	ssyncadd.s32 $0xFFFFF830  }
0x2c7: {  	_ =	swait.ge [sflag:s30], $0x7D0  }
0x2c8: {  	[sflag:s30] =	ssyncset.done $0x0  }
0x2c9: {  	[sflag:s30] =	ssyncadd.s32 $0xFFFFF830  }
0x2ca: {  	_ =	swait.ge [sflag:s30], $0x7D0  }
0x2cb: {  	[sflag:s30] =	ssyncset.done $0x0  }
0x2cc: {  	[sflag:s30] =	ssyncadd.s32 $0xFFFFF830  }
0x2cd: {  	_ =	swait.ge [sflag:s30], $0x7D0  }
0x2ce: {  	[sflag:s30] =	ssyncset.done $0x0  }
0x2cf: {  	[sflag:s30] =	ssyncadd.s32 $0xFFFFF830  }
0x2d0: {  	_ =	swait.ge [sflag:s30], $0x7D0  }
0x2d1: {  	[sflag:s30] =	ssyncset.done $0x0  }
0x2d2: {  	s31 =	simm.s32 $0x7;
	[sflag:s30] =	ssyncadd.s32 $0xFFFFF830  }
0x2d3: {  	_ =	swait.ge [sflag:s31], $0x7D0  }
0x2d4: {  	[sflag:s31] =	ssyncset.done $0x0  }
0x2d5: {  	[sflag:s31] =	ssyncadd.s32 $0xFFFFF830  }
0x2d6: {  	_ =	swait.ge [sflag:s31], $0x7D0  }
0x2d7: {  	[sflag:s31] =	ssyncset.done $0x0  }
0x2d8: {  	[sflag:s31] =	ssyncadd.s32 $0xFFFFF830  }
0x2d9: {  	_ =	swait.ge [sflag:s31], $0x7D0  }
0x2da: {  	[sflag:s31] =	ssyncset.done $0x0  }
0x2db: {  	[sflag:s31] =	ssyncadd.s32 $0xFFFFF830  }
0x2dc: {  	_ =	swait.ge [sflag:s31], $0x7D0  }
0x2dd: {  	[sflag:s31] =	ssyncset.done $0x0  }
0x2de: {  	[sflag:s31] =	ssyncadd.s32 $0xFFFFF830  }
0x2df: {  	_ =	swait.ge [sflag:s31], $0x7D0  }
0x2e0: {  	[sflag:s31] =	ssyncset.done $0x0  }
0x2e1: {  	s1 =	simm.s32 $0x8;
	[sflag:s31] =	ssyncadd.s32 $0xFFFFF830  }
0x2e2: {  	_ =	swait.ge [sflag:s1], $0x7D0  }
0x2e3: {  	[sflag:s1] =	ssyncset.done $0x0  }
0x2e4: {  	[sflag:s1] =	ssyncadd.s32 $0xFFFFF830  }
0x2e5: {  	_ =	swait.ge [sflag:s1], $0x7D0  }
0x2e6: {  	[sflag:s1] =	ssyncset.done $0x0  }
0x2e7: {  	[sflag:s1] =	ssyncadd.s32 $0xFFFFF830  }
0x2e8: {  	_ =	swait.ge [sflag:s1], $0x7D0  }
0x2e9: {  	[sflag:s1] =	ssyncset.done $0x0  }
0x2ea: {  	[sflag:s1] =	ssyncadd.s32 $0xFFFFF830  }
0x2eb: {  	_ =	swait.ge [sflag:s1], $0x7D0  }
0x2ec: {  	[sflag:s1] =	ssyncset.done $0x0  }
0x2ed: {  	[sflag:s1] =	ssyncadd.s32 $0xFFFFF830  }
0x2ee: {  	_ =	swait.ge [sflag:s1], $0x7D0  }
0x2ef: {  	[sflag:s1] =	ssyncset.done $0x0  }
0x2f0: {  	[sflag:s1] =	ssyncadd.s32 $0xFFFFF830  }
0x2f1: {  	[bflag:$0x0] =	sbarrier.arrive $0xFFFF  }
0x2f2: {  	s2 =	rddreg [dreg:$0x8]  }
0x2f3: {  	s9 =	rddreg [dreg:$0x10]  }
0x2f4: {  	s6 =	simm.s32 $0x9;
	s4 =	simm.s32 $0x10;
	s7 =	rddreg [dreg:$0x19]  }
0x2f5: {  	[hbm:s2@s4], [sflag:s9] =	dma.strided [spmem:s7@s23], $0xA0, s16, $0x2   }
0x2f6: {  	_ =	swait.ge [sflag:s6], $0xA0  }
0x2f7: {  	[sflag:s6] =	ssyncset.done $0x0;
	s8 =	rddreg [dreg:$0x9]  }
0x2f8: {  	s10 =	rddreg [dreg:$0x1a];
	[sflag:s6] =	ssyncadd.s32 $0xFFFFFF60  }
0x2f9: {  	[hbm:s8@s4], [sflag:s9] =	dma.strided [spmem:s10@s23], $0xA0, s16, $0x2   }
0x2fa: {  	_ =	swait.ge [sflag:s6], $0xA0  }
0x2fb: {  	[sflag:s6] =	ssyncset.done $0x0;
	s11 =	rddreg [dreg:$0xa]  }
0x2fc: {  	s12 =	rddreg [dreg:$0x1b];
	[sflag:s6] =	ssyncadd.s32 $0xFFFFFF60  }
0x2fd: {  	[hbm:s11@s4], [sflag:s9] =	dma.strided [spmem:s12@s23], $0xA0, s16, $0x2   }
0x2fe: {  	_ =	swait.ge [sflag:s6], $0xA0  }
0x2ff: {  	[sflag:s6] =	ssyncset.done $0x0;
	s13 =	rddreg [dreg:$0xb]  }
0x300: {  	s14 =	rddreg [dreg:$0x1c];
	[sflag:s6] =	ssyncadd.s32 $0xFFFFFF60  }
0x301: {  	[hbm:s13@s4], [sflag:s9] =	dma.strided [spmem:s14@s23], $0xA0, s16, $0x2   }
0x302: {  	_ =	swait.ge [sflag:s6], $0xA0  }
0x303: {  	[sflag:s6] =	ssyncset.done $0x0;
	s15 =	rddreg [dreg:$0xc]  }
0x304: {  	s17 =	rddreg [dreg:$0x1d];
	[sflag:s6] =	ssyncadd.s32 $0xFFFFFF60  }
0x305: {  	[hbm:s15@s4], [sflag:s9] =	dma.strided [spmem:s17@s23], $0xA0, s16, $0x2   }
0x306: {  	_ =	swait.ge [sflag:s6], $0xA0  }
0x307: {  	[sflag:s6] =	ssyncset.done $0x0;
	s18 =	rddreg [dreg:$0xd]  }
0x308: {  	s19 =	rddreg [dreg:$0x1f];
	[sflag:s6] =	ssyncadd.s32 $0xFFFFFF60  }
0x309: {  	[hbm:s18@s4], [sflag:s9] =	dma.strided [spmem:s19@s23], $0xA0, s16, $0x2   }
0x30a: {  	_ =	swait.ge [sflag:s6], $0xA0  }
0x30b: {  	s28 =	sld [smem:$0x7FD]  }
0x30c: {  	[sflag:s6] =	ssyncset.done $0x0  }
0x30d: {  	s26 =	rddreg [dreg:$0xe];
	[sflag:s6] =	ssyncadd.s32 $0xFFFFFF60  }
0x30e: {  	[hbm:s26@s4], [sflag:s9] =	dma.strided [spmem:s28@s23], $0xA0, s16, $0x2   }
0x30f: {  	s0 =	simm.s32 @!p0 $0x1;
	_ =	swait.ge [sflag:s6], $0xA0  }
0x310: {  	s1 =	simm.s32 @!p0 $0x10;
	[sflag:s6] =	ssyncset.done $0x0;
	s4 =	rddreg [dreg:$0xf]  }
0x311: {  	s2 =	simm.s32 @!p0 $0x2;
	s7 =	rddreg [dreg:$0x1e];
	[sflag:s6] =	ssyncadd.s32 $0xFFFFFF60  }
0x312: {  	[hbm:s4@s1], [sflag:s9] =	dma.strided @!p0 [spmem:s7@s2], $0xA0, s0, $0x2   }
0x313: {  	s0 =	simm.s32 @!p0 $0x9  }
0x314: {  	_ =	swait.ge @!p0 [sflag:s0], $0xA0  }
0x315: {  	s30 =	rddreg [dreg:$0x18]  }
0x316: {  	s31 =	rddreg [dreg:$0x6];
	s2 =	sadd.s32 $0x1, s30  }
0x317: {  	p1 =	sne.s32 s2, s31  }
.Ltmp1:
0x318: {  	_ = 	snop;
	(pc) =	sbr.rel @p1 .LBB2_1-.Ltmp1, $3  }
0x319: {  	_ =	sdelay $0x1  }
0x31a: {  	[sflag:s0] =	ssyncset.done @!p0 $0x0  }
0x31b: {  	s20 =	simm.s32 $0xE470;
	[sflag:s0] =	ssyncadd.s32 @!p0 $0xFFFFFF60  }
0x31c: {  	_ =	sfence.sel $0x180000  }
0x31d: {  	[bflag:$0x0] =	sbarrier.arrive $0xFFFF  }
0x31e: {  	_ =	strace $0x9000004D  }
0x31f: {  	s0 =	stileid.u32;
	[bflag:$0x2] =	sbarrier.arrive $0xFFFF  }
0x320: {  	p0 =	sne.s32 s0, $0x0;
	s0 =	rddreg [dreg:$0x3]  }
0x321: {  	s0 =	sadd.s32 @!p0 $0x100000, s0  }
0x322: {  	[sflag:s0] =	ssyncadd.tile.s32 @!p0 $0x1;
	_ =	shalt  }
.Lfunc_end2:
_tile_overlayer_lowered:
.L_overlay_start_2:
0x323: {  	(tag) =	ssettag $0x2  }
0x324: {  	s0 =	rddreg [dreg:$0x0];
	s2 =	stileid.u32  }
0x325: {  	s1 =	rddreg [dreg:$0x1];
	p0 =	sne.s32 s2, $0x0  }
0x326: {  	s3 =	rddreg [dreg:$0x2];
	[bflag:$0x3] =	sbarrier.arrive $0xFFFF;
	s2 =	simm.s32 @!p0 $0x1C09  }
0x327: {  	[timem:s3], [sflag:s2] =	dma.local @!p0 [hbm:s0], s1  }
0x328: {  	s0 =	simm.s32 @!p0 $0x9  }
0x329: {  	_ =	swait.ge @!p0 [sflag:s0], s1  }
0x32a: {  	s1 =	ssub.s32 @!p0 $0x0, s1;
	[sflag:s0] =	ssyncset.done @!p0 $0x0  }
0x32b: {  	[sflag:s0] =	ssyncadd.s32 @!p0 s1  }
0x32c: {  	[bflag:$0x3] =	sbarrier.arrive $0xFFFF  }
0x32d: {  	_ =	shalt  }

// kernel: kernel.7.cloned.1.call-start
scs
__scs_entry_jumppad:
0x0: {  	(pc) =	sbr.rel $0x88, $3  }
0x1: {  	(tag) =	ssettag $0x0;
	lr =	simm.s32 $0x1  }
0x2: {  	[smem:$0x3F9B] =	sst lr;
	_ =	strace $0xD0000000  }
0x3: {  	_ = 	snop  }
0x4: {  	_ = 	snop  }
0x5: {  	_ = 	snop  }
0x6: {  	_ = 	snop  }
0x7: {  	_ = 	snop  }
__scs_overlays_trampoline_lowered:
0x8: {  	[smem:$0x3FAA] =	sst s0  }
0x9: {  	[smem:$0x3FAB] =	sst s1  }
0xa: {  	[smem:$0x3FAC] =	sst s2  }
0xb: {  	[smem:$0x3FAD] =	sst s3  }
0xc: {  	[smem:$0x3FAE] =	sst s4  }
0xd: {  	[smem:$0x3FAF] =	sst s5  }
0xe: {  	[smem:$0x3FB0] =	sst s6  }
0xf: {  	[smem:$0x3FB1] =	sst s7  }
0x10: {  	[smem:$0x3FB2] =	sst s8  }
0x11: {  	[smem:$0x3FB3] =	sst s9;
	s0 =	simm.s32 @!p0 $0x0  }
0x12: {  	s1 =	sld [smem:$0x3F99];
	s0 =	simm.s32 @p0 $0x1  }
0x13: {  	[smem:$0x3FB4] =	sst s0;
	s0 =	simm.s32 @!p1 $0x0  }
0x14: {  	s2 =	sld [smem:$0x3F98];
	s0 =	simm.s32 @p1 $0x1  }
0x15: {  	[smem:$0x3FB5] =	sst s0;
	s0 =	simm.s32 @!p2 $0x0  }
0x16: {  	s3 =	sld [smem:$0x3FDB];
	s0 =	simm.s32 @p2 $0x1  }
0x17: {  	s4 =	simm.s32 $0x1BF5;
	[smem:$0x3FB7] =	sst s0  }
0x18: {  	s0 =	sld [smem:$0x3F9A];
	_ =	swait.ge [sflag:s4], $0x0  }
0x19: {  	s7 =	sld [smem:$0x3F9B]  }
0x1a: {  	s8 =	sadd.s32 $0xFFFFE003, lr  }
0x1b: {  	s9 =	sadd.s32 $0xFFFFFEF7, lr;
	s5 =	simm.s32 $0xFFFFFFFF;
	p2 =	slt.u32 s8, $0xFFFFF086  }
0x1c: {  	p1 =	slt.u32 s9, $0xF7A;
	s5 =	simm.s32 @!p2 $0x0  }
0x1d: {  	s5 =	simm.s32 @p1 $0x1;
	p0 =	seq.s32 s7, s2  }
0x1e: {  	s7 =	smul.u32 @!p0 $0xF7A, s2;
	p2 =	seq.s32 @!p0 s5, $0x0  }
0x1f: {  	s9 =	smul.u32 $0xF7A, s1;
	s8 =	simm.s32 @!p0 $0x1BF5;
	p2 =	por !p2, p0  }
0x20: {  	[sflag:s8] =	ssyncset.s32 @!p0 $0xFFFFF086;
	s6 =	sadd.s32 @!p0 s3, s7;
	s7 =	simm.s32 @!p0 $0x108  }
0x21: {  	s3 =	sadd.s32 s3, s9;
	s6 =	sadd.s32 @!p0 $0x88, s6;
	s7 =	simm.s32 @p2 $0x1082  }
0x22: {  	[simem:s7], [sflag:s8] =	dma.local @!p0 [hbm:s6], $0xF7A  }
0x23: {  	s9 =	sor.u32 $0xD0000000, s2;
	s6 =	simm.s32 $0x108;
	_ =	swait.ge @!p0 [sflag:s8], $0x0  }
0x24: {  	s3 =	sadd.s32 $0x88, s3;
	s6 =	simm.s32 @!p1 $0x1082;
	[sflag:s4] =	ssyncset.s32 $0xFFFFF086  }
0x25: {  	[simem:s6], [sflag:s4] =	dma.local [hbm:s3], $0xF7A  }
0x26: {  	[smem:$0x3F9B] =	sst s1;
	(tag) =	ssettag s2;
	_ =	strace s9  }
0x27: {  	s1 =	sld [smem:$0x3FAB]  }
0x28: {  	s2 =	sld [smem:$0x3FAC]  }
0x29: {  	s4 =	sld [smem:$0x3FAE]  }
0x2a: {  	p0 =	seq.s32 s5, $0x0;
	s5 =	sld [smem:$0x3FAF]  }
0x2b: {  	s6 =	sld [smem:$0x3FB0]  }
0x2c: {  	s7 =	sld [smem:$0x3FB1]  }
0x2d: {  	s3 =	simm.s32 $0x108;
	s8 =	sld [smem:$0x3FB2]  }
0x2e: {  	s3 =	simm.s32 @!p0 $0x1082;
	s9 =	sld [smem:$0x3FB3]  }
0x2f: {  	lr =	sadd.s32 s0, s3;
	s0 =	sld [smem:$0x3FAA]  }
0x30: {  	s3 =	sld [smem:$0x3FAD]  }
0x31: {  	[smem:$0x3FB6] =	sst s10  }
0x32: {  	s10 =	sld [smem:$0x3FB4];
	_ =	sdelay $0x3  }
0x33: {  	p0 =	seq.s32 s10, $0x1;
	s10 =	sld [smem:$0x3FB6];
	_ =	sdelay $0x3  }
0x34: {  	[smem:$0x3FB6] =	sst s10  }
0x35: {  	s10 =	sld [smem:$0x3FB5];
	_ =	sdelay $0x3  }
0x36: {  	p1 =	seq.s32 s10, $0x1;
	s10 =	sld [smem:$0x3FB6];
	_ =	sdelay $0x3  }
0x37: {  	[smem:$0x3FB6] =	sst s10  }
0x38: {  	s10 =	sld [smem:$0x3FB7]  }
0x39: {  	_ = 	snop;
	(pc) =	sbr.ind lr, $3  }
0x3a: {  	_ = 	snop  }
0x3b: {  	_ = 	snop  }
0x3c: {  	p2 =	seq.s32 s10, $0x1;
	s10 =	sld [smem:$0x3FB6]  }
0x3d: {  	_ =	shalt  }
0x3e: {  	_ =	shalt  }
0x3f: {  	_ =	shalt  }
0x40: {  	_ =	shalt  }
0x41: {  	_ =	shalt  }
0x42: {  	_ =	shalt  }
0x43: {  	_ =	shalt  }
0x44: {  	_ =	shalt  }
0x45: {  	_ =	shalt  }
0x46: {  	_ =	shalt  }
0x47: {  	_ =	shalt  }
0x48: {  	_ =	shalt  }
0x49: {  	_ =	shalt  }
0x4a: {  	_ =	shalt  }
0x4b: {  	_ =	shalt  }
0x4c: {  	_ =	shalt  }
0x4d: {  	_ =	shalt  }
0x4e: {  	_ =	shalt  }
0x4f: {  	_ =	shalt  }
0x50: {  	_ =	shalt  }
0x51: {  	_ =	shalt  }
0x52: {  	_ =	shalt  }
0x53: {  	_ =	shalt  }
0x54: {  	_ =	shalt  }
0x55: {  	_ =	shalt  }
0x56: {  	_ =	shalt  }
0x57: {  	_ =	shalt  }
0x58: {  	_ =	shalt  }
0x59: {  	_ =	shalt  }
0x5a: {  	_ =	shalt  }
0x5b: {  	_ =	shalt  }
0x5c: {  	_ =	shalt  }
0x5d: {  	_ =	shalt  }
0x5e: {  	_ =	shalt  }
0x5f: {  	_ =	shalt  }
0x60: {  	_ =	shalt  }
0x61: {  	_ =	shalt  }
0x62: {  	_ =	shalt  }
0x63: {  	_ =	shalt  }
0x64: {  	_ =	shalt  }
0x65: {  	_ =	shalt  }
0x66: {  	_ =	shalt  }
0x67: {  	_ =	shalt  }
0x68: {  	_ =	shalt  }
0x69: {  	_ =	shalt  }
0x6a: {  	_ =	shalt  }
0x6b: {  	_ =	shalt  }
0x6c: {  	_ =	shalt  }
0x6d: {  	_ =	shalt  }
0x6e: {  	_ =	shalt  }
0x6f: {  	_ =	shalt  }
0x70: {  	_ =	shalt  }
0x71: {  	_ =	shalt  }
0x72: {  	_ =	shalt  }
0x73: {  	_ =	shalt  }
0x74: {  	_ =	shalt  }
0x75: {  	_ =	shalt  }
0x76: {  	_ =	shalt  }
0x77: {  	_ =	shalt  }
0x78: {  	_ =	shalt  }
0x79: {  	_ =	shalt  }
0x7a: {  	_ =	shalt  }
0x7b: {  	_ =	shalt  }
0x7c: {  	_ =	shalt  }
0x7d: {  	_ =	shalt  }
0x7e: {  	_ =	shalt  }
0x7f: {  	_ =	shalt  }
0x80: {  	_ =	shalt  }
0x81: {  	_ =	shalt  }
0x82: {  	_ =	shalt  }
0x83: {  	_ =	shalt  }
0x84: {  	_ =	shalt  }
0x85: {  	_ =	shalt  }
0x86: {  	_ =	shalt  }
0x87: {  	_ =	shalt  }
.Lfunc_end0:
.L_simem_size_0:
called_computation_lowered:
.L_overlay_start_0:
0x88: {  	s2 =	sld [smem:$0x3FD9]  }
0x89: {  	s3 =	sld [smem:$0x3FFE];
	_ =	sdelay $0x1  }
0x8a: {  	s1 =	srdreg.scid  }
0x8b: {  	s0 =	sand.u32 $0x1, s1  }
0x8c: {  	s16 =	sshll.u32 s0, $0xA;
	s2 =	sadd.s32 s3, s2  }
0x8d: {  	s2 =	sadd.s32 s2, s16  }
0x8e: {  	[smem:$0x3FC2] =	sst s2  }
0x8f: {  	_ = 	snop  }
0x90: {  	(tm) =	ssettm $0x1  }
0x91: {  	s17 =	sld [smem:$0x3FFB];
	_ =	sdelay $0x3  }
0x92: {  	_ =	strace s17  }
0x93: {  	s2 =	sld [smem:$0x3FFC];
	_ =	sdelay $0x3  }
0x94: {  	_ =	strace s2  }
0x95: {  	s2 =	sld [smem:$0x3FFD];
	_ =	sdelay $0x3  }
0x96: {  	_ =	strace s2  }
0x97: {  	_ =	strace $0x8FFFFFFF  }
0x98: {  	s18 =	sld [smem:$0x3FDB];
	_ =	sdelay $0x1  }
0x99: {  	s19 =	simm.s32 $_scs_section_size  }
0x9a: {  	s4 =	simm.s32 $_size__tile_overlayer_lowered;
	s5 =	simm.s32 $_tile_overlayer_lowered  }
0x9b: {  	s22 =	simm.s32 $0x1BFF;
	s21 =	sshll.u32 s5, $0x1;
	s2 =	sadd.s32 s19, s18  }
0x9c: {  	s6 =	simm.s32 $0x0;
	s20 =	sshll.u32 s4, $0x1;
	s4 =	sadd.s32 s21, s2  }
0x9d: {  	[timem:s6], [sflag:s22] =	dma.local [hbm:s4], s20  }
0x9e: {  	_ =	swait.ge [sflag:s22], s20  }
0x9f: {  	s3 =	ssub.s32 $0x0, s20;
	[sflag:s22] =	ssyncset.done $0x0  }
0xa0: {  	[sflag:s22] =	ssyncadd.s32 s3;
	_ =	sdelay $0x1  }
0xa1: {  	s23 =	simm.s32 $0x1B8B  }
0xa2: {  	_ =	swait.ge [sflag:s23], $0x1  }
0xa3: {  	[sflag:s23] =	ssyncset.done $0x0  }
0xa4: {  	s25 =	simm.s32 $0x1B8E;
	s24 =	sld [smem:$0x3FFE];
	[sflag:s23] =	ssyncadd.s32 $0xFFFFFFFF  }
0xa5: {  	s26 =	simm.s32 $execute0_lowered;
	[smem:$0x3FD2] =	sst s25  }
0xa6: {  	s4 =	sshll.u32 s26, $0x1;
	_ =	strace $0x80000046;
	[dreg:$0x1] =	wrdreg $0xFFFFFFFF  }
0xa7: {  	s28 =	simm.s32 $_size_execute0_lowered;
	s2 =	sadd.s32 s2, s4;
	[dreg:$0x0] =	wrdreg $0x0  }
0xa8: {  	s4 =	sshll.u32 s28, $0x1;
	[dreg:$0x2] =	wrdreg s2  }
0xa9: {  	[dreg:$0x3] =	wrdreg s4  }
0xaa: {  	[dreg:$0x4] =	wrdreg $0xC0  }
0xab: {  	_ =	task [dreg:s6], $0x5FFFF  }
0xac: {  	[dreg:$0x1] =	wrdreg $0xFFFFFFFF  }
0xad: {  	[dreg:$0x0] =	wrdreg $0x60  }
0xae: {  	[dreg:$0x2] =	wrdreg s24  }
0xaf: {  	[dreg:$0x3] =	wrdreg $0x9  }
0xb0: {  	_ =	task.clear_ibuf [dreg:s6], $0x4FFFF;
	_ =	strace $0x90000046  }
0xb1: {  	s29 =	simm.s32 $0x9;
	_ =	strace $0x80000048  }
0xb2: {  	_ =	swait.ge [sflag:s29], $0x1  }
0xb3: {  	[sflag:s29] =	ssyncadd.s32 $0xFFFFFFFF  }
0xb4: {  	_ =	strace $0x90000048  }
0xb5: {  	_ =	sfence  }
0xb6: {  	s30 =	sld [smem:$0x0];
	_ =	sdelay $0x2  }
0xb7: {  	s31 =	sshll.u32 s1, $0xD;
	s1 =	sshrl.u32 s1, $0x2  }
0xb8: {  	s3 =	sand.u32 $0x4000, s31;
	s1 =	sadd.s32 s1, s30  }
0xb9: {  	s0 =	sor.u32 s3, s0;
	s1 =	sshll.u32 s1, $0x11  }
0xba: {  	s0 =	sor.u32 s1, s0  }
0xbb: {  	s0 =	sadd.s32 $0x8F2B, s0  }
0xbc: {  	[sflag:s0] =	ssyncadd.remote.s32 $0x1  }
0xbd: {  	_ =	sfence.sel $0xFFFF  }
0xbe: {  	[dreg:$0x0] =	wrdreg $0xFFFFFFFF;
	(pc) =	sbr.abs _section_cstart, $3  }
0xbf: {  	[dreg:$0x1] =	wrdreg $0xFFFFFFFF  }
0xc0: {  	_ =	task.clear_ibuf [dreg:s6], $0x2FFFF;
	_ =	strace $0x9FFFFFFF  }
0xc1: {  	(tm) =	ssettm $0x7FFFFFFF  }
tec
execute0_lowered:
.L_overlay_start_1:
0x0: {  	(tag) =	ssettag $0x1  }
0x1: {  	s0 =	srdreg.scid  }
0x2: {  	s3 =	sand.u32 $0x1, s0  }
0x3: {  	s0 =	stileid.u32;
	s1 =	sshll.u32 s3, $0x4  }
0x4: {  	s4 =	rddreg [dreg:$0x0];
	s2 =	simm.s32 $0x0;
	s1 =	sor.u32 s0, s1  }
0x5: {  	s7 =	simm.s32 $0x2710;
	s3 =	ssub.s32 $0x2, s3;
	s5 =	smul.u32 $0x2710, s1  }
0x6: {  	s8 =	simm.s32 $0x0;
	[smem:$0x7FF] =	sst s2;
	s6 =	sshrl.u32 s3, $0x1  }
0x7: {  	s1 =	rddreg [dreg:$0x1];
	_ =	strace $0x80000047;
	s5 =	sshrl.u32 s5, $0x3  }
0x8: {  	s31 =	ssub.s32 s3, s6;
	s6 =	simm.s32 $0x1;
	s4 =	sadd.s32 s5, s4  }
0x9: {  	v0 =	vimm.f32 $0.0e+00;
	v1 =	vimm.f32 $1.000000000e+00;
	s5 =	smax.u32 s31, $0x1;
	s3 =	sadd.s32 $0xBE40, s4;
	s4 =	sadd.s32 $0x15C00, s4  }
.LBB2_1:
0xa: {  	s9 =	simm.s32 $0x40;
	s10 =	simm.s32 $0x0  }
.LBB2_2:
0xb: {  	p0 =	sne.s32 s9, $0x9C00;
	[tilespmem:s10+$0x2710] =	vst v0;
	s10 =	smov.u32 s9;
	s9 =	sadd.s32 $0x40, s9  }
.Ltmp0:
0xc: {  	(pc) =	sbr.rel @p0 .LBB2_2-.Ltmp0, $2  }
0xd: {  	_ =	sdelay $0x2  }
0xe: {  	s10 =	sshra.s32 s10, $0x2  }
0xf: {  	[tilespmem:s10+$0x2710] =	vst v0;
	s9 =	simm.s32 $0x0  }
0x10: {  	[tilespmem:s9], [sflag:$0x1] =	stream.linear.gather [hbm4b:s3+s9], $0x2710, $0x38;
	[tilespmem:$0x4E20] =	vst v63  }
0x11: {  	_ =	swait.ge [sflag:s6], $0x2710  }
0x12: {  	[sflag:s6] =	ssyncset.done $0x0  }
0x13: {  	s10 =	simm.s32 $0x0;
	s9 =	simm.s32 $0x40;
	[sflag:s6] =	ssyncadd.s32 $0xFFFFD8F0  }
.LBB2_4:
0x14: {  	p0 =	sne.s32 s9, $0x9C00;
	v2 =	vld [tilespmem:s10+$0x0];
	_ =	sdelay $0x3  }
.Ltmp1:
0x15: {  	(pc) =	sbr.rel @p0 .LBB2_4-.Ltmp1, $2  }
0x16: {  	_ =	sdelay $0x2  }
0x17: {  	s10 =	sshra.s32 s9, $0x2;
	s9 =	sadd.s32 $0x40, s9;
	[tilespmem:v2+s7+$0x0] =	vst.idx.add.f32.msk $0xffff, v1  }
0x18: {  	v2 =	vld [tilespmem:s10+$0x0];
	_ =	sdelay $0x5  }
0x19: {  	s8 =	sadd.s32 $0x1, s8  }
0x1a: {  	p0 =	sne.s32 s8, s5  }
.Ltmp2:
0x1b: {  	[tilespmem:v2+s7+$0x0] =	vst.idx.add.f32.msk $0xffff, v1;
	(pc) =	sbr.rel @p0 .LBB2_1-.Ltmp2, $4  }
0x1c: {  	[hbm4b:s4+s2] =	stream.linear.scatter [tilespmem:s7], [sflag:$0x1], $0x2710, $0x38;
	[tilespmem:$0x4E20] =	vst v63  }
0x1d: {  	_ =	swait.ge [sflag:s6], $0x2710  }
0x1e: {  	[sflag:s6] =	ssyncset.done $0x0  }
0x1f: {  	[sflag:s6] =	ssyncadd.s32 $0xFFFFD8F0  }
0x20: {  	_ =	sfence.sel $0x180000  }
0x21: {  	[bflag:$0x0] =	sbarrier.arrive $0xFFFF  }
0x22: {  	p0 =	sne.s32 s0, $0x0;
	_ =	strace $0x90000047  }
0x23: {  	s0 =	sadd.s32 @!p0 $0x100000, s1;
	[bflag:$0x2] =	sbarrier.arrive $0xFFFF  }
0x24: {  	[sflag:s0] =	ssyncadd.tile.s32 @!p0 $0x1;
	_ =	shalt  }
.Lfunc_end2:
_tile_overlayer_lowered:
.L_overlay_start_2:
0x25: {  	(tag) =	ssettag $0x2  }
0x26: {  	s0 =	rddreg [dreg:$0x0];
	s2 =	stileid.u32  }
0x27: {  	s1 =	rddreg [dreg:$0x1];
	p0 =	sne.s32 s2, $0x0  }
0x28: {  	s3 =	rddreg [dreg:$0x2];
	[bflag:$0x3] =	sbarrier.arrive $0xFFFF;
	s2 =	simm.s32 @!p0 $0x1C01  }
0x29: {  	[timem:s3], [sflag:s2] =	dma.local @!p0 [hbm:s0], s1  }
0x2a: {  	s0 =	simm.s32 @!p0 $0x1  }
0x2b: {  	_ =	swait.ge @!p0 [sflag:s0], s1  }
0x2c: {  	s1 =	ssub.s32 @!p0 $0x0, s1;
	[sflag:s0] =	ssyncset.done @!p0 $0x0  }
0x2d: {  	[sflag:s0] =	ssyncadd.s32 @!p0 s1  }
0x2e: {  	[bflag:$0x3] =	sbarrier.arrive $0xFFFF  }
0x2f: {  	_ =	shalt  }

</sc_bundles>
